<compile_context>
chip_gen: v7x
topology: tpu7x:2x2x1
jax: 0.10.2.dev20260603
libtpu: 0.0.44.dev20260713+nightly
codegen_flags: <defaults>
</compile_context>

<pallas_src>
import numpy as np
import jax
import jax.numpy as jnp
from jax import lax
from jax.experimental import pallas as pl
from jax.experimental.pallas import tpu as pltpu
from jax.experimental.pallas import tpu_sc as plsc

B, L, D = 4, 2048, 1024
VOCAB = 100000
N_HEADS = 16
HEAD_DIM = 64
E = N_HEADS * HEAD_DIM
HC = 4
KCONV = 4
PAD_ID = 2
BL = B * L

T = 512
NL = L // T
NW = 32
CHUNK = BL // NW
GW = 128
NG = CHUNK // GW
NCH = N_HEADS * NG


def _hash_coeffs() -> np.ndarray:
    rs = np.random.RandomState(0)
    m2 = rs.randint(1, 2 ** 31 - 1, size=(8, 2)).astype(np.uint64)
    m3 = rs.randint(1, 2 ** 31 - 1, size=(8, 3)).astype(np.uint64)
    mod = np.uint64(2 ** 32)
    p = np.uint64(1000003)
    c = np.zeros((16, 3), dtype=np.uint64)
    c[:8, 0] = (m2[:, 0] * p) % mod
    c[:8, 1] = m2[:, 1] % mod
    c[8:, 0] = (m3[:, 0] * p % mod * p) % mod
    c[8:, 1] = (m3[:, 1] * p) % mod
    c[8:, 2] = m3[:, 2] % mod
    return c.astype(np.uint32).view(np.int32).reshape(16, 3)


_C = _hash_coeffs()


def _sc_body(ids_hbm, tab3_hbm, out_hbm, ids_v, idx_v, rows0, rows1, gsem, wsem):
    wid = lax.axis_index("c") * 16 + lax.axis_index("s")
    base = wid * CHUNK

    pltpu.sync_copy(ids_hbm.at[pl.ds(base, CHUNK)], ids_v.at[pl.ds(16, CHUNK)])
    at_row_start = lax.rem(wid, L // CHUNK) == 0

    @pl.when(at_row_start)
    def _():
        ids_v[pl.ds(0, 16)] = jnp.full((16,), PAD_ID, jnp.int32)

    @pl.when(jnp.logical_not(at_row_start))
    def _():
        pltpu.sync_copy(ids_hbm.at[pl.ds(base - 16, 16)], ids_v.at[pl.ds(0, 16)])

    for h in range(N_HEADS):
        c0 = jnp.int32(int(_C[h, 0]))
        c1 = jnp.int32(int(_C[h, 1]))
        c2 = jnp.int32(int(_C[h, 2]))
        for hf in range(NG):

            @pl.loop(0, GW // 16)
            def _(i, h=h, hf=hf, c0=c0, c1=c1, c2=c2):
                s = 16 + hf * GW + i * 16
                t0 = ids_v[pl.ds(s, 16)]
                t1 = ids_v[pl.ds(s - 1, 16)]
                acc = t0 * c0 + t1 * c1
                if int(_C[h, 2]) != 0:
                    t2 = ids_v[pl.ds(s - 2, 16)]
                    acc = acc + t2 * c2
                accu = plsc.bitcast(acc, jnp.uint32)
                r = plsc.bitcast(accu % jnp.uint32(VOCAB), jnp.int32)
                idx_v[h * NG + hf, pl.ds(i * 16, 16)] = r

    rows = (rows0, rows1)
    gd = [None] * NCH
    wd = [None] * NCH

    def _write(j):
        h, hf = j // NG, j % NG
        return pltpu.async_copy(
            rows[j % 2],
            out_hbm.at[pl.ds(base + hf * GW, GW), pl.ds(h * HEAD_DIM, HEAD_DIM)],
            wsem)

    for j in range(NCH):
        if j >= 2:
            wd[j - 2].wait()
        gd[j] = pltpu.async_copy(tab3_hbm.at[j // NG].at[idx_v.at[j]],
                                 rows[j % 2], gsem)
        if j >= 1:
            gd[j - 1].wait()
            wd[j - 1] = _write(j - 1)
    gd[NCH - 1].wait()
    wd[NCH - 1] = _write(NCH - 1)
    wd[NCH - 2].wait()
    wd[NCH - 1].wait()


def _sc_gather(ids_flat, tab_flat):
    mesh = plsc.VectorSubcoreMesh(core_axis_name="c", subcore_axis_name="s")
    f = pl.kernel(
        _sc_body,
        mesh=mesh,
        out_type=jax.ShapeDtypeStruct((BL, E), jnp.float32),
        scratch_types=[
            pltpu.VMEM((CHUNK + 16,), jnp.int32),
            pltpu.VMEM((NCH, GW), jnp.int32),
            pltpu.VMEM((GW, HEAD_DIM), jnp.float32),
            pltpu.VMEM((GW, HEAD_DIM), jnp.float32),
            pltpu.SemaphoreType.DMA,
            pltpu.SemaphoreType.DMA,
        ],
        compiler_params=pltpu.CompilerParams(use_tc_tiling_on_sc=False),
    )
    return f(ids_flat, tab_flat)


def _tc_body(emb_ref, hid_ref, vwt_ref, kwt_ref, vb_ref, kb_ref, m_ref,
             cnw_ref, cw_ref, out_ref, tail_ref):
    i = pl.program_id(1)

    @pl.when(i == 0)
    def _():
        tail_ref[...] = jnp.zeros_like(tail_ref)

    emb_bf = emb_ref[...].astype(jnp.bfloat16)
    hid = hid_ref[...]
    val = jnp.dot(emb_bf, vwt_ref[...], preferred_element_type=jnp.float32)
    val = val + vb_ref[...]
    rq = lax.rsqrt(jnp.mean(hid * hid, axis=-1, keepdims=True) + 1e-6)
    kb = kb_ref[...]
    m = m_ref[...]
    cnw = cnw_ref[...]
    acc = jnp.zeros((T, D), jnp.float32)
    for h in range(HC):
        k = jnp.dot(emb_bf, kwt_ref[h], preferred_element_type=jnp.float32)
        k = k + kb[h:h + 1]
        rk = lax.rsqrt(jnp.mean(k * k, axis=-1, keepdims=True) + 1e-6)
        dkh = jnp.sum(k * hid * m[h:h + 1], axis=-1, keepdims=True)
        g = rk * rq * dkh * (1.0 / 32.0)
        gs = jnp.sqrt(jnp.maximum(jnp.abs(g), 1e-6)) * jnp.sign(g)
        gate = jax.nn.sigmoid(gs)
        vh = gate * val
        rv = lax.rsqrt(jnp.mean(vh * vh, axis=-1, keepdims=True) + 1e-5)
        xn = vh * rv * cnw[h:h + 1]
        ext = jnp.concatenate([tail_ref[h], xn], axis=0)
        cwh = cw_ref[h]
        y = ext[7:7 + T] * cwh[0:1]
        y = y + ext[10:10 + T] * cwh[1:2]
        y = y + ext[13:13 + T] * cwh[2:3]
        y = y + ext[16:16 + T] * cwh[3:4]
        conv = y * jax.nn.sigmoid(y)
        acc = acc + vh + conv
        tail_ref[h] = xn[T - 16:T]
    out_ref[...] = acc


def _tc_specs():
    def full(shape):
        return pl.BlockSpec(shape, lambda b, i, _n=len(shape): (0,) * _n)

    in_specs = [
        pl.BlockSpec((T, E), lambda b, i: (b * NL + i, 0)),
        pl.BlockSpec((T, D), lambda b, i: (b * NL + i, 0)),
        full((E, D)),
        full((HC, E, D)),
        full((1, D)),
        full((HC, D)),
        full((HC, D)),
        full((HC, D)),
        full((HC, KCONV, D)),
    ]
    out_spec = pl.BlockSpec((T, D), lambda b, i: (b * NL + i, 0))
    return in_specs, out_spec


def _tc_call(emb, hid, vwt, kwt, vb, kb, m, cnw, cw):
    in_specs, out_spec = _tc_specs()
    return pl.pallas_call(
        _tc_body,
        grid=(B, NL),
        in_specs=in_specs,
        out_specs=out_spec,
        out_shape=jax.ShapeDtypeStruct((BL, D), jnp.float32),
        scratch_shapes=[pltpu.VMEM((HC, 16, D), jnp.float32)],
        compiler_params=pltpu.CompilerParams(
            dimension_semantics=("arbitrary", "arbitrary")),
    )(emb, hid, vwt, kwt, vb, kb, m, cnw, cw)


def kernel(hidden_states, tables, value_W, value_b, key_W, key_b,
           norm1_w, norm2_w, conv_w, conv_norm_w, input_ids):
    ids_flat = input_ids.reshape(BL)
    emb = _sc_gather(ids_flat, tables)
    hid = hidden_states.reshape(BL, D)
    vwt = value_W.T.astype(jnp.bfloat16)
    kwt = jnp.transpose(key_W, (0, 2, 1)).astype(jnp.bfloat16)
    m = norm1_w * norm2_w
    cw = jnp.transpose(conv_w.reshape(HC, D, KCONV), (0, 2, 1))
    out = _tc_call(emb, hid, vwt, kwt, value_b.reshape(1, D), key_b,
                   m, conv_norm_w, cw)
    return out.reshape(B, L, D)

# --- scband reference (transcript-rebuilt; emitter-appended) ---
"""Pipeline reference for scband-engram-21466246546079 (READ-ONLY COPY).

The authoritative reference and input builder live on the scoring server;
editing this copy changes nothing except your own understanding.
"""

import math
import jax, jax.numpy as jnp
import numpy as np

B, L, D = 4, 2048, 1024
VOCAB = 100000
N_HEAD = 8
HEAD_DIM = 64
N_NGRAM = 2  # ngram sizes 2 and 3 (max_ngram_size=3)
HC = 4
KERNEL = 4
DILATION = 3
PAD_ID = 2


def setup_inputs(seed: int = 0) -> dict:
    key = jax.random.key(seed)
    ks = jax.random.split(key, 8)
    H = N_NGRAM * N_HEAD  # 16 hash heads
    hidden_states = jax.random.normal(ks[0], (B, L, D), jnp.float32)
    input_ids = jax.random.randint(ks[1], (B, L), 0, 129280, dtype=jnp.int32)
    tables = jax.random.normal(ks[2], (H, VOCAB, HEAD_DIM), jnp.float32) * 0.02
    E = H * HEAD_DIM  # engram_hidden_size = 1024
    value_W = jax.random.normal(ks[3], (D, E), jnp.float32) * 0.02
    value_b = jnp.zeros((D,), jnp.float32)
    key_W = jax.random.normal(ks[4], (HC, D, E), jnp.float32) * 0.02
    key_b = jnp.zeros((HC, D), jnp.float32)
    norm1_w = jnp.ones((HC, D), jnp.float32)
    norm2_w = jnp.ones((HC, D), jnp.float32)
    conv_w = jax.random.normal(ks[5], (D * HC, 1, KERNEL), jnp.float32) * 0.1
    conv_norm_w = jnp.ones((HC, D), jnp.float32)
    return {
        'hidden_states': hidden_states,
        'tables': tables,
        'value_W': value_W,
        'value_b': value_b,
        'key_W': key_W,
        'key_b': key_b,
        'norm1_w': norm1_w,
        'norm2_w': norm2_w,
        'conv_w': conv_w,
        'conv_norm_w': conv_norm_w,
        'input_ids': input_ids,
    }


def _hash_ids(input_ids):
    # Deterministic multiplicative n-gram hashing (NgramHashMapping equivalent).
    rs = np.random.RandomState(0)
    ids = input_ids.astype(jnp.uint32)
    b, l = ids.shape
    heads = []
    for n in (2, 3):
        mults = rs.randint(1, 2 ** 31 - 1, size=(N_HEAD, n)).astype(np.uint32)
        toks = []
        for j in range(n):
            if j == 0:
                t = ids
            else:
                pad = jnp.full((b, j), PAD_ID, dtype=jnp.uint32)
                t = jnp.concatenate([pad, ids[:, :-j]], axis=1)
            toks.append(t)
        toks = jnp.stack(toks, axis=-1)  # [B, L, n]
        for h in range(N_HEAD):
            acc = jnp.zeros((b, l), dtype=jnp.uint32)
            for j in range(n):
                acc = acc * jnp.uint32(1000003) + toks[..., j] * jnp.uint32(mults[h, j])
            heads.append((acc % jnp.uint32(VOCAB)).astype(jnp.int32))
    return jnp.stack(heads, axis=-1)  # [B, L, 16]


def _rms_norm(x, w, eps):
    return x * jax.lax.rsqrt(jnp.mean(x * x, axis=-1, keepdims=True) + eps) * w


def _short_conv(x, conv_w, conv_norm_w):
    b, t, g, c = x.shape
    chunks = [_rms_norm(x[:, :, i, :], conv_norm_w[i], 1e-5) for i in range(g)]
    xn = jnp.concatenate(chunks, axis=-1)  # [B, T, G*C]
    lhs = jnp.transpose(xn, (0, 2, 1))  # [B, G*C, T]
    pad = (KERNEL - 1) * DILATION  # 9
    y = jax.lax.conv_general_dilated(
        lhs, conv_w, window_strides=(1,), padding=[(pad, pad)],
        rhs_dilation=(DILATION,), feature_group_count=g * c)
    y = y[..., :t]
    y = y * jax.nn.sigmoid(y)  # SiLU
    y = jnp.transpose(y, (0, 2, 1)).reshape(b, t, g, c)
    return y


def reference(hidden_states, tables, value_W, value_b, key_W, key_b,
              norm1_w, norm2_w, conv_w, conv_norm_w, input_ids):
    ids = _hash_ids(input_ids)  # [B, L, 16]
    # multi-head embedding gather: SparseCore-mappable table lookups
    emb = jax.vmap(lambda t, i: t[i], in_axes=(0, 2), out_axes=2)(tables, ids)  # [B, L, 16, 64]
    emb = emb.reshape(emb.shape[0], emb.shape[1], -1)  # [B, L, 1024]
    val = emb @ value_W.T + value_b  # [B, L, D]
    gates = []
    for h in range(HC):
        k = emb @ key_W[h].T + key_b[h]
        nk = _rms_norm(k, norm1_w[h], 1e-6)
        nq = _rms_norm(hidden_states, norm2_w[h], 1e-6)
        g = jnp.sum(nk * nq, axis=-1) / math.sqrt(D)
        g = jnp.sqrt(jnp.maximum(jnp.abs(g), 1e-6)) * jnp.sign(g)
        gates.append(jax.nn.sigmoid(g)[..., None])
    gates = jnp.stack(gates, axis=2)  # [B, L, HC, 1]
    value = gates * val[:, :, None, :]  # [B, L, HC, D]
    out = value + _short_conv(value, conv_w, conv_norm_w)
    return out.sum(axis=2)  # [B, L, D]

if __name__ == "__main__":
    import jax
    _d = setup_inputs()
    print(jax.jit(kernel)(*tuple(_d.values())))

</pallas_src>

<mosaic_0001>
#map = affine_map<(d0, d1) -> (0)>
#map1 = affine_map<(d0, d1) -> (0, 0, 0)>
#map2 = affine_map<(d0, d1) -> (0, 0)>
module attributes {stable_mosaic.version = 14 : i64} {
  func.func @_sc_body(%arg0: i32, %arg1: i32, %arg2: memref<8192xi32, #tpu.memory_space<hbm>>, %arg3: memref<16x100000x64xf32, #tpu.memory_space<hbm>>, %arg4: memref<8192x1024xf32, #tpu.memory_space<hbm>>, %arg5: memref<272xi32, #tpu.memory_space<vmem>>, %arg6: memref<32x128xi32, #tpu.memory_space<vmem>>, %arg7: memref<128x64xf32, #tpu.memory_space<vmem>>, %arg8: memref<128x64xf32, #tpu.memory_space<vmem>>, %arg9: memref<!tpu.dma_semaphore, #tpu.memory_space<semaphore_mem>>, %arg10: memref<!tpu.dma_semaphore, #tpu.memory_space<semaphore_mem>>) attributes {dimension_semantics = [#tpu.dimension_semantics<core_parallel>, #tpu.dimension_semantics<subcore_parallel>], iteration_bounds = array<i64: 2, 16>, scalar_prefetch = 0 : i64, scratch_operands = 6 : i64, tpu.core_type = #tpu.core_type<sc_vector_subcore>, window_params = [{transform_indices = #map}, {transform_indices = #map1}, {transform_indices = #map2}]} {
    %mul3A = arith.constant 16 : i32
    %mul3A_0 = arith.muli %arg0, %mul3A : i32
    %add3A = arith.addi %mul3A_0, %arg1 : i32
    %mul3A_1 = arith.constant 256 : i32
    %mul3A_2 = arith.muli %add3A, %mul3A_1 : i32
    "tpu.region"() ({
      %run_scoped3A = tpu.sem_alloc : memref<!tpu.dma_semaphore, #tpu.memory_space<semaphore_mem>>
      %dma_start3A_1335 = arith.constant 16 : i32
      %dma_start3A_1336 = tpu.memref_slice %arg5[%dma_start3A_1335] : memref<272xi32, #tpu.memory_space<vmem>> -> memref<256xi32, #tpu.memory_space<vmem>>
      %dma_start3A_1337 = tpu.memref_slice %arg2[%mul3A_2] : memref<8192xi32, #tpu.memory_space<hbm>> -> memref<256xi32, #tpu.memory_space<hbm>>
      %dma_start3A_1338 = arith.constant 16 : i32
      %dma_start3A_1339 = tpu.memref_slice %arg5[%dma_start3A_1338] : memref<272xi32, #tpu.memory_space<vmem>> -> memref<256xi32, #tpu.memory_space<vmem>>
      %dma_start3A_1340 = tpu.memref_slice %arg2[%mul3A_2] : memref<8192xi32, #tpu.memory_space<hbm>> -> memref<256xi32, #tpu.memory_space<hbm>>
      tpu.enqueue_dma source(%dma_start3A_1340 : memref<256xi32, #tpu.memory_space<hbm>>) target(%dma_start3A_1339 : memref<256xi32, #tpu.memory_space<vmem>>) target_semaphore(%run_scoped3A : memref<!tpu.dma_semaphore, #tpu.memory_space<semaphore_mem>>)
      %dma_wait3A_1341 = arith.constant 16 : i32
      %dma_wait3A_1342 = tpu.memref_slice %arg5[%dma_wait3A_1341] : memref<272xi32, #tpu.memory_space<vmem>> -> memref<256xi32, #tpu.memory_space<vmem>>
      %dma_wait3A_1343 = tpu.memref_slice %arg2[%mul3A_2] : memref<8192xi32, #tpu.memory_space<hbm>> -> memref<256xi32, #tpu.memory_space<hbm>>
      %dma_wait3A_1344 = arith.constant 16 : i32
      %dma_wait3A_1345 = tpu.memref_slice %arg5[%dma_wait3A_1344] : memref<272xi32, #tpu.memory_space<vmem>> -> memref<256xi32, #tpu.memory_space<vmem>>
      %dma_wait3A_1346 = tpu.memref_slice %arg2[%mul3A_2] : memref<8192xi32, #tpu.memory_space<hbm>> -> memref<256xi32, #tpu.memory_space<hbm>>
      tpu.wait_dma2 semaphore(%run_scoped3A : memref<!tpu.dma_semaphore, #tpu.memory_space<semaphore_mem>>) src(%dma_wait3A_1346 : memref<256xi32, #tpu.memory_space<hbm>>) dst(%dma_wait3A_1345 : memref<256xi32, #tpu.memory_space<vmem>>)
      tpu.yield
    }) : () -> ()
    %rem3A = arith.constant 8 : i32
    %rem3A_3 = arith.remsi %add3A, %rem3A : i32
    %eq3A = arith.constant 0 : i32
    %eq3A_4 = arith.cmpi eq, %rem3A_3, %eq3A : i32
    %convert_element_type3A = arith.extui %eq3A_4 : i1 to i32
    %cond3A = arith.constant 0 : i32
    %cond3A_5 = arith.cmpi ne, %convert_element_type3A, %cond3A : i32
    scf.if %cond3A_5 {
      %broadcast_in_dim3A = arith.constant 2 : i32
      %broadcast_in_dim3A_1335 = vector.broadcast %broadcast_in_dim3A : i32 to vector<16xi32>
      %swap3A = arith.constant 0 : index
      %swap3A_1336 = tpu.vector_load %arg5[%swap3A] {strides = array<i32>} : memref<272xi32, #tpu.memory_space<vmem>>, vector<16xi32>,
      %swap3A_1337 = vector.shape_cast %swap3A_1336 : vector<16xi32> to vector<16xi32>
      %swap3A_1338 = vector.shape_cast %broadcast_in_dim3A_1335 : vector<16xi32> to vector<16xi32>
      tpu.vector_store %arg5[%swap3A], %swap3A_1338 {strides = array<i32>} : memref<272xi32, #tpu.memory_space<vmem>>, vector<16xi32>,
    } else {
    }
    %not3A = arith.constant true
    %not3A_6 = arith.xori %eq3A_4, %not3A : i1
    %convert_element_type3A_7 = arith.extui %not3A_6 : i1 to i32
    %cond3A_8 = arith.constant 0 : i32
    %cond3A_9 = arith.cmpi ne, %convert_element_type3A_7, %cond3A_8 : i32
    scf.if %cond3A_9 {
      %sub3A = arith.constant 16 : i32
      %sub3A_1335 = arith.subi %mul3A_2, %sub3A : i32
      "tpu.region"() ({
        %run_scoped3A = tpu.sem_alloc : memref<!tpu.dma_semaphore, #tpu.memory_space<semaphore_mem>>
        %dma_start3A_1336 = arith.constant 0 : i32
        %dma_start3A_1337 = tpu.memref_slice %arg5[%dma_start3A_1336] : memref<272xi32, #tpu.memory_space<vmem>> -> memref<16xi32, #tpu.memory_space<vmem>>
        %dma_start3A_1338 = tpu.memref_slice %arg2[%sub3A_1335] : memref<8192xi32, #tpu.memory_space<hbm>> -> memref<16xi32, #tpu.memory_space<hbm>>
        %dma_start3A_1339 = arith.constant 0 : i32
        %dma_start3A_1340 = tpu.memref_slice %arg5[%dma_start3A_1339] : memref<272xi32, #tpu.memory_space<vmem>> -> memref<16xi32, #tpu.memory_space<vmem>>
        %dma_start3A_1341 = tpu.memref_slice %arg2[%sub3A_1335] : memref<8192xi32, #tpu.memory_space<hbm>> -> memref<16xi32, #tpu.memory_space<hbm>>
        tpu.enqueue_dma source(%dma_start3A_1341 : memref<16xi32, #tpu.memory_space<hbm>>) target(%dma_start3A_1340 : memref<16xi32, #tpu.memory_space<vmem>>) target_semaphore(%run_scoped3A : memref<!tpu.dma_semaphore, #tpu.memory_space<semaphore_mem>>)
        %dma_wait3A_1342 = arith.constant 0 : i32
        %dma_wait3A_1343 = tpu.memref_slice %arg5[%dma_wait3A_1342] : memref<272xi32, #tpu.memory_space<vmem>> -> memref<16xi32, #tpu.memory_space<vmem>>
        %dma_wait3A_1344 = tpu.memref_slice %arg2[%sub3A_1335] : memref<8192xi32, #tpu.memory_space<hbm>> -> memref<16xi32, #tpu.memory_space<hbm>>
        %dma_wait3A_1345 = arith.constant 0 : i32
        %dma_wait3A_1346 = tpu.memref_slice %arg5[%dma_wait3A_1345] : memref<272xi32, #tpu.memory_space<vmem>> -> memref<16xi32, #tpu.memory_space<vmem>>
        %dma_wait3A_1347 = tpu.memref_slice %arg2[%sub3A_1335] : memref<8192xi32, #tpu.memory_space<hbm>> -> memref<16xi32, #tpu.memory_space<hbm>>
        tpu.wait_dma2 semaphore(%run_scoped3A : memref<!tpu.dma_semaphore, #tpu.memory_space<semaphore_mem>>) src(%dma_wait3A_1347 : memref<16xi32, #tpu.memory_space<hbm>>) dst(%dma_wait3A_1346 : memref<16xi32, #tpu.memory_space<vmem>>)
        tpu.yield
      }) : () -> ()
    } else {
    }
    %scan3A = arith.constant -1507629753 : i32
    %scan3A_10 = arith.constant 398764592 : i32
    %scan3A_11 = arith.constant 0 : i32
    %scan3A_12 = arith.constant 8 : i32
    %scan3A_13 = arith.addi %scan3A_11, %scan3A_12 : i32
    %scan3A_14 = arith.constant 1 : i32
    scf.for %scan3A_1335 = %scan3A_11 to %scan3A_13 step %scan3A_14  : i32 {
      %mul3A_1336 = arith.constant 1 : i32
      %mul3A_1337 = arith.muli %scan3A_1335, %mul3A_1336 : i32
      %add3A_1338 = arith.constant 0 : i32
      %add3A_1339 = arith.addi %add3A_1338, %mul3A_1337 : i32
      %mul3A_1340 = arith.constant 16 : i32
      %mul3A_1341 = arith.muli %add3A_1339, %mul3A_1340 : i32
      %add3A_1342 = arith.constant 16 : i32
      %add3A_1343 = arith.addi %add3A_1342, %mul3A_1341 : i32
      %get3A = arith.index_cast %add3A_1343 : i32 to index
      %get3A_1344 = tpu.vector_load %arg5[%get3A] {strides = array<i32>} : memref<272xi32, #tpu.memory_space<vmem>>, vector<16xi32>,
      %get3A_1345 = vector.shape_cast %get3A_1344 : vector<16xi32> to vector<16xi32>
      %sub3A = arith.constant 1 : i32
      %sub3A_1346 = arith.subi %add3A_1343, %sub3A : i32
      %get3A_1347 = arith.index_cast %sub3A_1346 : i32 to index
      %get3A_1348 = tpu.vector_load %arg5[%get3A_1347] {strides = array<i32>} : memref<272xi32, #tpu.memory_space<vmem>>, vector<16xi32>,
      %get3A_1349 = vector.shape_cast %get3A_1348 : vector<16xi32> to vector<16xi32>
      %mul3A_1350 = vector.broadcast %scan3A : i32 to vector<16xi32>
      %mul3A_1351 = arith.muli %get3A_1345, %mul3A_1350 : vector<16xi32>
      %mul3A_1352 = vector.broadcast %scan3A_10 : i32 to vector<16xi32>
      %mul3A_1353 = arith.muli %get3A_1349, %mul3A_1352 : vector<16xi32>
      %add3A_1354 = arith.addi %mul3A_1351, %mul3A_1353 : vector<16xi32>
      %bitcast3A = vector.bitcast %add3A_1354 : vector<16xi32> to vector<16xi32>
      %jit3A = arith.constant 100000 : i32
      %eq3A_1355 = arith.constant 0 : i32
      %eq3A_1356 = arith.cmpi eq, %jit3A, %eq3A_1355 : i32
      %jit3A_1357 = arith.constant 1 : i32
      %select_n3A = arith.select %eq3A_1356, %jit3A_1357, %jit3A : i32
      %rem3A_1358 = vector.broadcast %select_n3A : i32 to vector<16xi32>
      %rem3A_1359 = arith.remui %bitcast3A, %rem3A_1358 : vector<16xi32>
      %ne3A = arith.constant 0 : i32
      %ne3A_1360 = vector.broadcast %ne3A : i32 to vector<16xi32>
      %ne3A_1361 = arith.cmpi ne, %rem3A_1359, %ne3A_1360 : vector<16xi32>
      %lt3A = arith.constant 0 : i32
      %lt3A_1362 = vector.broadcast %lt3A : i32 to vector<16xi32>
      %lt3A_1363 = arith.cmpi ult, %rem3A_1359, %lt3A_1362 : vector<16xi32>
      %lt3A_1364 = arith.constant 0 : i32
      %lt3A_1365 = arith.cmpi ult, %select_n3A, %lt3A_1364 : i32
      %ne3A_1366 = vector.broadcast %lt3A_1365 : i1 to vector<16xi1>
      %ne3A_1367 = vector.broadcast %ne3A_1366 : vector<16xi1> to vector<16xi1>
      %ne3A_1368 = arith.xori %lt3A_1363, %ne3A_1367 : vector<16xi1>
      %and3A = arith.andi %ne3A_1368, %ne3A_1361 : vector<16xi1>
      %add3A_1369 = vector.broadcast %select_n3A : i32 to vector<16xi32>
      %add3A_1370 = arith.addi %rem3A_1359, %add3A_1369 : vector<16xi32>
      %select_n3A_1371 = arith.select %and3A, %add3A_1370, %rem3A_1359 : vector<16xi1>, vector<16xi32>
      %bitcast3A_1372 = vector.bitcast %select_n3A_1371 : vector<16xi32> to vector<16xi32>
      %mul3A_1373 = arith.constant 16 : i32
      %mul3A_1374 = arith.muli %add3A_1339, %mul3A_1373 : i32
      %swap3A = arith.constant 0 : i32
      %swap3A_1375 = arith.index_cast %swap3A : i32 to index
      %swap3A_1376 = arith.index_cast %mul3A_1374 : i32 to index
      %swap3A_1377 = tpu.vector_load %arg6[%swap3A_1375, %swap3A_1376] {strides = array<i32>} : memref<32x128xi32, #tpu.memory_space<vmem>>, vector<1x16xi32>,
      %swap3A_1378 = vector.shape_cast %swap3A_1377 : vector<1x16xi32> to vector<16xi32>
      %swap3A_1379 = vector.shape_cast %bitcast3A_1372 : vector<16xi32> to vector<1x16xi32>
      tpu.vector_store %arg6[%swap3A_1375, %swap3A_1376], %swap3A_1379 {strides = array<i32>} : memref<32x128xi32, #tpu.memory_space<vmem>>, vector<1x16xi32>,
    }
    %scan3A_15 = arith.constant 8 : i32
    %scan3A_16 = arith.constant -1507629753 : i32
    %scan3A_17 = arith.constant 398764592 : i32
    %scan3A_18 = arith.constant 0 : i32
    %scan3A_19 = arith.constant 8 : i32
    %scan3A_20 = arith.addi %scan3A_18, %scan3A_19 : i32
    %scan3A_21 = arith.constant 1 : i32
    scf.for %scan3A_1335 = %scan3A_18 to %scan3A_20 step %scan3A_21  : i32 {
      %mul3A_1336 = arith.constant 1 : i32
      %mul3A_1337 = arith.muli %scan3A_1335, %mul3A_1336 : i32
      %add3A_1338 = arith.constant 0 : i32
      %add3A_1339 = arith.addi %add3A_1338, %mul3A_1337 : i32
      %mul3A_1340 = arith.constant 16 : i32
      %mul3A_1341 = arith.muli %add3A_1339, %mul3A_1340 : i32
      %add3A_1342 = arith.constant 144 : i32
      %add3A_1343 = arith.addi %add3A_1342, %mul3A_1341 : i32
      %get3A = arith.index_cast %add3A_1343 : i32 to index
      %get3A_1344 = tpu.vector_load %arg5[%get3A] {strides = array<i32>} : memref<272xi32, #tpu.memory_space<vmem>>, vector<16xi32>,
      %get3A_1345 = vector.shape_cast %get3A_1344 : vector<16xi32> to vector<16xi32>
      %sub3A = arith.constant 1 : i32
      %sub3A_1346 = arith.subi %add3A_1343, %sub3A : i32
      %get3A_1347 = arith.index_cast %sub3A_1346 : i32 to index
      %get3A_1348 = tpu.vector_load %arg5[%get3A_1347] {strides = array<i32>} : memref<272xi32, #tpu.memory_space<vmem>>, vector<16xi32>,
      %get3A_1349 = vector.shape_cast %get3A_1348 : vector<16xi32> to vector<16xi32>
      %mul3A_1350 = vector.broadcast %scan3A_16 : i32 to vector<16xi32>
      %mul3A_1351 = arith.muli %get3A_1345, %mul3A_1350 : vector<16xi32>
      %mul3A_1352 = vector.broadcast %scan3A_17 : i32 to vector<16xi32>
      %mul3A_1353 = arith.muli %get3A_1349, %mul3A_1352 : vector<16xi32>
      %add3A_1354 = arith.addi %mul3A_1351, %mul3A_1353 : vector<16xi32>
      %bitcast3A = vector.bitcast %add3A_1354 : vector<16xi32> to vector<16xi32>
      %jit3A = arith.constant 100000 : i32
      %eq3A_1355 = arith.constant 0 : i32
      %eq3A_1356 = arith.cmpi eq, %jit3A, %eq3A_1355 : i32
      %jit3A_1357 = arith.constant 1 : i32
      %select_n3A = arith.select %eq3A_1356, %jit3A_1357, %jit3A : i32
      %rem3A_1358 = vector.broadcast %select_n3A : i32 to vector<16xi32>
      %rem3A_1359 = arith.remui %bitcast3A, %rem3A_1358 : vector<16xi32>
      %ne3A = arith.constant 0 : i32
      %ne3A_1360 = vector.broadcast %ne3A : i32 to vector<16xi32>
      %ne3A_1361 = arith.cmpi ne, %rem3A_1359, %ne3A_1360 : vector<16xi32>
      %lt3A = arith.constant 0 : i32
      %lt3A_1362 = vector.broadcast %lt3A : i32 to vector<16xi32>
      %lt3A_1363 = arith.cmpi ult, %rem3A_1359, %lt3A_1362 : vector<16xi32>
      %lt3A_1364 = arith.constant 0 : i32
      %lt3A_1365 = arith.cmpi ult, %select_n3A, %lt3A_1364 : i32
      %ne3A_1366 = vector.broadcast %lt3A_1365 : i1 to vector<16xi1>
      %ne3A_1367 = vector.broadcast %ne3A_1366 : vector<16xi1> to vector<16xi1>
      %ne3A_1368 = arith.xori %lt3A_1363, %ne3A_1367 : vector<16xi1>
      %and3A = arith.andi %ne3A_1368, %ne3A_1361 : vector<16xi1>
      %add3A_1369 = vector.broadcast %select_n3A : i32 to vector<16xi32>
      %add3A_1370 = arith.addi %rem3A_1359, %add3A_1369 : vector<16xi32>
      %select_n3A_1371 = arith.select %and3A, %add3A_1370, %rem3A_1359 : vector<16xi1>, vector<16xi32>
      %bitcast3A_1372 = vector.bitcast %select_n3A_1371 : vector<16xi32> to vector<16xi32>
      %mul3A_1373 = arith.constant 16 : i32
      %mul3A_1374 = arith.muli %add3A_1339, %mul3A_1373 : i32
      %swap3A = arith.constant 1 : i32
      %swap3A_1375 = arith.index_cast %swap3A : i32 to index
      %swap3A_1376 = arith.index_cast %mul3A_1374 : i32 to index
      %swap3A_1377 = tpu.vector_load %arg6[%swap3A_1375, %swap3A_1376] {strides = array<i32>} : memref<32x128xi32, #tpu.memory_space<vmem>>, vector<1x16xi32>,
      %swap3A_1378 = vector.shape_cast %swap3A_1377 : vector<1x16xi32> to vector<16xi32>
      %swap3A_1379 = vector.shape_cast %bitcast3A_1372 : vector<16xi32> to vector<1x16xi32>
      tpu.vector_store %arg6[%swap3A_1375, %swap3A_1376], %swap3A_1379 {strides = array<i32>} : memref<32x128xi32, #tpu.memory_space<vmem>>, vector<1x16xi32>,
    }
    %scan3A_22 = arith.constant 8 : i32
    %scan3A_23 = arith.constant 46267618 : i32
    %scan3A_24 = arith.constant 1478610113 : i32
    %scan3A_25 = arith.constant 0 : i32
    %scan3A_26 = arith.constant 8 : i32
    %scan3A_27 = arith.addi %scan3A_25, %scan3A_26 : i32
    %scan3A_28 = arith.constant 1 : i32
    scf.for %scan3A_1335 = %scan3A_25 to %scan3A_27 step %scan3A_28  : i32 {
      %mul3A_1336 = arith.constant 1 : i32
      %mul3A_1337 = arith.muli %scan3A_1335, %mul3A_1336 : i32
      %add3A_1338 = arith.constant 0 : i32
      %add3A_1339 = arith.addi %add3A_1338, %mul3A_1337 : i32
      %mul3A_1340 = arith.constant 16 : i32
      %mul3A_1341 = arith.muli %add3A_1339, %mul3A_1340 : i32
      %add3A_1342 = arith.constant 16 : i32
      %add3A_1343 = arith.addi %add3A_1342, %mul3A_1341 : i32
      %get3A = arith.index_cast %add3A_1343 : i32 to index
      %get3A_1344 = tpu.vector_load %arg5[%get3A] {strides = array<i32>} : memref<272xi32, #tpu.memory_space<vmem>>, vector<16xi32>,
      %get3A_1345 = vector.shape_cast %get3A_1344 : vector<16xi32> to vector<16xi32>
      %sub3A = arith.constant 1 : i32
      %sub3A_1346 = arith.subi %add3A_1343, %sub3A : i32
      %get3A_1347 = arith.index_cast %sub3A_1346 : i32 to index
      %get3A_1348 = tpu.vector_load %arg5[%get3A_1347] {strides = array<i32>} : memref<272xi32, #tpu.memory_space<vmem>>, vector<16xi32>,
      %get3A_1349 = vector.shape_cast %get3A_1348 : vector<16xi32> to vector<16xi32>
      %mul3A_1350 = vector.broadcast %scan3A_23 : i32 to vector<16xi32>
      %mul3A_1351 = arith.muli %get3A_1345, %mul3A_1350 : vector<16xi32>
      %mul3A_1352 = vector.broadcast %scan3A_24 : i32 to vector<16xi32>
      %mul3A_1353 = arith.muli %get3A_1349, %mul3A_1352 : vector<16xi32>
      %add3A_1354 = arith.addi %mul3A_1351, %mul3A_1353 : vector<16xi32>
      %bitcast3A = vector.bitcast %add3A_1354 : vector<16xi32> to vector<16xi32>
      %jit3A = arith.constant 100000 : i32
      %eq3A_1355 = arith.constant 0 : i32
      %eq3A_1356 = arith.cmpi eq, %jit3A, %eq3A_1355 : i32
      %jit3A_1357 = arith.constant 1 : i32
      %select_n3A = arith.select %eq3A_1356, %jit3A_1357, %jit3A : i32
      %rem3A_1358 = vector.broadcast %select_n3A : i32 to vector<16xi32>
      %rem3A_1359 = arith.remui %bitcast3A, %rem3A_1358 : vector<16xi32>
      %ne3A = arith.constant 0 : i32
      %ne3A_1360 = vector.broadcast %ne3A : i32 to vector<16xi32>
      %ne3A_1361 = arith.cmpi ne, %rem3A_1359, %ne3A_1360 : vector<16xi32>
      %lt3A = arith.constant 0 : i32
      %lt3A_1362 = vector.broadcast %lt3A : i32 to vector<16xi32>
      %lt3A_1363 = arith.cmpi ult, %rem3A_1359, %lt3A_1362 : vector<16xi32>
      %lt3A_1364 = arith.constant 0 : i32
      %lt3A_1365 = arith.cmpi ult, %select_n3A, %lt3A_1364 : i32
      %ne3A_1366 = vector.broadcast %lt3A_1365 : i1 to vector<16xi1>
      %ne3A_1367 = vector.broadcast %ne3A_1366 : vector<16xi1> to vector<16xi1>
      %ne3A_1368 = arith.xori %lt3A_1363, %ne3A_1367 : vector<16xi1>
      %and3A = arith.andi %ne3A_1368, %ne3A_1361 : vector<16xi1>
      %add3A_1369 = vector.broadcast %select_n3A : i32 to vector<16xi32>
      %add3A_1370 = arith.addi %rem3A_1359, %add3A_1369 : vector<16xi32>
      %select_n3A_1371 = arith.select %and3A, %add3A_1370, %rem3A_1359 : vector<16xi1>, vector<16xi32>
      %bitcast3A_1372 = vector.bitcast %select_n3A_1371 : vector<16xi32> to vector<16xi32>
      %mul3A_1373 = arith.constant 16 : i32
      %mul3A_1374 = arith.muli %add3A_1339, %mul3A_1373 : i32
      %swap3A = arith.constant 2 : i32
      %swap3A_1375 = arith.index_cast %swap3A : i32 to index
      %swap3A_1376 = arith.index_cast %mul3A_1374 : i32 to index
      %swap3A_1377 = tpu.vector_load %arg6[%swap3A_1375, %swap3A_1376] {strides = array<i32>} : memref<32x128xi32, #tpu.memory_space<vmem>>, vector<1x16xi32>,
      %swap3A_1378 = vector.shape_cast %swap3A_1377 : vector<1x16xi32> to vector<16xi32>
      %swap3A_1379 = vector.shape_cast %bitcast3A_1372 : vector<16xi32> to vector<1x16xi32>
      tpu.vector_store %arg6[%swap3A_1375, %swap3A_1376], %swap3A_1379 {strides = array<i32>} : memref<32x128xi32, #tpu.memory_space<vmem>>, vector<1x16xi32>,
    }
    %scan3A_29 = arith.constant 8 : i32
    %scan3A_30 = arith.constant 46267618 : i32
    %scan3A_31 = arith.constant 1478610113 : i32
    %scan3A_32 = arith.constant 0 : i32
    %scan3A_33 = arith.constant 8 : i32
    %scan3A_34 = arith.addi %scan3A_32, %scan3A_33 : i32
    %scan3A_35 = arith.constant 1 : i32
    scf.for %scan3A_1335 = %scan3A_32 to %scan3A_34 step %scan3A_35  : i32 {
      %mul3A_1336 = arith.constant 1 : i32
      %mul3A_1337 = arith.muli %scan3A_1335, %mul3A_1336 : i32
      %add3A_1338 = arith.constant 0 : i32
      %add3A_1339 = arith.addi %add3A_1338, %mul3A_1337 : i32
      %mul3A_1340 = arith.constant 16 : i32
      %mul3A_1341 = arith.muli %add3A_1339, %mul3A_1340 : i32
      %add3A_1342 = arith.constant 144 : i32
      %add3A_1343 = arith.addi %add3A_1342, %mul3A_1341 : i32
      %get3A = arith.index_cast %add3A_1343 : i32 to index
      %get3A_1344 = tpu.vector_load %arg5[%get3A] {strides = array<i32>} : memref<272xi32, #tpu.memory_space<vmem>>, vector<16xi32>,
      %get3A_1345 = vector.shape_cast %get3A_1344 : vector<16xi32> to vector<16xi32>
      %sub3A = arith.constant 1 : i32
      %sub3A_1346 = arith.subi %add3A_1343, %sub3A : i32
      %get3A_1347 = arith.index_cast %sub3A_1346 : i32 to index
      %get3A_1348 = tpu.vector_load %arg5[%get3A_1347] {strides = array<i32>} : memref<272xi32, #tpu.memory_space<vmem>>, vector<16xi32>,
      %get3A_1349 = vector.shape_cast %get3A_1348 : vector<16xi32> to vector<16xi32>
      %mul3A_1350 = vector.broadcast %scan3A_30 : i32 to vector<16xi32>
      %mul3A_1351 = arith.muli %get3A_1345, %mul3A_1350 : vector<16xi32>
      %mul3A_1352 = vector.broadcast %scan3A_31 : i32 to vector<16xi32>
      %mul3A_1353 = arith.muli %get3A_1349, %mul3A_1352 : vector<16xi32>
      %add3A_1354 = arith.addi %mul3A_1351, %mul3A_1353 : vector<16xi32>
      %bitcast3A = vector.bitcast %add3A_1354 : vector<16xi32> to vector<16xi32>
      %jit3A = arith.constant 100000 : i32
      %eq3A_1355 = arith.constant 0 : i32
      %eq3A_1356 = arith.cmpi eq, %jit3A, %eq3A_1355 : i32
      %jit3A_1357 = arith.constant 1 : i32
      %select_n3A = arith.select %eq3A_1356, %jit3A_1357, %jit3A : i32
      %rem3A_1358 = vector.broadcast %select_n3A : i32 to vector<16xi32>
      %rem3A_1359 = arith.remui %bitcast3A, %rem3A_1358 : vector<16xi32>
      %ne3A = arith.constant 0 : i32
      %ne3A_1360 = vector.broadcast %ne3A : i32 to vector<16xi32>
      %ne3A_1361 = arith.cmpi ne, %rem3A_1359, %ne3A_1360 : vector<16xi32>
      %lt3A = arith.constant 0 : i32
      %lt3A_1362 = vector.broadcast %lt3A : i32 to vector<16xi32>
      %lt3A_1363 = arith.cmpi ult, %rem3A_1359, %lt3A_1362 : vector<16xi32>
      %lt3A_1364 = arith.constant 0 : i32
      %lt3A_1365 = arith.cmpi ult, %select_n3A, %lt3A_1364 : i32
      %ne3A_1366 = vector.broadcast %lt3A_1365 : i1 to vector<16xi1>
      %ne3A_1367 = vector.broadcast %ne3A_1366 : vector<16xi1> to vector<16xi1>
      %ne3A_1368 = arith.xori %lt3A_1363, %ne3A_1367 : vector<16xi1>
      %and3A = arith.andi %ne3A_1368, %ne3A_1361 : vector<16xi1>
      %add3A_1369 = vector.broadcast %select_n3A : i32 to vector<16xi32>
      %add3A_1370 = arith.addi %rem3A_1359, %add3A_1369 : vector<16xi32>
      %select_n3A_1371 = arith.select %and3A, %add3A_1370, %rem3A_1359 : vector<16xi1>, vector<16xi32>
      %bitcast3A_1372 = vector.bitcast %select_n3A_1371 : vector<16xi32> to vector<16xi32>
      %mul3A_1373 = arith.constant 16 : i32
      %mul3A_1374 = arith.muli %add3A_1339, %mul3A_1373 : i32
      %swap3A = arith.constant 3 : i32
      %swap3A_1375 = arith.index_cast %swap3A : i32 to index
      %swap3A_1376 = arith.index_cast %mul3A_1374 : i32 to index
      %swap3A_1377 = tpu.vector_load %arg6[%swap3A_1375, %swap3A_1376] {strides = array<i32>} : memref<32x128xi32, #tpu.memory_space<vmem>>, vector<1x16xi32>,
      %swap3A_1378 = vector.shape_cast %swap3A_1377 : vector<1x16xi32> to vector<16xi32>
      %swap3A_1379 = vector.shape_cast %bitcast3A_1372 : vector<16xi32> to vector<1x16xi32>
      tpu.vector_store %arg6[%swap3A_1375, %swap3A_1376], %swap3A_1379 {strides = array<i32>} : memref<32x128xi32, #tpu.memory_space<vmem>>, vector<1x16xi32>,
    }
    %scan3A_36 = arith.constant 8 : i32
    %scan3A_37 = arith.constant -1379110196 : i32
    %scan3A_38 = arith.constant 1537364732 : i32
    %scan3A_39 = arith.constant 0 : i32
    %scan3A_40 = arith.constant 8 : i32
    %scan3A_41 = arith.addi %scan3A_39, %scan3A_40 : i32
    %scan3A_42 = arith.constant 1 : i32
    scf.for %scan3A_1335 = %scan3A_39 to %scan3A_41 step %scan3A_42  : i32 {
      %mul3A_1336 = arith.constant 1 : i32
      %mul3A_1337 = arith.muli %scan3A_1335, %mul3A_1336 : i32
      %add3A_1338 = arith.constant 0 : i32
      %add3A_1339 = arith.addi %add3A_1338, %mul3A_1337 : i32
      %mul3A_1340 = arith.constant 16 : i32
      %mul3A_1341 = arith.muli %add3A_1339, %mul3A_1340 : i32
      %add3A_1342 = arith.constant 16 : i32
      %add3A_1343 = arith.addi %add3A_1342, %mul3A_1341 : i32
      %get3A = arith.index_cast %add3A_1343 : i32 to index
      %get3A_1344 = tpu.vector_load %arg5[%get3A] {strides = array<i32>} : memref<272xi32, #tpu.memory_space<vmem>>, vector<16xi32>,
      %get3A_1345 = vector.shape_cast %get3A_1344 : vector<16xi32> to vector<16xi32>
      %sub3A = arith.constant 1 : i32
      %sub3A_1346 = arith.subi %add3A_1343, %sub3A : i32
      %get3A_1347 = arith.index_cast %sub3A_1346 : i32 to index
      %get3A_1348 = tpu.vector_load %arg5[%get3A_1347] {strides = array<i32>} : memref<272xi32, #tpu.memory_space<vmem>>, vector<16xi32>,
      %get3A_1349 = vector.shape_cast %get3A_1348 : vector<16xi32> to vector<16xi32>
      %mul3A_1350 = vector.broadcast %scan3A_37 : i32 to vector<16xi32>
      %mul3A_1351 = arith.muli %get3A_1345, %mul3A_1350 : vector<16xi32>
      %mul3A_1352 = vector.broadcast %scan3A_38 : i32 to vector<16xi32>
      %mul3A_1353 = arith.muli %get3A_1349, %mul3A_1352 : vector<16xi32>
      %add3A_1354 = arith.addi %mul3A_1351, %mul3A_1353 : vector<16xi32>
      %bitcast3A = vector.bitcast %add3A_1354 : vector<16xi32> to vector<16xi32>
      %jit3A = arith.constant 100000 : i32
      %eq3A_1355 = arith.constant 0 : i32
      %eq3A_1356 = arith.cmpi eq, %jit3A, %eq3A_1355 : i32
      %jit3A_1357 = arith.constant 1 : i32
      %select_n3A = arith.select %eq3A_1356, %jit3A_1357, %jit3A : i32
      %rem3A_1358 = vector.broadcast %select_n3A : i32 to vector<16xi32>
      %rem3A_1359 = arith.remui %bitcast3A, %rem3A_1358 : vector<16xi32>
      %ne3A = arith.constant 0 : i32
      %ne3A_1360 = vector.broadcast %ne3A : i32 to vector<16xi32>
      %ne3A_1361 = arith.cmpi ne, %rem3A_1359, %ne3A_1360 : vector<16xi32>
      %lt3A = arith.constant 0 : i32
      %lt3A_1362 = vector.broadcast %lt3A : i32 to vector<16xi32>
      %lt3A_1363 = arith.cmpi ult, %rem3A_1359, %lt3A_1362 : vector<16xi32>
      %lt3A_1364 = arith.constant 0 : i32
      %lt3A_1365 = arith.cmpi ult, %select_n3A, %lt3A_1364 : i32
      %ne3A_1366 = vector.broadcast %lt3A_1365 : i1 to vector<16xi1>
      %ne3A_1367 = vector.broadcast %ne3A_1366 : vector<16xi1> to vector<16xi1>
      %ne3A_1368 = arith.xori %lt3A_1363, %ne3A_1367 : vector<16xi1>
      %and3A = arith.andi %ne3A_1368, %ne3A_1361 : vector<16xi1>
      %add3A_1369 = vector.broadcast %select_n3A : i32 to vector<16xi32>
      %add3A_1370 = arith.addi %rem3A_1359, %add3A_1369 : vector<16xi32>
      %select_n3A_1371 = arith.select %and3A, %add3A_1370, %rem3A_1359 : vector<16xi1>, vector<16xi32>
      %bitcast3A_1372 = vector.bitcast %select_n3A_1371 : vector<16xi32> to vector<16xi32>
      %mul3A_1373 = arith.constant 16 : i32
      %mul3A_1374 = arith.muli %add3A_1339, %mul3A_1373 : i32
      %swap3A = arith.constant 4 : i32
      %swap3A_1375 = arith.index_cast %swap3A : i32 to index
      %swap3A_1376 = arith.index_cast %mul3A_1374 : i32 to index
      %swap3A_1377 = tpu.vector_load %arg6[%swap3A_1375, %swap3A_1376] {strides = array<i32>} : memref<32x128xi32, #tpu.memory_space<vmem>>, vector<1x16xi32>,
      %swap3A_1378 = vector.shape_cast %swap3A_1377 : vector<1x16xi32> to vector<16xi32>
      %swap3A_1379 = vector.shape_cast %bitcast3A_1372 : vector<16xi32> to vector<1x16xi32>
      tpu.vector_store %arg6[%swap3A_1375, %swap3A_1376], %swap3A_1379 {strides = array<i32>} : memref<32x128xi32, #tpu.memory_space<vmem>>, vector<1x16xi32>,
    }
    %scan3A_43 = arith.constant 8 : i32
    %scan3A_44 = arith.constant -1379110196 : i32
    %scan3A_45 = arith.constant 1537364732 : i32
    %scan3A_46 = arith.constant 0 : i32
    %scan3A_47 = arith.constant 8 : i32
    %scan3A_48 = arith.addi %scan3A_46, %scan3A_47 : i32
    %scan3A_49 = arith.constant 1 : i32
    scf.for %scan3A_1335 = %scan3A_46 to %scan3A_48 step %scan3A_49  : i32 {
      %mul3A_1336 = arith.constant 1 : i32
      %mul3A_1337 = arith.muli %scan3A_1335, %mul3A_1336 : i32
      %add3A_1338 = arith.constant 0 : i32
      %add3A_1339 = arith.addi %add3A_1338, %mul3A_1337 : i32
      %mul3A_1340 = arith.constant 16 : i32
      %mul3A_1341 = arith.muli %add3A_1339, %mul3A_1340 : i32
      %add3A_1342 = arith.constant 144 : i32
      %add3A_1343 = arith.addi %add3A_1342, %mul3A_1341 : i32
      %get3A = arith.index_cast %add3A_1343 : i32 to index
      %get3A_1344 = tpu.vector_load %arg5[%get3A] {strides = array<i32>} : memref<272xi32, #tpu.memory_space<vmem>>, vector<16xi32>,
      %get3A_1345 = vector.shape_cast %get3A_1344 : vector<16xi32> to vector<16xi32>
      %sub3A = arith.constant 1 : i32
      %sub3A_1346 = arith.subi %add3A_1343, %sub3A : i32
      %get3A_1347 = arith.index_cast %sub3A_1346 : i32 to index
      %get3A_1348 = tpu.vector_load %arg5[%get3A_1347] {strides = array<i32>} : memref<272xi32, #tpu.memory_space<vmem>>, vector<16xi32>,
      %get3A_1349 = vector.shape_cast %get3A_1348 : vector<16xi32> to vector<16xi32>
      %mul3A_1350 = vector.broadcast %scan3A_44 : i32 to vector<16xi32>
      %mul3A_1351 = arith.muli %get3A_1345, %mul3A_1350 : vector<16xi32>
      %mul3A_1352 = vector.broadcast %scan3A_45 : i32 to vector<16xi32>
      %mul3A_1353 = arith.muli %get3A_1349, %mul3A_1352 : vector<16xi32>
      %add3A_1354 = arith.addi %mul3A_1351, %mul3A_1353 : vector<16xi32>
      %bitcast3A = vector.bitcast %add3A_1354 : vector<16xi32> to vector<16xi32>
      %jit3A = arith.constant 100000 : i32
      %eq3A_1355 = arith.constant 0 : i32
      %eq3A_1356 = arith.cmpi eq, %jit3A, %eq3A_1355 : i32
      %jit3A_1357 = arith.constant 1 : i32
      %select_n3A = arith.select %eq3A_1356, %jit3A_1357, %jit3A : i32
      %rem3A_1358 = vector.broadcast %select_n3A : i32 to vector<16xi32>
      %rem3A_1359 = arith.remui %bitcast3A, %rem3A_1358 : vector<16xi32>
      %ne3A = arith.constant 0 : i32
      %ne3A_1360 = vector.broadcast %ne3A : i32 to vector<16xi32>
      %ne3A_1361 = arith.cmpi ne, %rem3A_1359, %ne3A_1360 : vector<16xi32>
      %lt3A = arith.constant 0 : i32
      %lt3A_1362 = vector.broadcast %lt3A : i32 to vector<16xi32>
      %lt3A_1363 = arith.cmpi ult, %rem3A_1359, %lt3A_1362 : vector<16xi32>
      %lt3A_1364 = arith.constant 0 : i32
      %lt3A_1365 = arith.cmpi ult, %select_n3A, %lt3A_1364 : i32
      %ne3A_1366 = vector.broadcast %lt3A_1365 : i1 to vector<16xi1>
      %ne3A_1367 = vector.broadcast %ne3A_1366 : vector<16xi1> to vector<16xi1>
      %ne3A_1368 = arith.xori %lt3A_1363, %ne3A_1367 : vector<16xi1>
      %and3A = arith.andi %ne3A_1368, %ne3A_1361 : vector<16xi1>
      %add3A_1369 = vector.broadcast %select_n3A : i32 to vector<16xi32>
      %add3A_1370 = arith.addi %rem3A_1359, %add3A_1369 : vector<16xi32>
      %select_n3A_1371 = arith.select %and3A, %add3A_1370, %rem3A_1359 : vector<16xi1>, vector<16xi32>
      %bitcast3A_1372 = vector.bitcast %select_n3A_1371 : vector<16xi32> to vector<16xi32>
      %mul3A_1373 = arith.constant 16 : i32
      %mul3A_1374 = arith.muli %add3A_1339, %mul3A_1373 : i32
      %swap3A = arith.constant 5 : i32
      %swap3A_1375 = arith.index_cast %swap3A : i32 to index
      %swap3A_1376 = arith.index_cast %mul3A_1374 : i32 to index
      %swap3A_1377 = tpu.vector_load %arg6[%swap3A_1375, %swap3A_1376] {strides = array<i32>} : memref<32x128xi32, #tpu.memory_space<vmem>>, vector<1x16xi32>,
      %swap3A_1378 = vector.shape_cast %swap3A_1377 : vector<1x16xi32> to vector<16xi32>
      %swap3A_1379 = vector.shape_cast %bitcast3A_1372 : vector<16xi32> to vector<1x16xi32>
      tpu.vector_store %arg6[%swap3A_1375, %swap3A_1376], %swap3A_1379 {strides = array<i32>} : memref<32x128xi32, #tpu.memory_space<vmem>>, vector<1x16xi32>,
    }
    %scan3A_50 = arith.constant 8 : i32
    %scan3A_51 = arith.constant 1341168972 : i32
    %scan3A_52 = arith.constant 1491434856 : i32
    %scan3A_53 = arith.constant 0 : i32
    %scan3A_54 = arith.constant 8 : i32
    %scan3A_55 = arith.addi %scan3A_53, %scan3A_54 : i32
    %scan3A_56 = arith.constant 1 : i32
    scf.for %scan3A_1335 = %scan3A_53 to %scan3A_55 step %scan3A_56  : i32 {
      %mul3A_1336 = arith.constant 1 : i32
      %mul3A_1337 = arith.muli %scan3A_1335, %mul3A_1336 : i32
      %add3A_1338 = arith.constant 0 : i32
      %add3A_1339 = arith.addi %add3A_1338, %mul3A_1337 : i32
      %mul3A_1340 = arith.constant 16 : i32
      %mul3A_1341 = arith.muli %add3A_1339, %mul3A_1340 : i32
      %add3A_1342 = arith.constant 16 : i32
      %add3A_1343 = arith.addi %add3A_1342, %mul3A_1341 : i32
      %get3A = arith.index_cast %add3A_1343 : i32 to index
      %get3A_1344 = tpu.vector_load %arg5[%get3A] {strides = array<i32>} : memref<272xi32, #tpu.memory_space<vmem>>, vector<16xi32>,
      %get3A_1345 = vector.shape_cast %get3A_1344 : vector<16xi32> to vector<16xi32>
      %sub3A = arith.constant 1 : i32
      %sub3A_1346 = arith.subi %add3A_1343, %sub3A : i32
      %get3A_1347 = arith.index_cast %sub3A_1346 : i32 to index
      %get3A_1348 = tpu.vector_load %arg5[%get3A_1347] {strides = array<i32>} : memref<272xi32, #tpu.memory_space<vmem>>, vector<16xi32>,
      %get3A_1349 = vector.shape_cast %get3A_1348 : vector<16xi32> to vector<16xi32>
      %mul3A_1350 = vector.broadcast %scan3A_51 : i32 to vector<16xi32>
      %mul3A_1351 = arith.muli %get3A_1345, %mul3A_1350 : vector<16xi32>
      %mul3A_1352 = vector.broadcast %scan3A_52 : i32 to vector<16xi32>
      %mul3A_1353 = arith.muli %get3A_1349, %mul3A_1352 : vector<16xi32>
      %add3A_1354 = arith.addi %mul3A_1351, %mul3A_1353 : vector<16xi32>
      %bitcast3A = vector.bitcast %add3A_1354 : vector<16xi32> to vector<16xi32>
      %jit3A = arith.constant 100000 : i32
      %eq3A_1355 = arith.constant 0 : i32
      %eq3A_1356 = arith.cmpi eq, %jit3A, %eq3A_1355 : i32
      %jit3A_1357 = arith.constant 1 : i32
      %select_n3A = arith.select %eq3A_1356, %jit3A_1357, %jit3A : i32
      %rem3A_1358 = vector.broadcast %select_n3A : i32 to vector<16xi32>
      %rem3A_1359 = arith.remui %bitcast3A, %rem3A_1358 : vector<16xi32>
      %ne3A = arith.constant 0 : i32
      %ne3A_1360 = vector.broadcast %ne3A : i32 to vector<16xi32>
      %ne3A_1361 = arith.cmpi ne, %rem3A_1359, %ne3A_1360 : vector<16xi32>
      %lt3A = arith.constant 0 : i32
      %lt3A_1362 = vector.broadcast %lt3A : i32 to vector<16xi32>
      %lt3A_1363 = arith.cmpi ult, %rem3A_1359, %lt3A_1362 : vector<16xi32>
      %lt3A_1364 = arith.constant 0 : i32
      %lt3A_1365 = arith.cmpi ult, %select_n3A, %lt3A_1364 : i32
      %ne3A_1366 = vector.broadcast %lt3A_1365 : i1 to vector<16xi1>
      %ne3A_1367 = vector.broadcast %ne3A_1366 : vector<16xi1> to vector<16xi1>
      %ne3A_1368 = arith.xori %lt3A_1363, %ne3A_1367 : vector<16xi1>
      %and3A = arith.andi %ne3A_1368, %ne3A_1361 : vector<16xi1>
      %add3A_1369 = vector.broadcast %select_n3A : i32 to vector<16xi32>
      %add3A_1370 = arith.addi %rem3A_1359, %add3A_1369 : vector<16xi32>
      %select_n3A_1371 = arith.select %and3A, %add3A_1370, %rem3A_1359 : vector<16xi1>, vector<16xi32>
      %bitcast3A_1372 = vector.bitcast %select_n3A_1371 : vector<16xi32> to vector<16xi32>
      %mul3A_1373 = arith.constant 16 : i32
      %mul3A_1374 = arith.muli %add3A_1339, %mul3A_1373 : i32
      %swap3A = arith.constant 6 : i32
      %swap3A_1375 = arith.index_cast %swap3A : i32 to index
      %swap3A_1376 = arith.index_cast %mul3A_1374 : i32 to index
      %swap3A_1377 = tpu.vector_load %arg6[%swap3A_1375, %swap3A_1376] {strides = array<i32>} : memref<32x128xi32, #tpu.memory_space<vmem>>, vector<1x16xi32>,
      %swap3A_1378 = vector.shape_cast %swap3A_1377 : vector<1x16xi32> to vector<16xi32>
      %swap3A_1379 = vector.shape_cast %bitcast3A_1372 : vector<16xi32> to vector<1x16xi32>
      tpu.vector_store %arg6[%swap3A_1375, %swap3A_1376], %swap3A_1379 {strides = array<i32>} : memref<32x128xi32, #tpu.memory_space<vmem>>, vector<1x16xi32>,
    }
    %scan3A_57 = arith.constant 8 : i32
    %scan3A_58 = arith.constant 1341168972 : i32
    %scan3A_59 = arith.constant 1491434856 : i32
    %scan3A_60 = arith.constant 0 : i32
    %scan3A_61 = arith.constant 8 : i32
    %scan3A_62 = arith.addi %scan3A_60, %scan3A_61 : i32
    %scan3A_63 = arith.constant 1 : i32
    scf.for %scan3A_1335 = %scan3A_60 to %scan3A_62 step %scan3A_63  : i32 {
      %mul3A_1336 = arith.constant 1 : i32
      %mul3A_1337 = arith.muli %scan3A_1335, %mul3A_1336 : i32
      %add3A_1338 = arith.constant 0 : i32
      %add3A_1339 = arith.addi %add3A_1338, %mul3A_1337 : i32
      %mul3A_1340 = arith.constant 16 : i32
      %mul3A_1341 = arith.muli %add3A_1339, %mul3A_1340 : i32
      %add3A_1342 = arith.constant 144 : i32
      %add3A_1343 = arith.addi %add3A_1342, %mul3A_1341 : i32
      %get3A = arith.index_cast %add3A_1343 : i32 to index
      %get3A_1344 = tpu.vector_load %arg5[%get3A] {strides = array<i32>} : memref<272xi32, #tpu.memory_space<vmem>>, vector<16xi32>,
      %get3A_1345 = vector.shape_cast %get3A_1344 : vector<16xi32> to vector<16xi32>
      %sub3A = arith.constant 1 : i32
      %sub3A_1346 = arith.subi %add3A_1343, %sub3A : i32
      %get3A_1347 = arith.index_cast %sub3A_1346 : i32 to index
      %get3A_1348 = tpu.vector_load %arg5[%get3A_1347] {strides = array<i32>} : memref<272xi32, #tpu.memory_space<vmem>>, vector<16xi32>,
      %get3A_1349 = vector.shape_cast %get3A_1348 : vector<16xi32> to vector<16xi32>
      %mul3A_1350 = vector.broadcast %scan3A_58 : i32 to vector<16xi32>
      %mul3A_1351 = arith.muli %get3A_1345, %mul3A_1350 : vector<16xi32>
      %mul3A_1352 = vector.broadcast %scan3A_59 : i32 to vector<16xi32>
      %mul3A_1353 = arith.muli %get3A_1349, %mul3A_1352 : vector<16xi32>
      %add3A_1354 = arith.addi %mul3A_1351, %mul3A_1353 : vector<16xi32>
      %bitcast3A = vector.bitcast %add3A_1354 : vector<16xi32> to vector<16xi32>
      %jit3A = arith.constant 100000 : i32
      %eq3A_1355 = arith.constant 0 : i32
      %eq3A_1356 = arith.cmpi eq, %jit3A, %eq3A_1355 : i32
      %jit3A_1357 = arith.constant 1 : i32
      %select_n3A = arith.select %eq3A_1356, %jit3A_1357, %jit3A : i32
      %rem3A_1358 = vector.broadcast %select_n3A : i32 to vector<16xi32>
      %rem3A_1359 = arith.remui %bitcast3A, %rem3A_1358 : vector<16xi32>
      %ne3A = arith.constant 0 : i32
      %ne3A_1360 = vector.broadcast %ne3A : i32 to vector<16xi32>
      %ne3A_1361 = arith.cmpi ne, %rem3A_1359, %ne3A_1360 : vector<16xi32>
      %lt3A = arith.constant 0 : i32
      %lt3A_1362 = vector.broadcast %lt3A : i32 to vector<16xi32>
      %lt3A_1363 = arith.cmpi ult, %rem3A_1359, %lt3A_1362 : vector<16xi32>
      %lt3A_1364 = arith.constant 0 : i32
      %lt3A_1365 = arith.cmpi ult, %select_n3A, %lt3A_1364 : i32
      %ne3A_1366 = vector.broadcast %lt3A_1365 : i1 to vector<16xi1>
      %ne3A_1367 = vector.broadcast %ne3A_1366 : vector<16xi1> to vector<16xi1>
      %ne3A_1368 = arith.xori %lt3A_1363, %ne3A_1367 : vector<16xi1>
      %and3A = arith.andi %ne3A_1368, %ne3A_1361 : vector<16xi1>
      %add3A_1369 = vector.broadcast %select_n3A : i32 to vector<16xi32>
      %add3A_1370 = arith.addi %rem3A_1359, %add3A_1369 : vector<16xi32>
      %select_n3A_1371 = arith.select %and3A, %add3A_1370, %rem3A_1359 : vector<16xi1>, vector<16xi32>
      %bitcast3A_1372 = vector.bitcast %select_n3A_1371 : vector<16xi32> to vector<16xi32>
      %mul3A_1373 = arith.constant 16 : i32
      %mul3A_1374 = arith.muli %add3A_1339, %mul3A_1373 : i32
      %swap3A = arith.constant 7 : i32
      %swap3A_1375 = arith.index_cast %swap3A : i32 to index
      %swap3A_1376 = arith.index_cast %mul3A_1374 : i32 to index
      %swap3A_1377 = tpu.vector_load %arg6[%swap3A_1375, %swap3A_1376] {strides = array<i32>} : memref<32x128xi32, #tpu.memory_space<vmem>>, vector<1x16xi32>,
      %swap3A_1378 = vector.shape_cast %swap3A_1377 : vector<1x16xi32> to vector<16xi32>
      %swap3A_1379 = vector.shape_cast %bitcast3A_1372 : vector<16xi32> to vector<1x16xi32>
      tpu.vector_store %arg6[%swap3A_1375, %swap3A_1376], %swap3A_1379 {strides = array<i32>} : memref<32x128xi32, #tpu.memory_space<vmem>>, vector<1x16xi32>,
    }
    %scan3A_64 = arith.constant 8 : i32
    %scan3A_65 = arith.constant 291996318 : i32
    %scan3A_66 = arith.constant 530702036 : i32
    %scan3A_67 = arith.constant 0 : i32
    %scan3A_68 = arith.constant 8 : i32
    %scan3A_69 = arith.addi %scan3A_67, %scan3A_68 : i32
    %scan3A_70 = arith.constant 1 : i32
    scf.for %scan3A_1335 = %scan3A_67 to %scan3A_69 step %scan3A_70  : i32 {
      %mul3A_1336 = arith.constant 1 : i32
      %mul3A_1337 = arith.muli %scan3A_1335, %mul3A_1336 : i32
      %add3A_1338 = arith.constant 0 : i32
      %add3A_1339 = arith.addi %add3A_1338, %mul3A_1337 : i32
      %mul3A_1340 = arith.constant 16 : i32
      %mul3A_1341 = arith.muli %add3A_1339, %mul3A_1340 : i32
      %add3A_1342 = arith.constant 16 : i32
      %add3A_1343 = arith.addi %add3A_1342, %mul3A_1341 : i32
      %get3A = arith.index_cast %add3A_1343 : i32 to index
      %get3A_1344 = tpu.vector_load %arg5[%get3A] {strides = array<i32>} : memref<272xi32, #tpu.memory_space<vmem>>, vector<16xi32>,
      %get3A_1345 = vector.shape_cast %get3A_1344 : vector<16xi32> to vector<16xi32>
      %sub3A = arith.constant 1 : i32
      %sub3A_1346 = arith.subi %add3A_1343, %sub3A : i32
      %get3A_1347 = arith.index_cast %sub3A_1346 : i32 to index
      %get3A_1348 = tpu.vector_load %arg5[%get3A_1347] {strides = array<i32>} : memref<272xi32, #tpu.memory_space<vmem>>, vector<16xi32>,
      %get3A_1349 = vector.shape_cast %get3A_1348 : vector<16xi32> to vector<16xi32>
      %mul3A_1350 = vector.broadcast %scan3A_65 : i32 to vector<16xi32>
      %mul3A_1351 = arith.muli %get3A_1345, %mul3A_1350 : vector<16xi32>
      %mul3A_1352 = vector.broadcast %scan3A_66 : i32 to vector<16xi32>
      %mul3A_1353 = arith.muli %get3A_1349, %mul3A_1352 : vector<16xi32>
      %add3A_1354 = arith.addi %mul3A_1351, %mul3A_1353 : vector<16xi32>
      %bitcast3A = vector.bitcast %add3A_1354 : vector<16xi32> to vector<16xi32>
      %jit3A = arith.constant 100000 : i32
      %eq3A_1355 = arith.constant 0 : i32
      %eq3A_1356 = arith.cmpi eq, %jit3A, %eq3A_1355 : i32
      %jit3A_1357 = arith.constant 1 : i32
      %select_n3A = arith.select %eq3A_1356, %jit3A_1357, %jit3A : i32
      %rem3A_1358 = vector.broadcast %select_n3A : i32 to vector<16xi32>
      %rem3A_1359 = arith.remui %bitcast3A, %rem3A_1358 : vector<16xi32>
      %ne3A = arith.constant 0 : i32
      %ne3A_1360 = vector.broadcast %ne3A : i32 to vector<16xi32>
      %ne3A_1361 = arith.cmpi ne, %rem3A_1359, %ne3A_1360 : vector<16xi32>
      %lt3A = arith.constant 0 : i32
      %lt3A_1362 = vector.broadcast %lt3A : i32 to vector<16xi32>
      %lt3A_1363 = arith.cmpi ult, %rem3A_1359, %lt3A_1362 : vector<16xi32>
      %lt3A_1364 = arith.constant 0 : i32
      %lt3A_1365 = arith.cmpi ult, %select_n3A, %lt3A_1364 : i32
      %ne3A_1366 = vector.broadcast %lt3A_1365 : i1 to vector<16xi1>
      %ne3A_1367 = vector.broadcast %ne3A_1366 : vector<16xi1> to vector<16xi1>
      %ne3A_1368 = arith.xori %lt3A_1363, %ne3A_1367 : vector<16xi1>
      %and3A = arith.andi %ne3A_1368, %ne3A_1361 : vector<16xi1>
      %add3A_1369 = vector.broadcast %select_n3A : i32 to vector<16xi32>
      %add3A_1370 = arith.addi %rem3A_1359, %add3A_1369 : vector<16xi32>
      %select_n3A_1371 = arith.select %and3A, %add3A_1370, %rem3A_1359 : vector<16xi1>, vector<16xi32>
      %bitcast3A_1372 = vector.bitcast %select_n3A_1371 : vector<16xi32> to vector<16xi32>
      %mul3A_1373 = arith.constant 16 : i32
      %mul3A_1374 = arith.muli %add3A_1339, %mul3A_1373 : i32
      %swap3A = arith.constant 8 : i32
      %swap3A_1375 = arith.index_cast %swap3A : i32 to index
      %swap3A_1376 = arith.index_cast %mul3A_1374 : i32 to index
      %swap3A_1377 = tpu.vector_load %arg6[%swap3A_1375, %swap3A_1376] {strides = array<i32>} : memref<32x128xi32, #tpu.memory_space<vmem>>, vector<1x16xi32>,
      %swap3A_1378 = vector.shape_cast %swap3A_1377 : vector<1x16xi32> to vector<16xi32>
      %swap3A_1379 = vector.shape_cast %bitcast3A_1372 : vector<16xi32> to vector<1x16xi32>
      tpu.vector_store %arg6[%swap3A_1375, %swap3A_1376], %swap3A_1379 {strides = array<i32>} : memref<32x128xi32, #tpu.memory_space<vmem>>, vector<1x16xi32>,
    }
    %scan3A_71 = arith.constant 8 : i32
    %scan3A_72 = arith.constant 291996318 : i32
    %scan3A_73 = arith.constant 530702036 : i32
    %scan3A_74 = arith.constant 0 : i32
    %scan3A_75 = arith.constant 8 : i32
    %scan3A_76 = arith.addi %scan3A_74, %scan3A_75 : i32
    %scan3A_77 = arith.constant 1 : i32
    scf.for %scan3A_1335 = %scan3A_74 to %scan3A_76 step %scan3A_77  : i32 {
      %mul3A_1336 = arith.constant 1 : i32
      %mul3A_1337 = arith.muli %scan3A_1335, %mul3A_1336 : i32
      %add3A_1338 = arith.constant 0 : i32
      %add3A_1339 = arith.addi %add3A_1338, %mul3A_1337 : i32
      %mul3A_1340 = arith.constant 16 : i32
      %mul3A_1341 = arith.muli %add3A_1339, %mul3A_1340 : i32
      %add3A_1342 = arith.constant 144 : i32
      %add3A_1343 = arith.addi %add3A_1342, %mul3A_1341 : i32
      %get3A = arith.index_cast %add3A_1343 : i32 to index
      %get3A_1344 = tpu.vector_load %arg5[%get3A] {strides = array<i32>} : memref<272xi32, #tpu.memory_space<vmem>>, vector<16xi32>,
      %get3A_1345 = vector.shape_cast %get3A_1344 : vector<16xi32> to vector<16xi32>
      %sub3A = arith.constant 1 : i32
      %sub3A_1346 = arith.subi %add3A_1343, %sub3A : i32
      %get3A_1347 = arith.index_cast %sub3A_1346 : i32 to index
      %get3A_1348 = tpu.vector_load %arg5[%get3A_1347] {strides = array<i32>} : memref<272xi32, #tpu.memory_space<vmem>>, vector<16xi32>,
      %get3A_1349 = vector.shape_cast %get3A_1348 : vector<16xi32> to vector<16xi32>
      %mul3A_1350 = vector.broadcast %scan3A_72 : i32 to vector<16xi32>
      %mul3A_1351 = arith.muli %get3A_1345, %mul3A_1350 : vector<16xi32>
      %mul3A_1352 = vector.broadcast %scan3A_73 : i32 to vector<16xi32>
      %mul3A_1353 = arith.muli %get3A_1349, %mul3A_1352 : vector<16xi32>
      %add3A_1354 = arith.addi %mul3A_1351, %mul3A_1353 : vector<16xi32>
      %bitcast3A = vector.bitcast %add3A_1354 : vector<16xi32> to vector<16xi32>
      %jit3A = arith.constant 100000 : i32
      %eq3A_1355 = arith.constant 0 : i32
      %eq3A_1356 = arith.cmpi eq, %jit3A, %eq3A_1355 : i32
      %jit3A_1357 = arith.constant 1 : i32
      %select_n3A = arith.select %eq3A_1356, %jit3A_1357, %jit3A : i32
      %rem3A_1358 = vector.broadcast %select_n3A : i32 to vector<16xi32>
      %rem3A_1359 = arith.remui %bitcast3A, %rem3A_1358 : vector<16xi32>
      %ne3A = arith.constant 0 : i32
      %ne3A_1360 = vector.broadcast %ne3A : i32 to vector<16xi32>
      %ne3A_1361 = arith.cmpi ne, %rem3A_1359, %ne3A_1360 : vector<16xi32>
      %lt3A = arith.constant 0 : i32
      %lt3A_1362 = vector.broadcast %lt3A : i32 to vector<16xi32>
      %lt3A_1363 = arith.cmpi ult, %rem3A_1359, %lt3A_1362 : vector<16xi32>
      %lt3A_1364 = arith.constant 0 : i32
      %lt3A_1365 = arith.cmpi ult, %select_n3A, %lt3A_1364 : i32
      %ne3A_1366 = vector.broadcast %lt3A_1365 : i1 to vector<16xi1>
      %ne3A_1367 = vector.broadcast %ne3A_1366 : vector<16xi1> to vector<16xi1>
      %ne3A_1368 = arith.xori %lt3A_1363, %ne3A_1367 : vector<16xi1>
      %and3A = arith.andi %ne3A_1368, %ne3A_1361 : vector<16xi1>
      %add3A_1369 = vector.broadcast %select_n3A : i32 to vector<16xi32>
      %add3A_1370 = arith.addi %rem3A_1359, %add3A_1369 : vector<16xi32>
      %select_n3A_1371 = arith.select %and3A, %add3A_1370, %rem3A_1359 : vector<16xi1>, vector<16xi32>
      %bitcast3A_1372 = vector.bitcast %select_n3A_1371 : vector<16xi32> to vector<16xi32>
      %mul3A_1373 = arith.constant 16 : i32
      %mul3A_1374 = arith.muli %add3A_1339, %mul3A_1373 : i32
      %swap3A = arith.constant 9 : i32
      %swap3A_1375 = arith.index_cast %swap3A : i32 to index
      %swap3A_1376 = arith.index_cast %mul3A_1374 : i32 to index
      %swap3A_1377 = tpu.vector_load %arg6[%swap3A_1375, %swap3A_1376] {strides = array<i32>} : memref<32x128xi32, #tpu.memory_space<vmem>>, vector<1x16xi32>,
      %swap3A_1378 = vector.shape_cast %swap3A_1377 : vector<1x16xi32> to vector<16xi32>
      %swap3A_1379 = vector.shape_cast %bitcast3A_1372 : vector<16xi32> to vector<1x16xi32>
      tpu.vector_store %arg6[%swap3A_1375, %swap3A_1376], %swap3A_1379 {strides = array<i32>} : memref<32x128xi32, #tpu.memory_space<vmem>>, vector<1x16xi32>,
    }
    %scan3A_78 = arith.constant 8 : i32
    %scan3A_79 = arith.constant -1919818558 : i32
    %scan3A_80 = arith.constant 1650906867 : i32
    %scan3A_81 = arith.constant 0 : i32
    %scan3A_82 = arith.constant 8 : i32
    %scan3A_83 = arith.addi %scan3A_81, %scan3A_82 : i32
    %scan3A_84 = arith.constant 1 : i32
    scf.for %scan3A_1335 = %scan3A_81 to %scan3A_83 step %scan3A_84  : i32 {
      %mul3A_1336 = arith.constant 1 : i32
      %mul3A_1337 = arith.muli %scan3A_1335, %mul3A_1336 : i32
      %add3A_1338 = arith.constant 0 : i32
      %add3A_1339 = arith.addi %add3A_1338, %mul3A_1337 : i32
      %mul3A_1340 = arith.constant 16 : i32
      %mul3A_1341 = arith.muli %add3A_1339, %mul3A_1340 : i32
      %add3A_1342 = arith.constant 16 : i32
      %add3A_1343 = arith.addi %add3A_1342, %mul3A_1341 : i32
      %get3A = arith.index_cast %add3A_1343 : i32 to index
      %get3A_1344 = tpu.vector_load %arg5[%get3A] {strides = array<i32>} : memref<272xi32, #tpu.memory_space<vmem>>, vector<16xi32>,
      %get3A_1345 = vector.shape_cast %get3A_1344 : vector<16xi32> to vector<16xi32>
      %sub3A = arith.constant 1 : i32
      %sub3A_1346 = arith.subi %add3A_1343, %sub3A : i32
      %get3A_1347 = arith.index_cast %sub3A_1346 : i32 to index
      %get3A_1348 = tpu.vector_load %arg5[%get3A_1347] {strides = array<i32>} : memref<272xi32, #tpu.memory_space<vmem>>, vector<16xi32>,
      %get3A_1349 = vector.shape_cast %get3A_1348 : vector<16xi32> to vector<16xi32>
      %mul3A_1350 = vector.broadcast %scan3A_79 : i32 to vector<16xi32>
      %mul3A_1351 = arith.muli %get3A_1345, %mul3A_1350 : vector<16xi32>
      %mul3A_1352 = vector.broadcast %scan3A_80 : i32 to vector<16xi32>
      %mul3A_1353 = arith.muli %get3A_1349, %mul3A_1352 : vector<16xi32>
      %add3A_1354 = arith.addi %mul3A_1351, %mul3A_1353 : vector<16xi32>
      %bitcast3A = vector.bitcast %add3A_1354 : vector<16xi32> to vector<16xi32>
      %jit3A = arith.constant 100000 : i32
      %eq3A_1355 = arith.constant 0 : i32
      %eq3A_1356 = arith.cmpi eq, %jit3A, %eq3A_1355 : i32
      %jit3A_1357 = arith.constant 1 : i32
      %select_n3A = arith.select %eq3A_1356, %jit3A_1357, %jit3A : i32
      %rem3A_1358 = vector.broadcast %select_n3A : i32 to vector<16xi32>
      %rem3A_1359 = arith.remui %bitcast3A, %rem3A_1358 : vector<16xi32>
      %ne3A = arith.constant 0 : i32
      %ne3A_1360 = vector.broadcast %ne3A : i32 to vector<16xi32>
      %ne3A_1361 = arith.cmpi ne, %rem3A_1359, %ne3A_1360 : vector<16xi32>
      %lt3A = arith.constant 0 : i32
      %lt3A_1362 = vector.broadcast %lt3A : i32 to vector<16xi32>
      %lt3A_1363 = arith.cmpi ult, %rem3A_1359, %lt3A_1362 : vector<16xi32>
      %lt3A_1364 = arith.constant 0 : i32
      %lt3A_1365 = arith.cmpi ult, %select_n3A, %lt3A_1364 : i32
      %ne3A_1366 = vector.broadcast %lt3A_1365 : i1 to vector<16xi1>
      %ne3A_1367 = vector.broadcast %ne3A_1366 : vector<16xi1> to vector<16xi1>
      %ne3A_1368 = arith.xori %lt3A_1363, %ne3A_1367 : vector<16xi1>
      %and3A = arith.andi %ne3A_1368, %ne3A_1361 : vector<16xi1>
      %add3A_1369 = vector.broadcast %select_n3A : i32 to vector<16xi32>
      %add3A_1370 = arith.addi %rem3A_1359, %add3A_1369 : vector<16xi32>
      %select_n3A_1371 = arith.select %and3A, %add3A_1370, %rem3A_1359 : vector<16xi1>, vector<16xi32>
      %bitcast3A_1372 = vector.bitcast %select_n3A_1371 : vector<16xi32> to vector<16xi32>
      %mul3A_1373 = arith.constant 16 : i32
      %mul3A_1374 = arith.muli %add3A_1339, %mul3A_1373 : i32
      %swap3A = arith.constant 10 : i32
      %swap3A_1375 = arith.index_cast %swap3A : i32 to index
      %swap3A_1376 = arith.index_cast %mul3A_1374 : i32 to index
      %swap3A_1377 = tpu.vector_load %arg6[%swap3A_1375, %swap3A_1376] {strides = array<i32>} : memref<32x128xi32, #tpu.memory_space<vmem>>, vector<1x16xi32>,
      %swap3A_1378 = vector.shape_cast %swap3A_1377 : vector<1x16xi32> to vector<16xi32>
      %swap3A_1379 = vector.shape_cast %bitcast3A_1372 : vector<16xi32> to vector<1x16xi32>
      tpu.vector_store %arg6[%swap3A_1375, %swap3A_1376], %swap3A_1379 {strides = array<i32>} : memref<32x128xi32, #tpu.memory_space<vmem>>, vector<1x16xi32>,
    }
    %scan3A_85 = arith.constant 8 : i32
    %scan3A_86 = arith.constant -1919818558 : i32
    %scan3A_87 = arith.constant 1650906867 : i32
    %scan3A_88 = arith.constant 0 : i32
    %scan3A_89 = arith.constant 8 : i32
    %scan3A_90 = arith.addi %scan3A_88, %scan3A_89 : i32
    %scan3A_91 = arith.constant 1 : i32
    scf.for %scan3A_1335 = %scan3A_88 to %scan3A_90 step %scan3A_91  : i32 {
      %mul3A_1336 = arith.constant 1 : i32
      %mul3A_1337 = arith.muli %scan3A_1335, %mul3A_1336 : i32
      %add3A_1338 = arith.constant 0 : i32
      %add3A_1339 = arith.addi %add3A_1338, %mul3A_1337 : i32
      %mul3A_1340 = arith.constant 16 : i32
      %mul3A_1341 = arith.muli %add3A_1339, %mul3A_1340 : i32
      %add3A_1342 = arith.constant 144 : i32
      %add3A_1343 = arith.addi %add3A_1342, %mul3A_1341 : i32
      %get3A = arith.index_cast %add3A_1343 : i32 to index
      %get3A_1344 = tpu.vector_load %arg5[%get3A] {strides = array<i32>} : memref<272xi32, #tpu.memory_space<vmem>>, vector<16xi32>,
      %get3A_1345 = vector.shape_cast %get3A_1344 : vector<16xi32> to vector<16xi32>
      %sub3A = arith.constant 1 : i32
      %sub3A_1346 = arith.subi %add3A_1343, %sub3A : i32
      %get3A_1347 = arith.index_cast %sub3A_1346 : i32 to index
      %get3A_1348 = tpu.vector_load %arg5[%get3A_1347] {strides = array<i32>} : memref<272xi32, #tpu.memory_space<vmem>>, vector<16xi32>,
      %get3A_1349 = vector.shape_cast %get3A_1348 : vector<16xi32> to vector<16xi32>
      %mul3A_1350 = vector.broadcast %scan3A_86 : i32 to vector<16xi32>
      %mul3A_1351 = arith.muli %get3A_1345, %mul3A_1350 : vector<16xi32>
      %mul3A_1352 = vector.broadcast %scan3A_87 : i32 to vector<16xi32>
      %mul3A_1353 = arith.muli %get3A_1349, %mul3A_1352 : vector<16xi32>
      %add3A_1354 = arith.addi %mul3A_1351, %mul3A_1353 : vector<16xi32>
      %bitcast3A = vector.bitcast %add3A_1354 : vector<16xi32> to vector<16xi32>
      %jit3A = arith.constant 100000 : i32
      %eq3A_1355 = arith.constant 0 : i32
      %eq3A_1356 = arith.cmpi eq, %jit3A, %eq3A_1355 : i32
      %jit3A_1357 = arith.constant 1 : i32
      %select_n3A = arith.select %eq3A_1356, %jit3A_1357, %jit3A : i32
      %rem3A_1358 = vector.broadcast %select_n3A : i32 to vector<16xi32>
      %rem3A_1359 = arith.remui %bitcast3A, %rem3A_1358 : vector<16xi32>
      %ne3A = arith.constant 0 : i32
      %ne3A_1360 = vector.broadcast %ne3A : i32 to vector<16xi32>
      %ne3A_1361 = arith.cmpi ne, %rem3A_1359, %ne3A_1360 : vector<16xi32>
      %lt3A = arith.constant 0 : i32
      %lt3A_1362 = vector.broadcast %lt3A : i32 to vector<16xi32>
      %lt3A_1363 = arith.cmpi ult, %rem3A_1359, %lt3A_1362 : vector<16xi32>
      %lt3A_1364 = arith.constant 0 : i32
      %lt3A_1365 = arith.cmpi ult, %select_n3A, %lt3A_1364 : i32
      %ne3A_1366 = vector.broadcast %lt3A_1365 : i1 to vector<16xi1>
      %ne3A_1367 = vector.broadcast %ne3A_1366 : vector<16xi1> to vector<16xi1>
      %ne3A_1368 = arith.xori %lt3A_1363, %ne3A_1367 : vector<16xi1>
      %and3A = arith.andi %ne3A_1368, %ne3A_1361 : vector<16xi1>
      %add3A_1369 = vector.broadcast %select_n3A : i32 to vector<16xi32>
      %add3A_1370 = arith.addi %rem3A_1359, %add3A_1369 : vector<16xi32>
      %select_n3A_1371 = arith.select %and3A, %add3A_1370, %rem3A_1359 : vector<16xi1>, vector<16xi32>
      %bitcast3A_1372 = vector.bitcast %select_n3A_1371 : vector<16xi32> to vector<16xi32>
      %mul3A_1373 = arith.constant 16 : i32
      %mul3A_1374 = arith.muli %add3A_1339, %mul3A_1373 : i32
      %swap3A = arith.constant 11 : i32
      %swap3A_1375 = arith.index_cast %swap3A : i32 to index
      %swap3A_1376 = arith.index_cast %mul3A_1374 : i32 to index
      %swap3A_1377 = tpu.vector_load %arg6[%swap3A_1375, %swap3A_1376] {strides = array<i32>} : memref<32x128xi32, #tpu.memory_space<vmem>>, vector<1x16xi32>,
      %swap3A_1378 = vector.shape_cast %swap3A_1377 : vector<1x16xi32> to vector<16xi32>
      %swap3A_1379 = vector.shape_cast %bitcast3A_1372 : vector<16xi32> to vector<1x16xi32>
      tpu.vector_store %arg6[%swap3A_1375, %swap3A_1376], %swap3A_1379 {strides = array<i32>} : memref<32x128xi32, #tpu.memory_space<vmem>>, vector<1x16xi32>,
    }
    %scan3A_92 = arith.constant 8 : i32
    %scan3A_93 = arith.constant -2048821073 : i32
    %scan3A_94 = arith.constant 1277901400 : i32
    %scan3A_95 = arith.constant 0 : i32
    %scan3A_96 = arith.constant 8 : i32
    %scan3A_97 = arith.addi %scan3A_95, %scan3A_96 : i32
    %scan3A_98 = arith.constant 1 : i32
    scf.for %scan3A_1335 = %scan3A_95 to %scan3A_97 step %scan3A_98  : i32 {
      %mul3A_1336 = arith.constant 1 : i32
      %mul3A_1337 = arith.muli %scan3A_1335, %mul3A_1336 : i32
      %add3A_1338 = arith.constant 0 : i32
      %add3A_1339 = arith.addi %add3A_1338, %mul3A_1337 : i32
      %mul3A_1340 = arith.constant 16 : i32
      %mul3A_1341 = arith.muli %add3A_1339, %mul3A_1340 : i32
      %add3A_1342 = arith.constant 16 : i32
      %add3A_1343 = arith.addi %add3A_1342, %mul3A_1341 : i32
      %get3A = arith.index_cast %add3A_1343 : i32 to index
      %get3A_1344 = tpu.vector_load %arg5[%get3A] {strides = array<i32>} : memref<272xi32, #tpu.memory_space<vmem>>, vector<16xi32>,
      %get3A_1345 = vector.shape_cast %get3A_1344 : vector<16xi32> to vector<16xi32>
      %sub3A = arith.constant 1 : i32
      %sub3A_1346 = arith.subi %add3A_1343, %sub3A : i32
      %get3A_1347 = arith.index_cast %sub3A_1346 : i32 to index
      %get3A_1348 = tpu.vector_load %arg5[%get3A_1347] {strides = array<i32>} : memref<272xi32, #tpu.memory_space<vmem>>, vector<16xi32>,
      %get3A_1349 = vector.shape_cast %get3A_1348 : vector<16xi32> to vector<16xi32>
      %mul3A_1350 = vector.broadcast %scan3A_93 : i32 to vector<16xi32>
      %mul3A_1351 = arith.muli %get3A_1345, %mul3A_1350 : vector<16xi32>
      %mul3A_1352 = vector.broadcast %scan3A_94 : i32 to vector<16xi32>
      %mul3A_1353 = arith.muli %get3A_1349, %mul3A_1352 : vector<16xi32>
      %add3A_1354 = arith.addi %mul3A_1351, %mul3A_1353 : vector<16xi32>
      %bitcast3A = vector.bitcast %add3A_1354 : vector<16xi32> to vector<16xi32>
      %jit3A = arith.constant 100000 : i32
      %eq3A_1355 = arith.constant 0 : i32
      %eq3A_1356 = arith.cmpi eq, %jit3A, %eq3A_1355 : i32
      %jit3A_1357 = arith.constant 1 : i32
      %select_n3A = arith.select %eq3A_1356, %jit3A_1357, %jit3A : i32
      %rem3A_1358 = vector.broadcast %select_n3A : i32 to vector<16xi32>
      %rem3A_1359 = arith.remui %bitcast3A, %rem3A_1358 : vector<16xi32>
      %ne3A = arith.constant 0 : i32
      %ne3A_1360 = vector.broadcast %ne3A : i32 to vector<16xi32>
      %ne3A_1361 = arith.cmpi ne, %rem3A_1359, %ne3A_1360 : vector<16xi32>
      %lt3A = arith.constant 0 : i32
      %lt3A_1362 = vector.broadcast %lt3A : i32 to vector<16xi32>
      %lt3A_1363 = arith.cmpi ult, %rem3A_1359, %lt3A_1362 : vector<16xi32>
      %lt3A_1364 = arith.constant 0 : i32
      %lt3A_1365 = arith.cmpi ult, %select_n3A, %lt3A_1364 : i32
      %ne3A_1366 = vector.broadcast %lt3A_1365 : i1 to vector<16xi1>
      %ne3A_1367 = vector.broadcast %ne3A_1366 : vector<16xi1> to vector<16xi1>
      %ne3A_1368 = arith.xori %lt3A_1363, %ne3A_1367 : vector<16xi1>
      %and3A = arith.andi %ne3A_1368, %ne3A_1361 : vector<16xi1>
      %add3A_1369 = vector.broadcast %select_n3A : i32 to vector<16xi32>
      %add3A_1370 = arith.addi %rem3A_1359, %add3A_1369 : vector<16xi32>
      %select_n3A_1371 = arith.select %and3A, %add3A_1370, %rem3A_1359 : vector<16xi1>, vector<16xi32>
      %bitcast3A_1372 = vector.bitcast %select_n3A_1371 : vector<16xi32> to vector<16xi32>
      %mul3A_1373 = arith.constant 16 : i32
      %mul3A_1374 = arith.muli %add3A_1339, %mul3A_1373 : i32
      %swap3A = arith.constant 12 : i32
      %swap3A_1375 = arith.index_cast %swap3A : i32 to index
      %swap3A_1376 = arith.index_cast %mul3A_1374 : i32 to index
      %swap3A_1377 = tpu.vector_load %arg6[%swap3A_1375, %swap3A_1376] {strides = array<i32>} : memref<32x128xi32, #tpu.memory_space<vmem>>, vector<1x16xi32>,
      %swap3A_1378 = vector.shape_cast %swap3A_1377 : vector<1x16xi32> to vector<16xi32>
      %swap3A_1379 = vector.shape_cast %bitcast3A_1372 : vector<16xi32> to vector<1x16xi32>
      tpu.vector_store %arg6[%swap3A_1375, %swap3A_1376], %swap3A_1379 {strides = array<i32>} : memref<32x128xi32, #tpu.memory_space<vmem>>, vector<1x16xi32>,
    }
    %scan3A_99 = arith.constant 8 : i32
    %scan3A_100 = arith.constant -2048821073 : i32
    %scan3A_101 = arith.constant 1277901400 : i32
    %scan3A_102 = arith.constant 0 : i32
    %scan3A_103 = arith.constant 8 : i32
    %scan3A_104 = arith.addi %scan3A_102, %scan3A_103 : i32
    %scan3A_105 = arith.constant 1 : i32
    scf.for %scan3A_1335 = %scan3A_102 to %scan3A_104 step %scan3A_105  : i32 {
      %mul3A_1336 = arith.constant 1 : i32
      %mul3A_1337 = arith.muli %scan3A_1335, %mul3A_1336 : i32
      %add3A_1338 = arith.constant 0 : i32
      %add3A_1339 = arith.addi %add3A_1338, %mul3A_1337 : i32
      %mul3A_1340 = arith.constant 16 : i32
      %mul3A_1341 = arith.muli %add3A_1339, %mul3A_1340 : i32
      %add3A_1342 = arith.constant 144 : i32
      %add3A_1343 = arith.addi %add3A_1342, %mul3A_1341 : i32
      %get3A = arith.index_cast %add3A_1343 : i32 to index
      %get3A_1344 = tpu.vector_load %arg5[%get3A] {strides = array<i32>} : memref<272xi32, #tpu.memory_space<vmem>>, vector<16xi32>,
      %get3A_1345 = vector.shape_cast %get3A_1344 : vector<16xi32> to vector<16xi32>
      %sub3A = arith.constant 1 : i32
      %sub3A_1346 = arith.subi %add3A_1343, %sub3A : i32
      %get3A_1347 = arith.index_cast %sub3A_1346 : i32 to index
      %get3A_1348 = tpu.vector_load %arg5[%get3A_1347] {strides = array<i32>} : memref<272xi32, #tpu.memory_space<vmem>>, vector<16xi32>,
      %get3A_1349 = vector.shape_cast %get3A_1348 : vector<16xi32> to vector<16xi32>
      %mul3A_1350 = vector.broadcast %scan3A_100 : i32 to vector<16xi32>
      %mul3A_1351 = arith.muli %get3A_1345, %mul3A_1350 : vector<16xi32>
      %mul3A_1352 = vector.broadcast %scan3A_101 : i32 to vector<16xi32>
      %mul3A_1353 = arith.muli %get3A_1349, %mul3A_1352 : vector<16xi32>
      %add3A_1354 = arith.addi %mul3A_1351, %mul3A_1353 : vector<16xi32>
      %bitcast3A = vector.bitcast %add3A_1354 : vector<16xi32> to vector<16xi32>
      %jit3A = arith.constant 100000 : i32
      %eq3A_1355 = arith.constant 0 : i32
      %eq3A_1356 = arith.cmpi eq, %jit3A, %eq3A_1355 : i32
      %jit3A_1357 = arith.constant 1 : i32
      %select_n3A = arith.select %eq3A_1356, %jit3A_1357, %jit3A : i32
      %rem3A_1358 = vector.broadcast %select_n3A : i32 to vector<16xi32>
      %rem3A_1359 = arith.remui %bitcast3A, %rem3A_1358 : vector<16xi32>
      %ne3A = arith.constant 0 : i32
      %ne3A_1360 = vector.broadcast %ne3A : i32 to vector<16xi32>
      %ne3A_1361 = arith.cmpi ne, %rem3A_1359, %ne3A_1360 : vector<16xi32>
      %lt3A = arith.constant 0 : i32
      %lt3A_1362 = vector.broadcast %lt3A : i32 to vector<16xi32>
      %lt3A_1363 = arith.cmpi ult, %rem3A_1359, %lt3A_1362 : vector<16xi32>
      %lt3A_1364 = arith.constant 0 : i32
      %lt3A_1365 = arith.cmpi ult, %select_n3A, %lt3A_1364 : i32
      %ne3A_1366 = vector.broadcast %lt3A_1365 : i1 to vector<16xi1>
      %ne3A_1367 = vector.broadcast %ne3A_1366 : vector<16xi1> to vector<16xi1>
      %ne3A_1368 = arith.xori %lt3A_1363, %ne3A_1367 : vector<16xi1>
      %and3A = arith.andi %ne3A_1368, %ne3A_1361 : vector<16xi1>
      %add3A_1369 = vector.broadcast %select_n3A : i32 to vector<16xi32>
      %add3A_1370 = arith.addi %rem3A_1359, %add3A_1369 : vector<16xi32>
      %select_n3A_1371 = arith.select %and3A, %add3A_1370, %rem3A_1359 : vector<16xi1>, vector<16xi32>
      %bitcast3A_1372 = vector.bitcast %select_n3A_1371 : vector<16xi32> to vector<16xi32>
      %mul3A_1373 = arith.constant 16 : i32
      %mul3A_1374 = arith.muli %add3A_1339, %mul3A_1373 : i32
      %swap3A = arith.constant 13 : i32
      %swap3A_1375 = arith.index_cast %swap3A : i32 to index
      %swap3A_1376 = arith.index_cast %mul3A_1374 : i32 to index
      %swap3A_1377 = tpu.vector_load %arg6[%swap3A_1375, %swap3A_1376] {strides = array<i32>} : memref<32x128xi32, #tpu.memory_space<vmem>>, vector<1x16xi32>,
      %swap3A_1378 = vector.shape_cast %swap3A_1377 : vector<1x16xi32> to vector<16xi32>
      %swap3A_1379 = vector.shape_cast %bitcast3A_1372 : vector<16xi32> to vector<1x16xi32>
      tpu.vector_store %arg6[%swap3A_1375, %swap3A_1376], %swap3A_1379 {strides = array<i32>} : memref<32x128xi32, #tpu.memory_space<vmem>>, vector<1x16xi32>,
    }
    %scan3A_106 = arith.constant 8 : i32
    %scan3A_107 = arith.constant 761533589 : i32
    %scan3A_108 = arith.constant 243580377 : i32
    %scan3A_109 = arith.constant 0 : i32
    %scan3A_110 = arith.constant 8 : i32
    %scan3A_111 = arith.addi %scan3A_109, %scan3A_110 : i32
    %scan3A_112 = arith.constant 1 : i32
    scf.for %scan3A_1335 = %scan3A_109 to %scan3A_111 step %scan3A_112  : i32 {
      %mul3A_1336 = arith.constant 1 : i32
      %mul3A_1337 = arith.muli %scan3A_1335, %mul3A_1336 : i32
      %add3A_1338 = arith.constant 0 : i32
      %add3A_1339 = arith.addi %add3A_1338, %mul3A_1337 : i32
      %mul3A_1340 = arith.constant 16 : i32
      %mul3A_1341 = arith.muli %add3A_1339, %mul3A_1340 : i32
      %add3A_1342 = arith.constant 16 : i32
      %add3A_1343 = arith.addi %add3A_1342, %mul3A_1341 : i32
      %get3A = arith.index_cast %add3A_1343 : i32 to index
      %get3A_1344 = tpu.vector_load %arg5[%get3A] {strides = array<i32>} : memref<272xi32, #tpu.memory_space<vmem>>, vector<16xi32>,
      %get3A_1345 = vector.shape_cast %get3A_1344 : vector<16xi32> to vector<16xi32>
      %sub3A = arith.constant 1 : i32
      %sub3A_1346 = arith.subi %add3A_1343, %sub3A : i32
      %get3A_1347 = arith.index_cast %sub3A_1346 : i32 to index
      %get3A_1348 = tpu.vector_load %arg5[%get3A_1347] {strides = array<i32>} : memref<272xi32, #tpu.memory_space<vmem>>, vector<16xi32>,
      %get3A_1349 = vector.shape_cast %get3A_1348 : vector<16xi32> to vector<16xi32>
      %mul3A_1350 = vector.broadcast %scan3A_107 : i32 to vector<16xi32>
      %mul3A_1351 = arith.muli %get3A_1345, %mul3A_1350 : vector<16xi32>
      %mul3A_1352 = vector.broadcast %scan3A_108 : i32 to vector<16xi32>
      %mul3A_1353 = arith.muli %get3A_1349, %mul3A_1352 : vector<16xi32>
      %add3A_1354 = arith.addi %mul3A_1351, %mul3A_1353 : vector<16xi32>
      %bitcast3A = vector.bitcast %add3A_1354 : vector<16xi32> to vector<16xi32>
      %jit3A = arith.constant 100000 : i32
      %eq3A_1355 = arith.constant 0 : i32
      %eq3A_1356 = arith.cmpi eq, %jit3A, %eq3A_1355 : i32
      %jit3A_1357 = arith.constant 1 : i32
      %select_n3A = arith.select %eq3A_1356, %jit3A_1357, %jit3A : i32
      %rem3A_1358 = vector.broadcast %select_n3A : i32 to vector<16xi32>
      %rem3A_1359 = arith.remui %bitcast3A, %rem3A_1358 : vector<16xi32>
      %ne3A = arith.constant 0 : i32
      %ne3A_1360 = vector.broadcast %ne3A : i32 to vector<16xi32>
      %ne3A_1361 = arith.cmpi ne, %rem3A_1359, %ne3A_1360 : vector<16xi32>
      %lt3A = arith.constant 0 : i32
      %lt3A_1362 = vector.broadcast %lt3A : i32 to vector<16xi32>
      %lt3A_1363 = arith.cmpi ult, %rem3A_1359, %lt3A_1362 : vector<16xi32>
      %lt3A_1364 = arith.constant 0 : i32
      %lt3A_1365 = arith.cmpi ult, %select_n3A, %lt3A_1364 : i32
      %ne3A_1366 = vector.broadcast %lt3A_1365 : i1 to vector<16xi1>
      %ne3A_1367 = vector.broadcast %ne3A_1366 : vector<16xi1> to vector<16xi1>
      %ne3A_1368 = arith.xori %lt3A_1363, %ne3A_1367 : vector<16xi1>
      %and3A = arith.andi %ne3A_1368, %ne3A_1361 : vector<16xi1>
      %add3A_1369 = vector.broadcast %select_n3A : i32 to vector<16xi32>
      %add3A_1370 = arith.addi %rem3A_1359, %add3A_1369 : vector<16xi32>
      %select_n3A_1371 = arith.select %and3A, %add3A_1370, %rem3A_1359 : vector<16xi1>, vector<16xi32>
      %bitcast3A_1372 = vector.bitcast %select_n3A_1371 : vector<16xi32> to vector<16xi32>
      %mul3A_1373 = arith.constant 16 : i32
      %mul3A_1374 = arith.muli %add3A_1339, %mul3A_1373 : i32
      %swap3A = arith.constant 14 : i32
      %swap3A_1375 = arith.index_cast %swap3A : i32 to index
      %swap3A_1376 = arith.index_cast %mul3A_1374 : i32 to index
      %swap3A_1377 = tpu.vector_load %arg6[%swap3A_1375, %swap3A_1376] {strides = array<i32>} : memref<32x128xi32, #tpu.memory_space<vmem>>, vector<1x16xi32>,
      %swap3A_1378 = vector.shape_cast %swap3A_1377 : vector<1x16xi32> to vector<16xi32>
      %swap3A_1379 = vector.shape_cast %bitcast3A_1372 : vector<16xi32> to vector<1x16xi32>
      tpu.vector_store %arg6[%swap3A_1375, %swap3A_1376], %swap3A_1379 {strides = array<i32>} : memref<32x128xi32, #tpu.memory_space<vmem>>, vector<1x16xi32>,
    }
    %scan3A_113 = arith.constant 8 : i32
    %scan3A_114 = arith.constant 761533589 : i32
    %scan3A_115 = arith.constant 243580377 : i32
    %scan3A_116 = arith.constant 0 : i32
    %scan3A_117 = arith.constant 8 : i32
    %scan3A_118 = arith.addi %scan3A_116, %scan3A_117 : i32
    %scan3A_119 = arith.constant 1 : i32
    scf.for %scan3A_1335 = %scan3A_116 to %scan3A_118 step %scan3A_119  : i32 {
      %mul3A_1336 = arith.constant 1 : i32
      %mul3A_1337 = arith.muli %scan3A_1335, %mul3A_1336 : i32
      %add3A_1338 = arith.constant 0 : i32
      %add3A_1339 = arith.addi %add3A_1338, %mul3A_1337 : i32
      %mul3A_1340 = arith.constant 16 : i32
      %mul3A_1341 = arith.muli %add3A_1339, %mul3A_1340 : i32
      %add3A_1342 = arith.constant 144 : i32
      %add3A_1343 = arith.addi %add3A_1342, %mul3A_1341 : i32
      %get3A = arith.index_cast %add3A_1343 : i32 to index
      %get3A_1344 = tpu.vector_load %arg5[%get3A] {strides = array<i32>} : memref<272xi32, #tpu.memory_space<vmem>>, vector<16xi32>,
      %get3A_1345 = vector.shape_cast %get3A_1344 : vector<16xi32> to vector<16xi32>
      %sub3A = arith.constant 1 : i32
      %sub3A_1346 = arith.subi %add3A_1343, %sub3A : i32
      %get3A_1347 = arith.index_cast %sub3A_1346 : i32 to index
      %get3A_1348 = tpu.vector_load %arg5[%get3A_1347] {strides = array<i32>} : memref<272xi32, #tpu.memory_space<vmem>>, vector<16xi32>,
      %get3A_1349 = vector.shape_cast %get3A_1348 : vector<16xi32> to vector<16xi32>
      %mul3A_1350 = vector.broadcast %scan3A_114 : i32 to vector<16xi32>
      %mul3A_1351 = arith.muli %get3A_1345, %mul3A_1350 : vector<16xi32>
      %mul3A_1352 = vector.broadcast %scan3A_115 : i32 to vector<16xi32>
      %mul3A_1353 = arith.muli %get3A_1349, %mul3A_1352 : vector<16xi32>
      %add3A_1354 = arith.addi %mul3A_1351, %mul3A_1353 : vector<16xi32>
      %bitcast3A = vector.bitcast %add3A_1354 : vector<16xi32> to vector<16xi32>
      %jit3A = arith.constant 100000 : i32
      %eq3A_1355 = arith.constant 0 : i32
      %eq3A_1356 = arith.cmpi eq, %jit3A, %eq3A_1355 : i32
      %jit3A_1357 = arith.constant 1 : i32
      %select_n3A = arith.select %eq3A_1356, %jit3A_1357, %jit3A : i32
      %rem3A_1358 = vector.broadcast %select_n3A : i32 to vector<16xi32>
      %rem3A_1359 = arith.remui %bitcast3A, %rem3A_1358 : vector<16xi32>
      %ne3A = arith.constant 0 : i32
      %ne3A_1360 = vector.broadcast %ne3A : i32 to vector<16xi32>
      %ne3A_1361 = arith.cmpi ne, %rem3A_1359, %ne3A_1360 : vector<16xi32>
      %lt3A = arith.constant 0 : i32
      %lt3A_1362 = vector.broadcast %lt3A : i32 to vector<16xi32>
      %lt3A_1363 = arith.cmpi ult, %rem3A_1359, %lt3A_1362 : vector<16xi32>
      %lt3A_1364 = arith.constant 0 : i32
      %lt3A_1365 = arith.cmpi ult, %select_n3A, %lt3A_1364 : i32
      %ne3A_1366 = vector.broadcast %lt3A_1365 : i1 to vector<16xi1>
      %ne3A_1367 = vector.broadcast %ne3A_1366 : vector<16xi1> to vector<16xi1>
      %ne3A_1368 = arith.xori %lt3A_1363, %ne3A_1367 : vector<16xi1>
      %and3A = arith.andi %ne3A_1368, %ne3A_1361 : vector<16xi1>
      %add3A_1369 = vector.broadcast %select_n3A : i32 to vector<16xi32>
      %add3A_1370 = arith.addi %rem3A_1359, %add3A_1369 : vector<16xi32>
      %select_n3A_1371 = arith.select %and3A, %add3A_1370, %rem3A_1359 : vector<16xi1>, vector<16xi32>
      %bitcast3A_1372 = vector.bitcast %select_n3A_1371 : vector<16xi32> to vector<16xi32>
      %mul3A_1373 = arith.constant 16 : i32
      %mul3A_1374 = arith.muli %add3A_1339, %mul3A_1373 : i32
      %swap3A = arith.constant 15 : i32
      %swap3A_1375 = arith.index_cast %swap3A : i32 to index
      %swap3A_1376 = arith.index_cast %mul3A_1374 : i32 to index
      %swap3A_1377 = tpu.vector_load %arg6[%swap3A_1375, %swap3A_1376] {strides = array<i32>} : memref<32x128xi32, #tpu.memory_space<vmem>>, vector<1x16xi32>,
      %swap3A_1378 = vector.shape_cast %swap3A_1377 : vector<1x16xi32> to vector<16xi32>
      %swap3A_1379 = vector.shape_cast %bitcast3A_1372 : vector<16xi32> to vector<1x16xi32>
      tpu.vector_store %arg6[%swap3A_1375, %swap3A_1376], %swap3A_1379 {strides = array<i32>} : memref<32x128xi32, #tpu.memory_space<vmem>>, vector<1x16xi32>,
    }
    %scan3A_120 = arith.constant 8 : i32
    %scan3A_121 = arith.constant 456994465 : i32
    %scan3A_122 = arith.constant 484124135 : i32
    %scan3A_123 = arith.constant 1646868795 : i32
    %scan3A_124 = arith.constant 0 : i32
    %scan3A_125 = arith.constant 8 : i32
    %scan3A_126 = arith.addi %scan3A_124, %scan3A_125 : i32
    %scan3A_127 = arith.constant 1 : i32
    scf.for %scan3A_1335 = %scan3A_124 to %scan3A_126 step %scan3A_127  : i32 {
      %mul3A_1336 = arith.constant 1 : i32
      %mul3A_1337 = arith.muli %scan3A_1335, %mul3A_1336 : i32
      %add3A_1338 = arith.constant 0 : i32
      %add3A_1339 = arith.addi %add3A_1338, %mul3A_1337 : i32
      %mul3A_1340 = arith.constant 16 : i32
      %mul3A_1341 = arith.muli %add3A_1339, %mul3A_1340 : i32
      %add3A_1342 = arith.constant 16 : i32
      %add3A_1343 = arith.addi %add3A_1342, %mul3A_1341 : i32
      %get3A = arith.index_cast %add3A_1343 : i32 to index
      %get3A_1344 = tpu.vector_load %arg5[%get3A] {strides = array<i32>} : memref<272xi32, #tpu.memory_space<vmem>>, vector<16xi32>,
      %get3A_1345 = vector.shape_cast %get3A_1344 : vector<16xi32> to vector<16xi32>
      %sub3A = arith.constant 1 : i32
      %sub3A_1346 = arith.subi %add3A_1343, %sub3A : i32
      %get3A_1347 = arith.index_cast %sub3A_1346 : i32 to index
      %get3A_1348 = tpu.vector_load %arg5[%get3A_1347] {strides = array<i32>} : memref<272xi32, #tpu.memory_space<vmem>>, vector<16xi32>,
      %get3A_1349 = vector.shape_cast %get3A_1348 : vector<16xi32> to vector<16xi32>
      %mul3A_1350 = vector.broadcast %scan3A_121 : i32 to vector<16xi32>
      %mul3A_1351 = arith.muli %get3A_1345, %mul3A_1350 : vector<16xi32>
      %mul3A_1352 = vector.broadcast %scan3A_122 : i32 to vector<16xi32>
      %mul3A_1353 = arith.muli %get3A_1349, %mul3A_1352 : vector<16xi32>
      %add3A_1354 = arith.addi %mul3A_1351, %mul3A_1353 : vector<16xi32>
      %sub3A_1355 = arith.constant 2 : i32
      %sub3A_1356 = arith.subi %add3A_1343, %sub3A_1355 : i32
      %get3A_1357 = arith.index_cast %sub3A_1356 : i32 to index
      %get3A_1358 = tpu.vector_load %arg5[%get3A_1357] {strides = array<i32>} : memref<272xi32, #tpu.memory_space<vmem>>, vector<16xi32>,
      %get3A_1359 = vector.shape_cast %get3A_1358 : vector<16xi32> to vector<16xi32>
      %mul3A_1360 = vector.broadcast %scan3A_123 : i32 to vector<16xi32>
      %mul3A_1361 = arith.muli %get3A_1359, %mul3A_1360 : vector<16xi32>
      %add3A_1362 = arith.addi %add3A_1354, %mul3A_1361 : vector<16xi32>
      %bitcast3A = vector.bitcast %add3A_1362 : vector<16xi32> to vector<16xi32>
      %jit3A = arith.constant 100000 : i32
      %eq3A_1363 = arith.constant 0 : i32
      %eq3A_1364 = arith.cmpi eq, %jit3A, %eq3A_1363 : i32
      %jit3A_1365 = arith.constant 1 : i32
      %select_n3A = arith.select %eq3A_1364, %jit3A_1365, %jit3A : i32
      %rem3A_1366 = vector.broadcast %select_n3A : i32 to vector<16xi32>
      %rem3A_1367 = arith.remui %bitcast3A, %rem3A_1366 : vector<16xi32>
      %ne3A = arith.constant 0 : i32
      %ne3A_1368 = vector.broadcast %ne3A : i32 to vector<16xi32>
      %ne3A_1369 = arith.cmpi ne, %rem3A_1367, %ne3A_1368 : vector<16xi32>
      %lt3A = arith.constant 0 : i32
      %lt3A_1370 = vector.broadcast %lt3A : i32 to vector<16xi32>
      %lt3A_1371 = arith.cmpi ult, %rem3A_1367, %lt3A_1370 : vector<16xi32>
      %lt3A_1372 = arith.constant 0 : i32
      %lt3A_1373 = arith.cmpi ult, %select_n3A, %lt3A_1372 : i32
      %ne3A_1374 = vector.broadcast %lt3A_1373 : i1 to vector<16xi1>
      %ne3A_1375 = vector.broadcast %ne3A_1374 : vector<16xi1> to vector<16xi1>
      %ne3A_1376 = arith.xori %lt3A_1371, %ne3A_1375 : vector<16xi1>
      %and3A = arith.andi %ne3A_1376, %ne3A_1369 : vector<16xi1>
      %add3A_1377 = vector.broadcast %select_n3A : i32 to vector<16xi32>
      %add3A_1378 = arith.addi %rem3A_1367, %add3A_1377 : vector<16xi32>
      %select_n3A_1379 = arith.select %and3A, %add3A_1378, %rem3A_1367 : vector<16xi1>, vector<16xi32>
      %bitcast3A_1380 = vector.bitcast %select_n3A_1379 : vector<16xi32> to vector<16xi32>
      %mul3A_1381 = arith.constant 16 : i32
      %mul3A_1382 = arith.muli %add3A_1339, %mul3A_1381 : i32
      %swap3A = arith.constant 16 : i32
      %swap3A_1383 = arith.index_cast %swap3A : i32 to index
      %swap3A_1384 = arith.index_cast %mul3A_1382 : i32 to index
      %swap3A_1385 = tpu.vector_load %arg6[%swap3A_1383, %swap3A_1384] {strides = array<i32>} : memref<32x128xi32, #tpu.memory_space<vmem>>, vector<1x16xi32>,
      %swap3A_1386 = vector.shape_cast %swap3A_1385 : vector<1x16xi32> to vector<16xi32>
      %swap3A_1387 = vector.shape_cast %bitcast3A_1380 : vector<16xi32> to vector<1x16xi32>
      tpu.vector_store %arg6[%swap3A_1383, %swap3A_1384], %swap3A_1387 {strides = array<i32>} : memref<32x128xi32, #tpu.memory_space<vmem>>, vector<1x16xi32>,
    }
    %scan3A_128 = arith.constant 8 : i32
    %scan3A_129 = arith.constant 456994465 : i32
    %scan3A_130 = arith.constant 484124135 : i32
    %scan3A_131 = arith.constant 1646868795 : i32
    %scan3A_132 = arith.constant 0 : i32
    %scan3A_133 = arith.constant 8 : i32
    %scan3A_134 = arith.addi %scan3A_132, %scan3A_133 : i32
    %scan3A_135 = arith.constant 1 : i32
    scf.for %scan3A_1335 = %scan3A_132 to %scan3A_134 step %scan3A_135  : i32 {
      %mul3A_1336 = arith.constant 1 : i32
      %mul3A_1337 = arith.muli %scan3A_1335, %mul3A_1336 : i32
      %add3A_1338 = arith.constant 0 : i32
      %add3A_1339 = arith.addi %add3A_1338, %mul3A_1337 : i32
      %mul3A_1340 = arith.constant 16 : i32
      %mul3A_1341 = arith.muli %add3A_1339, %mul3A_1340 : i32
      %add3A_1342 = arith.constant 144 : i32
      %add3A_1343 = arith.addi %add3A_1342, %mul3A_1341 : i32
      %get3A = arith.index_cast %add3A_1343 : i32 to index
      %get3A_1344 = tpu.vector_load %arg5[%get3A] {strides = array<i32>} : memref<272xi32, #tpu.memory_space<vmem>>, vector<16xi32>,
      %get3A_1345 = vector.shape_cast %get3A_1344 : vector<16xi32> to vector<16xi32>
      %sub3A = arith.constant 1 : i32
      %sub3A_1346 = arith.subi %add3A_1343, %sub3A : i32
      %get3A_1347 = arith.index_cast %sub3A_1346 : i32 to index
      %get3A_1348 = tpu.vector_load %arg5[%get3A_1347] {strides = array<i32>} : memref<272xi32, #tpu.memory_space<vmem>>, vector<16xi32>,
      %get3A_1349 = vector.shape_cast %get3A_1348 : vector<16xi32> to vector<16xi32>
      %mul3A_1350 = vector.broadcast %scan3A_129 : i32 to vector<16xi32>
      %mul3A_1351 = arith.muli %get3A_1345, %mul3A_1350 : vector<16xi32>
      %mul3A_1352 = vector.broadcast %scan3A_130 : i32 to vector<16xi32>
      %mul3A_1353 = arith.muli %get3A_1349, %mul3A_1352 : vector<16xi32>
      %add3A_1354 = arith.addi %mul3A_1351, %mul3A_1353 : vector<16xi32>
      %sub3A_1355 = arith.constant 2 : i32
      %sub3A_1356 = arith.subi %add3A_1343, %sub3A_1355 : i32
      %get3A_1357 = arith.index_cast %sub3A_1356 : i32 to index
      %get3A_1358 = tpu.vector_load %arg5[%get3A_1357] {strides = array<i32>} : memref<272xi32, #tpu.memory_space<vmem>>, vector<16xi32>,
      %get3A_1359 = vector.shape_cast %get3A_1358 : vector<16xi32> to vector<16xi32>
      %mul3A_1360 = vector.broadcast %scan3A_131 : i32 to vector<16xi32>
      %mul3A_1361 = arith.muli %get3A_1359, %mul3A_1360 : vector<16xi32>
      %add3A_1362 = arith.addi %add3A_1354, %mul3A_1361 : vector<16xi32>
      %bitcast3A = vector.bitcast %add3A_1362 : vector<16xi32> to vector<16xi32>
      %jit3A = arith.constant 100000 : i32
      %eq3A_1363 = arith.constant 0 : i32
      %eq3A_1364 = arith.cmpi eq, %jit3A, %eq3A_1363 : i32
      %jit3A_1365 = arith.constant 1 : i32
      %select_n3A = arith.select %eq3A_1364, %jit3A_1365, %jit3A : i32
      %rem3A_1366 = vector.broadcast %select_n3A : i32 to vector<16xi32>
      %rem3A_1367 = arith.remui %bitcast3A, %rem3A_1366 : vector<16xi32>
      %ne3A = arith.constant 0 : i32
      %ne3A_1368 = vector.broadcast %ne3A : i32 to vector<16xi32>
      %ne3A_1369 = arith.cmpi ne, %rem3A_1367, %ne3A_1368 : vector<16xi32>
      %lt3A = arith.constant 0 : i32
      %lt3A_1370 = vector.broadcast %lt3A : i32 to vector<16xi32>
      %lt3A_1371 = arith.cmpi ult, %rem3A_1367, %lt3A_1370 : vector<16xi32>
      %lt3A_1372 = arith.constant 0 : i32
      %lt3A_1373 = arith.cmpi ult, %select_n3A, %lt3A_1372 : i32
      %ne3A_1374 = vector.broadcast %lt3A_1373 : i1 to vector<16xi1>
      %ne3A_1375 = vector.broadcast %ne3A_1374 : vector<16xi1> to vector<16xi1>
      %ne3A_1376 = arith.xori %lt3A_1371, %ne3A_1375 : vector<16xi1>
      %and3A = arith.andi %ne3A_1376, %ne3A_1369 : vector<16xi1>
      %add3A_1377 = vector.broadcast %select_n3A : i32 to vector<16xi32>
      %add3A_1378 = arith.addi %rem3A_1367, %add3A_1377 : vector<16xi32>
      %select_n3A_1379 = arith.select %and3A, %add3A_1378, %rem3A_1367 : vector<16xi1>, vector<16xi32>
      %bitcast3A_1380 = vector.bitcast %select_n3A_1379 : vector<16xi32> to vector<16xi32>
      %mul3A_1381 = arith.constant 16 : i32
      %mul3A_1382 = arith.muli %add3A_1339, %mul3A_1381 : i32
      %swap3A = arith.constant 17 : i32
      %swap3A_1383 = arith.index_cast %swap3A : i32 to index
      %swap3A_1384 = arith.index_cast %mul3A_1382 : i32 to index
      %swap3A_1385 = tpu.vector_load %arg6[%swap3A_1383, %swap3A_1384] {strides = array<i32>} : memref<32x128xi32, #tpu.memory_space<vmem>>, vector<1x16xi32>,
      %swap3A_1386 = vector.shape_cast %swap3A_1385 : vector<1x16xi32> to vector<16xi32>
      %swap3A_1387 = vector.shape_cast %bitcast3A_1380 : vector<16xi32> to vector<1x16xi32>
      tpu.vector_store %arg6[%swap3A_1383, %swap3A_1384], %swap3A_1387 {strides = array<i32>} : memref<32x128xi32, #tpu.memory_space<vmem>>, vector<1x16xi32>,
    }
    %scan3A_136 = arith.constant 8 : i32
    %scan3A_137 = arith.constant 731689938 : i32
    %scan3A_138 = arith.constant -391544459 : i32
    %scan3A_139 = arith.constant 1340754472 : i32
    %scan3A_140 = arith.constant 0 : i32
    %scan3A_141 = arith.constant 8 : i32
    %scan3A_142 = arith.addi %scan3A_140, %scan3A_141 : i32
    %scan3A_143 = arith.constant 1 : i32
    scf.for %scan3A_1335 = %scan3A_140 to %scan3A_142 step %scan3A_143  : i32 {
      %mul3A_1336 = arith.constant 1 : i32
      %mul3A_1337 = arith.muli %scan3A_1335, %mul3A_1336 : i32
      %add3A_1338 = arith.constant 0 : i32
      %add3A_1339 = arith.addi %add3A_1338, %mul3A_1337 : i32
      %mul3A_1340 = arith.constant 16 : i32
      %mul3A_1341 = arith.muli %add3A_1339, %mul3A_1340 : i32
      %add3A_1342 = arith.constant 16 : i32
      %add3A_1343 = arith.addi %add3A_1342, %mul3A_1341 : i32
      %get3A = arith.index_cast %add3A_1343 : i32 to index
      %get3A_1344 = tpu.vector_load %arg5[%get3A] {strides = array<i32>} : memref<272xi32, #tpu.memory_space<vmem>>, vector<16xi32>,
      %get3A_1345 = vector.shape_cast %get3A_1344 : vector<16xi32> to vector<16xi32>
      %sub3A = arith.constant 1 : i32
      %sub3A_1346 = arith.subi %add3A_1343, %sub3A : i32
      %get3A_1347 = arith.index_cast %sub3A_1346 : i32 to index
      %get3A_1348 = tpu.vector_load %arg5[%get3A_1347] {strides = array<i32>} : memref<272xi32, #tpu.memory_space<vmem>>, vector<16xi32>,
      %get3A_1349 = vector.shape_cast %get3A_1348 : vector<16xi32> to vector<16xi32>
      %mul3A_1350 = vector.broadcast %scan3A_137 : i32 to vector<16xi32>
      %mul3A_1351 = arith.muli %get3A_1345, %mul3A_1350 : vector<16xi32>
      %mul3A_1352 = vector.broadcast %scan3A_138 : i32 to vector<16xi32>
      %mul3A_1353 = arith.muli %get3A_1349, %mul3A_1352 : vector<16xi32>
      %add3A_1354 = arith.addi %mul3A_1351, %mul3A_1353 : vector<16xi32>
      %sub3A_1355 = arith.constant 2 : i32
      %sub3A_1356 = arith.subi %add3A_1343, %sub3A_1355 : i32
      %get3A_1357 = arith.index_cast %sub3A_1356 : i32 to index
      %get3A_1358 = tpu.vector_load %arg5[%get3A_1357] {strides = array<i32>} : memref<272xi32, #tpu.memory_space<vmem>>, vector<16xi32>,
      %get3A_1359 = vector.shape_cast %get3A_1358 : vector<16xi32> to vector<16xi32>
      %mul3A_1360 = vector.broadcast %scan3A_139 : i32 to vector<16xi32>
      %mul3A_1361 = arith.muli %get3A_1359, %mul3A_1360 : vector<16xi32>
      %add3A_1362 = arith.addi %add3A_1354, %mul3A_1361 : vector<16xi32>
      %bitcast3A = vector.bitcast %add3A_1362 : vector<16xi32> to vector<16xi32>
      %jit3A = arith.constant 100000 : i32
      %eq3A_1363 = arith.constant 0 : i32
      %eq3A_1364 = arith.cmpi eq, %jit3A, %eq3A_1363 : i32
      %jit3A_1365 = arith.constant 1 : i32
      %select_n3A = arith.select %eq3A_1364, %jit3A_1365, %jit3A : i32
      %rem3A_1366 = vector.broadcast %select_n3A : i32 to vector<16xi32>
      %rem3A_1367 = arith.remui %bitcast3A, %rem3A_1366 : vector<16xi32>
      %ne3A = arith.constant 0 : i32
      %ne3A_1368 = vector.broadcast %ne3A : i32 to vector<16xi32>
      %ne3A_1369 = arith.cmpi ne, %rem3A_1367, %ne3A_1368 : vector<16xi32>
      %lt3A = arith.constant 0 : i32
      %lt3A_1370 = vector.broadcast %lt3A : i32 to vector<16xi32>
      %lt3A_1371 = arith.cmpi ult, %rem3A_1367, %lt3A_1370 : vector<16xi32>
      %lt3A_1372 = arith.constant 0 : i32
      %lt3A_1373 = arith.cmpi ult, %select_n3A, %lt3A_1372 : i32
      %ne3A_1374 = vector.broadcast %lt3A_1373 : i1 to vector<16xi1>
      %ne3A_1375 = vector.broadcast %ne3A_1374 : vector<16xi1> to vector<16xi1>
      %ne3A_1376 = arith.xori %lt3A_1371, %ne3A_1375 : vector<16xi1>
      %and3A = arith.andi %ne3A_1376, %ne3A_1369 : vector<16xi1>
      %add3A_1377 = vector.broadcast %select_n3A : i32 to vector<16xi32>
      %add3A_1378 = arith.addi %rem3A_1367, %add3A_1377 : vector<16xi32>
      %select_n3A_1379 = arith.select %and3A, %add3A_1378, %rem3A_1367 : vector<16xi1>, vector<16xi32>
      %bitcast3A_1380 = vector.bitcast %select_n3A_1379 : vector<16xi32> to vector<16xi32>
      %mul3A_1381 = arith.constant 16 : i32
      %mul3A_1382 = arith.muli %add3A_1339, %mul3A_1381 : i32
      %swap3A = arith.constant 18 : i32
      %swap3A_1383 = arith.index_cast %swap3A : i32 to index
      %swap3A_1384 = arith.index_cast %mul3A_1382 : i32 to index
      %swap3A_1385 = tpu.vector_load %arg6[%swap3A_1383, %swap3A_1384] {strides = array<i32>} : memref<32x128xi32, #tpu.memory_space<vmem>>, vector<1x16xi32>,
      %swap3A_1386 = vector.shape_cast %swap3A_1385 : vector<1x16xi32> to vector<16xi32>
      %swap3A_1387 = vector.shape_cast %bitcast3A_1380 : vector<16xi32> to vector<1x16xi32>
      tpu.vector_store %arg6[%swap3A_1383, %swap3A_1384], %swap3A_1387 {strides = array<i32>} : memref<32x128xi32, #tpu.memory_space<vmem>>, vector<1x16xi32>,
    }
    %scan3A_144 = arith.constant 8 : i32
    %scan3A_145 = arith.constant 731689938 : i32
    %scan3A_146 = arith.constant -391544459 : i32
    %scan3A_147 = arith.constant 1340754472 : i32
    %scan3A_148 = arith.constant 0 : i32
    %scan3A_149 = arith.constant 8 : i32
    %scan3A_150 = arith.addi %scan3A_148, %scan3A_149 : i32
    %scan3A_151 = arith.constant 1 : i32
    scf.for %scan3A_1335 = %scan3A_148 to %scan3A_150 step %scan3A_151  : i32 {
      %mul3A_1336 = arith.constant 1 : i32
      %mul3A_1337 = arith.muli %scan3A_1335, %mul3A_1336 : i32
      %add3A_1338 = arith.constant 0 : i32
      %add3A_1339 = arith.addi %add3A_1338, %mul3A_1337 : i32
      %mul3A_1340 = arith.constant 16 : i32
      %mul3A_1341 = arith.muli %add3A_1339, %mul3A_1340 : i32
      %add3A_1342 = arith.constant 144 : i32
      %add3A_1343 = arith.addi %add3A_1342, %mul3A_1341 : i32
      %get3A = arith.index_cast %add3A_1343 : i32 to index
      %get3A_1344 = tpu.vector_load %arg5[%get3A] {strides = array<i32>} : memref<272xi32, #tpu.memory_space<vmem>>, vector<16xi32>,
      %get3A_1345 = vector.shape_cast %get3A_1344 : vector<16xi32> to vector<16xi32>
      %sub3A = arith.constant 1 : i32
      %sub3A_1346 = arith.subi %add3A_1343, %sub3A : i32
      %get3A_1347 = arith.index_cast %sub3A_1346 : i32 to index
      %get3A_1348 = tpu.vector_load %arg5[%get3A_1347] {strides = array<i32>} : memref<272xi32, #tpu.memory_space<vmem>>, vector<16xi32>,
      %get3A_1349 = vector.shape_cast %get3A_1348 : vector<16xi32> to vector<16xi32>
      %mul3A_1350 = vector.broadcast %scan3A_145 : i32 to vector<16xi32>
      %mul3A_1351 = arith.muli %get3A_1345, %mul3A_1350 : vector<16xi32>
      %mul3A_1352 = vector.broadcast %scan3A_146 : i32 to vector<16xi32>
      %mul3A_1353 = arith.muli %get3A_1349, %mul3A_1352 : vector<16xi32>
      %add3A_1354 = arith.addi %mul3A_1351, %mul3A_1353 : vector<16xi32>
      %sub3A_1355 = arith.constant 2 : i32
      %sub3A_1356 = arith.subi %add3A_1343, %sub3A_1355 : i32
      %get3A_1357 = arith.index_cast %sub3A_1356 : i32 to index
      %get3A_1358 = tpu.vector_load %arg5[%get3A_1357] {strides = array<i32>} : memref<272xi32, #tpu.memory_space<vmem>>, vector<16xi32>,
      %get3A_1359 = vector.shape_cast %get3A_1358 : vector<16xi32> to vector<16xi32>
      %mul3A_1360 = vector.broadcast %scan3A_147 : i32 to vector<16xi32>
      %mul3A_1361 = arith.muli %get3A_1359, %mul3A_1360 : vector<16xi32>
      %add3A_1362 = arith.addi %add3A_1354, %mul3A_1361 : vector<16xi32>
      %bitcast3A = vector.bitcast %add3A_1362 : vector<16xi32> to vector<16xi32>
      %jit3A = arith.constant 100000 : i32
      %eq3A_1363 = arith.constant 0 : i32
      %eq3A_1364 = arith.cmpi eq, %jit3A, %eq3A_1363 : i32
      %jit3A_1365 = arith.constant 1 : i32
      %select_n3A = arith.select %eq3A_1364, %jit3A_1365, %jit3A : i32
      %rem3A_1366 = vector.broadcast %select_n3A : i32 to vector<16xi32>
      %rem3A_1367 = arith.remui %bitcast3A, %rem3A_1366 : vector<16xi32>
      %ne3A = arith.constant 0 : i32
      %ne3A_1368 = vector.broadcast %ne3A : i32 to vector<16xi32>
      %ne3A_1369 = arith.cmpi ne, %rem3A_1367, %ne3A_1368 : vector<16xi32>
      %lt3A = arith.constant 0 : i32
      %lt3A_1370 = vector.broadcast %lt3A : i32 to vector<16xi32>
      %lt3A_1371 = arith.cmpi ult, %rem3A_1367, %lt3A_1370 : vector<16xi32>
      %lt3A_1372 = arith.constant 0 : i32
      %lt3A_1373 = arith.cmpi ult, %select_n3A, %lt3A_1372 : i32
      %ne3A_1374 = vector.broadcast %lt3A_1373 : i1 to vector<16xi1>
      %ne3A_1375 = vector.broadcast %ne3A_1374 : vector<16xi1> to vector<16xi1>
      %ne3A_1376 = arith.xori %lt3A_1371, %ne3A_1375 : vector<16xi1>
      %and3A = arith.andi %ne3A_1376, %ne3A_1369 : vector<16xi1>
      %add3A_1377 = vector.broadcast %select_n3A : i32 to vector<16xi32>
      %add3A_1378 = arith.addi %rem3A_1367, %add3A_1377 : vector<16xi32>
      %select_n3A_1379 = arith.select %and3A, %add3A_1378, %rem3A_1367 : vector<16xi1>, vector<16xi32>
      %bitcast3A_1380 = vector.bitcast %select_n3A_1379 : vector<16xi32> to vector<16xi32>
      %mul3A_1381 = arith.constant 16 : i32
      %mul3A_1382 = arith.muli %add3A_1339, %mul3A_1381 : i32
      %swap3A = arith.constant 19 : i32
      %swap3A_1383 = arith.index_cast %swap3A : i32 to index
      %swap3A_1384 = arith.index_cast %mul3A_1382 : i32 to index
      %swap3A_1385 = tpu.vector_load %arg6[%swap3A_1383, %swap3A_1384] {strides = array<i32>} : memref<32x128xi32, #tpu.memory_space<vmem>>, vector<1x16xi32>,
      %swap3A_1386 = vector.shape_cast %swap3A_1385 : vector<1x16xi32> to vector<16xi32>
      %swap3A_1387 = vector.shape_cast %bitcast3A_1380 : vector<16xi32> to vector<1x16xi32>
      tpu.vector_store %arg6[%swap3A_1383, %swap3A_1384], %swap3A_1387 {strides = array<i32>} : memref<32x128xi32, #tpu.memory_space<vmem>>, vector<1x16xi32>,
    }
    %scan3A_152 = arith.constant 8 : i32
    %scan3A_153 = arith.constant -2052780264 : i32
    %scan3A_154 = arith.constant -1668308019 : i32
    %scan3A_155 = arith.constant 292249177 : i32
    %scan3A_156 = arith.constant 0 : i32
    %scan3A_157 = arith.constant 8 : i32
    %scan3A_158 = arith.addi %scan3A_156, %scan3A_157 : i32
    %scan3A_159 = arith.constant 1 : i32
    scf.for %scan3A_1335 = %scan3A_156 to %scan3A_158 step %scan3A_159  : i32 {
      %mul3A_1336 = arith.constant 1 : i32
      %mul3A_1337 = arith.muli %scan3A_1335, %mul3A_1336 : i32
      %add3A_1338 = arith.constant 0 : i32
      %add3A_1339 = arith.addi %add3A_1338, %mul3A_1337 : i32
      %mul3A_1340 = arith.constant 16 : i32
      %mul3A_1341 = arith.muli %add3A_1339, %mul3A_1340 : i32
      %add3A_1342 = arith.constant 16 : i32
      %add3A_1343 = arith.addi %add3A_1342, %mul3A_1341 : i32
      %get3A = arith.index_cast %add3A_1343 : i32 to index
      %get3A_1344 = tpu.vector_load %arg5[%get3A] {strides = array<i32>} : memref<272xi32, #tpu.memory_space<vmem>>, vector<16xi32>,
      %get3A_1345 = vector.shape_cast %get3A_1344 : vector<16xi32> to vector<16xi32>
      %sub3A = arith.constant 1 : i32
      %sub3A_1346 = arith.subi %add3A_1343, %sub3A : i32
      %get3A_1347 = arith.index_cast %sub3A_1346 : i32 to index
      %get3A_1348 = tpu.vector_load %arg5[%get3A_1347] {strides = array<i32>} : memref<272xi32, #tpu.memory_space<vmem>>, vector<16xi32>,
      %get3A_1349 = vector.shape_cast %get3A_1348 : vector<16xi32> to vector<16xi32>
      %mul3A_1350 = vector.broadcast %scan3A_153 : i32 to vector<16xi32>
      %mul3A_1351 = arith.muli %get3A_1345, %mul3A_1350 : vector<16xi32>
      %mul3A_1352 = vector.broadcast %scan3A_154 : i32 to vector<16xi32>
      %mul3A_1353 = arith.muli %get3A_1349, %mul3A_1352 : vector<16xi32>
      %add3A_1354 = arith.addi %mul3A_1351, %mul3A_1353 : vector<16xi32>
      %sub3A_1355 = arith.constant 2 : i32
      %sub3A_1356 = arith.subi %add3A_1343, %sub3A_1355 : i32
      %get3A_1357 = arith.index_cast %sub3A_1356 : i32 to index
      %get3A_1358 = tpu.vector_load %arg5[%get3A_1357] {strides = array<i32>} : memref<272xi32, #tpu.memory_space<vmem>>, vector<16xi32>,
      %get3A_1359 = vector.shape_cast %get3A_1358 : vector<16xi32> to vector<16xi32>
      %mul3A_1360 = vector.broadcast %scan3A_155 : i32 to vector<16xi32>
      %mul3A_1361 = arith.muli %get3A_1359, %mul3A_1360 : vector<16xi32>
      %add3A_1362 = arith.addi %add3A_1354, %mul3A_1361 : vector<16xi32>
      %bitcast3A = vector.bitcast %add3A_1362 : vector<16xi32> to vector<16xi32>
      %jit3A = arith.constant 100000 : i32
      %eq3A_1363 = arith.constant 0 : i32
      %eq3A_1364 = arith.cmpi eq, %jit3A, %eq3A_1363 : i32
      %jit3A_1365 = arith.constant 1 : i32
      %select_n3A = arith.select %eq3A_1364, %jit3A_1365, %jit3A : i32
      %rem3A_1366 = vector.broadcast %select_n3A : i32 to vector<16xi32>
      %rem3A_1367 = arith.remui %bitcast3A, %rem3A_1366 : vector<16xi32>
      %ne3A = arith.constant 0 : i32
      %ne3A_1368 = vector.broadcast %ne3A : i32 to vector<16xi32>
      %ne3A_1369 = arith.cmpi ne, %rem3A_1367, %ne3A_1368 : vector<16xi32>
      %lt3A = arith.constant 0 : i32
      %lt3A_1370 = vector.broadcast %lt3A : i32 to vector<16xi32>
      %lt3A_1371 = arith.cmpi ult, %rem3A_1367, %lt3A_1370 : vector<16xi32>
      %lt3A_1372 = arith.constant 0 : i32
      %lt3A_1373 = arith.cmpi ult, %select_n3A, %lt3A_1372 : i32
      %ne3A_1374 = vector.broadcast %lt3A_1373 : i1 to vector<16xi1>
      %ne3A_1375 = vector.broadcast %ne3A_1374 : vector<16xi1> to vector<16xi1>
      %ne3A_1376 = arith.xori %lt3A_1371, %ne3A_1375 : vector<16xi1>
      %and3A = arith.andi %ne3A_1376, %ne3A_1369 : vector<16xi1>
      %add3A_1377 = vector.broadcast %select_n3A : i32 to vector<16xi32>
      %add3A_1378 = arith.addi %rem3A_1367, %add3A_1377 : vector<16xi32>
      %select_n3A_1379 = arith.select %and3A, %add3A_1378, %rem3A_1367 : vector<16xi1>, vector<16xi32>
      %bitcast3A_1380 = vector.bitcast %select_n3A_1379 : vector<16xi32> to vector<16xi32>
      %mul3A_1381 = arith.constant 16 : i32
      %mul3A_1382 = arith.muli %add3A_1339, %mul3A_1381 : i32
      %swap3A = arith.constant 20 : i32
      %swap3A_1383 = arith.index_cast %swap3A : i32 to index
      %swap3A_1384 = arith.index_cast %mul3A_1382 : i32 to index
      %swap3A_1385 = tpu.vector_load %arg6[%swap3A_1383, %swap3A_1384] {strides = array<i32>} : memref<32x128xi32, #tpu.memory_space<vmem>>, vector<1x16xi32>,
      %swap3A_1386 = vector.shape_cast %swap3A_1385 : vector<1x16xi32> to vector<16xi32>
      %swap3A_1387 = vector.shape_cast %bitcast3A_1380 : vector<16xi32> to vector<1x16xi32>
      tpu.vector_store %arg6[%swap3A_1383, %swap3A_1384], %swap3A_1387 {strides = array<i32>} : memref<32x128xi32, #tpu.memory_space<vmem>>, vector<1x16xi32>,
    }
    %scan3A_160 = arith.constant 8 : i32
    %scan3A_161 = arith.constant -2052780264 : i32
    %scan3A_162 = arith.constant -1668308019 : i32
    %scan3A_163 = arith.constant 292249177 : i32
    %scan3A_164 = arith.constant 0 : i32
    %scan3A_165 = arith.constant 8 : i32
    %scan3A_166 = arith.addi %scan3A_164, %scan3A_165 : i32
    %scan3A_167 = arith.constant 1 : i32
    scf.for %scan3A_1335 = %scan3A_164 to %scan3A_166 step %scan3A_167  : i32 {
      %mul3A_1336 = arith.constant 1 : i32
      %mul3A_1337 = arith.muli %scan3A_1335, %mul3A_1336 : i32
      %add3A_1338 = arith.constant 0 : i32
      %add3A_1339 = arith.addi %add3A_1338, %mul3A_1337 : i32
      %mul3A_1340 = arith.constant 16 : i32
      %mul3A_1341 = arith.muli %add3A_1339, %mul3A_1340 : i32
      %add3A_1342 = arith.constant 144 : i32
      %add3A_1343 = arith.addi %add3A_1342, %mul3A_1341 : i32
      %get3A = arith.index_cast %add3A_1343 : i32 to index
      %get3A_1344 = tpu.vector_load %arg5[%get3A] {strides = array<i32>} : memref<272xi32, #tpu.memory_space<vmem>>, vector<16xi32>,
      %get3A_1345 = vector.shape_cast %get3A_1344 : vector<16xi32> to vector<16xi32>
      %sub3A = arith.constant 1 : i32
      %sub3A_1346 = arith.subi %add3A_1343, %sub3A : i32
      %get3A_1347 = arith.index_cast %sub3A_1346 : i32 to index
      %get3A_1348 = tpu.vector_load %arg5[%get3A_1347] {strides = array<i32>} : memref<272xi32, #tpu.memory_space<vmem>>, vector<16xi32>,
      %get3A_1349 = vector.shape_cast %get3A_1348 : vector<16xi32> to vector<16xi32>
      %mul3A_1350 = vector.broadcast %scan3A_161 : i32 to vector<16xi32>
      %mul3A_1351 = arith.muli %get3A_1345, %mul3A_1350 : vector<16xi32>
      %mul3A_1352 = vector.broadcast %scan3A_162 : i32 to vector<16xi32>
      %mul3A_1353 = arith.muli %get3A_1349, %mul3A_1352 : vector<16xi32>
      %add3A_1354 = arith.addi %mul3A_1351, %mul3A_1353 : vector<16xi32>
      %sub3A_1355 = arith.constant 2 : i32
      %sub3A_1356 = arith.subi %add3A_1343, %sub3A_1355 : i32
      %get3A_1357 = arith.index_cast %sub3A_1356 : i32 to index
      %get3A_1358 = tpu.vector_load %arg5[%get3A_1357] {strides = array<i32>} : memref<272xi32, #tpu.memory_space<vmem>>, vector<16xi32>,
      %get3A_1359 = vector.shape_cast %get3A_1358 : vector<16xi32> to vector<16xi32>
      %mul3A_1360 = vector.broadcast %scan3A_163 : i32 to vector<16xi32>
      %mul3A_1361 = arith.muli %get3A_1359, %mul3A_1360 : vector<16xi32>
      %add3A_1362 = arith.addi %add3A_1354, %mul3A_1361 : vector<16xi32>
      %bitcast3A = vector.bitcast %add3A_1362 : vector<16xi32> to vector<16xi32>
      %jit3A = arith.constant 100000 : i32
      %eq3A_1363 = arith.constant 0 : i32
      %eq3A_1364 = arith.cmpi eq, %jit3A, %eq3A_1363 : i32
      %jit3A_1365 = arith.constant 1 : i32
      %select_n3A = arith.select %eq3A_1364, %jit3A_1365, %jit3A : i32
      %rem3A_1366 = vector.broadcast %select_n3A : i32 to vector<16xi32>
      %rem3A_1367 = arith.remui %bitcast3A, %rem3A_1366 : vector<16xi32>
      %ne3A = arith.constant 0 : i32
      %ne3A_1368 = vector.broadcast %ne3A : i32 to vector<16xi32>
      %ne3A_1369 = arith.cmpi ne, %rem3A_1367, %ne3A_1368 : vector<16xi32>
      %lt3A = arith.constant 0 : i32
      %lt3A_1370 = vector.broadcast %lt3A : i32 to vector<16xi32>
      %lt3A_1371 = arith.cmpi ult, %rem3A_1367, %lt3A_1370 : vector<16xi32>
      %lt3A_1372 = arith.constant 0 : i32
      %lt3A_1373 = arith.cmpi ult, %select_n3A, %lt3A_1372 : i32
      %ne3A_1374 = vector.broadcast %lt3A_1373 : i1 to vector<16xi1>
      %ne3A_1375 = vector.broadcast %ne3A_1374 : vector<16xi1> to vector<16xi1>
      %ne3A_1376 = arith.xori %lt3A_1371, %ne3A_1375 : vector<16xi1>
      %and3A = arith.andi %ne3A_1376, %ne3A_1369 : vector<16xi1>
      %add3A_1377 = vector.broadcast %select_n3A : i32 to vector<16xi32>
      %add3A_1378 = arith.addi %rem3A_1367, %add3A_1377 : vector<16xi32>
      %select_n3A_1379 = arith.select %and3A, %add3A_1378, %rem3A_1367 : vector<16xi1>, vector<16xi32>
      %bitcast3A_1380 = vector.bitcast %select_n3A_1379 : vector<16xi32> to vector<16xi32>
      %mul3A_1381 = arith.constant 16 : i32
      %mul3A_1382 = arith.muli %add3A_1339, %mul3A_1381 : i32
      %swap3A = arith.constant 21 : i32
      %swap3A_1383 = arith.index_cast %swap3A : i32 to index
      %swap3A_1384 = arith.index_cast %mul3A_1382 : i32 to index
      %swap3A_1385 = tpu.vector_load %arg6[%swap3A_1383, %swap3A_1384] {strides = array<i32>} : memref<32x128xi32, #tpu.memory_space<vmem>>, vector<1x16xi32>,
      %swap3A_1386 = vector.shape_cast %swap3A_1385 : vector<1x16xi32> to vector<16xi32>
      %swap3A_1387 = vector.shape_cast %bitcast3A_1380 : vector<16xi32> to vector<1x16xi32>
      tpu.vector_store %arg6[%swap3A_1383, %swap3A_1384], %swap3A_1387 {strides = array<i32>} : memref<32x128xi32, #tpu.memory_space<vmem>>, vector<1x16xi32>,
    }
    %scan3A_168 = arith.constant 8 : i32
    %scan3A_169 = arith.constant -667887390 : i32
    %scan3A_170 = arith.constant -385472142 : i32
    %scan3A_171 = arith.constant 1443447322 : i32
    %scan3A_172 = arith.constant 0 : i32
    %scan3A_173 = arith.constant 8 : i32
    %scan3A_174 = arith.addi %scan3A_172, %scan3A_173 : i32
    %scan3A_175 = arith.constant 1 : i32
    scf.for %scan3A_1335 = %scan3A_172 to %scan3A_174 step %scan3A_175  : i32 {
      %mul3A_1336 = arith.constant 1 : i32
      %mul3A_1337 = arith.muli %scan3A_1335, %mul3A_1336 : i32
      %add3A_1338 = arith.constant 0 : i32
      %add3A_1339 = arith.addi %add3A_1338, %mul3A_1337 : i32
      %mul3A_1340 = arith.constant 16 : i32
      %mul3A_1341 = arith.muli %add3A_1339, %mul3A_1340 : i32
      %add3A_1342 = arith.constant 16 : i32
      %add3A_1343 = arith.addi %add3A_1342, %mul3A_1341 : i32
      %get3A = arith.index_cast %add3A_1343 : i32 to index
      %get3A_1344 = tpu.vector_load %arg5[%get3A] {strides = array<i32>} : memref<272xi32, #tpu.memory_space<vmem>>, vector<16xi32>,
      %get3A_1345 = vector.shape_cast %get3A_1344 : vector<16xi32> to vector<16xi32>
      %sub3A = arith.constant 1 : i32
      %sub3A_1346 = arith.subi %add3A_1343, %sub3A : i32
      %get3A_1347 = arith.index_cast %sub3A_1346 : i32 to index
      %get3A_1348 = tpu.vector_load %arg5[%get3A_1347] {strides = array<i32>} : memref<272xi32, #tpu.memory_space<vmem>>, vector<16xi32>,
      %get3A_1349 = vector.shape_cast %get3A_1348 : vector<16xi32> to vector<16xi32>
      %mul3A_1350 = vector.broadcast %scan3A_169 : i32 to vector<16xi32>
      %mul3A_1351 = arith.muli %get3A_1345, %mul3A_1350 : vector<16xi32>
      %mul3A_1352 = vector.broadcast %scan3A_170 : i32 to vector<16xi32>
      %mul3A_1353 = arith.muli %get3A_1349, %mul3A_1352 : vector<16xi32>
      %add3A_1354 = arith.addi %mul3A_1351, %mul3A_1353 : vector<16xi32>
      %sub3A_1355 = arith.constant 2 : i32
      %sub3A_1356 = arith.subi %add3A_1343, %sub3A_1355 : i32
      %get3A_1357 = arith.index_cast %sub3A_1356 : i32 to index
      %get3A_1358 = tpu.vector_load %arg5[%get3A_1357] {strides = array<i32>} : memref<272xi32, #tpu.memory_space<vmem>>, vector<16xi32>,
      %get3A_1359 = vector.shape_cast %get3A_1358 : vector<16xi32> to vector<16xi32>
      %mul3A_1360 = vector.broadcast %scan3A_171 : i32 to vector<16xi32>
      %mul3A_1361 = arith.muli %get3A_1359, %mul3A_1360 : vector<16xi32>
      %add3A_1362 = arith.addi %add3A_1354, %mul3A_1361 : vector<16xi32>
      %bitcast3A = vector.bitcast %add3A_1362 : vector<16xi32> to vector<16xi32>
      %jit3A = arith.constant 100000 : i32
      %eq3A_1363 = arith.constant 0 : i32
      %eq3A_1364 = arith.cmpi eq, %jit3A, %eq3A_1363 : i32
      %jit3A_1365 = arith.constant 1 : i32
      %select_n3A = arith.select %eq3A_1364, %jit3A_1365, %jit3A : i32
      %rem3A_1366 = vector.broadcast %select_n3A : i32 to vector<16xi32>
      %rem3A_1367 = arith.remui %bitcast3A, %rem3A_1366 : vector<16xi32>
      %ne3A = arith.constant 0 : i32
      %ne3A_1368 = vector.broadcast %ne3A : i32 to vector<16xi32>
      %ne3A_1369 = arith.cmpi ne, %rem3A_1367, %ne3A_1368 : vector<16xi32>
      %lt3A = arith.constant 0 : i32
      %lt3A_1370 = vector.broadcast %lt3A : i32 to vector<16xi32>
      %lt3A_1371 = arith.cmpi ult, %rem3A_1367, %lt3A_1370 : vector<16xi32>
      %lt3A_1372 = arith.constant 0 : i32
      %lt3A_1373 = arith.cmpi ult, %select_n3A, %lt3A_1372 : i32
      %ne3A_1374 = vector.broadcast %lt3A_1373 : i1 to vector<16xi1>
      %ne3A_1375 = vector.broadcast %ne3A_1374 : vector<16xi1> to vector<16xi1>
      %ne3A_1376 = arith.xori %lt3A_1371, %ne3A_1375 : vector<16xi1>
      %and3A = arith.andi %ne3A_1376, %ne3A_1369 : vector<16xi1>
      %add3A_1377 = vector.broadcast %select_n3A : i32 to vector<16xi32>
      %add3A_1378 = arith.addi %rem3A_1367, %add3A_1377 : vector<16xi32>
      %select_n3A_1379 = arith.select %and3A, %add3A_1378, %rem3A_1367 : vector<16xi1>, vector<16xi32>
      %bitcast3A_1380 = vector.bitcast %select_n3A_1379 : vector<16xi32> to vector<16xi32>
      %mul3A_1381 = arith.constant 16 : i32
      %mul3A_1382 = arith.muli %add3A_1339, %mul3A_1381 : i32
      %swap3A = arith.constant 22 : i32
      %swap3A_1383 = arith.index_cast %swap3A : i32 to index
      %swap3A_1384 = arith.index_cast %mul3A_1382 : i32 to index
      %swap3A_1385 = tpu.vector_load %arg6[%swap3A_1383, %swap3A_1384] {strides = array<i32>} : memref<32x128xi32, #tpu.memory_space<vmem>>, vector<1x16xi32>,
      %swap3A_1386 = vector.shape_cast %swap3A_1385 : vector<1x16xi32> to vector<16xi32>
      %swap3A_1387 = vector.shape_cast %bitcast3A_1380 : vector<16xi32> to vector<1x16xi32>
      tpu.vector_store %arg6[%swap3A_1383, %swap3A_1384], %swap3A_1387 {strides = array<i32>} : memref<32x128xi32, #tpu.memory_space<vmem>>, vector<1x16xi32>,
    }
    %scan3A_176 = arith.constant 8 : i32
    %scan3A_177 = arith.constant -667887390 : i32
    %scan3A_178 = arith.constant -385472142 : i32
    %scan3A_179 = arith.constant 1443447322 : i32
    %scan3A_180 = arith.constant 0 : i32
    %scan3A_181 = arith.constant 8 : i32
    %scan3A_182 = arith.addi %scan3A_180, %scan3A_181 : i32
    %scan3A_183 = arith.constant 1 : i32
    scf.for %scan3A_1335 = %scan3A_180 to %scan3A_182 step %scan3A_183  : i32 {
      %mul3A_1336 = arith.constant 1 : i32
      %mul3A_1337 = arith.muli %scan3A_1335, %mul3A_1336 : i32
      %add3A_1338 = arith.constant 0 : i32
      %add3A_1339 = arith.addi %add3A_1338, %mul3A_1337 : i32
      %mul3A_1340 = arith.constant 16 : i32
      %mul3A_1341 = arith.muli %add3A_1339, %mul3A_1340 : i32
      %add3A_1342 = arith.constant 144 : i32
      %add3A_1343 = arith.addi %add3A_1342, %mul3A_1341 : i32
      %get3A = arith.index_cast %add3A_1343 : i32 to index
      %get3A_1344 = tpu.vector_load %arg5[%get3A] {strides = array<i32>} : memref<272xi32, #tpu.memory_space<vmem>>, vector<16xi32>,
      %get3A_1345 = vector.shape_cast %get3A_1344 : vector<16xi32> to vector<16xi32>
      %sub3A = arith.constant 1 : i32
      %sub3A_1346 = arith.subi %add3A_1343, %sub3A : i32
      %get3A_1347 = arith.index_cast %sub3A_1346 : i32 to index
      %get3A_1348 = tpu.vector_load %arg5[%get3A_1347] {strides = array<i32>} : memref<272xi32, #tpu.memory_space<vmem>>, vector<16xi32>,
      %get3A_1349 = vector.shape_cast %get3A_1348 : vector<16xi32> to vector<16xi32>
      %mul3A_1350 = vector.broadcast %scan3A_177 : i32 to vector<16xi32>
      %mul3A_1351 = arith.muli %get3A_1345, %mul3A_1350 : vector<16xi32>
      %mul3A_1352 = vector.broadcast %scan3A_178 : i32 to vector<16xi32>
      %mul3A_1353 = arith.muli %get3A_1349, %mul3A_1352 : vector<16xi32>
      %add3A_1354 = arith.addi %mul3A_1351, %mul3A_1353 : vector<16xi32>
      %sub3A_1355 = arith.constant 2 : i32
      %sub3A_1356 = arith.subi %add3A_1343, %sub3A_1355 : i32
      %get3A_1357 = arith.index_cast %sub3A_1356 : i32 to index
      %get3A_1358 = tpu.vector_load %arg5[%get3A_1357] {strides = array<i32>} : memref<272xi32, #tpu.memory_space<vmem>>, vector<16xi32>,
      %get3A_1359 = vector.shape_cast %get3A_1358 : vector<16xi32> to vector<16xi32>
      %mul3A_1360 = vector.broadcast %scan3A_179 : i32 to vector<16xi32>
      %mul3A_1361 = arith.muli %get3A_1359, %mul3A_1360 : vector<16xi32>
      %add3A_1362 = arith.addi %add3A_1354, %mul3A_1361 : vector<16xi32>
      %bitcast3A = vector.bitcast %add3A_1362 : vector<16xi32> to vector<16xi32>
      %jit3A = arith.constant 100000 : i32
      %eq3A_1363 = arith.constant 0 : i32
      %eq3A_1364 = arith.cmpi eq, %jit3A, %eq3A_1363 : i32
      %jit3A_1365 = arith.constant 1 : i32
      %select_n3A = arith.select %eq3A_1364, %jit3A_1365, %jit3A : i32
      %rem3A_1366 = vector.broadcast %select_n3A : i32 to vector<16xi32>
      %rem3A_1367 = arith.remui %bitcast3A, %rem3A_1366 : vector<16xi32>
      %ne3A = arith.constant 0 : i32
      %ne3A_1368 = vector.broadcast %ne3A : i32 to vector<16xi32>
      %ne3A_1369 = arith.cmpi ne, %rem3A_1367, %ne3A_1368 : vector<16xi32>
      %lt3A = arith.constant 0 : i32
      %lt3A_1370 = vector.broadcast %lt3A : i32 to vector<16xi32>
      %lt3A_1371 = arith.cmpi ult, %rem3A_1367, %lt3A_1370 : vector<16xi32>
      %lt3A_1372 = arith.constant 0 : i32
      %lt3A_1373 = arith.cmpi ult, %select_n3A, %lt3A_1372 : i32
      %ne3A_1374 = vector.broadcast %lt3A_1373 : i1 to vector<16xi1>
      %ne3A_1375 = vector.broadcast %ne3A_1374 : vector<16xi1> to vector<16xi1>
      %ne3A_1376 = arith.xori %lt3A_1371, %ne3A_1375 : vector<16xi1>
      %and3A = arith.andi %ne3A_1376, %ne3A_1369 : vector<16xi1>
      %add3A_1377 = vector.broadcast %select_n3A : i32 to vector<16xi32>
      %add3A_1378 = arith.addi %rem3A_1367, %add3A_1377 : vector<16xi32>
      %select_n3A_1379 = arith.select %and3A, %add3A_1378, %rem3A_1367 : vector<16xi1>, vector<16xi32>
      %bitcast3A_1380 = vector.bitcast %select_n3A_1379 : vector<16xi32> to vector<16xi32>
      %mul3A_1381 = arith.constant 16 : i32
      %mul3A_1382 = arith.muli %add3A_1339, %mul3A_1381 : i32
      %swap3A = arith.constant 23 : i32
      %swap3A_1383 = arith.index_cast %swap3A : i32 to index
      %swap3A_1384 = arith.index_cast %mul3A_1382 : i32 to index
      %swap3A_1385 = tpu.vector_load %arg6[%swap3A_1383, %swap3A_1384] {strides = array<i32>} : memref<32x128xi32, #tpu.memory_space<vmem>>, vector<1x16xi32>,
      %swap3A_1386 = vector.shape_cast %swap3A_1385 : vector<1x16xi32> to vector<16xi32>
      %swap3A_1387 = vector.shape_cast %bitcast3A_1380 : vector<16xi32> to vector<1x16xi32>
      tpu.vector_store %arg6[%swap3A_1383, %swap3A_1384], %swap3A_1387 {strides = array<i32>} : memref<32x128xi32, #tpu.memory_space<vmem>>, vector<1x16xi32>,
    }
    %scan3A_184 = arith.constant 8 : i32
    %scan3A_185 = arith.constant -1238416706 : i32
    %scan3A_186 = arith.constant 747547931 : i32
    %scan3A_187 = arith.constant 374217482 : i32
    %scan3A_188 = arith.constant 0 : i32
    %scan3A_189 = arith.constant 8 : i32
    %scan3A_190 = arith.addi %scan3A_188, %scan3A_189 : i32
    %scan3A_191 = arith.constant 1 : i32
    scf.for %scan3A_1335 = %scan3A_188 to %scan3A_190 step %scan3A_191  : i32 {
      %mul3A_1336 = arith.constant 1 : i32
      %mul3A_1337 = arith.muli %scan3A_1335, %mul3A_1336 : i32
      %add3A_1338 = arith.constant 0 : i32
      %add3A_1339 = arith.addi %add3A_1338, %mul3A_1337 : i32
      %mul3A_1340 = arith.constant 16 : i32
      %mul3A_1341 = arith.muli %add3A_1339, %mul3A_1340 : i32
      %add3A_1342 = arith.constant 16 : i32
      %add3A_1343 = arith.addi %add3A_1342, %mul3A_1341 : i32
      %get3A = arith.index_cast %add3A_1343 : i32 to index
      %get3A_1344 = tpu.vector_load %arg5[%get3A] {strides = array<i32>} : memref<272xi32, #tpu.memory_space<vmem>>, vector<16xi32>,
      %get3A_1345 = vector.shape_cast %get3A_1344 : vector<16xi32> to vector<16xi32>
      %sub3A = arith.constant 1 : i32
      %sub3A_1346 = arith.subi %add3A_1343, %sub3A : i32
      %get3A_1347 = arith.index_cast %sub3A_1346 : i32 to index
      %get3A_1348 = tpu.vector_load %arg5[%get3A_1347] {strides = array<i32>} : memref<272xi32, #tpu.memory_space<vmem>>, vector<16xi32>,
      %get3A_1349 = vector.shape_cast %get3A_1348 : vector<16xi32> to vector<16xi32>
      %mul3A_1350 = vector.broadcast %scan3A_185 : i32 to vector<16xi32>
      %mul3A_1351 = arith.muli %get3A_1345, %mul3A_1350 : vector<16xi32>
      %mul3A_1352 = vector.broadcast %scan3A_186 : i32 to vector<16xi32>
      %mul3A_1353 = arith.muli %get3A_1349, %mul3A_1352 : vector<16xi32>
      %add3A_1354 = arith.addi %mul3A_1351, %mul3A_1353 : vector<16xi32>
      %sub3A_1355 = arith.constant 2 : i32
      %sub3A_1356 = arith.subi %add3A_1343, %sub3A_1355 : i32
      %get3A_1357 = arith.index_cast %sub3A_1356 : i32 to index
      %get3A_1358 = tpu.vector_load %arg5[%get3A_1357] {strides = array<i32>} : memref<272xi32, #tpu.memory_space<vmem>>, vector<16xi32>,
      %get3A_1359 = vector.shape_cast %get3A_1358 : vector<16xi32> to vector<16xi32>
      %mul3A_1360 = vector.broadcast %scan3A_187 : i32 to vector<16xi32>
      %mul3A_1361 = arith.muli %get3A_1359, %mul3A_1360 : vector<16xi32>
      %add3A_1362 = arith.addi %add3A_1354, %mul3A_1361 : vector<16xi32>
      %bitcast3A = vector.bitcast %add3A_1362 : vector<16xi32> to vector<16xi32>
      %jit3A = arith.constant 100000 : i32
      %eq3A_1363 = arith.constant 0 : i32
      %eq3A_1364 = arith.cmpi eq, %jit3A, %eq3A_1363 : i32
      %jit3A_1365 = arith.constant 1 : i32
      %select_n3A = arith.select %eq3A_1364, %jit3A_1365, %jit3A : i32
      %rem3A_1366 = vector.broadcast %select_n3A : i32 to vector<16xi32>
      %rem3A_1367 = arith.remui %bitcast3A, %rem3A_1366 : vector<16xi32>
      %ne3A = arith.constant 0 : i32
      %ne3A_1368 = vector.broadcast %ne3A : i32 to vector<16xi32>
      %ne3A_1369 = arith.cmpi ne, %rem3A_1367, %ne3A_1368 : vector<16xi32>
      %lt3A = arith.constant 0 : i32
      %lt3A_1370 = vector.broadcast %lt3A : i32 to vector<16xi32>
      %lt3A_1371 = arith.cmpi ult, %rem3A_1367, %lt3A_1370 : vector<16xi32>
      %lt3A_1372 = arith.constant 0 : i32
      %lt3A_1373 = arith.cmpi ult, %select_n3A, %lt3A_1372 : i32
      %ne3A_1374 = vector.broadcast %lt3A_1373 : i1 to vector<16xi1>
      %ne3A_1375 = vector.broadcast %ne3A_1374 : vector<16xi1> to vector<16xi1>
      %ne3A_1376 = arith.xori %lt3A_1371, %ne3A_1375 : vector<16xi1>
      %and3A = arith.andi %ne3A_1376, %ne3A_1369 : vector<16xi1>
      %add3A_1377 = vector.broadcast %select_n3A : i32 to vector<16xi32>
      %add3A_1378 = arith.addi %rem3A_1367, %add3A_1377 : vector<16xi32>
      %select_n3A_1379 = arith.select %and3A, %add3A_1378, %rem3A_1367 : vector<16xi1>, vector<16xi32>
      %bitcast3A_1380 = vector.bitcast %select_n3A_1379 : vector<16xi32> to vector<16xi32>
      %mul3A_1381 = arith.constant 16 : i32
      %mul3A_1382 = arith.muli %add3A_1339, %mul3A_1381 : i32
      %swap3A = arith.constant 24 : i32
      %swap3A_1383 = arith.index_cast %swap3A : i32 to index
      %swap3A_1384 = arith.index_cast %mul3A_1382 : i32 to index
      %swap3A_1385 = tpu.vector_load %arg6[%swap3A_1383, %swap3A_1384] {strides = array<i32>} : memref<32x128xi32, #tpu.memory_space<vmem>>, vector<1x16xi32>,
      %swap3A_1386 = vector.shape_cast %swap3A_1385 : vector<1x16xi32> to vector<16xi32>
      %swap3A_1387 = vector.shape_cast %bitcast3A_1380 : vector<16xi32> to vector<1x16xi32>
      tpu.vector_store %arg6[%swap3A_1383, %swap3A_1384], %swap3A_1387 {strides = array<i32>} : memref<32x128xi32, #tpu.memory_space<vmem>>, vector<1x16xi32>,
    }
    %scan3A_192 = arith.constant 8 : i32
    %scan3A_193 = arith.constant -1238416706 : i32
    %scan3A_194 = arith.constant 747547931 : i32
    %scan3A_195 = arith.constant 374217482 : i32
    %scan3A_196 = arith.constant 0 : i32
    %scan3A_197 = arith.constant 8 : i32
    %scan3A_198 = arith.addi %scan3A_196, %scan3A_197 : i32
    %scan3A_199 = arith.constant 1 : i32
    scf.for %scan3A_1335 = %scan3A_196 to %scan3A_198 step %scan3A_199  : i32 {
      %mul3A_1336 = arith.constant 1 : i32
      %mul3A_1337 = arith.muli %scan3A_1335, %mul3A_1336 : i32
      %add3A_1338 = arith.constant 0 : i32
      %add3A_1339 = arith.addi %add3A_1338, %mul3A_1337 : i32
      %mul3A_1340 = arith.constant 16 : i32
      %mul3A_1341 = arith.muli %add3A_1339, %mul3A_1340 : i32
      %add3A_1342 = arith.constant 144 : i32
      %add3A_1343 = arith.addi %add3A_1342, %mul3A_1341 : i32
      %get3A = arith.index_cast %add3A_1343 : i32 to index
      %get3A_1344 = tpu.vector_load %arg5[%get3A] {strides = array<i32>} : memref<272xi32, #tpu.memory_space<vmem>>, vector<16xi32>,
      %get3A_1345 = vector.shape_cast %get3A_1344 : vector<16xi32> to vector<16xi32>
      %sub3A = arith.constant 1 : i32
      %sub3A_1346 = arith.subi %add3A_1343, %sub3A : i32
      %get3A_1347 = arith.index_cast %sub3A_1346 : i32 to index
      %get3A_1348 = tpu.vector_load %arg5[%get3A_1347] {strides = array<i32>} : memref<272xi32, #tpu.memory_space<vmem>>, vector<16xi32>,
      %get3A_1349 = vector.shape_cast %get3A_1348 : vector<16xi32> to vector<16xi32>
      %mul3A_1350 = vector.broadcast %scan3A_193 : i32 to vector<16xi32>
      %mul3A_1351 = arith.muli %get3A_1345, %mul3A_1350 : vector<16xi32>
      %mul3A_1352 = vector.broadcast %scan3A_194 : i32 to vector<16xi32>
      %mul3A_1353 = arith.muli %get3A_1349, %mul3A_1352 : vector<16xi32>
      %add3A_1354 = arith.addi %mul3A_1351, %mul3A_1353 : vector<16xi32>
      %sub3A_1355 = arith.constant 2 : i32
      %sub3A_1356 = arith.subi %add3A_1343, %sub3A_1355 : i32
      %get3A_1357 = arith.index_cast %sub3A_1356 : i32 to index
      %get3A_1358 = tpu.vector_load %arg5[%get3A_1357] {strides = array<i32>} : memref<272xi32, #tpu.memory_space<vmem>>, vector<16xi32>,
      %get3A_1359 = vector.shape_cast %get3A_1358 : vector<16xi32> to vector<16xi32>
      %mul3A_1360 = vector.broadcast %scan3A_195 : i32 to vector<16xi32>
      %mul3A_1361 = arith.muli %get3A_1359, %mul3A_1360 : vector<16xi32>
      %add3A_1362 = arith.addi %add3A_1354, %mul3A_1361 : vector<16xi32>
      %bitcast3A = vector.bitcast %add3A_1362 : vector<16xi32> to vector<16xi32>
      %jit3A = arith.constant 100000 : i32
      %eq3A_1363 = arith.constant 0 : i32
      %eq3A_1364 = arith.cmpi eq, %jit3A, %eq3A_1363 : i32
      %jit3A_1365 = arith.constant 1 : i32
      %select_n3A = arith.select %eq3A_1364, %jit3A_1365, %jit3A : i32
      %rem3A_1366 = vector.broadcast %select_n3A : i32 to vector<16xi32>
      %rem3A_1367 = arith.remui %bitcast3A, %rem3A_1366 : vector<16xi32>
      %ne3A = arith.constant 0 : i32
      %ne3A_1368 = vector.broadcast %ne3A : i32 to vector<16xi32>
      %ne3A_1369 = arith.cmpi ne, %rem3A_1367, %ne3A_1368 : vector<16xi32>
      %lt3A = arith.constant 0 : i32
      %lt3A_1370 = vector.broadcast %lt3A : i32 to vector<16xi32>
      %lt3A_1371 = arith.cmpi ult, %rem3A_1367, %lt3A_1370 : vector<16xi32>
      %lt3A_1372 = arith.constant 0 : i32
      %lt3A_1373 = arith.cmpi ult, %select_n3A, %lt3A_1372 : i32
      %ne3A_1374 = vector.broadcast %lt3A_1373 : i1 to vector<16xi1>
      %ne3A_1375 = vector.broadcast %ne3A_1374 : vector<16xi1> to vector<16xi1>
      %ne3A_1376 = arith.xori %lt3A_1371, %ne3A_1375 : vector<16xi1>
      %and3A = arith.andi %ne3A_1376, %ne3A_1369 : vector<16xi1>
      %add3A_1377 = vector.broadcast %select_n3A : i32 to vector<16xi32>
      %add3A_1378 = arith.addi %rem3A_1367, %add3A_1377 : vector<16xi32>
      %select_n3A_1379 = arith.select %and3A, %add3A_1378, %rem3A_1367 : vector<16xi1>, vector<16xi32>
      %bitcast3A_1380 = vector.bitcast %select_n3A_1379 : vector<16xi32> to vector<16xi32>
      %mul3A_1381 = arith.constant 16 : i32
      %mul3A_1382 = arith.muli %add3A_1339, %mul3A_1381 : i32
      %swap3A = arith.constant 25 : i32
      %swap3A_1383 = arith.index_cast %swap3A : i32 to index
      %swap3A_1384 = arith.index_cast %mul3A_1382 : i32 to index
      %swap3A_1385 = tpu.vector_load %arg6[%swap3A_1383, %swap3A_1384] {strides = array<i32>} : memref<32x128xi32, #tpu.memory_space<vmem>>, vector<1x16xi32>,
      %swap3A_1386 = vector.shape_cast %swap3A_1385 : vector<1x16xi32> to vector<16xi32>
      %swap3A_1387 = vector.shape_cast %bitcast3A_1380 : vector<16xi32> to vector<1x16xi32>
      tpu.vector_store %arg6[%swap3A_1383, %swap3A_1384], %swap3A_1387 {strides = array<i32>} : memref<32x128xi32, #tpu.memory_space<vmem>>, vector<1x16xi32>,
    }
    %scan3A_200 = arith.constant 8 : i32
    %scan3A_201 = arith.constant -1733984323 : i32
    %scan3A_202 = arith.constant 1975721564 : i32
    %scan3A_203 = arith.constant 1581585361 : i32
    %scan3A_204 = arith.constant 0 : i32
    %scan3A_205 = arith.constant 8 : i32
    %scan3A_206 = arith.addi %scan3A_204, %scan3A_205 : i32
    %scan3A_207 = arith.constant 1 : i32
    scf.for %scan3A_1335 = %scan3A_204 to %scan3A_206 step %scan3A_207  : i32 {
      %mul3A_1336 = arith.constant 1 : i32
      %mul3A_1337 = arith.muli %scan3A_1335, %mul3A_1336 : i32
      %add3A_1338 = arith.constant 0 : i32
      %add3A_1339 = arith.addi %add3A_1338, %mul3A_1337 : i32
      %mul3A_1340 = arith.constant 16 : i32
      %mul3A_1341 = arith.muli %add3A_1339, %mul3A_1340 : i32
      %add3A_1342 = arith.constant 16 : i32
      %add3A_1343 = arith.addi %add3A_1342, %mul3A_1341 : i32
      %get3A = arith.index_cast %add3A_1343 : i32 to index
      %get3A_1344 = tpu.vector_load %arg5[%get3A] {strides = array<i32>} : memref<272xi32, #tpu.memory_space<vmem>>, vector<16xi32>,
      %get3A_1345 = vector.shape_cast %get3A_1344 : vector<16xi32> to vector<16xi32>
      %sub3A = arith.constant 1 : i32
      %sub3A_1346 = arith.subi %add3A_1343, %sub3A : i32
      %get3A_1347 = arith.index_cast %sub3A_1346 : i32 to index
      %get3A_1348 = tpu.vector_load %arg5[%get3A_1347] {strides = array<i32>} : memref<272xi32, #tpu.memory_space<vmem>>, vector<16xi32>,
      %get3A_1349 = vector.shape_cast %get3A_1348 : vector<16xi32> to vector<16xi32>
      %mul3A_1350 = vector.broadcast %scan3A_201 : i32 to vector<16xi32>
      %mul3A_1351 = arith.muli %get3A_1345, %mul3A_1350 : vector<16xi32>
      %mul3A_1352 = vector.broadcast %scan3A_202 : i32 to vector<16xi32>
      %mul3A_1353 = arith.muli %get3A_1349, %mul3A_1352 : vector<16xi32>
      %add3A_1354 = arith.addi %mul3A_1351, %mul3A_1353 : vector<16xi32>
      %sub3A_1355 = arith.constant 2 : i32
      %sub3A_1356 = arith.subi %add3A_1343, %sub3A_1355 : i32
      %get3A_1357 = arith.index_cast %sub3A_1356 : i32 to index
      %get3A_1358 = tpu.vector_load %arg5[%get3A_1357] {strides = array<i32>} : memref<272xi32, #tpu.memory_space<vmem>>, vector<16xi32>,
      %get3A_1359 = vector.shape_cast %get3A_1358 : vector<16xi32> to vector<16xi32>
      %mul3A_1360 = vector.broadcast %scan3A_203 : i32 to vector<16xi32>
      %mul3A_1361 = arith.muli %get3A_1359, %mul3A_1360 : vector<16xi32>
      %add3A_1362 = arith.addi %add3A_1354, %mul3A_1361 : vector<16xi32>
      %bitcast3A = vector.bitcast %add3A_1362 : vector<16xi32> to vector<16xi32>
      %jit3A = arith.constant 100000 : i32
      %eq3A_1363 = arith.constant 0 : i32
      %eq3A_1364 = arith.cmpi eq, %jit3A, %eq3A_1363 : i32
      %jit3A_1365 = arith.constant 1 : i32
      %select_n3A = arith.select %eq3A_1364, %jit3A_1365, %jit3A : i32
      %rem3A_1366 = vector.broadcast %select_n3A : i32 to vector<16xi32>
      %rem3A_1367 = arith.remui %bitcast3A, %rem3A_1366 : vector<16xi32>
      %ne3A = arith.constant 0 : i32
      %ne3A_1368 = vector.broadcast %ne3A : i32 to vector<16xi32>
      %ne3A_1369 = arith.cmpi ne, %rem3A_1367, %ne3A_1368 : vector<16xi32>
      %lt3A = arith.constant 0 : i32
      %lt3A_1370 = vector.broadcast %lt3A : i32 to vector<16xi32>
      %lt3A_1371 = arith.cmpi ult, %rem3A_1367, %lt3A_1370 : vector<16xi32>
      %lt3A_1372 = arith.constant 0 : i32
      %lt3A_1373 = arith.cmpi ult, %select_n3A, %lt3A_1372 : i32
      %ne3A_1374 = vector.broadcast %lt3A_1373 : i1 to vector<16xi1>
      %ne3A_1375 = vector.broadcast %ne3A_1374 : vector<16xi1> to vector<16xi1>
      %ne3A_1376 = arith.xori %lt3A_1371, %ne3A_1375 : vector<16xi1>
      %and3A = arith.andi %ne3A_1376, %ne3A_1369 : vector<16xi1>
      %add3A_1377 = vector.broadcast %select_n3A : i32 to vector<16xi32>
      %add3A_1378 = arith.addi %rem3A_1367, %add3A_1377 : vector<16xi32>
      %select_n3A_1379 = arith.select %and3A, %add3A_1378, %rem3A_1367 : vector<16xi1>, vector<16xi32>
      %bitcast3A_1380 = vector.bitcast %select_n3A_1379 : vector<16xi32> to vector<16xi32>
      %mul3A_1381 = arith.constant 16 : i32
      %mul3A_1382 = arith.muli %add3A_1339, %mul3A_1381 : i32
      %swap3A = arith.constant 26 : i32
      %swap3A_1383 = arith.index_cast %swap3A : i32 to index
      %swap3A_1384 = arith.index_cast %mul3A_1382 : i32 to index
      %swap3A_1385 = tpu.vector_load %arg6[%swap3A_1383, %swap3A_1384] {strides = array<i32>} : memref<32x128xi32, #tpu.memory_space<vmem>>, vector<1x16xi32>,
      %swap3A_1386 = vector.shape_cast %swap3A_1385 : vector<1x16xi32> to vector<16xi32>
      %swap3A_1387 = vector.shape_cast %bitcast3A_1380 : vector<16xi32> to vector<1x16xi32>
      tpu.vector_store %arg6[%swap3A_1383, %swap3A_1384], %swap3A_1387 {strides = array<i32>} : memref<32x128xi32, #tpu.memory_space<vmem>>, vector<1x16xi32>,
    }
    %scan3A_208 = arith.constant 8 : i32
    %scan3A_209 = arith.constant -1733984323 : i32
    %scan3A_210 = arith.constant 1975721564 : i32
    %scan3A_211 = arith.constant 1581585361 : i32
    %scan3A_212 = arith.constant 0 : i32
    %scan3A_213 = arith.constant 8 : i32
    %scan3A_214 = arith.addi %scan3A_212, %scan3A_213 : i32
    %scan3A_215 = arith.constant 1 : i32
    scf.for %scan3A_1335 = %scan3A_212 to %scan3A_214 step %scan3A_215  : i32 {
      %mul3A_1336 = arith.constant 1 : i32
      %mul3A_1337 = arith.muli %scan3A_1335, %mul3A_1336 : i32
      %add3A_1338 = arith.constant 0 : i32
      %add3A_1339 = arith.addi %add3A_1338, %mul3A_1337 : i32
      %mul3A_1340 = arith.constant 16 : i32
      %mul3A_1341 = arith.muli %add3A_1339, %mul3A_1340 : i32
      %add3A_1342 = arith.constant 144 : i32
      %add3A_1343 = arith.addi %add3A_1342, %mul3A_1341 : i32
      %get3A = arith.index_cast %add3A_1343 : i32 to index
      %get3A_1344 = tpu.vector_load %arg5[%get3A] {strides = array<i32>} : memref<272xi32, #tpu.memory_space<vmem>>, vector<16xi32>,
      %get3A_1345 = vector.shape_cast %get3A_1344 : vector<16xi32> to vector<16xi32>
      %sub3A = arith.constant 1 : i32
      %sub3A_1346 = arith.subi %add3A_1343, %sub3A : i32
      %get3A_1347 = arith.index_cast %sub3A_1346 : i32 to index
      %get3A_1348 = tpu.vector_load %arg5[%get3A_1347] {strides = array<i32>} : memref<272xi32, #tpu.memory_space<vmem>>, vector<16xi32>,
      %get3A_1349 = vector.shape_cast %get3A_1348 : vector<16xi32> to vector<16xi32>
      %mul3A_1350 = vector.broadcast %scan3A_209 : i32 to vector<16xi32>
      %mul3A_1351 = arith.muli %get3A_1345, %mul3A_1350 : vector<16xi32>
      %mul3A_1352 = vector.broadcast %scan3A_210 : i32 to vector<16xi32>
      %mul3A_1353 = arith.muli %get3A_1349, %mul3A_1352 : vector<16xi32>
      %add3A_1354 = arith.addi %mul3A_1351, %mul3A_1353 : vector<16xi32>
      %sub3A_1355 = arith.constant 2 : i32
      %sub3A_1356 = arith.subi %add3A_1343, %sub3A_1355 : i32
      %get3A_1357 = arith.index_cast %sub3A_1356 : i32 to index
      %get3A_1358 = tpu.vector_load %arg5[%get3A_1357] {strides = array<i32>} : memref<272xi32, #tpu.memory_space<vmem>>, vector<16xi32>,
      %get3A_1359 = vector.shape_cast %get3A_1358 : vector<16xi32> to vector<16xi32>
      %mul3A_1360 = vector.broadcast %scan3A_211 : i32 to vector<16xi32>
      %mul3A_1361 = arith.muli %get3A_1359, %mul3A_1360 : vector<16xi32>
      %add3A_1362 = arith.addi %add3A_1354, %mul3A_1361 : vector<16xi32>
      %bitcast3A = vector.bitcast %add3A_1362 : vector<16xi32> to vector<16xi32>
      %jit3A = arith.constant 100000 : i32
      %eq3A_1363 = arith.constant 0 : i32
      %eq3A_1364 = arith.cmpi eq, %jit3A, %eq3A_1363 : i32
      %jit3A_1365 = arith.constant 1 : i32
      %select_n3A = arith.select %eq3A_1364, %jit3A_1365, %jit3A : i32
      %rem3A_1366 = vector.broadcast %select_n3A : i32 to vector<16xi32>
      %rem3A_1367 = arith.remui %bitcast3A, %rem3A_1366 : vector<16xi32>
      %ne3A = arith.constant 0 : i32
      %ne3A_1368 = vector.broadcast %ne3A : i32 to vector<16xi32>
      %ne3A_1369 = arith.cmpi ne, %rem3A_1367, %ne3A_1368 : vector<16xi32>
      %lt3A = arith.constant 0 : i32
      %lt3A_1370 = vector.broadcast %lt3A : i32 to vector<16xi32>
      %lt3A_1371 = arith.cmpi ult, %rem3A_1367, %lt3A_1370 : vector<16xi32>
      %lt3A_1372 = arith.constant 0 : i32
      %lt3A_1373 = arith.cmpi ult, %select_n3A, %lt3A_1372 : i32
      %ne3A_1374 = vector.broadcast %lt3A_1373 : i1 to vector<16xi1>
      %ne3A_1375 = vector.broadcast %ne3A_1374 : vector<16xi1> to vector<16xi1>
      %ne3A_1376 = arith.xori %lt3A_1371, %ne3A_1375 : vector<16xi1>
      %and3A = arith.andi %ne3A_1376, %ne3A_1369 : vector<16xi1>
      %add3A_1377 = vector.broadcast %select_n3A : i32 to vector<16xi32>
      %add3A_1378 = arith.addi %rem3A_1367, %add3A_1377 : vector<16xi32>
      %select_n3A_1379 = arith.select %and3A, %add3A_1378, %rem3A_1367 : vector<16xi1>, vector<16xi32>
      %bitcast3A_1380 = vector.bitcast %select_n3A_1379 : vector<16xi32> to vector<16xi32>
      %mul3A_1381 = arith.constant 16 : i32
      %mul3A_1382 = arith.muli %add3A_1339, %mul3A_1381 : i32
      %swap3A = arith.constant 27 : i32
      %swap3A_1383 = arith.index_cast %swap3A : i32 to index
      %swap3A_1384 = arith.index_cast %mul3A_1382 : i32 to index
      %swap3A_1385 = tpu.vector_load %arg6[%swap3A_1383, %swap3A_1384] {strides = array<i32>} : memref<32x128xi32, #tpu.memory_space<vmem>>, vector<1x16xi32>,
      %swap3A_1386 = vector.shape_cast %swap3A_1385 : vector<1x16xi32> to vector<16xi32>
      %swap3A_1387 = vector.shape_cast %bitcast3A_1380 : vector<16xi32> to vector<1x16xi32>
      tpu.vector_store %arg6[%swap3A_1383, %swap3A_1384], %swap3A_1387 {strides = array<i32>} : memref<32x128xi32, #tpu.memory_space<vmem>>, vector<1x16xi32>,
    }
    %scan3A_216 = arith.constant 8 : i32
    %scan3A_217 = arith.constant 1036273812 : i32
    %scan3A_218 = arith.constant -2035738158 : i32
    %scan3A_219 = arith.constant 1194674175 : i32
    %scan3A_220 = arith.constant 0 : i32
    %scan3A_221 = arith.constant 8 : i32
    %scan3A_222 = arith.addi %scan3A_220, %scan3A_221 : i32
    %scan3A_223 = arith.constant 1 : i32
    scf.for %scan3A_1335 = %scan3A_220 to %scan3A_222 step %scan3A_223  : i32 {
      %mul3A_1336 = arith.constant 1 : i32
      %mul3A_1337 = arith.muli %scan3A_1335, %mul3A_1336 : i32
      %add3A_1338 = arith.constant 0 : i32
      %add3A_1339 = arith.addi %add3A_1338, %mul3A_1337 : i32
      %mul3A_1340 = arith.constant 16 : i32
      %mul3A_1341 = arith.muli %add3A_1339, %mul3A_1340 : i32
      %add3A_1342 = arith.constant 16 : i32
      %add3A_1343 = arith.addi %add3A_1342, %mul3A_1341 : i32
      %get3A = arith.index_cast %add3A_1343 : i32 to index
      %get3A_1344 = tpu.vector_load %arg5[%get3A] {strides = array<i32>} : memref<272xi32, #tpu.memory_space<vmem>>, vector<16xi32>,
      %get3A_1345 = vector.shape_cast %get3A_1344 : vector<16xi32> to vector<16xi32>
      %sub3A = arith.constant 1 : i32
      %sub3A_1346 = arith.subi %add3A_1343, %sub3A : i32
      %get3A_1347 = arith.index_cast %sub3A_1346 : i32 to index
      %get3A_1348 = tpu.vector_load %arg5[%get3A_1347] {strides = array<i32>} : memref<272xi32, #tpu.memory_space<vmem>>, vector<16xi32>,
      %get3A_1349 = vector.shape_cast %get3A_1348 : vector<16xi32> to vector<16xi32>
      %mul3A_1350 = vector.broadcast %scan3A_217 : i32 to vector<16xi32>
      %mul3A_1351 = arith.muli %get3A_1345, %mul3A_1350 : vector<16xi32>
      %mul3A_1352 = vector.broadcast %scan3A_218 : i32 to vector<16xi32>
      %mul3A_1353 = arith.muli %get3A_1349, %mul3A_1352 : vector<16xi32>
      %add3A_1354 = arith.addi %mul3A_1351, %mul3A_1353 : vector<16xi32>
      %sub3A_1355 = arith.constant 2 : i32
      %sub3A_1356 = arith.subi %add3A_1343, %sub3A_1355 : i32
      %get3A_1357 = arith.index_cast %sub3A_1356 : i32 to index
      %get3A_1358 = tpu.vector_load %arg5[%get3A_1357] {strides = array<i32>} : memref<272xi32, #tpu.memory_space<vmem>>, vector<16xi32>,
      %get3A_1359 = vector.shape_cast %get3A_1358 : vector<16xi32> to vector<16xi32>
      %mul3A_1360 = vector.broadcast %scan3A_219 : i32 to vector<16xi32>
      %mul3A_1361 = arith.muli %get3A_1359, %mul3A_1360 : vector<16xi32>
      %add3A_1362 = arith.addi %add3A_1354, %mul3A_1361 : vector<16xi32>
      %bitcast3A = vector.bitcast %add3A_1362 : vector<16xi32> to vector<16xi32>
      %jit3A = arith.constant 100000 : i32
      %eq3A_1363 = arith.constant 0 : i32
      %eq3A_1364 = arith.cmpi eq, %jit3A, %eq3A_1363 : i32
      %jit3A_1365 = arith.constant 1 : i32
      %select_n3A = arith.select %eq3A_1364, %jit3A_1365, %jit3A : i32
      %rem3A_1366 = vector.broadcast %select_n3A : i32 to vector<16xi32>
      %rem3A_1367 = arith.remui %bitcast3A, %rem3A_1366 : vector<16xi32>
      %ne3A = arith.constant 0 : i32
      %ne3A_1368 = vector.broadcast %ne3A : i32 to vector<16xi32>
      %ne3A_1369 = arith.cmpi ne, %rem3A_1367, %ne3A_1368 : vector<16xi32>
      %lt3A = arith.constant 0 : i32
      %lt3A_1370 = vector.broadcast %lt3A : i32 to vector<16xi32>
      %lt3A_1371 = arith.cmpi ult, %rem3A_1367, %lt3A_1370 : vector<16xi32>
      %lt3A_1372 = arith.constant 0 : i32
      %lt3A_1373 = arith.cmpi ult, %select_n3A, %lt3A_1372 : i32
      %ne3A_1374 = vector.broadcast %lt3A_1373 : i1 to vector<16xi1>
      %ne3A_1375 = vector.broadcast %ne3A_1374 : vector<16xi1> to vector<16xi1>
      %ne3A_1376 = arith.xori %lt3A_1371, %ne3A_1375 : vector<16xi1>
      %and3A = arith.andi %ne3A_1376, %ne3A_1369 : vector<16xi1>
      %add3A_1377 = vector.broadcast %select_n3A : i32 to vector<16xi32>
      %add3A_1378 = arith.addi %rem3A_1367, %add3A_1377 : vector<16xi32>
      %select_n3A_1379 = arith.select %and3A, %add3A_1378, %rem3A_1367 : vector<16xi1>, vector<16xi32>
      %bitcast3A_1380 = vector.bitcast %select_n3A_1379 : vector<16xi32> to vector<16xi32>
      %mul3A_1381 = arith.constant 16 : i32
      %mul3A_1382 = arith.muli %add3A_1339, %mul3A_1381 : i32
      %swap3A = arith.constant 28 : i32
      %swap3A_1383 = arith.index_cast %swap3A : i32 to index
      %swap3A_1384 = arith.index_cast %mul3A_1382 : i32 to index
      %swap3A_1385 = tpu.vector_load %arg6[%swap3A_1383, %swap3A_1384] {strides = array<i32>} : memref<32x128xi32, #tpu.memory_space<vmem>>, vector<1x16xi32>,
      %swap3A_1386 = vector.shape_cast %swap3A_1385 : vector<1x16xi32> to vector<16xi32>
      %swap3A_1387 = vector.shape_cast %bitcast3A_1380 : vector<16xi32> to vector<1x16xi32>
      tpu.vector_store %arg6[%swap3A_1383, %swap3A_1384], %swap3A_1387 {strides = array<i32>} : memref<32x128xi32, #tpu.memory_space<vmem>>, vector<1x16xi32>,
    }
    %scan3A_224 = arith.constant 8 : i32
    %scan3A_225 = arith.constant 1036273812 : i32
    %scan3A_226 = arith.constant -2035738158 : i32
    %scan3A_227 = arith.constant 1194674175 : i32
    %scan3A_228 = arith.constant 0 : i32
    %scan3A_229 = arith.constant 8 : i32
    %scan3A_230 = arith.addi %scan3A_228, %scan3A_229 : i32
    %scan3A_231 = arith.constant 1 : i32
    scf.for %scan3A_1335 = %scan3A_228 to %scan3A_230 step %scan3A_231  : i32 {
      %mul3A_1336 = arith.constant 1 : i32
      %mul3A_1337 = arith.muli %scan3A_1335, %mul3A_1336 : i32
      %add3A_1338 = arith.constant 0 : i32
      %add3A_1339 = arith.addi %add3A_1338, %mul3A_1337 : i32
      %mul3A_1340 = arith.constant 16 : i32
      %mul3A_1341 = arith.muli %add3A_1339, %mul3A_1340 : i32
      %add3A_1342 = arith.constant 144 : i32
      %add3A_1343 = arith.addi %add3A_1342, %mul3A_1341 : i32
      %get3A = arith.index_cast %add3A_1343 : i32 to index
      %get3A_1344 = tpu.vector_load %arg5[%get3A] {strides = array<i32>} : memref<272xi32, #tpu.memory_space<vmem>>, vector<16xi32>,
      %get3A_1345 = vector.shape_cast %get3A_1344 : vector<16xi32> to vector<16xi32>
      %sub3A = arith.constant 1 : i32
      %sub3A_1346 = arith.subi %add3A_1343, %sub3A : i32
      %get3A_1347 = arith.index_cast %sub3A_1346 : i32 to index
      %get3A_1348 = tpu.vector_load %arg5[%get3A_1347] {strides = array<i32>} : memref<272xi32, #tpu.memory_space<vmem>>, vector<16xi32>,
      %get3A_1349 = vector.shape_cast %get3A_1348 : vector<16xi32> to vector<16xi32>
      %mul3A_1350 = vector.broadcast %scan3A_225 : i32 to vector<16xi32>
      %mul3A_1351 = arith.muli %get3A_1345, %mul3A_1350 : vector<16xi32>
      %mul3A_1352 = vector.broadcast %scan3A_226 : i32 to vector<16xi32>
      %mul3A_1353 = arith.muli %get3A_1349, %mul3A_1352 : vector<16xi32>
      %add3A_1354 = arith.addi %mul3A_1351, %mul3A_1353 : vector<16xi32>
      %sub3A_1355 = arith.constant 2 : i32
      %sub3A_1356 = arith.subi %add3A_1343, %sub3A_1355 : i32
      %get3A_1357 = arith.index_cast %sub3A_1356 : i32 to index
      %get3A_1358 = tpu.vector_load %arg5[%get3A_1357] {strides = array<i32>} : memref<272xi32, #tpu.memory_space<vmem>>, vector<16xi32>,
      %get3A_1359 = vector.shape_cast %get3A_1358 : vector<16xi32> to vector<16xi32>
      %mul3A_1360 = vector.broadcast %scan3A_227 : i32 to vector<16xi32>
      %mul3A_1361 = arith.muli %get3A_1359, %mul3A_1360 : vector<16xi32>
      %add3A_1362 = arith.addi %add3A_1354, %mul3A_1361 : vector<16xi32>
      %bitcast3A = vector.bitcast %add3A_1362 : vector<16xi32> to vector<16xi32>
      %jit3A = arith.constant 100000 : i32
      %eq3A_1363 = arith.constant 0 : i32
      %eq3A_1364 = arith.cmpi eq, %jit3A, %eq3A_1363 : i32
      %jit3A_1365 = arith.constant 1 : i32
      %select_n3A = arith.select %eq3A_1364, %jit3A_1365, %jit3A : i32
      %rem3A_1366 = vector.broadcast %select_n3A : i32 to vector<16xi32>
      %rem3A_1367 = arith.remui %bitcast3A, %rem3A_1366 : vector<16xi32>
      %ne3A = arith.constant 0 : i32
      %ne3A_1368 = vector.broadcast %ne3A : i32 to vector<16xi32>
      %ne3A_1369 = arith.cmpi ne, %rem3A_1367, %ne3A_1368 : vector<16xi32>
      %lt3A = arith.constant 0 : i32
      %lt3A_1370 = vector.broadcast %lt3A : i32 to vector<16xi32>
      %lt3A_1371 = arith.cmpi ult, %rem3A_1367, %lt3A_1370 : vector<16xi32>
      %lt3A_1372 = arith.constant 0 : i32
      %lt3A_1373 = arith.cmpi ult, %select_n3A, %lt3A_1372 : i32
      %ne3A_1374 = vector.broadcast %lt3A_1373 : i1 to vector<16xi1>
      %ne3A_1375 = vector.broadcast %ne3A_1374 : vector<16xi1> to vector<16xi1>
      %ne3A_1376 = arith.xori %lt3A_1371, %ne3A_1375 : vector<16xi1>
      %and3A = arith.andi %ne3A_1376, %ne3A_1369 : vector<16xi1>
      %add3A_1377 = vector.broadcast %select_n3A : i32 to vector<16xi32>
      %add3A_1378 = arith.addi %rem3A_1367, %add3A_1377 : vector<16xi32>
      %select_n3A_1379 = arith.select %and3A, %add3A_1378, %rem3A_1367 : vector<16xi1>, vector<16xi32>
      %bitcast3A_1380 = vector.bitcast %select_n3A_1379 : vector<16xi32> to vector<16xi32>
      %mul3A_1381 = arith.constant 16 : i32
      %mul3A_1382 = arith.muli %add3A_1339, %mul3A_1381 : i32
      %swap3A = arith.constant 29 : i32
      %swap3A_1383 = arith.index_cast %swap3A : i32 to index
      %swap3A_1384 = arith.index_cast %mul3A_1382 : i32 to index
      %swap3A_1385 = tpu.vector_load %arg6[%swap3A_1383, %swap3A_1384] {strides = array<i32>} : memref<32x128xi32, #tpu.memory_space<vmem>>, vector<1x16xi32>,
      %swap3A_1386 = vector.shape_cast %swap3A_1385 : vector<1x16xi32> to vector<16xi32>
      %swap3A_1387 = vector.shape_cast %bitcast3A_1380 : vector<16xi32> to vector<1x16xi32>
      tpu.vector_store %arg6[%swap3A_1383, %swap3A_1384], %swap3A_1387 {strides = array<i32>} : memref<32x128xi32, #tpu.memory_space<vmem>>, vector<1x16xi32>,
    }
    %scan3A_232 = arith.constant 8 : i32
    %scan3A_233 = arith.constant -992085552 : i32
    %scan3A_234 = arith.constant 1097475344 : i32
    %scan3A_235 = arith.constant 1589512641 : i32
    %scan3A_236 = arith.constant 0 : i32
    %scan3A_237 = arith.constant 8 : i32
    %scan3A_238 = arith.addi %scan3A_236, %scan3A_237 : i32
    %scan3A_239 = arith.constant 1 : i32
    scf.for %scan3A_1335 = %scan3A_236 to %scan3A_238 step %scan3A_239  : i32 {
      %mul3A_1336 = arith.constant 1 : i32
      %mul3A_1337 = arith.muli %scan3A_1335, %mul3A_1336 : i32
      %add3A_1338 = arith.constant 0 : i32
      %add3A_1339 = arith.addi %add3A_1338, %mul3A_1337 : i32
      %mul3A_1340 = arith.constant 16 : i32
      %mul3A_1341 = arith.muli %add3A_1339, %mul3A_1340 : i32
      %add3A_1342 = arith.constant 16 : i32
      %add3A_1343 = arith.addi %add3A_1342, %mul3A_1341 : i32
      %get3A = arith.index_cast %add3A_1343 : i32 to index
      %get3A_1344 = tpu.vector_load %arg5[%get3A] {strides = array<i32>} : memref<272xi32, #tpu.memory_space<vmem>>, vector<16xi32>,
      %get3A_1345 = vector.shape_cast %get3A_1344 : vector<16xi32> to vector<16xi32>
      %sub3A = arith.constant 1 : i32
      %sub3A_1346 = arith.subi %add3A_1343, %sub3A : i32
      %get3A_1347 = arith.index_cast %sub3A_1346 : i32 to index
      %get3A_1348 = tpu.vector_load %arg5[%get3A_1347] {strides = array<i32>} : memref<272xi32, #tpu.memory_space<vmem>>, vector<16xi32>,
      %get3A_1349 = vector.shape_cast %get3A_1348 : vector<16xi32> to vector<16xi32>
      %mul3A_1350 = vector.broadcast %scan3A_233 : i32 to vector<16xi32>
      %mul3A_1351 = arith.muli %get3A_1345, %mul3A_1350 : vector<16xi32>
      %mul3A_1352 = vector.broadcast %scan3A_234 : i32 to vector<16xi32>
      %mul3A_1353 = arith.muli %get3A_1349, %mul3A_1352 : vector<16xi32>
      %add3A_1354 = arith.addi %mul3A_1351, %mul3A_1353 : vector<16xi32>
      %sub3A_1355 = arith.constant 2 : i32
      %sub3A_1356 = arith.subi %add3A_1343, %sub3A_1355 : i32
      %get3A_1357 = arith.index_cast %sub3A_1356 : i32 to index
      %get3A_1358 = tpu.vector_load %arg5[%get3A_1357] {strides = array<i32>} : memref<272xi32, #tpu.memory_space<vmem>>, vector<16xi32>,
      %get3A_1359 = vector.shape_cast %get3A_1358 : vector<16xi32> to vector<16xi32>
      %mul3A_1360 = vector.broadcast %scan3A_235 : i32 to vector<16xi32>
      %mul3A_1361 = arith.muli %get3A_1359, %mul3A_1360 : vector<16xi32>
      %add3A_1362 = arith.addi %add3A_1354, %mul3A_1361 : vector<16xi32>
      %bitcast3A = vector.bitcast %add3A_1362 : vector<16xi32> to vector<16xi32>
      %jit3A = arith.constant 100000 : i32
      %eq3A_1363 = arith.constant 0 : i32
      %eq3A_1364 = arith.cmpi eq, %jit3A, %eq3A_1363 : i32
      %jit3A_1365 = arith.constant 1 : i32
      %select_n3A = arith.select %eq3A_1364, %jit3A_1365, %jit3A : i32
      %rem3A_1366 = vector.broadcast %select_n3A : i32 to vector<16xi32>
      %rem3A_1367 = arith.remui %bitcast3A, %rem3A_1366 : vector<16xi32>
      %ne3A = arith.constant 0 : i32
      %ne3A_1368 = vector.broadcast %ne3A : i32 to vector<16xi32>
      %ne3A_1369 = arith.cmpi ne, %rem3A_1367, %ne3A_1368 : vector<16xi32>
      %lt3A = arith.constant 0 : i32
      %lt3A_1370 = vector.broadcast %lt3A : i32 to vector<16xi32>
      %lt3A_1371 = arith.cmpi ult, %rem3A_1367, %lt3A_1370 : vector<16xi32>
      %lt3A_1372 = arith.constant 0 : i32
      %lt3A_1373 = arith.cmpi ult, %select_n3A, %lt3A_1372 : i32
      %ne3A_1374 = vector.broadcast %lt3A_1373 : i1 to vector<16xi1>
      %ne3A_1375 = vector.broadcast %ne3A_1374 : vector<16xi1> to vector<16xi1>
      %ne3A_1376 = arith.xori %lt3A_1371, %ne3A_1375 : vector<16xi1>
      %and3A = arith.andi %ne3A_1376, %ne3A_1369 : vector<16xi1>
      %add3A_1377 = vector.broadcast %select_n3A : i32 to vector<16xi32>
      %add3A_1378 = arith.addi %rem3A_1367, %add3A_1377 : vector<16xi32>
      %select_n3A_1379 = arith.select %and3A, %add3A_1378, %rem3A_1367 : vector<16xi1>, vector<16xi32>
      %bitcast3A_1380 = vector.bitcast %select_n3A_1379 : vector<16xi32> to vector<16xi32>
      %mul3A_1381 = arith.constant 16 : i32
      %mul3A_1382 = arith.muli %add3A_1339, %mul3A_1381 : i32
      %swap3A = arith.constant 30 : i32
      %swap3A_1383 = arith.index_cast %swap3A : i32 to index
      %swap3A_1384 = arith.index_cast %mul3A_1382 : i32 to index
      %swap3A_1385 = tpu.vector_load %arg6[%swap3A_1383, %swap3A_1384] {strides = array<i32>} : memref<32x128xi32, #tpu.memory_space<vmem>>, vector<1x16xi32>,
      %swap3A_1386 = vector.shape_cast %swap3A_1385 : vector<1x16xi32> to vector<16xi32>
      %swap3A_1387 = vector.shape_cast %bitcast3A_1380 : vector<16xi32> to vector<1x16xi32>
      tpu.vector_store %arg6[%swap3A_1383, %swap3A_1384], %swap3A_1387 {strides = array<i32>} : memref<32x128xi32, #tpu.memory_space<vmem>>, vector<1x16xi32>,
    }
    %scan3A_240 = arith.constant 8 : i32
    %scan3A_241 = arith.constant -992085552 : i32
    %scan3A_242 = arith.constant 1097475344 : i32
    %scan3A_243 = arith.constant 1589512641 : i32
    %scan3A_244 = arith.constant 0 : i32
    %scan3A_245 = arith.constant 8 : i32
    %scan3A_246 = arith.addi %scan3A_244, %scan3A_245 : i32
    %scan3A_247 = arith.constant 1 : i32
    scf.for %scan3A_1335 = %scan3A_244 to %scan3A_246 step %scan3A_247  : i32 {
      %mul3A_1336 = arith.constant 1 : i32
      %mul3A_1337 = arith.muli %scan3A_1335, %mul3A_1336 : i32
      %add3A_1338 = arith.constant 0 : i32
      %add3A_1339 = arith.addi %add3A_1338, %mul3A_1337 : i32
      %mul3A_1340 = arith.constant 16 : i32
      %mul3A_1341 = arith.muli %add3A_1339, %mul3A_1340 : i32
      %add3A_1342 = arith.constant 144 : i32
      %add3A_1343 = arith.addi %add3A_1342, %mul3A_1341 : i32
      %get3A = arith.index_cast %add3A_1343 : i32 to index
      %get3A_1344 = tpu.vector_load %arg5[%get3A] {strides = array<i32>} : memref<272xi32, #tpu.memory_space<vmem>>, vector<16xi32>,
      %get3A_1345 = vector.shape_cast %get3A_1344 : vector<16xi32> to vector<16xi32>
      %sub3A = arith.constant 1 : i32
      %sub3A_1346 = arith.subi %add3A_1343, %sub3A : i32
      %get3A_1347 = arith.index_cast %sub3A_1346 : i32 to index
      %get3A_1348 = tpu.vector_load %arg5[%get3A_1347] {strides = array<i32>} : memref<272xi32, #tpu.memory_space<vmem>>, vector<16xi32>,
      %get3A_1349 = vector.shape_cast %get3A_1348 : vector<16xi32> to vector<16xi32>
      %mul3A_1350 = vector.broadcast %scan3A_241 : i32 to vector<16xi32>
      %mul3A_1351 = arith.muli %get3A_1345, %mul3A_1350 : vector<16xi32>
      %mul3A_1352 = vector.broadcast %scan3A_242 : i32 to vector<16xi32>
      %mul3A_1353 = arith.muli %get3A_1349, %mul3A_1352 : vector<16xi32>
      %add3A_1354 = arith.addi %mul3A_1351, %mul3A_1353 : vector<16xi32>
      %sub3A_1355 = arith.constant 2 : i32
      %sub3A_1356 = arith.subi %add3A_1343, %sub3A_1355 : i32
      %get3A_1357 = arith.index_cast %sub3A_1356 : i32 to index
      %get3A_1358 = tpu.vector_load %arg5[%get3A_1357] {strides = array<i32>} : memref<272xi32, #tpu.memory_space<vmem>>, vector<16xi32>,
      %get3A_1359 = vector.shape_cast %get3A_1358 : vector<16xi32> to vector<16xi32>
      %mul3A_1360 = vector.broadcast %scan3A_243 : i32 to vector<16xi32>
      %mul3A_1361 = arith.muli %get3A_1359, %mul3A_1360 : vector<16xi32>
      %add3A_1362 = arith.addi %add3A_1354, %mul3A_1361 : vector<16xi32>
      %bitcast3A = vector.bitcast %add3A_1362 : vector<16xi32> to vector<16xi32>
      %jit3A = arith.constant 100000 : i32
      %eq3A_1363 = arith.constant 0 : i32
      %eq3A_1364 = arith.cmpi eq, %jit3A, %eq3A_1363 : i32
      %jit3A_1365 = arith.constant 1 : i32
      %select_n3A = arith.select %eq3A_1364, %jit3A_1365, %jit3A : i32
      %rem3A_1366 = vector.broadcast %select_n3A : i32 to vector<16xi32>
      %rem3A_1367 = arith.remui %bitcast3A, %rem3A_1366 : vector<16xi32>
      %ne3A = arith.constant 0 : i32
      %ne3A_1368 = vector.broadcast %ne3A : i32 to vector<16xi32>
      %ne3A_1369 = arith.cmpi ne, %rem3A_1367, %ne3A_1368 : vector<16xi32>
      %lt3A = arith.constant 0 : i32
      %lt3A_1370 = vector.broadcast %lt3A : i32 to vector<16xi32>
      %lt3A_1371 = arith.cmpi ult, %rem3A_1367, %lt3A_1370 : vector<16xi32>
      %lt3A_1372 = arith.constant 0 : i32
      %lt3A_1373 = arith.cmpi ult, %select_n3A, %lt3A_1372 : i32
      %ne3A_1374 = vector.broadcast %lt3A_1373 : i1 to vector<16xi1>
      %ne3A_1375 = vector.broadcast %ne3A_1374 : vector<16xi1> to vector<16xi1>
      %ne3A_1376 = arith.xori %lt3A_1371, %ne3A_1375 : vector<16xi1>
      %and3A = arith.andi %ne3A_1376, %ne3A_1369 : vector<16xi1>
      %add3A_1377 = vector.broadcast %select_n3A : i32 to vector<16xi32>
      %add3A_1378 = arith.addi %rem3A_1367, %add3A_1377 : vector<16xi32>
      %select_n3A_1379 = arith.select %and3A, %add3A_1378, %rem3A_1367 : vector<16xi1>, vector<16xi32>
      %bitcast3A_1380 = vector.bitcast %select_n3A_1379 : vector<16xi32> to vector<16xi32>
      %mul3A_1381 = arith.constant 16 : i32
      %mul3A_1382 = arith.muli %add3A_1339, %mul3A_1381 : i32
      %swap3A = arith.constant 31 : i32
      %swap3A_1383 = arith.index_cast %swap3A : i32 to index
      %swap3A_1384 = arith.index_cast %mul3A_1382 : i32 to index
      %swap3A_1385 = tpu.vector_load %arg6[%swap3A_1383, %swap3A_1384] {strides = array<i32>} : memref<32x128xi32, #tpu.memory_space<vmem>>, vector<1x16xi32>,
      %swap3A_1386 = vector.shape_cast %swap3A_1385 : vector<1x16xi32> to vector<16xi32>
      %swap3A_1387 = vector.shape_cast %bitcast3A_1380 : vector<16xi32> to vector<1x16xi32>
      tpu.vector_store %arg6[%swap3A_1383, %swap3A_1384], %swap3A_1387 {strides = array<i32>} : memref<32x128xi32, #tpu.memory_space<vmem>>, vector<1x16xi32>,
    }
    %scan3A_248 = arith.constant 8 : i32
    %dma_start3A = arith.constant 0 : i32
    %dma_start3A_249 = arith.constant 0 : i32
    %dma_start3A_250 = arith.constant 0 : i32
    %dma_start3A_251 = tpu.memref_slice %arg6[%dma_start3A_249, %dma_start3A_250] : memref<32x128xi32, #tpu.memory_space<vmem>> -> memref<1x128xi32, #tpu.memory_space<vmem>>
    %dma_start3A_252 = tpu.memref_squeeze %dma_start3A_251 : memref<1x128xi32, #tpu.memory_space<vmem>> -> memref<128xi32, #tpu.memory_space<vmem>>
    %dma_start3A_253 = arith.constant 0 : i32
    %dma_start3A_254 = arith.constant 0 : i32
    %dma_start3A_255 = tpu.memref_slice %arg3[%dma_start3A, %dma_start3A_253, %dma_start3A_254] : memref<16x100000x64xf32, #tpu.memory_space<hbm>> -> memref<1x100000x64xf32, #tpu.memory_space<hbm>>
    %dma_start3A_256 = tpu.memref_squeeze %dma_start3A_255 : memref<1x100000x64xf32, #tpu.memory_space<hbm>> -> memref<100000x64xf32, #tpu.memory_space<hbm>>
    %dma_start3A_257 = arith.constant 0 : i32
    %dma_start3A_258 = arith.constant 0 : i32
    %dma_start3A_259 = tpu.memref_slice %dma_start3A_256[%dma_start3A_257, %dma_start3A_258] : memref<100000x64xf32, #tpu.memory_space<hbm>> -> memref<100000x64xf32, #tpu.memory_space<hbm>>
    tpu.enqueue_indirect_dma source(%dma_start3A_259 : memref<100000x64xf32, #tpu.memory_space<hbm>>) target(%arg7 : memref<128x64xf32, #tpu.memory_space<vmem>>) offsets(%dma_start3A_252 : memref<128xi32, #tpu.memory_space<vmem>>) semaphore(%arg9 : memref<!tpu.dma_semaphore, #tpu.memory_space<semaphore_mem>>)
    %dma_start3A_260 = arith.constant 0 : i32
    %dma_start3A_261 = arith.constant 1 : i32
    %dma_start3A_262 = arith.constant 0 : i32
    %dma_start3A_263 = tpu.memref_slice %arg6[%dma_start3A_261, %dma_start3A_262] : memref<32x128xi32, #tpu.memory_space<vmem>> -> memref<1x128xi32, #tpu.memory_space<vmem>>
    %dma_start3A_264 = tpu.memref_squeeze %dma_start3A_263 : memref<1x128xi32, #tpu.memory_space<vmem>> -> memref<128xi32, #tpu.memory_space<vmem>>
    %dma_start3A_265 = arith.constant 0 : i32
    %dma_start3A_266 = arith.constant 0 : i32
    %dma_start3A_267 = tpu.memref_slice %arg3[%dma_start3A_260, %dma_start3A_265, %dma_start3A_266] : memref<16x100000x64xf32, #tpu.memory_space<hbm>> -> memref<1x100000x64xf32, #tpu.memory_space<hbm>>
    %dma_start3A_268 = tpu.memref_squeeze %dma_start3A_267 : memref<1x100000x64xf32, #tpu.memory_space<hbm>> -> memref<100000x64xf32, #tpu.memory_space<hbm>>
    %dma_start3A_269 = arith.constant 0 : i32
    %dma_start3A_270 = arith.constant 0 : i32
    %dma_start3A_271 = tpu.memref_slice %dma_start3A_268[%dma_start3A_269, %dma_start3A_270] : memref<100000x64xf32, #tpu.memory_space<hbm>> -> memref<100000x64xf32, #tpu.memory_space<hbm>>
    tpu.enqueue_indirect_dma source(%dma_start3A_271 : memref<100000x64xf32, #tpu.memory_space<hbm>>) target(%arg8 : memref<128x64xf32, #tpu.memory_space<vmem>>) offsets(%dma_start3A_264 : memref<128xi32, #tpu.memory_space<vmem>>) semaphore(%arg9 : memref<!tpu.dma_semaphore, #tpu.memory_space<semaphore_mem>>)
    %dma_wait3A = arith.constant 0 : i32
    %dma_wait3A_272 = arith.constant 0 : i32
    %dma_wait3A_273 = arith.constant 0 : i32
    %dma_wait3A_274 = tpu.memref_slice %arg6[%dma_wait3A_272, %dma_wait3A_273] : memref<32x128xi32, #tpu.memory_space<vmem>> -> memref<1x128xi32, #tpu.memory_space<vmem>>
    %dma_wait3A_275 = tpu.memref_squeeze %dma_wait3A_274 : memref<1x128xi32, #tpu.memory_space<vmem>> -> memref<128xi32, #tpu.memory_space<vmem>>
    %dma_wait3A_276 = arith.constant 0 : i32
    %dma_wait3A_277 = arith.constant 0 : i32
    %dma_wait3A_278 = tpu.memref_slice %arg3[%dma_wait3A, %dma_wait3A_276, %dma_wait3A_277] : memref<16x100000x64xf32, #tpu.memory_space<hbm>> -> memref<1x100000x64xf32, #tpu.memory_space<hbm>>
    %dma_wait3A_279 = tpu.memref_squeeze %dma_wait3A_278 : memref<1x100000x64xf32, #tpu.memory_space<hbm>> -> memref<100000x64xf32, #tpu.memory_space<hbm>>
    %dma_wait3A_280 = arith.constant 0 : i32
    %dma_wait3A_281 = arith.constant 0 : i32
    %dma_wait3A_282 = tpu.memref_slice %dma_wait3A_279[%dma_wait3A_280, %dma_wait3A_281] : memref<100000x64xf32, #tpu.memory_space<hbm>> -> memref<100000x64xf32, #tpu.memory_space<hbm>>
    tpu.wait_indirect_dma semaphore(%arg9 : memref<!tpu.dma_semaphore, #tpu.memory_space<semaphore_mem>>) src(%dma_wait3A_282 : memref<100000x64xf32, #tpu.memory_space<hbm>>) dst(%arg7 : memref<128x64xf32, #tpu.memory_space<vmem>>)
    %add3A_283 = arith.constant 0 : i32
    %add3A_284 = arith.addi %mul3A_2, %add3A_283 : i32
    %dma_start3A_285 = arith.constant 0 : i32
    %dma_start3A_286 = tpu.memref_slice %arg4[%add3A_284, %dma_start3A_285] : memref<8192x1024xf32, #tpu.memory_space<hbm>> -> memref<128x64xf32, #tpu.memory_space<hbm>>
    %dma_start3A_287 = arith.constant 0 : i32
    %dma_start3A_288 = tpu.memref_slice %arg4[%add3A_284, %dma_start3A_287] : memref<8192x1024xf32, #tpu.memory_space<hbm>> -> memref<128x64xf32, #tpu.memory_space<hbm>>
    tpu.enqueue_dma source(%arg7 : memref<128x64xf32, #tpu.memory_space<vmem>>) target(%dma_start3A_288 : memref<128x64xf32, #tpu.memory_space<hbm>>) target_semaphore(%arg10 : memref<!tpu.dma_semaphore, #tpu.memory_space<semaphore_mem>>)
    %dma_wait3A_289 = arith.constant 0 : i32
    %dma_wait3A_290 = tpu.memref_slice %arg4[%add3A_284, %dma_wait3A_289] : memref<8192x1024xf32, #tpu.memory_space<hbm>> -> memref<128x64xf32, #tpu.memory_space<hbm>>
    %dma_wait3A_291 = arith.constant 0 : i32
    %dma_wait3A_292 = tpu.memref_slice %arg4[%add3A_284, %dma_wait3A_291] : memref<8192x1024xf32, #tpu.memory_space<hbm>> -> memref<128x64xf32, #tpu.memory_space<hbm>>
    tpu.wait_dma2 semaphore(%arg10 : memref<!tpu.dma_semaphore, #tpu.memory_space<semaphore_mem>>) src(%arg7 : memref<128x64xf32, #tpu.memory_space<vmem>>) dst(%dma_wait3A_292 : memref<128x64xf32, #tpu.memory_space<hbm>>)
    %dma_start3A_293 = arith.constant 1 : i32
    %dma_start3A_294 = arith.constant 2 : i32
    %dma_start3A_295 = arith.constant 0 : i32
    %dma_start3A_296 = tpu.memref_slice %arg6[%dma_start3A_294, %dma_start3A_295] : memref<32x128xi32, #tpu.memory_space<vmem>> -> memref<1x128xi32, #tpu.memory_space<vmem>>
    %dma_start3A_297 = tpu.memref_squeeze %dma_start3A_296 : memref<1x128xi32, #tpu.memory_space<vmem>> -> memref<128xi32, #tpu.memory_space<vmem>>
    %dma_start3A_298 = arith.constant 0 : i32
    %dma_start3A_299 = arith.constant 0 : i32
    %dma_start3A_300 = tpu.memref_slice %arg3[%dma_start3A_293, %dma_start3A_298, %dma_start3A_299] : memref<16x100000x64xf32, #tpu.memory_space<hbm>> -> memref<1x100000x64xf32, #tpu.memory_space<hbm>>
    %dma_start3A_301 = tpu.memref_squeeze %dma_start3A_300 : memref<1x100000x64xf32, #tpu.memory_space<hbm>> -> memref<100000x64xf32, #tpu.memory_space<hbm>>
    %dma_start3A_302 = arith.constant 0 : i32
    %dma_start3A_303 = arith.constant 0 : i32
    %dma_start3A_304 = tpu.memref_slice %dma_start3A_301[%dma_start3A_302, %dma_start3A_303] : memref<100000x64xf32, #tpu.memory_space<hbm>> -> memref<100000x64xf32, #tpu.memory_space<hbm>>
    tpu.enqueue_indirect_dma source(%dma_start3A_304 : memref<100000x64xf32, #tpu.memory_space<hbm>>) target(%arg7 : memref<128x64xf32, #tpu.memory_space<vmem>>) offsets(%dma_start3A_297 : memref<128xi32, #tpu.memory_space<vmem>>) semaphore(%arg9 : memref<!tpu.dma_semaphore, #tpu.memory_space<semaphore_mem>>)
    %dma_wait3A_305 = arith.constant 0 : i32
    %dma_wait3A_306 = arith.constant 1 : i32
    %dma_wait3A_307 = arith.constant 0 : i32
    %dma_wait3A_308 = tpu.memref_slice %arg6[%dma_wait3A_306, %dma_wait3A_307] : memref<32x128xi32, #tpu.memory_space<vmem>> -> memref<1x128xi32, #tpu.memory_space<vmem>>
    %dma_wait3A_309 = tpu.memref_squeeze %dma_wait3A_308 : memref<1x128xi32, #tpu.memory_space<vmem>> -> memref<128xi32, #tpu.memory_space<vmem>>
    %dma_wait3A_310 = arith.constant 0 : i32
    %dma_wait3A_311 = arith.constant 0 : i32
    %dma_wait3A_312 = tpu.memref_slice %arg3[%dma_wait3A_305, %dma_wait3A_310, %dma_wait3A_311] : memref<16x100000x64xf32, #tpu.memory_space<hbm>> -> memref<1x100000x64xf32, #tpu.memory_space<hbm>>
    %dma_wait3A_313 = tpu.memref_squeeze %dma_wait3A_312 : memref<1x100000x64xf32, #tpu.memory_space<hbm>> -> memref<100000x64xf32, #tpu.memory_space<hbm>>
    %dma_wait3A_314 = arith.constant 0 : i32
    %dma_wait3A_315 = arith.constant 0 : i32
    %dma_wait3A_316 = tpu.memref_slice %dma_wait3A_313[%dma_wait3A_314, %dma_wait3A_315] : memref<100000x64xf32, #tpu.memory_space<hbm>> -> memref<100000x64xf32, #tpu.memory_space<hbm>>
    tpu.wait_indirect_dma semaphore(%arg9 : memref<!tpu.dma_semaphore, #tpu.memory_space<semaphore_mem>>) src(%dma_wait3A_316 : memref<100000x64xf32, #tpu.memory_space<hbm>>) dst(%arg8 : memref<128x64xf32, #tpu.memory_space<vmem>>)
    %add3A_317 = arith.constant 128 : i32
    %add3A_318 = arith.addi %mul3A_2, %add3A_317 : i32
    %dma_start3A_319 = arith.constant 0 : i32
    %dma_start3A_320 = tpu.memref_slice %arg4[%add3A_318, %dma_start3A_319] : memref<8192x1024xf32, #tpu.memory_space<hbm>> -> memref<128x64xf32, #tpu.memory_space<hbm>>
    %dma_start3A_321 = arith.constant 0 : i32
    %dma_start3A_322 = tpu.memref_slice %arg4[%add3A_318, %dma_start3A_321] : memref<8192x1024xf32, #tpu.memory_space<hbm>> -> memref<128x64xf32, #tpu.memory_space<hbm>>
    tpu.enqueue_dma source(%arg8 : memref<128x64xf32, #tpu.memory_space<vmem>>) target(%dma_start3A_322 : memref<128x64xf32, #tpu.memory_space<hbm>>) target_semaphore(%arg10 : memref<!tpu.dma_semaphore, #tpu.memory_space<semaphore_mem>>)
    %dma_wait3A_323 = arith.constant 0 : i32
    %dma_wait3A_324 = tpu.memref_slice %arg4[%add3A_318, %dma_wait3A_323] : memref<8192x1024xf32, #tpu.memory_space<hbm>> -> memref<128x64xf32, #tpu.memory_space<hbm>>
    %dma_wait3A_325 = arith.constant 0 : i32
    %dma_wait3A_326 = tpu.memref_slice %arg4[%add3A_318, %dma_wait3A_325] : memref<8192x1024xf32, #tpu.memory_space<hbm>> -> memref<128x64xf32, #tpu.memory_space<hbm>>
    tpu.wait_dma2 semaphore(%arg10 : memref<!tpu.dma_semaphore, #tpu.memory_space<semaphore_mem>>) src(%arg8 : memref<128x64xf32, #tpu.memory_space<vmem>>) dst(%dma_wait3A_326 : memref<128x64xf32, #tpu.memory_space<hbm>>)
    %dma_start3A_327 = arith.constant 1 : i32
    %dma_start3A_328 = arith.constant 3 : i32
    %dma_start3A_329 = arith.constant 0 : i32
    %dma_start3A_330 = tpu.memref_slice %arg6[%dma_start3A_328, %dma_start3A_329] : memref<32x128xi32, #tpu.memory_space<vmem>> -> memref<1x128xi32, #tpu.memory_space<vmem>>
    %dma_start3A_331 = tpu.memref_squeeze %dma_start3A_330 : memref<1x128xi32, #tpu.memory_space<vmem>> -> memref<128xi32, #tpu.memory_space<vmem>>
    %dma_start3A_332 = arith.constant 0 : i32
    %dma_start3A_333 = arith.constant 0 : i32
    %dma_start3A_334 = tpu.memref_slice %arg3[%dma_start3A_327, %dma_start3A_332, %dma_start3A_333] : memref<16x100000x64xf32, #tpu.memory_space<hbm>> -> memref<1x100000x64xf32, #tpu.memory_space<hbm>>
    %dma_start3A_335 = tpu.memref_squeeze %dma_start3A_334 : memref<1x100000x64xf32, #tpu.memory_space<hbm>> -> memref<100000x64xf32, #tpu.memory_space<hbm>>
    %dma_start3A_336 = arith.constant 0 : i32
    %dma_start3A_337 = arith.constant 0 : i32
    %dma_start3A_338 = tpu.memref_slice %dma_start3A_335[%dma_start3A_336, %dma_start3A_337] : memref<100000x64xf32, #tpu.memory_space<hbm>> -> memref<100000x64xf32, #tpu.memory_space<hbm>>
    tpu.enqueue_indirect_dma source(%dma_start3A_338 : memref<100000x64xf32, #tpu.memory_space<hbm>>) target(%arg8 : memref<128x64xf32, #tpu.memory_space<vmem>>) offsets(%dma_start3A_331 : memref<128xi32, #tpu.memory_space<vmem>>) semaphore(%arg9 : memref<!tpu.dma_semaphore, #tpu.memory_space<semaphore_mem>>)
    %dma_wait3A_339 = arith.constant 1 : i32
    %dma_wait3A_340 = arith.constant 2 : i32
    %dma_wait3A_341 = arith.constant 0 : i32
    %dma_wait3A_342 = tpu.memref_slice %arg6[%dma_wait3A_340, %dma_wait3A_341] : memref<32x128xi32, #tpu.memory_space<vmem>> -> memref<1x128xi32, #tpu.memory_space<vmem>>
    %dma_wait3A_343 = tpu.memref_squeeze %dma_wait3A_342 : memref<1x128xi32, #tpu.memory_space<vmem>> -> memref<128xi32, #tpu.memory_space<vmem>>
    %dma_wait3A_344 = arith.constant 0 : i32
    %dma_wait3A_345 = arith.constant 0 : i32
    %dma_wait3A_346 = tpu.memref_slice %arg3[%dma_wait3A_339, %dma_wait3A_344, %dma_wait3A_345] : memref<16x100000x64xf32, #tpu.memory_space<hbm>> -> memref<1x100000x64xf32, #tpu.memory_space<hbm>>
    %dma_wait3A_347 = tpu.memref_squeeze %dma_wait3A_346 : memref<1x100000x64xf32, #tpu.memory_space<hbm>> -> memref<100000x64xf32, #tpu.memory_space<hbm>>
    %dma_wait3A_348 = arith.constant 0 : i32
    %dma_wait3A_349 = arith.constant 0 : i32
    %dma_wait3A_350 = tpu.memref_slice %dma_wait3A_347[%dma_wait3A_348, %dma_wait3A_349] : memref<100000x64xf32, #tpu.memory_space<hbm>> -> memref<100000x64xf32, #tpu.memory_space<hbm>>
    tpu.wait_indirect_dma semaphore(%arg9 : memref<!tpu.dma_semaphore, #tpu.memory_space<semaphore_mem>>) src(%dma_wait3A_350 : memref<100000x64xf32, #tpu.memory_space<hbm>>) dst(%arg7 : memref<128x64xf32, #tpu.memory_space<vmem>>)
    %add3A_351 = arith.constant 0 : i32
    %add3A_352 = arith.addi %mul3A_2, %add3A_351 : i32
    %dma_start3A_353 = arith.constant 64 : i32
    %dma_start3A_354 = tpu.memref_slice %arg4[%add3A_352, %dma_start3A_353] : memref<8192x1024xf32, #tpu.memory_space<hbm>> -> memref<128x64xf32, #tpu.memory_space<hbm>>
    %dma_start3A_355 = arith.constant 64 : i32
    %dma_start3A_356 = tpu.memref_slice %arg4[%add3A_352, %dma_start3A_355] : memref<8192x1024xf32, #tpu.memory_space<hbm>> -> memref<128x64xf32, #tpu.memory_space<hbm>>
    tpu.enqueue_dma source(%arg7 : memref<128x64xf32, #tpu.memory_space<vmem>>) target(%dma_start3A_356 : memref<128x64xf32, #tpu.memory_space<hbm>>) target_semaphore(%arg10 : memref<!tpu.dma_semaphore, #tpu.memory_space<semaphore_mem>>)
    %dma_wait3A_357 = arith.constant 64 : i32
    %dma_wait3A_358 = tpu.memref_slice %arg4[%add3A_352, %dma_wait3A_357] : memref<8192x1024xf32, #tpu.memory_space<hbm>> -> memref<128x64xf32, #tpu.memory_space<hbm>>
    %dma_wait3A_359 = arith.constant 64 : i32
    %dma_wait3A_360 = tpu.memref_slice %arg4[%add3A_352, %dma_wait3A_359] : memref<8192x1024xf32, #tpu.memory_space<hbm>> -> memref<128x64xf32, #tpu.memory_space<hbm>>
    tpu.wait_dma2 semaphore(%arg10 : memref<!tpu.dma_semaphore, #tpu.memory_space<semaphore_mem>>) src(%arg7 : memref<128x64xf32, #tpu.memory_space<vmem>>) dst(%dma_wait3A_360 : memref<128x64xf32, #tpu.memory_space<hbm>>)
    %dma_start3A_361 = arith.constant 2 : i32
    %dma_start3A_362 = arith.constant 4 : i32
    %dma_start3A_363 = arith.constant 0 : i32
    %dma_start3A_364 = tpu.memref_slice %arg6[%dma_start3A_362, %dma_start3A_363] : memref<32x128xi32, #tpu.memory_space<vmem>> -> memref<1x128xi32, #tpu.memory_space<vmem>>
    %dma_start3A_365 = tpu.memref_squeeze %dma_start3A_364 : memref<1x128xi32, #tpu.memory_space<vmem>> -> memref<128xi32, #tpu.memory_space<vmem>>
    %dma_start3A_366 = arith.constant 0 : i32
    %dma_start3A_367 = arith.constant 0 : i32
    %dma_start3A_368 = tpu.memref_slice %arg3[%dma_start3A_361, %dma_start3A_366, %dma_start3A_367] : memref<16x100000x64xf32, #tpu.memory_space<hbm>> -> memref<1x100000x64xf32, #tpu.memory_space<hbm>>
    %dma_start3A_369 = tpu.memref_squeeze %dma_start3A_368 : memref<1x100000x64xf32, #tpu.memory_space<hbm>> -> memref<100000x64xf32, #tpu.memory_space<hbm>>
    %dma_start3A_370 = arith.constant 0 : i32
    %dma_start3A_371 = arith.constant 0 : i32
    %dma_start3A_372 = tpu.memref_slice %dma_start3A_369[%dma_start3A_370, %dma_start3A_371] : memref<100000x64xf32, #tpu.memory_space<hbm>> -> memref<100000x64xf32, #tpu.memory_space<hbm>>
    tpu.enqueue_indirect_dma source(%dma_start3A_372 : memref<100000x64xf32, #tpu.memory_space<hbm>>) target(%arg7 : memref<128x64xf32, #tpu.memory_space<vmem>>) offsets(%dma_start3A_365 : memref<128xi32, #tpu.memory_space<vmem>>) semaphore(%arg9 : memref<!tpu.dma_semaphore, #tpu.memory_space<semaphore_mem>>)
    %dma_wait3A_373 = arith.constant 1 : i32
    %dma_wait3A_374 = arith.constant 3 : i32
    %dma_wait3A_375 = arith.constant 0 : i32
    %dma_wait3A_376 = tpu.memref_slice %arg6[%dma_wait3A_374, %dma_wait3A_375] : memref<32x128xi32, #tpu.memory_space<vmem>> -> memref<1x128xi32, #tpu.memory_space<vmem>>
    %dma_wait3A_377 = tpu.memref_squeeze %dma_wait3A_376 : memref<1x128xi32, #tpu.memory_space<vmem>> -> memref<128xi32, #tpu.memory_space<vmem>>
    %dma_wait3A_378 = arith.constant 0 : i32
    %dma_wait3A_379 = arith.constant 0 : i32
    %dma_wait3A_380 = tpu.memref_slice %arg3[%dma_wait3A_373, %dma_wait3A_378, %dma_wait3A_379] : memref<16x100000x64xf32, #tpu.memory_space<hbm>> -> memref<1x100000x64xf32, #tpu.memory_space<hbm>>
    %dma_wait3A_381 = tpu.memref_squeeze %dma_wait3A_380 : memref<1x100000x64xf32, #tpu.memory_space<hbm>> -> memref<100000x64xf32, #tpu.memory_space<hbm>>
    %dma_wait3A_382 = arith.constant 0 : i32
    %dma_wait3A_383 = arith.constant 0 : i32
    %dma_wait3A_384 = tpu.memref_slice %dma_wait3A_381[%dma_wait3A_382, %dma_wait3A_383] : memref<100000x64xf32, #tpu.memory_space<hbm>> -> memref<100000x64xf32, #tpu.memory_space<hbm>>
    tpu.wait_indirect_dma semaphore(%arg9 : memref<!tpu.dma_semaphore, #tpu.memory_space<semaphore_mem>>) src(%dma_wait3A_384 : memref<100000x64xf32, #tpu.memory_space<hbm>>) dst(%arg8 : memref<128x64xf32, #tpu.memory_space<vmem>>)
    %add3A_385 = arith.constant 128 : i32
    %add3A_386 = arith.addi %mul3A_2, %add3A_385 : i32
    %dma_start3A_387 = arith.constant 64 : i32
    %dma_start3A_388 = tpu.memref_slice %arg4[%add3A_386, %dma_start3A_387] : memref<8192x1024xf32, #tpu.memory_space<hbm>> -> memref<128x64xf32, #tpu.memory_space<hbm>>
    %dma_start3A_389 = arith.constant 64 : i32
    %dma_start3A_390 = tpu.memref_slice %arg4[%add3A_386, %dma_start3A_389] : memref<8192x1024xf32, #tpu.memory_space<hbm>> -> memref<128x64xf32, #tpu.memory_space<hbm>>
    tpu.enqueue_dma source(%arg8 : memref<128x64xf32, #tpu.memory_space<vmem>>) target(%dma_start3A_390 : memref<128x64xf32, #tpu.memory_space<hbm>>) target_semaphore(%arg10 : memref<!tpu.dma_semaphore, #tpu.memory_space<semaphore_mem>>)
    %dma_wait3A_391 = arith.constant 64 : i32
    %dma_wait3A_392 = tpu.memref_slice %arg4[%add3A_386, %dma_wait3A_391] : memref<8192x1024xf32, #tpu.memory_space<hbm>> -> memref<128x64xf32, #tpu.memory_space<hbm>>
    %dma_wait3A_393 = arith.constant 64 : i32
    %dma_wait3A_394 = tpu.memref_slice %arg4[%add3A_386, %dma_wait3A_393] : memref<8192x1024xf32, #tpu.memory_space<hbm>> -> memref<128x64xf32, #tpu.memory_space<hbm>>
    tpu.wait_dma2 semaphore(%arg10 : memref<!tpu.dma_semaphore, #tpu.memory_space<semaphore_mem>>) src(%arg8 : memref<128x64xf32, #tpu.memory_space<vmem>>) dst(%dma_wait3A_394 : memref<128x64xf32, #tpu.memory_space<hbm>>)
    %dma_start3A_395 = arith.constant 2 : i32
    %dma_start3A_396 = arith.constant 5 : i32
    %dma_start3A_397 = arith.constant 0 : i32
    %dma_start3A_398 = tpu.memref_slice %arg6[%dma_start3A_396, %dma_start3A_397] : memref<32x128xi32, #tpu.memory_space<vmem>> -> memref<1x128xi32, #tpu.memory_space<vmem>>
    %dma_start3A_399 = tpu.memref_squeeze %dma_start3A_398 : memref<1x128xi32, #tpu.memory_space<vmem>> -> memref<128xi32, #tpu.memory_space<vmem>>
    %dma_start3A_400 = arith.constant 0 : i32
    %dma_start3A_401 = arith.constant 0 : i32
    %dma_start3A_402 = tpu.memref_slice %arg3[%dma_start3A_395, %dma_start3A_400, %dma_start3A_401] : memref<16x100000x64xf32, #tpu.memory_space<hbm>> -> memref<1x100000x64xf32, #tpu.memory_space<hbm>>
    %dma_start3A_403 = tpu.memref_squeeze %dma_start3A_402 : memref<1x100000x64xf32, #tpu.memory_space<hbm>> -> memref<100000x64xf32, #tpu.memory_space<hbm>>
    %dma_start3A_404 = arith.constant 0 : i32
    %dma_start3A_405 = arith.constant 0 : i32
    %dma_start3A_406 = tpu.memref_slice %dma_start3A_403[%dma_start3A_404, %dma_start3A_405] : memref<100000x64xf32, #tpu.memory_space<hbm>> -> memref<100000x64xf32, #tpu.memory_space<hbm>>
    tpu.enqueue_indirect_dma source(%dma_start3A_406 : memref<100000x64xf32, #tpu.memory_space<hbm>>) target(%arg8 : memref<128x64xf32, #tpu.memory_space<vmem>>) offsets(%dma_start3A_399 : memref<128xi32, #tpu.memory_space<vmem>>) semaphore(%arg9 : memref<!tpu.dma_semaphore, #tpu.memory_space<semaphore_mem>>)
    %dma_wait3A_407 = arith.constant 2 : i32
    %dma_wait3A_408 = arith.constant 4 : i32
    %dma_wait3A_409 = arith.constant 0 : i32
    %dma_wait3A_410 = tpu.memref_slice %arg6[%dma_wait3A_408, %dma_wait3A_409] : memref<32x128xi32, #tpu.memory_space<vmem>> -> memref<1x128xi32, #tpu.memory_space<vmem>>
    %dma_wait3A_411 = tpu.memref_squeeze %dma_wait3A_410 : memref<1x128xi32, #tpu.memory_space<vmem>> -> memref<128xi32, #tpu.memory_space<vmem>>
    %dma_wait3A_412 = arith.constant 0 : i32
    %dma_wait3A_413 = arith.constant 0 : i32
    %dma_wait3A_414 = tpu.memref_slice %arg3[%dma_wait3A_407, %dma_wait3A_412, %dma_wait3A_413] : memref<16x100000x64xf32, #tpu.memory_space<hbm>> -> memref<1x100000x64xf32, #tpu.memory_space<hbm>>
    %dma_wait3A_415 = tpu.memref_squeeze %dma_wait3A_414 : memref<1x100000x64xf32, #tpu.memory_space<hbm>> -> memref<100000x64xf32, #tpu.memory_space<hbm>>
    %dma_wait3A_416 = arith.constant 0 : i32
    %dma_wait3A_417 = arith.constant 0 : i32
    %dma_wait3A_418 = tpu.memref_slice %dma_wait3A_415[%dma_wait3A_416, %dma_wait3A_417] : memref<100000x64xf32, #tpu.memory_space<hbm>> -> memref<100000x64xf32, #tpu.memory_space<hbm>>
    tpu.wait_indirect_dma semaphore(%arg9 : memref<!tpu.dma_semaphore, #tpu.memory_space<semaphore_mem>>) src(%dma_wait3A_418 : memref<100000x64xf32, #tpu.memory_space<hbm>>) dst(%arg7 : memref<128x64xf32, #tpu.memory_space<vmem>>)
    %add3A_419 = arith.constant 0 : i32
    %add3A_420 = arith.addi %mul3A_2, %add3A_419 : i32
    %dma_start3A_421 = arith.constant 128 : i32
    %dma_start3A_422 = tpu.memref_slice %arg4[%add3A_420, %dma_start3A_421] : memref<8192x1024xf32, #tpu.memory_space<hbm>> -> memref<128x64xf32, #tpu.memory_space<hbm>>
    %dma_start3A_423 = arith.constant 128 : i32
    %dma_start3A_424 = tpu.memref_slice %arg4[%add3A_420, %dma_start3A_423] : memref<8192x1024xf32, #tpu.memory_space<hbm>> -> memref<128x64xf32, #tpu.memory_space<hbm>>
    tpu.enqueue_dma source(%arg7 : memref<128x64xf32, #tpu.memory_space<vmem>>) target(%dma_start3A_424 : memref<128x64xf32, #tpu.memory_space<hbm>>) target_semaphore(%arg10 : memref<!tpu.dma_semaphore, #tpu.memory_space<semaphore_mem>>)
    %dma_wait3A_425 = arith.constant 128 : i32
    %dma_wait3A_426 = tpu.memref_slice %arg4[%add3A_420, %dma_wait3A_425] : memref<8192x1024xf32, #tpu.memory_space<hbm>> -> memref<128x64xf32, #tpu.memory_space<hbm>>
    %dma_wait3A_427 = arith.constant 128 : i32
    %dma_wait3A_428 = tpu.memref_slice %arg4[%add3A_420, %dma_wait3A_427] : memref<8192x1024xf32, #tpu.memory_space<hbm>> -> memref<128x64xf32, #tpu.memory_space<hbm>>
    tpu.wait_dma2 semaphore(%arg10 : memref<!tpu.dma_semaphore, #tpu.memory_space<semaphore_mem>>) src(%arg7 : memref<128x64xf32, #tpu.memory_space<vmem>>) dst(%dma_wait3A_428 : memref<128x64xf32, #tpu.memory_space<hbm>>)
    %dma_start3A_429 = arith.constant 3 : i32
    %dma_start3A_430 = arith.constant 6 : i32
    %dma_start3A_431 = arith.constant 0 : i32
    %dma_start3A_432 = tpu.memref_slice %arg6[%dma_start3A_430, %dma_start3A_431] : memref<32x128xi32, #tpu.memory_space<vmem>> -> memref<1x128xi32, #tpu.memory_space<vmem>>
    %dma_start3A_433 = tpu.memref_squeeze %dma_start3A_432 : memref<1x128xi32, #tpu.memory_space<vmem>> -> memref<128xi32, #tpu.memory_space<vmem>>
    %dma_start3A_434 = arith.constant 0 : i32
    %dma_start3A_435 = arith.constant 0 : i32
    %dma_start3A_436 = tpu.memref_slice %arg3[%dma_start3A_429, %dma_start3A_434, %dma_start3A_435] : memref<16x100000x64xf32, #tpu.memory_space<hbm>> -> memref<1x100000x64xf32, #tpu.memory_space<hbm>>
    %dma_start3A_437 = tpu.memref_squeeze %dma_start3A_436 : memref<1x100000x64xf32, #tpu.memory_space<hbm>> -> memref<100000x64xf32, #tpu.memory_space<hbm>>
    %dma_start3A_438 = arith.constant 0 : i32
    %dma_start3A_439 = arith.constant 0 : i32
    %dma_start3A_440 = tpu.memref_slice %dma_start3A_437[%dma_start3A_438, %dma_start3A_439] : memref<100000x64xf32, #tpu.memory_space<hbm>> -> memref<100000x64xf32, #tpu.memory_space<hbm>>
    tpu.enqueue_indirect_dma source(%dma_start3A_440 : memref<100000x64xf32, #tpu.memory_space<hbm>>) target(%arg7 : memref<128x64xf32, #tpu.memory_space<vmem>>) offsets(%dma_start3A_433 : memref<128xi32, #tpu.memory_space<vmem>>) semaphore(%arg9 : memref<!tpu.dma_semaphore, #tpu.memory_space<semaphore_mem>>)
    %dma_wait3A_441 = arith.constant 2 : i32
    %dma_wait3A_442 = arith.constant 5 : i32
    %dma_wait3A_443 = arith.constant 0 : i32
    %dma_wait3A_444 = tpu.memref_slice %arg6[%dma_wait3A_442, %dma_wait3A_443] : memref<32x128xi32, #tpu.memory_space<vmem>> -> memref<1x128xi32, #tpu.memory_space<vmem>>
    %dma_wait3A_445 = tpu.memref_squeeze %dma_wait3A_444 : memref<1x128xi32, #tpu.memory_space<vmem>> -> memref<128xi32, #tpu.memory_space<vmem>>
    %dma_wait3A_446 = arith.constant 0 : i32
    %dma_wait3A_447 = arith.constant 0 : i32
    %dma_wait3A_448 = tpu.memref_slice %arg3[%dma_wait3A_441, %dma_wait3A_446, %dma_wait3A_447] : memref<16x100000x64xf32, #tpu.memory_space<hbm>> -> memref<1x100000x64xf32, #tpu.memory_space<hbm>>
    %dma_wait3A_449 = tpu.memref_squeeze %dma_wait3A_448 : memref<1x100000x64xf32, #tpu.memory_space<hbm>> -> memref<100000x64xf32, #tpu.memory_space<hbm>>
    %dma_wait3A_450 = arith.constant 0 : i32
    %dma_wait3A_451 = arith.constant 0 : i32
    %dma_wait3A_452 = tpu.memref_slice %dma_wait3A_449[%dma_wait3A_450, %dma_wait3A_451] : memref<100000x64xf32, #tpu.memory_space<hbm>> -> memref<100000x64xf32, #tpu.memory_space<hbm>>
    tpu.wait_indirect_dma semaphore(%arg9 : memref<!tpu.dma_semaphore, #tpu.memory_space<semaphore_mem>>) src(%dma_wait3A_452 : memref<100000x64xf32, #tpu.memory_space<hbm>>) dst(%arg8 : memref<128x64xf32, #tpu.memory_space<vmem>>)
    %add3A_453 = arith.constant 128 : i32
    %add3A_454 = arith.addi %mul3A_2, %add3A_453 : i32
    %dma_start3A_455 = arith.constant 128 : i32
    %dma_start3A_456 = tpu.memref_slice %arg4[%add3A_454, %dma_start3A_455] : memref<8192x1024xf32, #tpu.memory_space<hbm>> -> memref<128x64xf32, #tpu.memory_space<hbm>>
    %dma_start3A_457 = arith.constant 128 : i32
    %dma_start3A_458 = tpu.memref_slice %arg4[%add3A_454, %dma_start3A_457] : memref<8192x1024xf32, #tpu.memory_space<hbm>> -> memref<128x64xf32, #tpu.memory_space<hbm>>
    tpu.enqueue_dma source(%arg8 : memref<128x64xf32, #tpu.memory_space<vmem>>) target(%dma_start3A_458 : memref<128x64xf32, #tpu.memory_space<hbm>>) target_semaphore(%arg10 : memref<!tpu.dma_semaphore, #tpu.memory_space<semaphore_mem>>)
    %dma_wait3A_459 = arith.constant 128 : i32
    %dma_wait3A_460 = tpu.memref_slice %arg4[%add3A_454, %dma_wait3A_459] : memref<8192x1024xf32, #tpu.memory_space<hbm>> -> memref<128x64xf32, #tpu.memory_space<hbm>>
    %dma_wait3A_461 = arith.constant 128 : i32
    %dma_wait3A_462 = tpu.memref_slice %arg4[%add3A_454, %dma_wait3A_461] : memref<8192x1024xf32, #tpu.memory_space<hbm>> -> memref<128x64xf32, #tpu.memory_space<hbm>>
    tpu.wait_dma2 semaphore(%arg10 : memref<!tpu.dma_semaphore, #tpu.memory_space<semaphore_mem>>) src(%arg8 : memref<128x64xf32, #tpu.memory_space<vmem>>) dst(%dma_wait3A_462 : memref<128x64xf32, #tpu.memory_space<hbm>>)
    %dma_start3A_463 = arith.constant 3 : i32
    %dma_start3A_464 = arith.constant 7 : i32
    %dma_start3A_465 = arith.constant 0 : i32
    %dma_start3A_466 = tpu.memref_slice %arg6[%dma_start3A_464, %dma_start3A_465] : memref<32x128xi32, #tpu.memory_space<vmem>> -> memref<1x128xi32, #tpu.memory_space<vmem>>
    %dma_start3A_467 = tpu.memref_squeeze %dma_start3A_466 : memref<1x128xi32, #tpu.memory_space<vmem>> -> memref<128xi32, #tpu.memory_space<vmem>>
    %dma_start3A_468 = arith.constant 0 : i32
    %dma_start3A_469 = arith.constant 0 : i32
    %dma_start3A_470 = tpu.memref_slice %arg3[%dma_start3A_463, %dma_start3A_468, %dma_start3A_469] : memref<16x100000x64xf32, #tpu.memory_space<hbm>> -> memref<1x100000x64xf32, #tpu.memory_space<hbm>>
    %dma_start3A_471 = tpu.memref_squeeze %dma_start3A_470 : memref<1x100000x64xf32, #tpu.memory_space<hbm>> -> memref<100000x64xf32, #tpu.memory_space<hbm>>
    %dma_start3A_472 = arith.constant 0 : i32
    %dma_start3A_473 = arith.constant 0 : i32
    %dma_start3A_474 = tpu.memref_slice %dma_start3A_471[%dma_start3A_472, %dma_start3A_473] : memref<100000x64xf32, #tpu.memory_space<hbm>> -> memref<100000x64xf32, #tpu.memory_space<hbm>>
    tpu.enqueue_indirect_dma source(%dma_start3A_474 : memref<100000x64xf32, #tpu.memory_space<hbm>>) target(%arg8 : memref<128x64xf32, #tpu.memory_space<vmem>>) offsets(%dma_start3A_467 : memref<128xi32, #tpu.memory_space<vmem>>) semaphore(%arg9 : memref<!tpu.dma_semaphore, #tpu.memory_space<semaphore_mem>>)
    %dma_wait3A_475 = arith.constant 3 : i32
    %dma_wait3A_476 = arith.constant 6 : i32
    %dma_wait3A_477 = arith.constant 0 : i32
    %dma_wait3A_478 = tpu.memref_slice %arg6[%dma_wait3A_476, %dma_wait3A_477] : memref<32x128xi32, #tpu.memory_space<vmem>> -> memref<1x128xi32, #tpu.memory_space<vmem>>
    %dma_wait3A_479 = tpu.memref_squeeze %dma_wait3A_478 : memref<1x128xi32, #tpu.memory_space<vmem>> -> memref<128xi32, #tpu.memory_space<vmem>>
    %dma_wait3A_480 = arith.constant 0 : i32
    %dma_wait3A_481 = arith.constant 0 : i32
    %dma_wait3A_482 = tpu.memref_slice %arg3[%dma_wait3A_475, %dma_wait3A_480, %dma_wait3A_481] : memref<16x100000x64xf32, #tpu.memory_space<hbm>> -> memref<1x100000x64xf32, #tpu.memory_space<hbm>>
    %dma_wait3A_483 = tpu.memref_squeeze %dma_wait3A_482 : memref<1x100000x64xf32, #tpu.memory_space<hbm>> -> memref<100000x64xf32, #tpu.memory_space<hbm>>
    %dma_wait3A_484 = arith.constant 0 : i32
    %dma_wait3A_485 = arith.constant 0 : i32
    %dma_wait3A_486 = tpu.memref_slice %dma_wait3A_483[%dma_wait3A_484, %dma_wait3A_485] : memref<100000x64xf32, #tpu.memory_space<hbm>> -> memref<100000x64xf32, #tpu.memory_space<hbm>>
    tpu.wait_indirect_dma semaphore(%arg9 : memref<!tpu.dma_semaphore, #tpu.memory_space<semaphore_mem>>) src(%dma_wait3A_486 : memref<100000x64xf32, #tpu.memory_space<hbm>>) dst(%arg7 : memref<128x64xf32, #tpu.memory_space<vmem>>)
    %add3A_487 = arith.constant 0 : i32
    %add3A_488 = arith.addi %mul3A_2, %add3A_487 : i32
    %dma_start3A_489 = arith.constant 192 : i32
    %dma_start3A_490 = tpu.memref_slice %arg4[%add3A_488, %dma_start3A_489] : memref<8192x1024xf32, #tpu.memory_space<hbm>> -> memref<128x64xf32, #tpu.memory_space<hbm>>
    %dma_start3A_491 = arith.constant 192 : i32
    %dma_start3A_492 = tpu.memref_slice %arg4[%add3A_488, %dma_start3A_491] : memref<8192x1024xf32, #tpu.memory_space<hbm>> -> memref<128x64xf32, #tpu.memory_space<hbm>>
    tpu.enqueue_dma source(%arg7 : memref<128x64xf32, #tpu.memory_space<vmem>>) target(%dma_start3A_492 : memref<128x64xf32, #tpu.memory_space<hbm>>) target_semaphore(%arg10 : memref<!tpu.dma_semaphore, #tpu.memory_space<semaphore_mem>>)
    %dma_wait3A_493 = arith.constant 192 : i32
    %dma_wait3A_494 = tpu.memref_slice %arg4[%add3A_488, %dma_wait3A_493] : memref<8192x1024xf32, #tpu.memory_space<hbm>> -> memref<128x64xf32, #tpu.memory_space<hbm>>
    %dma_wait3A_495 = arith.constant 192 : i32
    %dma_wait3A_496 = tpu.memref_slice %arg4[%add3A_488, %dma_wait3A_495] : memref<8192x1024xf32, #tpu.memory_space<hbm>> -> memref<128x64xf32, #tpu.memory_space<hbm>>
    tpu.wait_dma2 semaphore(%arg10 : memref<!tpu.dma_semaphore, #tpu.memory_space<semaphore_mem>>) src(%arg7 : memref<128x64xf32, #tpu.memory_space<vmem>>) dst(%dma_wait3A_496 : memref<128x64xf32, #tpu.memory_space<hbm>>)
    %dma_start3A_497 = arith.constant 4 : i32
    %dma_start3A_498 = arith.constant 8 : i32
    %dma_start3A_499 = arith.constant 0 : i32
    %dma_start3A_500 = tpu.memref_slice %arg6[%dma_start3A_498, %dma_start3A_499] : memref<32x128xi32, #tpu.memory_space<vmem>> -> memref<1x128xi32, #tpu.memory_space<vmem>>
    %dma_start3A_501 = tpu.memref_squeeze %dma_start3A_500 : memref<1x128xi32, #tpu.memory_space<vmem>> -> memref<128xi32, #tpu.memory_space<vmem>>
    %dma_start3A_502 = arith.constant 0 : i32
    %dma_start3A_503 = arith.constant 0 : i32
    %dma_start3A_504 = tpu.memref_slice %arg3[%dma_start3A_497, %dma_start3A_502, %dma_start3A_503] : memref<16x100000x64xf32, #tpu.memory_space<hbm>> -> memref<1x100000x64xf32, #tpu.memory_space<hbm>>
    %dma_start3A_505 = tpu.memref_squeeze %dma_start3A_504 : memref<1x100000x64xf32, #tpu.memory_space<hbm>> -> memref<100000x64xf32, #tpu.memory_space<hbm>>
    %dma_start3A_506 = arith.constant 0 : i32
    %dma_start3A_507 = arith.constant 0 : i32
    %dma_start3A_508 = tpu.memref_slice %dma_start3A_505[%dma_start3A_506, %dma_start3A_507] : memref<100000x64xf32, #tpu.memory_space<hbm>> -> memref<100000x64xf32, #tpu.memory_space<hbm>>
    tpu.enqueue_indirect_dma source(%dma_start3A_508 : memref<100000x64xf32, #tpu.memory_space<hbm>>) target(%arg7 : memref<128x64xf32, #tpu.memory_space<vmem>>) offsets(%dma_start3A_501 : memref<128xi32, #tpu.memory_space<vmem>>) semaphore(%arg9 : memref<!tpu.dma_semaphore, #tpu.memory_space<semaphore_mem>>)
    %dma_wait3A_509 = arith.constant 3 : i32
    %dma_wait3A_510 = arith.constant 7 : i32
    %dma_wait3A_511 = arith.constant 0 : i32
    %dma_wait3A_512 = tpu.memref_slice %arg6[%dma_wait3A_510, %dma_wait3A_511] : memref<32x128xi32, #tpu.memory_space<vmem>> -> memref<1x128xi32, #tpu.memory_space<vmem>>
    %dma_wait3A_513 = tpu.memref_squeeze %dma_wait3A_512 : memref<1x128xi32, #tpu.memory_space<vmem>> -> memref<128xi32, #tpu.memory_space<vmem>>
    %dma_wait3A_514 = arith.constant 0 : i32
    %dma_wait3A_515 = arith.constant 0 : i32
    %dma_wait3A_516 = tpu.memref_slice %arg3[%dma_wait3A_509, %dma_wait3A_514, %dma_wait3A_515] : memref<16x100000x64xf32, #tpu.memory_space<hbm>> -> memref<1x100000x64xf32, #tpu.memory_space<hbm>>
    %dma_wait3A_517 = tpu.memref_squeeze %dma_wait3A_516 : memref<1x100000x64xf32, #tpu.memory_space<hbm>> -> memref<100000x64xf32, #tpu.memory_space<hbm>>
    %dma_wait3A_518 = arith.constant 0 : i32
    %dma_wait3A_519 = arith.constant 0 : i32
    %dma_wait3A_520 = tpu.memref_slice %dma_wait3A_517[%dma_wait3A_518, %dma_wait3A_519] : memref<100000x64xf32, #tpu.memory_space<hbm>> -> memref<100000x64xf32, #tpu.memory_space<hbm>>
    tpu.wait_indirect_dma semaphore(%arg9 : memref<!tpu.dma_semaphore, #tpu.memory_space<semaphore_mem>>) src(%dma_wait3A_520 : memref<100000x64xf32, #tpu.memory_space<hbm>>) dst(%arg8 : memref<128x64xf32, #tpu.memory_space<vmem>>)
    %add3A_521 = arith.constant 128 : i32
    %add3A_522 = arith.addi %mul3A_2, %add3A_521 : i32
    %dma_start3A_523 = arith.constant 192 : i32
    %dma_start3A_524 = tpu.memref_slice %arg4[%add3A_522, %dma_start3A_523] : memref<8192x1024xf32, #tpu.memory_space<hbm>> -> memref<128x64xf32, #tpu.memory_space<hbm>>
    %dma_start3A_525 = arith.constant 192 : i32
    %dma_start3A_526 = tpu.memref_slice %arg4[%add3A_522, %dma_start3A_525] : memref<8192x1024xf32, #tpu.memory_space<hbm>> -> memref<128x64xf32, #tpu.memory_space<hbm>>
    tpu.enqueue_dma source(%arg8 : memref<128x64xf32, #tpu.memory_space<vmem>>) target(%dma_start3A_526 : memref<128x64xf32, #tpu.memory_space<hbm>>) target_semaphore(%arg10 : memref<!tpu.dma_semaphore, #tpu.memory_space<semaphore_mem>>)
    %dma_wait3A_527 = arith.constant 192 : i32
    %dma_wait3A_528 = tpu.memref_slice %arg4[%add3A_522, %dma_wait3A_527] : memref<8192x1024xf32, #tpu.memory_space<hbm>> -> memref<128x64xf32, #tpu.memory_space<hbm>>
    %dma_wait3A_529 = arith.constant 192 : i32
    %dma_wait3A_530 = tpu.memref_slice %arg4[%add3A_522, %dma_wait3A_529] : memref<8192x1024xf32, #tpu.memory_space<hbm>> -> memref<128x64xf32, #tpu.memory_space<hbm>>
    tpu.wait_dma2 semaphore(%arg10 : memref<!tpu.dma_semaphore, #tpu.memory_space<semaphore_mem>>) src(%arg8 : memref<128x64xf32, #tpu.memory_space<vmem>>) dst(%dma_wait3A_530 : memref<128x64xf32, #tpu.memory_space<hbm>>)
    %dma_start3A_531 = arith.constant 4 : i32
    %dma_start3A_532 = arith.constant 9 : i32
    %dma_start3A_533 = arith.constant 0 : i32
    %dma_start3A_534 = tpu.memref_slice %arg6[%dma_start3A_532, %dma_start3A_533] : memref<32x128xi32, #tpu.memory_space<vmem>> -> memref<1x128xi32, #tpu.memory_space<vmem>>
    %dma_start3A_535 = tpu.memref_squeeze %dma_start3A_534 : memref<1x128xi32, #tpu.memory_space<vmem>> -> memref<128xi32, #tpu.memory_space<vmem>>
    %dma_start3A_536 = arith.constant 0 : i32
    %dma_start3A_537 = arith.constant 0 : i32
    %dma_start3A_538 = tpu.memref_slice %arg3[%dma_start3A_531, %dma_start3A_536, %dma_start3A_537] : memref<16x100000x64xf32, #tpu.memory_space<hbm>> -> memref<1x100000x64xf32, #tpu.memory_space<hbm>>
    %dma_start3A_539 = tpu.memref_squeeze %dma_start3A_538 : memref<1x100000x64xf32, #tpu.memory_space<hbm>> -> memref<100000x64xf32, #tpu.memory_space<hbm>>
    %dma_start3A_540 = arith.constant 0 : i32
    %dma_start3A_541 = arith.constant 0 : i32
    %dma_start3A_542 = tpu.memref_slice %dma_start3A_539[%dma_start3A_540, %dma_start3A_541] : memref<100000x64xf32, #tpu.memory_space<hbm>> -> memref<100000x64xf32, #tpu.memory_space<hbm>>
    tpu.enqueue_indirect_dma source(%dma_start3A_542 : memref<100000x64xf32, #tpu.memory_space<hbm>>) target(%arg8 : memref<128x64xf32, #tpu.memory_space<vmem>>) offsets(%dma_start3A_535 : memref<128xi32, #tpu.memory_space<vmem>>) semaphore(%arg9 : memref<!tpu.dma_semaphore, #tpu.memory_space<semaphore_mem>>)
    %dma_wait3A_543 = arith.constant 4 : i32
    %dma_wait3A_544 = arith.constant 8 : i32
    %dma_wait3A_545 = arith.constant 0 : i32
    %dma_wait3A_546 = tpu.memref_slice %arg6[%dma_wait3A_544, %dma_wait3A_545] : memref<32x128xi32, #tpu.memory_space<vmem>> -> memref<1x128xi32, #tpu.memory_space<vmem>>
    %dma_wait3A_547 = tpu.memref_squeeze %dma_wait3A_546 : memref<1x128xi32, #tpu.memory_space<vmem>> -> memref<128xi32, #tpu.memory_space<vmem>>
    %dma_wait3A_548 = arith.constant 0 : i32
    %dma_wait3A_549 = arith.constant 0 : i32
    %dma_wait3A_550 = tpu.memref_slice %arg3[%dma_wait3A_543, %dma_wait3A_548, %dma_wait3A_549] : memref<16x100000x64xf32, #tpu.memory_space<hbm>> -> memref<1x100000x64xf32, #tpu.memory_space<hbm>>
    %dma_wait3A_551 = tpu.memref_squeeze %dma_wait3A_550 : memref<1x100000x64xf32, #tpu.memory_space<hbm>> -> memref<100000x64xf32, #tpu.memory_space<hbm>>
    %dma_wait3A_552 = arith.constant 0 : i32
    %dma_wait3A_553 = arith.constant 0 : i32
    %dma_wait3A_554 = tpu.memref_slice %dma_wait3A_551[%dma_wait3A_552, %dma_wait3A_553] : memref<100000x64xf32, #tpu.memory_space<hbm>> -> memref<100000x64xf32, #tpu.memory_space<hbm>>
    tpu.wait_indirect_dma semaphore(%arg9 : memref<!tpu.dma_semaphore, #tpu.memory_space<semaphore_mem>>) src(%dma_wait3A_554 : memref<100000x64xf32, #tpu.memory_space<hbm>>) dst(%arg7 : memref<128x64xf32, #tpu.memory_space<vmem>>)
    %add3A_555 = arith.constant 0 : i32
    %add3A_556 = arith.addi %mul3A_2, %add3A_555 : i32
    %dma_start3A_557 = arith.constant 256 : i32
    %dma_start3A_558 = tpu.memref_slice %arg4[%add3A_556, %dma_start3A_557] : memref<8192x1024xf32, #tpu.memory_space<hbm>> -> memref<128x64xf32, #tpu.memory_space<hbm>>
    %dma_start3A_559 = arith.constant 256 : i32
    %dma_start3A_560 = tpu.memref_slice %arg4[%add3A_556, %dma_start3A_559] : memref<8192x1024xf32, #tpu.memory_space<hbm>> -> memref<128x64xf32, #tpu.memory_space<hbm>>
    tpu.enqueue_dma source(%arg7 : memref<128x64xf32, #tpu.memory_space<vmem>>) target(%dma_start3A_560 : memref<128x64xf32, #tpu.memory_space<hbm>>) target_semaphore(%arg10 : memref<!tpu.dma_semaphore, #tpu.memory_space<semaphore_mem>>)
    %dma_wait3A_561 = arith.constant 256 : i32
    %dma_wait3A_562 = tpu.memref_slice %arg4[%add3A_556, %dma_wait3A_561] : memref<8192x1024xf32, #tpu.memory_space<hbm>> -> memref<128x64xf32, #tpu.memory_space<hbm>>
    %dma_wait3A_563 = arith.constant 256 : i32
    %dma_wait3A_564 = tpu.memref_slice %arg4[%add3A_556, %dma_wait3A_563] : memref<8192x1024xf32, #tpu.memory_space<hbm>> -> memref<128x64xf32, #tpu.memory_space<hbm>>
    tpu.wait_dma2 semaphore(%arg10 : memref<!tpu.dma_semaphore, #tpu.memory_space<semaphore_mem>>) src(%arg7 : memref<128x64xf32, #tpu.memory_space<vmem>>) dst(%dma_wait3A_564 : memref<128x64xf32, #tpu.memory_space<hbm>>)
    %dma_start3A_565 = arith.constant 5 : i32
    %dma_start3A_566 = arith.constant 10 : i32
    %dma_start3A_567 = arith.constant 0 : i32
    %dma_start3A_568 = tpu.memref_slice %arg6[%dma_start3A_566, %dma_start3A_567] : memref<32x128xi32, #tpu.memory_space<vmem>> -> memref<1x128xi32, #tpu.memory_space<vmem>>
    %dma_start3A_569 = tpu.memref_squeeze %dma_start3A_568 : memref<1x128xi32, #tpu.memory_space<vmem>> -> memref<128xi32, #tpu.memory_space<vmem>>
    %dma_start3A_570 = arith.constant 0 : i32
    %dma_start3A_571 = arith.constant 0 : i32
    %dma_start3A_572 = tpu.memref_slice %arg3[%dma_start3A_565, %dma_start3A_570, %dma_start3A_571] : memref<16x100000x64xf32, #tpu.memory_space<hbm>> -> memref<1x100000x64xf32, #tpu.memory_space<hbm>>
    %dma_start3A_573 = tpu.memref_squeeze %dma_start3A_572 : memref<1x100000x64xf32, #tpu.memory_space<hbm>> -> memref<100000x64xf32, #tpu.memory_space<hbm>>
    %dma_start3A_574 = arith.constant 0 : i32
    %dma_start3A_575 = arith.constant 0 : i32
    %dma_start3A_576 = tpu.memref_slice %dma_start3A_573[%dma_start3A_574, %dma_start3A_575] : memref<100000x64xf32, #tpu.memory_space<hbm>> -> memref<100000x64xf32, #tpu.memory_space<hbm>>
    tpu.enqueue_indirect_dma source(%dma_start3A_576 : memref<100000x64xf32, #tpu.memory_space<hbm>>) target(%arg7 : memref<128x64xf32, #tpu.memory_space<vmem>>) offsets(%dma_start3A_569 : memref<128xi32, #tpu.memory_space<vmem>>) semaphore(%arg9 : memref<!tpu.dma_semaphore, #tpu.memory_space<semaphore_mem>>)
    %dma_wait3A_577 = arith.constant 4 : i32
    %dma_wait3A_578 = arith.constant 9 : i32
    %dma_wait3A_579 = arith.constant 0 : i32
    %dma_wait3A_580 = tpu.memref_slice %arg6[%dma_wait3A_578, %dma_wait3A_579] : memref<32x128xi32, #tpu.memory_space<vmem>> -> memref<1x128xi32, #tpu.memory_space<vmem>>
    %dma_wait3A_581 = tpu.memref_squeeze %dma_wait3A_580 : memref<1x128xi32, #tpu.memory_space<vmem>> -> memref<128xi32, #tpu.memory_space<vmem>>
    %dma_wait3A_582 = arith.constant 0 : i32
    %dma_wait3A_583 = arith.constant 0 : i32
    %dma_wait3A_584 = tpu.memref_slice %arg3[%dma_wait3A_577, %dma_wait3A_582, %dma_wait3A_583] : memref<16x100000x64xf32, #tpu.memory_space<hbm>> -> memref<1x100000x64xf32, #tpu.memory_space<hbm>>
    %dma_wait3A_585 = tpu.memref_squeeze %dma_wait3A_584 : memref<1x100000x64xf32, #tpu.memory_space<hbm>> -> memref<100000x64xf32, #tpu.memory_space<hbm>>
    %dma_wait3A_586 = arith.constant 0 : i32
    %dma_wait3A_587 = arith.constant 0 : i32
    %dma_wait3A_588 = tpu.memref_slice %dma_wait3A_585[%dma_wait3A_586, %dma_wait3A_587] : memref<100000x64xf32, #tpu.memory_space<hbm>> -> memref<100000x64xf32, #tpu.memory_space<hbm>>
    tpu.wait_indirect_dma semaphore(%arg9 : memref<!tpu.dma_semaphore, #tpu.memory_space<semaphore_mem>>) src(%dma_wait3A_588 : memref<100000x64xf32, #tpu.memory_space<hbm>>) dst(%arg8 : memref<128x64xf32, #tpu.memory_space<vmem>>)
    %add3A_589 = arith.constant 128 : i32
    %add3A_590 = arith.addi %mul3A_2, %add3A_589 : i32
    %dma_start3A_591 = arith.constant 256 : i32
    %dma_start3A_592 = tpu.memref_slice %arg4[%add3A_590, %dma_start3A_591] : memref<8192x1024xf32, #tpu.memory_space<hbm>> -> memref<128x64xf32, #tpu.memory_space<hbm>>
    %dma_start3A_593 = arith.constant 256 : i32
    %dma_start3A_594 = tpu.memref_slice %arg4[%add3A_590, %dma_start3A_593] : memref<8192x1024xf32, #tpu.memory_space<hbm>> -> memref<128x64xf32, #tpu.memory_space<hbm>>
    tpu.enqueue_dma source(%arg8 : memref<128x64xf32, #tpu.memory_space<vmem>>) target(%dma_start3A_594 : memref<128x64xf32, #tpu.memory_space<hbm>>) target_semaphore(%arg10 : memref<!tpu.dma_semaphore, #tpu.memory_space<semaphore_mem>>)
    %dma_wait3A_595 = arith.constant 256 : i32
    %dma_wait3A_596 = tpu.memref_slice %arg4[%add3A_590, %dma_wait3A_595] : memref<8192x1024xf32, #tpu.memory_space<hbm>> -> memref<128x64xf32, #tpu.memory_space<hbm>>
    %dma_wait3A_597 = arith.constant 256 : i32
    %dma_wait3A_598 = tpu.memref_slice %arg4[%add3A_590, %dma_wait3A_597] : memref<8192x1024xf32, #tpu.memory_space<hbm>> -> memref<128x64xf32, #tpu.memory_space<hbm>>
    tpu.wait_dma2 semaphore(%arg10 : memref<!tpu.dma_semaphore, #tpu.memory_space<semaphore_mem>>) src(%arg8 : memref<128x64xf32, #tpu.memory_space<vmem>>) dst(%dma_wait3A_598 : memref<128x64xf32, #tpu.memory_space<hbm>>)
    %dma_start3A_599 = arith.constant 5 : i32
    %dma_start3A_600 = arith.constant 11 : i32
    %dma_start3A_601 = arith.constant 0 : i32
    %dma_start3A_602 = tpu.memref_slice %arg6[%dma_start3A_600, %dma_start3A_601] : memref<32x128xi32, #tpu.memory_space<vmem>> -> memref<1x128xi32, #tpu.memory_space<vmem>>
    %dma_start3A_603 = tpu.memref_squeeze %dma_start3A_602 : memref<1x128xi32, #tpu.memory_space<vmem>> -> memref<128xi32, #tpu.memory_space<vmem>>
    %dma_start3A_604 = arith.constant 0 : i32
    %dma_start3A_605 = arith.constant 0 : i32
    %dma_start3A_606 = tpu.memref_slice %arg3[%dma_start3A_599, %dma_start3A_604, %dma_start3A_605] : memref<16x100000x64xf32, #tpu.memory_space<hbm>> -> memref<1x100000x64xf32, #tpu.memory_space<hbm>>
    %dma_start3A_607 = tpu.memref_squeeze %dma_start3A_606 : memref<1x100000x64xf32, #tpu.memory_space<hbm>> -> memref<100000x64xf32, #tpu.memory_space<hbm>>
    %dma_start3A_608 = arith.constant 0 : i32
    %dma_start3A_609 = arith.constant 0 : i32
    %dma_start3A_610 = tpu.memref_slice %dma_start3A_607[%dma_start3A_608, %dma_start3A_609] : memref<100000x64xf32, #tpu.memory_space<hbm>> -> memref<100000x64xf32, #tpu.memory_space<hbm>>
    tpu.enqueue_indirect_dma source(%dma_start3A_610 : memref<100000x64xf32, #tpu.memory_space<hbm>>) target(%arg8 : memref<128x64xf32, #tpu.memory_space<vmem>>) offsets(%dma_start3A_603 : memref<128xi32, #tpu.memory_space<vmem>>) semaphore(%arg9 : memref<!tpu.dma_semaphore, #tpu.memory_space<semaphore_mem>>)
    %dma_wait3A_611 = arith.constant 5 : i32
    %dma_wait3A_612 = arith.constant 10 : i32
    %dma_wait3A_613 = arith.constant 0 : i32
    %dma_wait3A_614 = tpu.memref_slice %arg6[%dma_wait3A_612, %dma_wait3A_613] : memref<32x128xi32, #tpu.memory_space<vmem>> -> memref<1x128xi32, #tpu.memory_space<vmem>>
    %dma_wait3A_615 = tpu.memref_squeeze %dma_wait3A_614 : memref<1x128xi32, #tpu.memory_space<vmem>> -> memref<128xi32, #tpu.memory_space<vmem>>
    %dma_wait3A_616 = arith.constant 0 : i32
    %dma_wait3A_617 = arith.constant 0 : i32
    %dma_wait3A_618 = tpu.memref_slice %arg3[%dma_wait3A_611, %dma_wait3A_616, %dma_wait3A_617] : memref<16x100000x64xf32, #tpu.memory_space<hbm>> -> memref<1x100000x64xf32, #tpu.memory_space<hbm>>
    %dma_wait3A_619 = tpu.memref_squeeze %dma_wait3A_618 : memref<1x100000x64xf32, #tpu.memory_space<hbm>> -> memref<100000x64xf32, #tpu.memory_space<hbm>>
    %dma_wait3A_620 = arith.constant 0 : i32
    %dma_wait3A_621 = arith.constant 0 : i32
    %dma_wait3A_622 = tpu.memref_slice %dma_wait3A_619[%dma_wait3A_620, %dma_wait3A_621] : memref<100000x64xf32, #tpu.memory_space<hbm>> -> memref<100000x64xf32, #tpu.memory_space<hbm>>
    tpu.wait_indirect_dma semaphore(%arg9 : memref<!tpu.dma_semaphore, #tpu.memory_space<semaphore_mem>>) src(%dma_wait3A_622 : memref<100000x64xf32, #tpu.memory_space<hbm>>) dst(%arg7 : memref<128x64xf32, #tpu.memory_space<vmem>>)
    %add3A_623 = arith.constant 0 : i32
    %add3A_624 = arith.addi %mul3A_2, %add3A_623 : i32
    %dma_start3A_625 = arith.constant 320 : i32
    %dma_start3A_626 = tpu.memref_slice %arg4[%add3A_624, %dma_start3A_625] : memref<8192x1024xf32, #tpu.memory_space<hbm>> -> memref<128x64xf32, #tpu.memory_space<hbm>>
    %dma_start3A_627 = arith.constant 320 : i32
    %dma_start3A_628 = tpu.memref_slice %arg4[%add3A_624, %dma_start3A_627] : memref<8192x1024xf32, #tpu.memory_space<hbm>> -> memref<128x64xf32, #tpu.memory_space<hbm>>
    tpu.enqueue_dma source(%arg7 : memref<128x64xf32, #tpu.memory_space<vmem>>) target(%dma_start3A_628 : memref<128x64xf32, #tpu.memory_space<hbm>>) target_semaphore(%arg10 : memref<!tpu.dma_semaphore, #tpu.memory_space<semaphore_mem>>)
    %dma_wait3A_629 = arith.constant 320 : i32
    %dma_wait3A_630 = tpu.memref_slice %arg4[%add3A_624, %dma_wait3A_629] : memref<8192x1024xf32, #tpu.memory_space<hbm>> -> memref<128x64xf32, #tpu.memory_space<hbm>>
    %dma_wait3A_631 = arith.constant 320 : i32
    %dma_wait3A_632 = tpu.memref_slice %arg4[%add3A_624, %dma_wait3A_631] : memref<8192x1024xf32, #tpu.memory_space<hbm>> -> memref<128x64xf32, #tpu.memory_space<hbm>>
    tpu.wait_dma2 semaphore(%arg10 : memref<!tpu.dma_semaphore, #tpu.memory_space<semaphore_mem>>) src(%arg7 : memref<128x64xf32, #tpu.memory_space<vmem>>) dst(%dma_wait3A_632 : memref<128x64xf32, #tpu.memory_space<hbm>>)
    %dma_start3A_633 = arith.constant 6 : i32
    %dma_start3A_634 = arith.constant 12 : i32
    %dma_start3A_635 = arith.constant 0 : i32
    %dma_start3A_636 = tpu.memref_slice %arg6[%dma_start3A_634, %dma_start3A_635] : memref<32x128xi32, #tpu.memory_space<vmem>> -> memref<1x128xi32, #tpu.memory_space<vmem>>
    %dma_start3A_637 = tpu.memref_squeeze %dma_start3A_636 : memref<1x128xi32, #tpu.memory_space<vmem>> -> memref<128xi32, #tpu.memory_space<vmem>>
    %dma_start3A_638 = arith.constant 0 : i32
    %dma_start3A_639 = arith.constant 0 : i32
    %dma_start3A_640 = tpu.memref_slice %arg3[%dma_start3A_633, %dma_start3A_638, %dma_start3A_639] : memref<16x100000x64xf32, #tpu.memory_space<hbm>> -> memref<1x100000x64xf32, #tpu.memory_space<hbm>>
    %dma_start3A_641 = tpu.memref_squeeze %dma_start3A_640 : memref<1x100000x64xf32, #tpu.memory_space<hbm>> -> memref<100000x64xf32, #tpu.memory_space<hbm>>
    %dma_start3A_642 = arith.constant 0 : i32
    %dma_start3A_643 = arith.constant 0 : i32
    %dma_start3A_644 = tpu.memref_slice %dma_start3A_641[%dma_start3A_642, %dma_start3A_643] : memref<100000x64xf32, #tpu.memory_space<hbm>> -> memref<100000x64xf32, #tpu.memory_space<hbm>>
    tpu.enqueue_indirect_dma source(%dma_start3A_644 : memref<100000x64xf32, #tpu.memory_space<hbm>>) target(%arg7 : memref<128x64xf32, #tpu.memory_space<vmem>>) offsets(%dma_start3A_637 : memref<128xi32, #tpu.memory_space<vmem>>) semaphore(%arg9 : memref<!tpu.dma_semaphore, #tpu.memory_space<semaphore_mem>>)
    %dma_wait3A_645 = arith.constant 5 : i32
    %dma_wait3A_646 = arith.constant 11 : i32
    %dma_wait3A_647 = arith.constant 0 : i32
    %dma_wait3A_648 = tpu.memref_slice %arg6[%dma_wait3A_646, %dma_wait3A_647] : memref<32x128xi32, #tpu.memory_space<vmem>> -> memref<1x128xi32, #tpu.memory_space<vmem>>
    %dma_wait3A_649 = tpu.memref_squeeze %dma_wait3A_648 : memref<1x128xi32, #tpu.memory_space<vmem>> -> memref<128xi32, #tpu.memory_space<vmem>>
    %dma_wait3A_650 = arith.constant 0 : i32
    %dma_wait3A_651 = arith.constant 0 : i32
    %dma_wait3A_652 = tpu.memref_slice %arg3[%dma_wait3A_645, %dma_wait3A_650, %dma_wait3A_651] : memref<16x100000x64xf32, #tpu.memory_space<hbm>> -> memref<1x100000x64xf32, #tpu.memory_space<hbm>>
    %dma_wait3A_653 = tpu.memref_squeeze %dma_wait3A_652 : memref<1x100000x64xf32, #tpu.memory_space<hbm>> -> memref<100000x64xf32, #tpu.memory_space<hbm>>
    %dma_wait3A_654 = arith.constant 0 : i32
    %dma_wait3A_655 = arith.constant 0 : i32
    %dma_wait3A_656 = tpu.memref_slice %dma_wait3A_653[%dma_wait3A_654, %dma_wait3A_655] : memref<100000x64xf32, #tpu.memory_space<hbm>> -> memref<100000x64xf32, #tpu.memory_space<hbm>>
    tpu.wait_indirect_dma semaphore(%arg9 : memref<!tpu.dma_semaphore, #tpu.memory_space<semaphore_mem>>) src(%dma_wait3A_656 : memref<100000x64xf32, #tpu.memory_space<hbm>>) dst(%arg8 : memref<128x64xf32, #tpu.memory_space<vmem>>)
    %add3A_657 = arith.constant 128 : i32
    %add3A_658 = arith.addi %mul3A_2, %add3A_657 : i32
    %dma_start3A_659 = arith.constant 320 : i32
    %dma_start3A_660 = tpu.memref_slice %arg4[%add3A_658, %dma_start3A_659] : memref<8192x1024xf32, #tpu.memory_space<hbm>> -> memref<128x64xf32, #tpu.memory_space<hbm>>
    %dma_start3A_661 = arith.constant 320 : i32
    %dma_start3A_662 = tpu.memref_slice %arg4[%add3A_658, %dma_start3A_661] : memref<8192x1024xf32, #tpu.memory_space<hbm>> -> memref<128x64xf32, #tpu.memory_space<hbm>>
    tpu.enqueue_dma source(%arg8 : memref<128x64xf32, #tpu.memory_space<vmem>>) target(%dma_start3A_662 : memref<128x64xf32, #tpu.memory_space<hbm>>) target_semaphore(%arg10 : memref<!tpu.dma_semaphore, #tpu.memory_space<semaphore_mem>>)
    %dma_wait3A_663 = arith.constant 320 : i32
    %dma_wait3A_664 = tpu.memref_slice %arg4[%add3A_658, %dma_wait3A_663] : memref<8192x1024xf32, #tpu.memory_space<hbm>> -> memref<128x64xf32, #tpu.memory_space<hbm>>
    %dma_wait3A_665 = arith.constant 320 : i32
    %dma_wait3A_666 = tpu.memref_slice %arg4[%add3A_658, %dma_wait3A_665] : memref<8192x1024xf32, #tpu.memory_space<hbm>> -> memref<128x64xf32, #tpu.memory_space<hbm>>
    tpu.wait_dma2 semaphore(%arg10 : memref<!tpu.dma_semaphore, #tpu.memory_space<semaphore_mem>>) src(%arg8 : memref<128x64xf32, #tpu.memory_space<vmem>>) dst(%dma_wait3A_666 : memref<128x64xf32, #tpu.memory_space<hbm>>)
    %dma_start3A_667 = arith.constant 6 : i32
    %dma_start3A_668 = arith.constant 13 : i32
    %dma_start3A_669 = arith.constant 0 : i32
    %dma_start3A_670 = tpu.memref_slice %arg6[%dma_start3A_668, %dma_start3A_669] : memref<32x128xi32, #tpu.memory_space<vmem>> -> memref<1x128xi32, #tpu.memory_space<vmem>>
    %dma_start3A_671 = tpu.memref_squeeze %dma_start3A_670 : memref<1x128xi32, #tpu.memory_space<vmem>> -> memref<128xi32, #tpu.memory_space<vmem>>
    %dma_start3A_672 = arith.constant 0 : i32
    %dma_start3A_673 = arith.constant 0 : i32
    %dma_start3A_674 = tpu.memref_slice %arg3[%dma_start3A_667, %dma_start3A_672, %dma_start3A_673] : memref<16x100000x64xf32, #tpu.memory_space<hbm>> -> memref<1x100000x64xf32, #tpu.memory_space<hbm>>
    %dma_start3A_675 = tpu.memref_squeeze %dma_start3A_674 : memref<1x100000x64xf32, #tpu.memory_space<hbm>> -> memref<100000x64xf32, #tpu.memory_space<hbm>>
    %dma_start3A_676 = arith.constant 0 : i32
    %dma_start3A_677 = arith.constant 0 : i32
    %dma_start3A_678 = tpu.memref_slice %dma_start3A_675[%dma_start3A_676, %dma_start3A_677] : memref<100000x64xf32, #tpu.memory_space<hbm>> -> memref<100000x64xf32, #tpu.memory_space<hbm>>
    tpu.enqueue_indirect_dma source(%dma_start3A_678 : memref<100000x64xf32, #tpu.memory_space<hbm>>) target(%arg8 : memref<128x64xf32, #tpu.memory_space<vmem>>) offsets(%dma_start3A_671 : memref<128xi32, #tpu.memory_space<vmem>>) semaphore(%arg9 : memref<!tpu.dma_semaphore, #tpu.memory_space<semaphore_mem>>)
    %dma_wait3A_679 = arith.constant 6 : i32
    %dma_wait3A_680 = arith.constant 12 : i32
    %dma_wait3A_681 = arith.constant 0 : i32
    %dma_wait3A_682 = tpu.memref_slice %arg6[%dma_wait3A_680, %dma_wait3A_681] : memref<32x128xi32, #tpu.memory_space<vmem>> -> memref<1x128xi32, #tpu.memory_space<vmem>>
    %dma_wait3A_683 = tpu.memref_squeeze %dma_wait3A_682 : memref<1x128xi32, #tpu.memory_space<vmem>> -> memref<128xi32, #tpu.memory_space<vmem>>
    %dma_wait3A_684 = arith.constant 0 : i32
    %dma_wait3A_685 = arith.constant 0 : i32
    %dma_wait3A_686 = tpu.memref_slice %arg3[%dma_wait3A_679, %dma_wait3A_684, %dma_wait3A_685] : memref<16x100000x64xf32, #tpu.memory_space<hbm>> -> memref<1x100000x64xf32, #tpu.memory_space<hbm>>
    %dma_wait3A_687 = tpu.memref_squeeze %dma_wait3A_686 : memref<1x100000x64xf32, #tpu.memory_space<hbm>> -> memref<100000x64xf32, #tpu.memory_space<hbm>>
    %dma_wait3A_688 = arith.constant 0 : i32
    %dma_wait3A_689 = arith.constant 0 : i32
    %dma_wait3A_690 = tpu.memref_slice %dma_wait3A_687[%dma_wait3A_688, %dma_wait3A_689] : memref<100000x64xf32, #tpu.memory_space<hbm>> -> memref<100000x64xf32, #tpu.memory_space<hbm>>
    tpu.wait_indirect_dma semaphore(%arg9 : memref<!tpu.dma_semaphore, #tpu.memory_space<semaphore_mem>>) src(%dma_wait3A_690 : memref<100000x64xf32, #tpu.memory_space<hbm>>) dst(%arg7 : memref<128x64xf32, #tpu.memory_space<vmem>>)
    %add3A_691 = arith.constant 0 : i32
    %add3A_692 = arith.addi %mul3A_2, %add3A_691 : i32
    %dma_start3A_693 = arith.constant 384 : i32
    %dma_start3A_694 = tpu.memref_slice %arg4[%add3A_692, %dma_start3A_693] : memref<8192x1024xf32, #tpu.memory_space<hbm>> -> memref<128x64xf32, #tpu.memory_space<hbm>>
    %dma_start3A_695 = arith.constant 384 : i32
    %dma_start3A_696 = tpu.memref_slice %arg4[%add3A_692, %dma_start3A_695] : memref<8192x1024xf32, #tpu.memory_space<hbm>> -> memref<128x64xf32, #tpu.memory_space<hbm>>
    tpu.enqueue_dma source(%arg7 : memref<128x64xf32, #tpu.memory_space<vmem>>) target(%dma_start3A_696 : memref<128x64xf32, #tpu.memory_space<hbm>>) target_semaphore(%arg10 : memref<!tpu.dma_semaphore, #tpu.memory_space<semaphore_mem>>)
    %dma_wait3A_697 = arith.constant 384 : i32
    %dma_wait3A_698 = tpu.memref_slice %arg4[%add3A_692, %dma_wait3A_697] : memref<8192x1024xf32, #tpu.memory_space<hbm>> -> memref<128x64xf32, #tpu.memory_space<hbm>>
    %dma_wait3A_699 = arith.constant 384 : i32
    %dma_wait3A_700 = tpu.memref_slice %arg4[%add3A_692, %dma_wait3A_699] : memref<8192x1024xf32, #tpu.memory_space<hbm>> -> memref<128x64xf32, #tpu.memory_space<hbm>>
    tpu.wait_dma2 semaphore(%arg10 : memref<!tpu.dma_semaphore, #tpu.memory_space<semaphore_mem>>) src(%arg7 : memref<128x64xf32, #tpu.memory_space<vmem>>) dst(%dma_wait3A_700 : memref<128x64xf32, #tpu.memory_space<hbm>>)
    %dma_start3A_701 = arith.constant 7 : i32
    %dma_start3A_702 = arith.constant 14 : i32
    %dma_start3A_703 = arith.constant 0 : i32
    %dma_start3A_704 = tpu.memref_slice %arg6[%dma_start3A_702, %dma_start3A_703] : memref<32x128xi32, #tpu.memory_space<vmem>> -> memref<1x128xi32, #tpu.memory_space<vmem>>
    %dma_start3A_705 = tpu.memref_squeeze %dma_start3A_704 : memref<1x128xi32, #tpu.memory_space<vmem>> -> memref<128xi32, #tpu.memory_space<vmem>>
    %dma_start3A_706 = arith.constant 0 : i32
    %dma_start3A_707 = arith.constant 0 : i32
    %dma_start3A_708 = tpu.memref_slice %arg3[%dma_start3A_701, %dma_start3A_706, %dma_start3A_707] : memref<16x100000x64xf32, #tpu.memory_space<hbm>> -> memref<1x100000x64xf32, #tpu.memory_space<hbm>>
    %dma_start3A_709 = tpu.memref_squeeze %dma_start3A_708 : memref<1x100000x64xf32, #tpu.memory_space<hbm>> -> memref<100000x64xf32, #tpu.memory_space<hbm>>
    %dma_start3A_710 = arith.constant 0 : i32
    %dma_start3A_711 = arith.constant 0 : i32
    %dma_start3A_712 = tpu.memref_slice %dma_start3A_709[%dma_start3A_710, %dma_start3A_711] : memref<100000x64xf32, #tpu.memory_space<hbm>> -> memref<100000x64xf32, #tpu.memory_space<hbm>>
    tpu.enqueue_indirect_dma source(%dma_start3A_712 : memref<100000x64xf32, #tpu.memory_space<hbm>>) target(%arg7 : memref<128x64xf32, #tpu.memory_space<vmem>>) offsets(%dma_start3A_705 : memref<128xi32, #tpu.memory_space<vmem>>) semaphore(%arg9 : memref<!tpu.dma_semaphore, #tpu.memory_space<semaphore_mem>>)
    %dma_wait3A_713 = arith.constant 6 : i32
    %dma_wait3A_714 = arith.constant 13 : i32
    %dma_wait3A_715 = arith.constant 0 : i32
    %dma_wait3A_716 = tpu.memref_slice %arg6[%dma_wait3A_714, %dma_wait3A_715] : memref<32x128xi32, #tpu.memory_space<vmem>> -> memref<1x128xi32, #tpu.memory_space<vmem>>
    %dma_wait3A_717 = tpu.memref_squeeze %dma_wait3A_716 : memref<1x128xi32, #tpu.memory_space<vmem>> -> memref<128xi32, #tpu.memory_space<vmem>>
    %dma_wait3A_718 = arith.constant 0 : i32
    %dma_wait3A_719 = arith.constant 0 : i32
    %dma_wait3A_720 = tpu.memref_slice %arg3[%dma_wait3A_713, %dma_wait3A_718, %dma_wait3A_719] : memref<16x100000x64xf32, #tpu.memory_space<hbm>> -> memref<1x100000x64xf32, #tpu.memory_space<hbm>>
    %dma_wait3A_721 = tpu.memref_squeeze %dma_wait3A_720 : memref<1x100000x64xf32, #tpu.memory_space<hbm>> -> memref<100000x64xf32, #tpu.memory_space<hbm>>
    %dma_wait3A_722 = arith.constant 0 : i32
    %dma_wait3A_723 = arith.constant 0 : i32
    %dma_wait3A_724 = tpu.memref_slice %dma_wait3A_721[%dma_wait3A_722, %dma_wait3A_723] : memref<100000x64xf32, #tpu.memory_space<hbm>> -> memref<100000x64xf32, #tpu.memory_space<hbm>>
    tpu.wait_indirect_dma semaphore(%arg9 : memref<!tpu.dma_semaphore, #tpu.memory_space<semaphore_mem>>) src(%dma_wait3A_724 : memref<100000x64xf32, #tpu.memory_space<hbm>>) dst(%arg8 : memref<128x64xf32, #tpu.memory_space<vmem>>)
    %add3A_725 = arith.constant 128 : i32
    %add3A_726 = arith.addi %mul3A_2, %add3A_725 : i32
    %dma_start3A_727 = arith.constant 384 : i32
    %dma_start3A_728 = tpu.memref_slice %arg4[%add3A_726, %dma_start3A_727] : memref<8192x1024xf32, #tpu.memory_space<hbm>> -> memref<128x64xf32, #tpu.memory_space<hbm>>
    %dma_start3A_729 = arith.constant 384 : i32
    %dma_start3A_730 = tpu.memref_slice %arg4[%add3A_726, %dma_start3A_729] : memref<8192x1024xf32, #tpu.memory_space<hbm>> -> memref<128x64xf32, #tpu.memory_space<hbm>>
    tpu.enqueue_dma source(%arg8 : memref<128x64xf32, #tpu.memory_space<vmem>>) target(%dma_start3A_730 : memref<128x64xf32, #tpu.memory_space<hbm>>) target_semaphore(%arg10 : memref<!tpu.dma_semaphore, #tpu.memory_space<semaphore_mem>>)
    %dma_wait3A_731 = arith.constant 384 : i32
    %dma_wait3A_732 = tpu.memref_slice %arg4[%add3A_726, %dma_wait3A_731] : memref<8192x1024xf32, #tpu.memory_space<hbm>> -> memref<128x64xf32, #tpu.memory_space<hbm>>
    %dma_wait3A_733 = arith.constant 384 : i32
    %dma_wait3A_734 = tpu.memref_slice %arg4[%add3A_726, %dma_wait3A_733] : memref<8192x1024xf32, #tpu.memory_space<hbm>> -> memref<128x64xf32, #tpu.memory_space<hbm>>
    tpu.wait_dma2 semaphore(%arg10 : memref<!tpu.dma_semaphore, #tpu.memory_space<semaphore_mem>>) src(%arg8 : memref<128x64xf32, #tpu.memory_space<vmem>>) dst(%dma_wait3A_734 : memref<128x64xf32, #tpu.memory_space<hbm>>)
    %dma_start3A_735 = arith.constant 7 : i32
    %dma_start3A_736 = arith.constant 15 : i32
    %dma_start3A_737 = arith.constant 0 : i32
    %dma_start3A_738 = tpu.memref_slice %arg6[%dma_start3A_736, %dma_start3A_737] : memref<32x128xi32, #tpu.memory_space<vmem>> -> memref<1x128xi32, #tpu.memory_space<vmem>>
    %dma_start3A_739 = tpu.memref_squeeze %dma_start3A_738 : memref<1x128xi32, #tpu.memory_space<vmem>> -> memref<128xi32, #tpu.memory_space<vmem>>
    %dma_start3A_740 = arith.constant 0 : i32
    %dma_start3A_741 = arith.constant 0 : i32
    %dma_start3A_742 = tpu.memref_slice %arg3[%dma_start3A_735, %dma_start3A_740, %dma_start3A_741] : memref<16x100000x64xf32, #tpu.memory_space<hbm>> -> memref<1x100000x64xf32, #tpu.memory_space<hbm>>
    %dma_start3A_743 = tpu.memref_squeeze %dma_start3A_742 : memref<1x100000x64xf32, #tpu.memory_space<hbm>> -> memref<100000x64xf32, #tpu.memory_space<hbm>>
    %dma_start3A_744 = arith.constant 0 : i32
    %dma_start3A_745 = arith.constant 0 : i32
    %dma_start3A_746 = tpu.memref_slice %dma_start3A_743[%dma_start3A_744, %dma_start3A_745] : memref<100000x64xf32, #tpu.memory_space<hbm>> -> memref<100000x64xf32, #tpu.memory_space<hbm>>
    tpu.enqueue_indirect_dma source(%dma_start3A_746 : memref<100000x64xf32, #tpu.memory_space<hbm>>) target(%arg8 : memref<128x64xf32, #tpu.memory_space<vmem>>) offsets(%dma_start3A_739 : memref<128xi32, #tpu.memory_space<vmem>>) semaphore(%arg9 : memref<!tpu.dma_semaphore, #tpu.memory_space<semaphore_mem>>)
    %dma_wait3A_747 = arith.constant 7 : i32
    %dma_wait3A_748 = arith.constant 14 : i32
    %dma_wait3A_749 = arith.constant 0 : i32
    %dma_wait3A_750 = tpu.memref_slice %arg6[%dma_wait3A_748, %dma_wait3A_749] : memref<32x128xi32, #tpu.memory_space<vmem>> -> memref<1x128xi32, #tpu.memory_space<vmem>>
    %dma_wait3A_751 = tpu.memref_squeeze %dma_wait3A_750 : memref<1x128xi32, #tpu.memory_space<vmem>> -> memref<128xi32, #tpu.memory_space<vmem>>
    %dma_wait3A_752 = arith.constant 0 : i32
    %dma_wait3A_753 = arith.constant 0 : i32
    %dma_wait3A_754 = tpu.memref_slice %arg3[%dma_wait3A_747, %dma_wait3A_752, %dma_wait3A_753] : memref<16x100000x64xf32, #tpu.memory_space<hbm>> -> memref<1x100000x64xf32, #tpu.memory_space<hbm>>
    %dma_wait3A_755 = tpu.memref_squeeze %dma_wait3A_754 : memref<1x100000x64xf32, #tpu.memory_space<hbm>> -> memref<100000x64xf32, #tpu.memory_space<hbm>>
    %dma_wait3A_756 = arith.constant 0 : i32
    %dma_wait3A_757 = arith.constant 0 : i32
    %dma_wait3A_758 = tpu.memref_slice %dma_wait3A_755[%dma_wait3A_756, %dma_wait3A_757] : memref<100000x64xf32, #tpu.memory_space<hbm>> -> memref<100000x64xf32, #tpu.memory_space<hbm>>
    tpu.wait_indirect_dma semaphore(%arg9 : memref<!tpu.dma_semaphore, #tpu.memory_space<semaphore_mem>>) src(%dma_wait3A_758 : memref<100000x64xf32, #tpu.memory_space<hbm>>) dst(%arg7 : memref<128x64xf32, #tpu.memory_space<vmem>>)
    %add3A_759 = arith.constant 0 : i32
    %add3A_760 = arith.addi %mul3A_2, %add3A_759 : i32
    %dma_start3A_761 = arith.constant 448 : i32
    %dma_start3A_762 = tpu.memref_slice %arg4[%add3A_760, %dma_start3A_761] : memref<8192x1024xf32, #tpu.memory_space<hbm>> -> memref<128x64xf32, #tpu.memory_space<hbm>>
    %dma_start3A_763 = arith.constant 448 : i32
    %dma_start3A_764 = tpu.memref_slice %arg4[%add3A_760, %dma_start3A_763] : memref<8192x1024xf32, #tpu.memory_space<hbm>> -> memref<128x64xf32, #tpu.memory_space<hbm>>
    tpu.enqueue_dma source(%arg7 : memref<128x64xf32, #tpu.memory_space<vmem>>) target(%dma_start3A_764 : memref<128x64xf32, #tpu.memory_space<hbm>>) target_semaphore(%arg10 : memref<!tpu.dma_semaphore, #tpu.memory_space<semaphore_mem>>)
    %dma_wait3A_765 = arith.constant 448 : i32
    %dma_wait3A_766 = tpu.memref_slice %arg4[%add3A_760, %dma_wait3A_765] : memref<8192x1024xf32, #tpu.memory_space<hbm>> -> memref<128x64xf32, #tpu.memory_space<hbm>>
    %dma_wait3A_767 = arith.constant 448 : i32
    %dma_wait3A_768 = tpu.memref_slice %arg4[%add3A_760, %dma_wait3A_767] : memref<8192x1024xf32, #tpu.memory_space<hbm>> -> memref<128x64xf32, #tpu.memory_space<hbm>>
    tpu.wait_dma2 semaphore(%arg10 : memref<!tpu.dma_semaphore, #tpu.memory_space<semaphore_mem>>) src(%arg7 : memref<128x64xf32, #tpu.memory_space<vmem>>) dst(%dma_wait3A_768 : memref<128x64xf32, #tpu.memory_space<hbm>>)
    %dma_start3A_769 = arith.constant 8 : i32
    %dma_start3A_770 = arith.constant 16 : i32
    %dma_start3A_771 = arith.constant 0 : i32
    %dma_start3A_772 = tpu.memref_slice %arg6[%dma_start3A_770, %dma_start3A_771] : memref<32x128xi32, #tpu.memory_space<vmem>> -> memref<1x128xi32, #tpu.memory_space<vmem>>
    %dma_start3A_773 = tpu.memref_squeeze %dma_start3A_772 : memref<1x128xi32, #tpu.memory_space<vmem>> -> memref<128xi32, #tpu.memory_space<vmem>>
    %dma_start3A_774 = arith.constant 0 : i32
    %dma_start3A_775 = arith.constant 0 : i32
    %dma_start3A_776 = tpu.memref_slice %arg3[%dma_start3A_769, %dma_start3A_774, %dma_start3A_775] : memref<16x100000x64xf32, #tpu.memory_space<hbm>> -> memref<1x100000x64xf32, #tpu.memory_space<hbm>>
    %dma_start3A_777 = tpu.memref_squeeze %dma_start3A_776 : memref<1x100000x64xf32, #tpu.memory_space<hbm>> -> memref<100000x64xf32, #tpu.memory_space<hbm>>
    %dma_start3A_778 = arith.constant 0 : i32
    %dma_start3A_779 = arith.constant 0 : i32
    %dma_start3A_780 = tpu.memref_slice %dma_start3A_777[%dma_start3A_778, %dma_start3A_779] : memref<100000x64xf32, #tpu.memory_space<hbm>> -> memref<100000x64xf32, #tpu.memory_space<hbm>>
    tpu.enqueue_indirect_dma source(%dma_start3A_780 : memref<100000x64xf32, #tpu.memory_space<hbm>>) target(%arg7 : memref<128x64xf32, #tpu.memory_space<vmem>>) offsets(%dma_start3A_773 : memref<128xi32, #tpu.memory_space<vmem>>) semaphore(%arg9 : memref<!tpu.dma_semaphore, #tpu.memory_space<semaphore_mem>>)
    %dma_wait3A_781 = arith.constant 7 : i32
    %dma_wait3A_782 = arith.constant 15 : i32
    %dma_wait3A_783 = arith.constant 0 : i32
    %dma_wait3A_784 = tpu.memref_slice %arg6[%dma_wait3A_782, %dma_wait3A_783] : memref<32x128xi32, #tpu.memory_space<vmem>> -> memref<1x128xi32, #tpu.memory_space<vmem>>
    %dma_wait3A_785 = tpu.memref_squeeze %dma_wait3A_784 : memref<1x128xi32, #tpu.memory_space<vmem>> -> memref<128xi32, #tpu.memory_space<vmem>>
    %dma_wait3A_786 = arith.constant 0 : i32
    %dma_wait3A_787 = arith.constant 0 : i32
    %dma_wait3A_788 = tpu.memref_slice %arg3[%dma_wait3A_781, %dma_wait3A_786, %dma_wait3A_787] : memref<16x100000x64xf32, #tpu.memory_space<hbm>> -> memref<1x100000x64xf32, #tpu.memory_space<hbm>>
    %dma_wait3A_789 = tpu.memref_squeeze %dma_wait3A_788 : memref<1x100000x64xf32, #tpu.memory_space<hbm>> -> memref<100000x64xf32, #tpu.memory_space<hbm>>
    %dma_wait3A_790 = arith.constant 0 : i32
    %dma_wait3A_791 = arith.constant 0 : i32
    %dma_wait3A_792 = tpu.memref_slice %dma_wait3A_789[%dma_wait3A_790, %dma_wait3A_791] : memref<100000x64xf32, #tpu.memory_space<hbm>> -> memref<100000x64xf32, #tpu.memory_space<hbm>>
    tpu.wait_indirect_dma semaphore(%arg9 : memref<!tpu.dma_semaphore, #tpu.memory_space<semaphore_mem>>) src(%dma_wait3A_792 : memref<100000x64xf32, #tpu.memory_space<hbm>>) dst(%arg8 : memref<128x64xf32, #tpu.memory_space<vmem>>)
    %add3A_793 = arith.constant 128 : i32
    %add3A_794 = arith.addi %mul3A_2, %add3A_793 : i32
    %dma_start3A_795 = arith.constant 448 : i32
    %dma_start3A_796 = tpu.memref_slice %arg4[%add3A_794, %dma_start3A_795] : memref<8192x1024xf32, #tpu.memory_space<hbm>> -> memref<128x64xf32, #tpu.memory_space<hbm>>
    %dma_start3A_797 = arith.constant 448 : i32
    %dma_start3A_798 = tpu.memref_slice %arg4[%add3A_794, %dma_start3A_797] : memref<8192x1024xf32, #tpu.memory_space<hbm>> -> memref<128x64xf32, #tpu.memory_space<hbm>>
    tpu.enqueue_dma source(%arg8 : memref<128x64xf32, #tpu.memory_space<vmem>>) target(%dma_start3A_798 : memref<128x64xf32, #tpu.memory_space<hbm>>) target_semaphore(%arg10 : memref<!tpu.dma_semaphore, #tpu.memory_space<semaphore_mem>>)
    %dma_wait3A_799 = arith.constant 448 : i32
    %dma_wait3A_800 = tpu.memref_slice %arg4[%add3A_794, %dma_wait3A_799] : memref<8192x1024xf32, #tpu.memory_space<hbm>> -> memref<128x64xf32, #tpu.memory_space<hbm>>
    %dma_wait3A_801 = arith.constant 448 : i32
    %dma_wait3A_802 = tpu.memref_slice %arg4[%add3A_794, %dma_wait3A_801] : memref<8192x1024xf32, #tpu.memory_space<hbm>> -> memref<128x64xf32, #tpu.memory_space<hbm>>
    tpu.wait_dma2 semaphore(%arg10 : memref<!tpu.dma_semaphore, #tpu.memory_space<semaphore_mem>>) src(%arg8 : memref<128x64xf32, #tpu.memory_space<vmem>>) dst(%dma_wait3A_802 : memref<128x64xf32, #tpu.memory_space<hbm>>)
    %dma_start3A_803 = arith.constant 8 : i32
    %dma_start3A_804 = arith.constant 17 : i32
    %dma_start3A_805 = arith.constant 0 : i32
    %dma_start3A_806 = tpu.memref_slice %arg6[%dma_start3A_804, %dma_start3A_805] : memref<32x128xi32, #tpu.memory_space<vmem>> -> memref<1x128xi32, #tpu.memory_space<vmem>>
    %dma_start3A_807 = tpu.memref_squeeze %dma_start3A_806 : memref<1x128xi32, #tpu.memory_space<vmem>> -> memref<128xi32, #tpu.memory_space<vmem>>
    %dma_start3A_808 = arith.constant 0 : i32
    %dma_start3A_809 = arith.constant 0 : i32
    %dma_start3A_810 = tpu.memref_slice %arg3[%dma_start3A_803, %dma_start3A_808, %dma_start3A_809] : memref<16x100000x64xf32, #tpu.memory_space<hbm>> -> memref<1x100000x64xf32, #tpu.memory_space<hbm>>
    %dma_start3A_811 = tpu.memref_squeeze %dma_start3A_810 : memref<1x100000x64xf32, #tpu.memory_space<hbm>> -> memref<100000x64xf32, #tpu.memory_space<hbm>>
    %dma_start3A_812 = arith.constant 0 : i32
    %dma_start3A_813 = arith.constant 0 : i32
    %dma_start3A_814 = tpu.memref_slice %dma_start3A_811[%dma_start3A_812, %dma_start3A_813] : memref<100000x64xf32, #tpu.memory_space<hbm>> -> memref<100000x64xf32, #tpu.memory_space<hbm>>
    tpu.enqueue_indirect_dma source(%dma_start3A_814 : memref<100000x64xf32, #tpu.memory_space<hbm>>) target(%arg8 : memref<128x64xf32, #tpu.memory_space<vmem>>) offsets(%dma_start3A_807 : memref<128xi32, #tpu.memory_space<vmem>>) semaphore(%arg9 : memref<!tpu.dma_semaphore, #tpu.memory_space<semaphore_mem>>)
    %dma_wait3A_815 = arith.constant 8 : i32
    %dma_wait3A_816 = arith.constant 16 : i32
    %dma_wait3A_817 = arith.constant 0 : i32
    %dma_wait3A_818 = tpu.memref_slice %arg6[%dma_wait3A_816, %dma_wait3A_817] : memref<32x128xi32, #tpu.memory_space<vmem>> -> memref<1x128xi32, #tpu.memory_space<vmem>>
    %dma_wait3A_819 = tpu.memref_squeeze %dma_wait3A_818 : memref<1x128xi32, #tpu.memory_space<vmem>> -> memref<128xi32, #tpu.memory_space<vmem>>
    %dma_wait3A_820 = arith.constant 0 : i32
    %dma_wait3A_821 = arith.constant 0 : i32
    %dma_wait3A_822 = tpu.memref_slice %arg3[%dma_wait3A_815, %dma_wait3A_820, %dma_wait3A_821] : memref<16x100000x64xf32, #tpu.memory_space<hbm>> -> memref<1x100000x64xf32, #tpu.memory_space<hbm>>
    %dma_wait3A_823 = tpu.memref_squeeze %dma_wait3A_822 : memref<1x100000x64xf32, #tpu.memory_space<hbm>> -> memref<100000x64xf32, #tpu.memory_space<hbm>>
    %dma_wait3A_824 = arith.constant 0 : i32
    %dma_wait3A_825 = arith.constant 0 : i32
    %dma_wait3A_826 = tpu.memref_slice %dma_wait3A_823[%dma_wait3A_824, %dma_wait3A_825] : memref<100000x64xf32, #tpu.memory_space<hbm>> -> memref<100000x64xf32, #tpu.memory_space<hbm>>
    tpu.wait_indirect_dma semaphore(%arg9 : memref<!tpu.dma_semaphore, #tpu.memory_space<semaphore_mem>>) src(%dma_wait3A_826 : memref<100000x64xf32, #tpu.memory_space<hbm>>) dst(%arg7 : memref<128x64xf32, #tpu.memory_space<vmem>>)
    %add3A_827 = arith.constant 0 : i32
    %add3A_828 = arith.addi %mul3A_2, %add3A_827 : i32
    %dma_start3A_829 = arith.constant 512 : i32
    %dma_start3A_830 = tpu.memref_slice %arg4[%add3A_828, %dma_start3A_829] : memref<8192x1024xf32, #tpu.memory_space<hbm>> -> memref<128x64xf32, #tpu.memory_space<hbm>>
    %dma_start3A_831 = arith.constant 512 : i32
    %dma_start3A_832 = tpu.memref_slice %arg4[%add3A_828, %dma_start3A_831] : memref<8192x1024xf32, #tpu.memory_space<hbm>> -> memref<128x64xf32, #tpu.memory_space<hbm>>
    tpu.enqueue_dma source(%arg7 : memref<128x64xf32, #tpu.memory_space<vmem>>) target(%dma_start3A_832 : memref<128x64xf32, #tpu.memory_space<hbm>>) target_semaphore(%arg10 : memref<!tpu.dma_semaphore, #tpu.memory_space<semaphore_mem>>)
    %dma_wait3A_833 = arith.constant 512 : i32
    %dma_wait3A_834 = tpu.memref_slice %arg4[%add3A_828, %dma_wait3A_833] : memref<8192x1024xf32, #tpu.memory_space<hbm>> -> memref<128x64xf32, #tpu.memory_space<hbm>>
    %dma_wait3A_835 = arith.constant 512 : i32
    %dma_wait3A_836 = tpu.memref_slice %arg4[%add3A_828, %dma_wait3A_835] : memref<8192x1024xf32, #tpu.memory_space<hbm>> -> memref<128x64xf32, #tpu.memory_space<hbm>>
    tpu.wait_dma2 semaphore(%arg10 : memref<!tpu.dma_semaphore, #tpu.memory_space<semaphore_mem>>) src(%arg7 : memref<128x64xf32, #tpu.memory_space<vmem>>) dst(%dma_wait3A_836 : memref<128x64xf32, #tpu.memory_space<hbm>>)
    %dma_start3A_837 = arith.constant 9 : i32
    %dma_start3A_838 = arith.constant 18 : i32
    %dma_start3A_839 = arith.constant 0 : i32
    %dma_start3A_840 = tpu.memref_slice %arg6[%dma_start3A_838, %dma_start3A_839] : memref<32x128xi32, #tpu.memory_space<vmem>> -> memref<1x128xi32, #tpu.memory_space<vmem>>
    %dma_start3A_841 = tpu.memref_squeeze %dma_start3A_840 : memref<1x128xi32, #tpu.memory_space<vmem>> -> memref<128xi32, #tpu.memory_space<vmem>>
    %dma_start3A_842 = arith.constant 0 : i32
    %dma_start3A_843 = arith.constant 0 : i32
    %dma_start3A_844 = tpu.memref_slice %arg3[%dma_start3A_837, %dma_start3A_842, %dma_start3A_843] : memref<16x100000x64xf32, #tpu.memory_space<hbm>> -> memref<1x100000x64xf32, #tpu.memory_space<hbm>>
    %dma_start3A_845 = tpu.memref_squeeze %dma_start3A_844 : memref<1x100000x64xf32, #tpu.memory_space<hbm>> -> memref<100000x64xf32, #tpu.memory_space<hbm>>
    %dma_start3A_846 = arith.constant 0 : i32
    %dma_start3A_847 = arith.constant 0 : i32
    %dma_start3A_848 = tpu.memref_slice %dma_start3A_845[%dma_start3A_846, %dma_start3A_847] : memref<100000x64xf32, #tpu.memory_space<hbm>> -> memref<100000x64xf32, #tpu.memory_space<hbm>>
    tpu.enqueue_indirect_dma source(%dma_start3A_848 : memref<100000x64xf32, #tpu.memory_space<hbm>>) target(%arg7 : memref<128x64xf32, #tpu.memory_space<vmem>>) offsets(%dma_start3A_841 : memref<128xi32, #tpu.memory_space<vmem>>) semaphore(%arg9 : memref<!tpu.dma_semaphore, #tpu.memory_space<semaphore_mem>>)
    %dma_wait3A_849 = arith.constant 8 : i32
    %dma_wait3A_850 = arith.constant 17 : i32
    %dma_wait3A_851 = arith.constant 0 : i32
    %dma_wait3A_852 = tpu.memref_slice %arg6[%dma_wait3A_850, %dma_wait3A_851] : memref<32x128xi32, #tpu.memory_space<vmem>> -> memref<1x128xi32, #tpu.memory_space<vmem>>
    %dma_wait3A_853 = tpu.memref_squeeze %dma_wait3A_852 : memref<1x128xi32, #tpu.memory_space<vmem>> -> memref<128xi32, #tpu.memory_space<vmem>>
    %dma_wait3A_854 = arith.constant 0 : i32
    %dma_wait3A_855 = arith.constant 0 : i32
    %dma_wait3A_856 = tpu.memref_slice %arg3[%dma_wait3A_849, %dma_wait3A_854, %dma_wait3A_855] : memref<16x100000x64xf32, #tpu.memory_space<hbm>> -> memref<1x100000x64xf32, #tpu.memory_space<hbm>>
    %dma_wait3A_857 = tpu.memref_squeeze %dma_wait3A_856 : memref<1x100000x64xf32, #tpu.memory_space<hbm>> -> memref<100000x64xf32, #tpu.memory_space<hbm>>
    %dma_wait3A_858 = arith.constant 0 : i32
    %dma_wait3A_859 = arith.constant 0 : i32
    %dma_wait3A_860 = tpu.memref_slice %dma_wait3A_857[%dma_wait3A_858, %dma_wait3A_859] : memref<100000x64xf32, #tpu.memory_space<hbm>> -> memref<100000x64xf32, #tpu.memory_space<hbm>>
    tpu.wait_indirect_dma semaphore(%arg9 : memref<!tpu.dma_semaphore, #tpu.memory_space<semaphore_mem>>) src(%dma_wait3A_860 : memref<100000x64xf32, #tpu.memory_space<hbm>>) dst(%arg8 : memref<128x64xf32, #tpu.memory_space<vmem>>)
    %add3A_861 = arith.constant 128 : i32
    %add3A_862 = arith.addi %mul3A_2, %add3A_861 : i32
    %dma_start3A_863 = arith.constant 512 : i32
    %dma_start3A_864 = tpu.memref_slice %arg4[%add3A_862, %dma_start3A_863] : memref<8192x1024xf32, #tpu.memory_space<hbm>> -> memref<128x64xf32, #tpu.memory_space<hbm>>
    %dma_start3A_865 = arith.constant 512 : i32
    %dma_start3A_866 = tpu.memref_slice %arg4[%add3A_862, %dma_start3A_865] : memref<8192x1024xf32, #tpu.memory_space<hbm>> -> memref<128x64xf32, #tpu.memory_space<hbm>>
    tpu.enqueue_dma source(%arg8 : memref<128x64xf32, #tpu.memory_space<vmem>>) target(%dma_start3A_866 : memref<128x64xf32, #tpu.memory_space<hbm>>) target_semaphore(%arg10 : memref<!tpu.dma_semaphore, #tpu.memory_space<semaphore_mem>>)
    %dma_wait3A_867 = arith.constant 512 : i32
    %dma_wait3A_868 = tpu.memref_slice %arg4[%add3A_862, %dma_wait3A_867] : memref<8192x1024xf32, #tpu.memory_space<hbm>> -> memref<128x64xf32, #tpu.memory_space<hbm>>
    %dma_wait3A_869 = arith.constant 512 : i32
    %dma_wait3A_870 = tpu.memref_slice %arg4[%add3A_862, %dma_wait3A_869] : memref<8192x1024xf32, #tpu.memory_space<hbm>> -> memref<128x64xf32, #tpu.memory_space<hbm>>
    tpu.wait_dma2 semaphore(%arg10 : memref<!tpu.dma_semaphore, #tpu.memory_space<semaphore_mem>>) src(%arg8 : memref<128x64xf32, #tpu.memory_space<vmem>>) dst(%dma_wait3A_870 : memref<128x64xf32, #tpu.memory_space<hbm>>)
    %dma_start3A_871 = arith.constant 9 : i32
    %dma_start3A_872 = arith.constant 19 : i32
    %dma_start3A_873 = arith.constant 0 : i32
    %dma_start3A_874 = tpu.memref_slice %arg6[%dma_start3A_872, %dma_start3A_873] : memref<32x128xi32, #tpu.memory_space<vmem>> -> memref<1x128xi32, #tpu.memory_space<vmem>>
    %dma_start3A_875 = tpu.memref_squeeze %dma_start3A_874 : memref<1x128xi32, #tpu.memory_space<vmem>> -> memref<128xi32, #tpu.memory_space<vmem>>
    %dma_start3A_876 = arith.constant 0 : i32
    %dma_start3A_877 = arith.constant 0 : i32
    %dma_start3A_878 = tpu.memref_slice %arg3[%dma_start3A_871, %dma_start3A_876, %dma_start3A_877] : memref<16x100000x64xf32, #tpu.memory_space<hbm>> -> memref<1x100000x64xf32, #tpu.memory_space<hbm>>
    %dma_start3A_879 = tpu.memref_squeeze %dma_start3A_878 : memref<1x100000x64xf32, #tpu.memory_space<hbm>> -> memref<100000x64xf32, #tpu.memory_space<hbm>>
    %dma_start3A_880 = arith.constant 0 : i32
    %dma_start3A_881 = arith.constant 0 : i32
    %dma_start3A_882 = tpu.memref_slice %dma_start3A_879[%dma_start3A_880, %dma_start3A_881] : memref<100000x64xf32, #tpu.memory_space<hbm>> -> memref<100000x64xf32, #tpu.memory_space<hbm>>
    tpu.enqueue_indirect_dma source(%dma_start3A_882 : memref<100000x64xf32, #tpu.memory_space<hbm>>) target(%arg8 : memref<128x64xf32, #tpu.memory_space<vmem>>) offsets(%dma_start3A_875 : memref<128xi32, #tpu.memory_space<vmem>>) semaphore(%arg9 : memref<!tpu.dma_semaphore, #tpu.memory_space<semaphore_mem>>)
    %dma_wait3A_883 = arith.constant 9 : i32
    %dma_wait3A_884 = arith.constant 18 : i32
    %dma_wait3A_885 = arith.constant 0 : i32
    %dma_wait3A_886 = tpu.memref_slice %arg6[%dma_wait3A_884, %dma_wait3A_885] : memref<32x128xi32, #tpu.memory_space<vmem>> -> memref<1x128xi32, #tpu.memory_space<vmem>>
    %dma_wait3A_887 = tpu.memref_squeeze %dma_wait3A_886 : memref<1x128xi32, #tpu.memory_space<vmem>> -> memref<128xi32, #tpu.memory_space<vmem>>
    %dma_wait3A_888 = arith.constant 0 : i32
    %dma_wait3A_889 = arith.constant 0 : i32
    %dma_wait3A_890 = tpu.memref_slice %arg3[%dma_wait3A_883, %dma_wait3A_888, %dma_wait3A_889] : memref<16x100000x64xf32, #tpu.memory_space<hbm>> -> memref<1x100000x64xf32, #tpu.memory_space<hbm>>
    %dma_wait3A_891 = tpu.memref_squeeze %dma_wait3A_890 : memref<1x100000x64xf32, #tpu.memory_space<hbm>> -> memref<100000x64xf32, #tpu.memory_space<hbm>>
    %dma_wait3A_892 = arith.constant 0 : i32
    %dma_wait3A_893 = arith.constant 0 : i32
    %dma_wait3A_894 = tpu.memref_slice %dma_wait3A_891[%dma_wait3A_892, %dma_wait3A_893] : memref<100000x64xf32, #tpu.memory_space<hbm>> -> memref<100000x64xf32, #tpu.memory_space<hbm>>
    tpu.wait_indirect_dma semaphore(%arg9 : memref<!tpu.dma_semaphore, #tpu.memory_space<semaphore_mem>>) src(%dma_wait3A_894 : memref<100000x64xf32, #tpu.memory_space<hbm>>) dst(%arg7 : memref<128x64xf32, #tpu.memory_space<vmem>>)
    %add3A_895 = arith.constant 0 : i32
    %add3A_896 = arith.addi %mul3A_2, %add3A_895 : i32
    %dma_start3A_897 = arith.constant 576 : i32
    %dma_start3A_898 = tpu.memref_slice %arg4[%add3A_896, %dma_start3A_897] : memref<8192x1024xf32, #tpu.memory_space<hbm>> -> memref<128x64xf32, #tpu.memory_space<hbm>>
    %dma_start3A_899 = arith.constant 576 : i32
    %dma_start3A_900 = tpu.memref_slice %arg4[%add3A_896, %dma_start3A_899] : memref<8192x1024xf32, #tpu.memory_space<hbm>> -> memref<128x64xf32, #tpu.memory_space<hbm>>
    tpu.enqueue_dma source(%arg7 : memref<128x64xf32, #tpu.memory_space<vmem>>) target(%dma_start3A_900 : memref<128x64xf32, #tpu.memory_space<hbm>>) target_semaphore(%arg10 : memref<!tpu.dma_semaphore, #tpu.memory_space<semaphore_mem>>)
    %dma_wait3A_901 = arith.constant 576 : i32
    %dma_wait3A_902 = tpu.memref_slice %arg4[%add3A_896, %dma_wait3A_901] : memref<8192x1024xf32, #tpu.memory_space<hbm>> -> memref<128x64xf32, #tpu.memory_space<hbm>>
    %dma_wait3A_903 = arith.constant 576 : i32
    %dma_wait3A_904 = tpu.memref_slice %arg4[%add3A_896, %dma_wait3A_903] : memref<8192x1024xf32, #tpu.memory_space<hbm>> -> memref<128x64xf32, #tpu.memory_space<hbm>>
    tpu.wait_dma2 semaphore(%arg10 : memref<!tpu.dma_semaphore, #tpu.memory_space<semaphore_mem>>) src(%arg7 : memref<128x64xf32, #tpu.memory_space<vmem>>) dst(%dma_wait3A_904 : memref<128x64xf32, #tpu.memory_space<hbm>>)
    %dma_start3A_905 = arith.constant 10 : i32
    %dma_start3A_906 = arith.constant 20 : i32
    %dma_start3A_907 = arith.constant 0 : i32
    %dma_start3A_908 = tpu.memref_slice %arg6[%dma_start3A_906, %dma_start3A_907] : memref<32x128xi32, #tpu.memory_space<vmem>> -> memref<1x128xi32, #tpu.memory_space<vmem>>
    %dma_start3A_909 = tpu.memref_squeeze %dma_start3A_908 : memref<1x128xi32, #tpu.memory_space<vmem>> -> memref<128xi32, #tpu.memory_space<vmem>>
    %dma_start3A_910 = arith.constant 0 : i32
    %dma_start3A_911 = arith.constant 0 : i32
    %dma_start3A_912 = tpu.memref_slice %arg3[%dma_start3A_905, %dma_start3A_910, %dma_start3A_911] : memref<16x100000x64xf32, #tpu.memory_space<hbm>> -> memref<1x100000x64xf32, #tpu.memory_space<hbm>>
    %dma_start3A_913 = tpu.memref_squeeze %dma_start3A_912 : memref<1x100000x64xf32, #tpu.memory_space<hbm>> -> memref<100000x64xf32, #tpu.memory_space<hbm>>
    %dma_start3A_914 = arith.constant 0 : i32
    %dma_start3A_915 = arith.constant 0 : i32
    %dma_start3A_916 = tpu.memref_slice %dma_start3A_913[%dma_start3A_914, %dma_start3A_915] : memref<100000x64xf32, #tpu.memory_space<hbm>> -> memref<100000x64xf32, #tpu.memory_space<hbm>>
    tpu.enqueue_indirect_dma source(%dma_start3A_916 : memref<100000x64xf32, #tpu.memory_space<hbm>>) target(%arg7 : memref<128x64xf32, #tpu.memory_space<vmem>>) offsets(%dma_start3A_909 : memref<128xi32, #tpu.memory_space<vmem>>) semaphore(%arg9 : memref<!tpu.dma_semaphore, #tpu.memory_space<semaphore_mem>>)
    %dma_wait3A_917 = arith.constant 9 : i32
    %dma_wait3A_918 = arith.constant 19 : i32
    %dma_wait3A_919 = arith.constant 0 : i32
    %dma_wait3A_920 = tpu.memref_slice %arg6[%dma_wait3A_918, %dma_wait3A_919] : memref<32x128xi32, #tpu.memory_space<vmem>> -> memref<1x128xi32, #tpu.memory_space<vmem>>
    %dma_wait3A_921 = tpu.memref_squeeze %dma_wait3A_920 : memref<1x128xi32, #tpu.memory_space<vmem>> -> memref<128xi32, #tpu.memory_space<vmem>>
    %dma_wait3A_922 = arith.constant 0 : i32
    %dma_wait3A_923 = arith.constant 0 : i32
    %dma_wait3A_924 = tpu.memref_slice %arg3[%dma_wait3A_917, %dma_wait3A_922, %dma_wait3A_923] : memref<16x100000x64xf32, #tpu.memory_space<hbm>> -> memref<1x100000x64xf32, #tpu.memory_space<hbm>>
    %dma_wait3A_925 = tpu.memref_squeeze %dma_wait3A_924 : memref<1x100000x64xf32, #tpu.memory_space<hbm>> -> memref<100000x64xf32, #tpu.memory_space<hbm>>
    %dma_wait3A_926 = arith.constant 0 : i32
    %dma_wait3A_927 = arith.constant 0 : i32
    %dma_wait3A_928 = tpu.memref_slice %dma_wait3A_925[%dma_wait3A_926, %dma_wait3A_927] : memref<100000x64xf32, #tpu.memory_space<hbm>> -> memref<100000x64xf32, #tpu.memory_space<hbm>>
    tpu.wait_indirect_dma semaphore(%arg9 : memref<!tpu.dma_semaphore, #tpu.memory_space<semaphore_mem>>) src(%dma_wait3A_928 : memref<100000x64xf32, #tpu.memory_space<hbm>>) dst(%arg8 : memref<128x64xf32, #tpu.memory_space<vmem>>)
    %add3A_929 = arith.constant 128 : i32
    %add3A_930 = arith.addi %mul3A_2, %add3A_929 : i32
    %dma_start3A_931 = arith.constant 576 : i32
    %dma_start3A_932 = tpu.memref_slice %arg4[%add3A_930, %dma_start3A_931] : memref<8192x1024xf32, #tpu.memory_space<hbm>> -> memref<128x64xf32, #tpu.memory_space<hbm>>
    %dma_start3A_933 = arith.constant 576 : i32
    %dma_start3A_934 = tpu.memref_slice %arg4[%add3A_930, %dma_start3A_933] : memref<8192x1024xf32, #tpu.memory_space<hbm>> -> memref<128x64xf32, #tpu.memory_space<hbm>>
    tpu.enqueue_dma source(%arg8 : memref<128x64xf32, #tpu.memory_space<vmem>>) target(%dma_start3A_934 : memref<128x64xf32, #tpu.memory_space<hbm>>) target_semaphore(%arg10 : memref<!tpu.dma_semaphore, #tpu.memory_space<semaphore_mem>>)
    %dma_wait3A_935 = arith.constant 576 : i32
    %dma_wait3A_936 = tpu.memref_slice %arg4[%add3A_930, %dma_wait3A_935] : memref<8192x1024xf32, #tpu.memory_space<hbm>> -> memref<128x64xf32, #tpu.memory_space<hbm>>
    %dma_wait3A_937 = arith.constant 576 : i32
    %dma_wait3A_938 = tpu.memref_slice %arg4[%add3A_930, %dma_wait3A_937] : memref<8192x1024xf32, #tpu.memory_space<hbm>> -> memref<128x64xf32, #tpu.memory_space<hbm>>
    tpu.wait_dma2 semaphore(%arg10 : memref<!tpu.dma_semaphore, #tpu.memory_space<semaphore_mem>>) src(%arg8 : memref<128x64xf32, #tpu.memory_space<vmem>>) dst(%dma_wait3A_938 : memref<128x64xf32, #tpu.memory_space<hbm>>)
    %dma_start3A_939 = arith.constant 10 : i32
    %dma_start3A_940 = arith.constant 21 : i32
    %dma_start3A_941 = arith.constant 0 : i32
    %dma_start3A_942 = tpu.memref_slice %arg6[%dma_start3A_940, %dma_start3A_941] : memref<32x128xi32, #tpu.memory_space<vmem>> -> memref<1x128xi32, #tpu.memory_space<vmem>>
    %dma_start3A_943 = tpu.memref_squeeze %dma_start3A_942 : memref<1x128xi32, #tpu.memory_space<vmem>> -> memref<128xi32, #tpu.memory_space<vmem>>
    %dma_start3A_944 = arith.constant 0 : i32
    %dma_start3A_945 = arith.constant 0 : i32
    %dma_start3A_946 = tpu.memref_slice %arg3[%dma_start3A_939, %dma_start3A_944, %dma_start3A_945] : memref<16x100000x64xf32, #tpu.memory_space<hbm>> -> memref<1x100000x64xf32, #tpu.memory_space<hbm>>
    %dma_start3A_947 = tpu.memref_squeeze %dma_start3A_946 : memref<1x100000x64xf32, #tpu.memory_space<hbm>> -> memref<100000x64xf32, #tpu.memory_space<hbm>>
    %dma_start3A_948 = arith.constant 0 : i32
    %dma_start3A_949 = arith.constant 0 : i32
    %dma_start3A_950 = tpu.memref_slice %dma_start3A_947[%dma_start3A_948, %dma_start3A_949] : memref<100000x64xf32, #tpu.memory_space<hbm>> -> memref<100000x64xf32, #tpu.memory_space<hbm>>
    tpu.enqueue_indirect_dma source(%dma_start3A_950 : memref<100000x64xf32, #tpu.memory_space<hbm>>) target(%arg8 : memref<128x64xf32, #tpu.memory_space<vmem>>) offsets(%dma_start3A_943 : memref<128xi32, #tpu.memory_space<vmem>>) semaphore(%arg9 : memref<!tpu.dma_semaphore, #tpu.memory_space<semaphore_mem>>)
    %dma_wait3A_951 = arith.constant 10 : i32
    %dma_wait3A_952 = arith.constant 20 : i32
    %dma_wait3A_953 = arith.constant 0 : i32
    %dma_wait3A_954 = tpu.memref_slice %arg6[%dma_wait3A_952, %dma_wait3A_953] : memref<32x128xi32, #tpu.memory_space<vmem>> -> memref<1x128xi32, #tpu.memory_space<vmem>>
    %dma_wait3A_955 = tpu.memref_squeeze %dma_wait3A_954 : memref<1x128xi32, #tpu.memory_space<vmem>> -> memref<128xi32, #tpu.memory_space<vmem>>
    %dma_wait3A_956 = arith.constant 0 : i32
    %dma_wait3A_957 = arith.constant 0 : i32
    %dma_wait3A_958 = tpu.memref_slice %arg3[%dma_wait3A_951, %dma_wait3A_956, %dma_wait3A_957] : memref<16x100000x64xf32, #tpu.memory_space<hbm>> -> memref<1x100000x64xf32, #tpu.memory_space<hbm>>
    %dma_wait3A_959 = tpu.memref_squeeze %dma_wait3A_958 : memref<1x100000x64xf32, #tpu.memory_space<hbm>> -> memref<100000x64xf32, #tpu.memory_space<hbm>>
    %dma_wait3A_960 = arith.constant 0 : i32
    %dma_wait3A_961 = arith.constant 0 : i32
    %dma_wait3A_962 = tpu.memref_slice %dma_wait3A_959[%dma_wait3A_960, %dma_wait3A_961] : memref<100000x64xf32, #tpu.memory_space<hbm>> -> memref<100000x64xf32, #tpu.memory_space<hbm>>
    tpu.wait_indirect_dma semaphore(%arg9 : memref<!tpu.dma_semaphore, #tpu.memory_space<semaphore_mem>>) src(%dma_wait3A_962 : memref<100000x64xf32, #tpu.memory_space<hbm>>) dst(%arg7 : memref<128x64xf32, #tpu.memory_space<vmem>>)
    %add3A_963 = arith.constant 0 : i32
    %add3A_964 = arith.addi %mul3A_2, %add3A_963 : i32
    %dma_start3A_965 = arith.constant 640 : i32
    %dma_start3A_966 = tpu.memref_slice %arg4[%add3A_964, %dma_start3A_965] : memref<8192x1024xf32, #tpu.memory_space<hbm>> -> memref<128x64xf32, #tpu.memory_space<hbm>>
    %dma_start3A_967 = arith.constant 640 : i32
    %dma_start3A_968 = tpu.memref_slice %arg4[%add3A_964, %dma_start3A_967] : memref<8192x1024xf32, #tpu.memory_space<hbm>> -> memref<128x64xf32, #tpu.memory_space<hbm>>
    tpu.enqueue_dma source(%arg7 : memref<128x64xf32, #tpu.memory_space<vmem>>) target(%dma_start3A_968 : memref<128x64xf32, #tpu.memory_space<hbm>>) target_semaphore(%arg10 : memref<!tpu.dma_semaphore, #tpu.memory_space<semaphore_mem>>)
    %dma_wait3A_969 = arith.constant 640 : i32
    %dma_wait3A_970 = tpu.memref_slice %arg4[%add3A_964, %dma_wait3A_969] : memref<8192x1024xf32, #tpu.memory_space<hbm>> -> memref<128x64xf32, #tpu.memory_space<hbm>>
    %dma_wait3A_971 = arith.constant 640 : i32
    %dma_wait3A_972 = tpu.memref_slice %arg4[%add3A_964, %dma_wait3A_971] : memref<8192x1024xf32, #tpu.memory_space<hbm>> -> memref<128x64xf32, #tpu.memory_space<hbm>>
    tpu.wait_dma2 semaphore(%arg10 : memref<!tpu.dma_semaphore, #tpu.memory_space<semaphore_mem>>) src(%arg7 : memref<128x64xf32, #tpu.memory_space<vmem>>) dst(%dma_wait3A_972 : memref<128x64xf32, #tpu.memory_space<hbm>>)
    %dma_start3A_973 = arith.constant 11 : i32
    %dma_start3A_974 = arith.constant 22 : i32
    %dma_start3A_975 = arith.constant 0 : i32
    %dma_start3A_976 = tpu.memref_slice %arg6[%dma_start3A_974, %dma_start3A_975] : memref<32x128xi32, #tpu.memory_space<vmem>> -> memref<1x128xi32, #tpu.memory_space<vmem>>
    %dma_start3A_977 = tpu.memref_squeeze %dma_start3A_976 : memref<1x128xi32, #tpu.memory_space<vmem>> -> memref<128xi32, #tpu.memory_space<vmem>>
    %dma_start3A_978 = arith.constant 0 : i32
    %dma_start3A_979 = arith.constant 0 : i32
    %dma_start3A_980 = tpu.memref_slice %arg3[%dma_start3A_973, %dma_start3A_978, %dma_start3A_979] : memref<16x100000x64xf32, #tpu.memory_space<hbm>> -> memref<1x100000x64xf32, #tpu.memory_space<hbm>>
    %dma_start3A_981 = tpu.memref_squeeze %dma_start3A_980 : memref<1x100000x64xf32, #tpu.memory_space<hbm>> -> memref<100000x64xf32, #tpu.memory_space<hbm>>
    %dma_start3A_982 = arith.constant 0 : i32
    %dma_start3A_983 = arith.constant 0 : i32
    %dma_start3A_984 = tpu.memref_slice %dma_start3A_981[%dma_start3A_982, %dma_start3A_983] : memref<100000x64xf32, #tpu.memory_space<hbm>> -> memref<100000x64xf32, #tpu.memory_space<hbm>>
    tpu.enqueue_indirect_dma source(%dma_start3A_984 : memref<100000x64xf32, #tpu.memory_space<hbm>>) target(%arg7 : memref<128x64xf32, #tpu.memory_space<vmem>>) offsets(%dma_start3A_977 : memref<128xi32, #tpu.memory_space<vmem>>) semaphore(%arg9 : memref<!tpu.dma_semaphore, #tpu.memory_space<semaphore_mem>>)
    %dma_wait3A_985 = arith.constant 10 : i32
    %dma_wait3A_986 = arith.constant 21 : i32
    %dma_wait3A_987 = arith.constant 0 : i32
    %dma_wait3A_988 = tpu.memref_slice %arg6[%dma_wait3A_986, %dma_wait3A_987] : memref<32x128xi32, #tpu.memory_space<vmem>> -> memref<1x128xi32, #tpu.memory_space<vmem>>
    %dma_wait3A_989 = tpu.memref_squeeze %dma_wait3A_988 : memref<1x128xi32, #tpu.memory_space<vmem>> -> memref<128xi32, #tpu.memory_space<vmem>>
    %dma_wait3A_990 = arith.constant 0 : i32
    %dma_wait3A_991 = arith.constant 0 : i32
    %dma_wait3A_992 = tpu.memref_slice %arg3[%dma_wait3A_985, %dma_wait3A_990, %dma_wait3A_991] : memref<16x100000x64xf32, #tpu.memory_space<hbm>> -> memref<1x100000x64xf32, #tpu.memory_space<hbm>>
    %dma_wait3A_993 = tpu.memref_squeeze %dma_wait3A_992 : memref<1x100000x64xf32, #tpu.memory_space<hbm>> -> memref<100000x64xf32, #tpu.memory_space<hbm>>
    %dma_wait3A_994 = arith.constant 0 : i32
    %dma_wait3A_995 = arith.constant 0 : i32
    %dma_wait3A_996 = tpu.memref_slice %dma_wait3A_993[%dma_wait3A_994, %dma_wait3A_995] : memref<100000x64xf32, #tpu.memory_space<hbm>> -> memref<100000x64xf32, #tpu.memory_space<hbm>>
    tpu.wait_indirect_dma semaphore(%arg9 : memref<!tpu.dma_semaphore, #tpu.memory_space<semaphore_mem>>) src(%dma_wait3A_996 : memref<100000x64xf32, #tpu.memory_space<hbm>>) dst(%arg8 : memref<128x64xf32, #tpu.memory_space<vmem>>)
    %add3A_997 = arith.constant 128 : i32
    %add3A_998 = arith.addi %mul3A_2, %add3A_997 : i32
    %dma_start3A_999 = arith.constant 640 : i32
    %dma_start3A_1000 = tpu.memref_slice %arg4[%add3A_998, %dma_start3A_999] : memref<8192x1024xf32, #tpu.memory_space<hbm>> -> memref<128x64xf32, #tpu.memory_space<hbm>>
    %dma_start3A_1001 = arith.constant 640 : i32
    %dma_start3A_1002 = tpu.memref_slice %arg4[%add3A_998, %dma_start3A_1001] : memref<8192x1024xf32, #tpu.memory_space<hbm>> -> memref<128x64xf32, #tpu.memory_space<hbm>>
    tpu.enqueue_dma source(%arg8 : memref<128x64xf32, #tpu.memory_space<vmem>>) target(%dma_start3A_1002 : memref<128x64xf32, #tpu.memory_space<hbm>>) target_semaphore(%arg10 : memref<!tpu.dma_semaphore, #tpu.memory_space<semaphore_mem>>)
    %dma_wait3A_1003 = arith.constant 640 : i32
    %dma_wait3A_1004 = tpu.memref_slice %arg4[%add3A_998, %dma_wait3A_1003] : memref<8192x1024xf32, #tpu.memory_space<hbm>> -> memref<128x64xf32, #tpu.memory_space<hbm>>
    %dma_wait3A_1005 = arith.constant 640 : i32
    %dma_wait3A_1006 = tpu.memref_slice %arg4[%add3A_998, %dma_wait3A_1005] : memref<8192x1024xf32, #tpu.memory_space<hbm>> -> memref<128x64xf32, #tpu.memory_space<hbm>>
    tpu.wait_dma2 semaphore(%arg10 : memref<!tpu.dma_semaphore, #tpu.memory_space<semaphore_mem>>) src(%arg8 : memref<128x64xf32, #tpu.memory_space<vmem>>) dst(%dma_wait3A_1006 : memref<128x64xf32, #tpu.memory_space<hbm>>)
    %dma_start3A_1007 = arith.constant 11 : i32
    %dma_start3A_1008 = arith.constant 23 : i32
    %dma_start3A_1009 = arith.constant 0 : i32
    %dma_start3A_1010 = tpu.memref_slice %arg6[%dma_start3A_1008, %dma_start3A_1009] : memref<32x128xi32, #tpu.memory_space<vmem>> -> memref<1x128xi32, #tpu.memory_space<vmem>>
    %dma_start3A_1011 = tpu.memref_squeeze %dma_start3A_1010 : memref<1x128xi32, #tpu.memory_space<vmem>> -> memref<128xi32, #tpu.memory_space<vmem>>
    %dma_start3A_1012 = arith.constant 0 : i32
    %dma_start3A_1013 = arith.constant 0 : i32
    %dma_start3A_1014 = tpu.memref_slice %arg3[%dma_start3A_1007, %dma_start3A_1012, %dma_start3A_1013] : memref<16x100000x64xf32, #tpu.memory_space<hbm>> -> memref<1x100000x64xf32, #tpu.memory_space<hbm>>
    %dma_start3A_1015 = tpu.memref_squeeze %dma_start3A_1014 : memref<1x100000x64xf32, #tpu.memory_space<hbm>> -> memref<100000x64xf32, #tpu.memory_space<hbm>>
    %dma_start3A_1016 = arith.constant 0 : i32
    %dma_start3A_1017 = arith.constant 0 : i32
    %dma_start3A_1018 = tpu.memref_slice %dma_start3A_1015[%dma_start3A_1016, %dma_start3A_1017] : memref<100000x64xf32, #tpu.memory_space<hbm>> -> memref<100000x64xf32, #tpu.memory_space<hbm>>
    tpu.enqueue_indirect_dma source(%dma_start3A_1018 : memref<100000x64xf32, #tpu.memory_space<hbm>>) target(%arg8 : memref<128x64xf32, #tpu.memory_space<vmem>>) offsets(%dma_start3A_1011 : memref<128xi32, #tpu.memory_space<vmem>>) semaphore(%arg9 : memref<!tpu.dma_semaphore, #tpu.memory_space<semaphore_mem>>)
    %dma_wait3A_1019 = arith.constant 11 : i32
    %dma_wait3A_1020 = arith.constant 22 : i32
    %dma_wait3A_1021 = arith.constant 0 : i32
    %dma_wait3A_1022 = tpu.memref_slice %arg6[%dma_wait3A_1020, %dma_wait3A_1021] : memref<32x128xi32, #tpu.memory_space<vmem>> -> memref<1x128xi32, #tpu.memory_space<vmem>>
    %dma_wait3A_1023 = tpu.memref_squeeze %dma_wait3A_1022 : memref<1x128xi32, #tpu.memory_space<vmem>> -> memref<128xi32, #tpu.memory_space<vmem>>
    %dma_wait3A_1024 = arith.constant 0 : i32
    %dma_wait3A_1025 = arith.constant 0 : i32
    %dma_wait3A_1026 = tpu.memref_slice %arg3[%dma_wait3A_1019, %dma_wait3A_1024, %dma_wait3A_1025] : memref<16x100000x64xf32, #tpu.memory_space<hbm>> -> memref<1x100000x64xf32, #tpu.memory_space<hbm>>
    %dma_wait3A_1027 = tpu.memref_squeeze %dma_wait3A_1026 : memref<1x100000x64xf32, #tpu.memory_space<hbm>> -> memref<100000x64xf32, #tpu.memory_space<hbm>>
    %dma_wait3A_1028 = arith.constant 0 : i32
    %dma_wait3A_1029 = arith.constant 0 : i32
    %dma_wait3A_1030 = tpu.memref_slice %dma_wait3A_1027[%dma_wait3A_1028, %dma_wait3A_1029] : memref<100000x64xf32, #tpu.memory_space<hbm>> -> memref<100000x64xf32, #tpu.memory_space<hbm>>
    tpu.wait_indirect_dma semaphore(%arg9 : memref<!tpu.dma_semaphore, #tpu.memory_space<semaphore_mem>>) src(%dma_wait3A_1030 : memref<100000x64xf32, #tpu.memory_space<hbm>>) dst(%arg7 : memref<128x64xf32, #tpu.memory_space<vmem>>)
    %add3A_1031 = arith.constant 0 : i32
    %add3A_1032 = arith.addi %mul3A_2, %add3A_1031 : i32
    %dma_start3A_1033 = arith.constant 704 : i32
    %dma_start3A_1034 = tpu.memref_slice %arg4[%add3A_1032, %dma_start3A_1033] : memref<8192x1024xf32, #tpu.memory_space<hbm>> -> memref<128x64xf32, #tpu.memory_space<hbm>>
    %dma_start3A_1035 = arith.constant 704 : i32
    %dma_start3A_1036 = tpu.memref_slice %arg4[%add3A_1032, %dma_start3A_1035] : memref<8192x1024xf32, #tpu.memory_space<hbm>> -> memref<128x64xf32, #tpu.memory_space<hbm>>
    tpu.enqueue_dma source(%arg7 : memref<128x64xf32, #tpu.memory_space<vmem>>) target(%dma_start3A_1036 : memref<128x64xf32, #tpu.memory_space<hbm>>) target_semaphore(%arg10 : memref<!tpu.dma_semaphore, #tpu.memory_space<semaphore_mem>>)
    %dma_wait3A_1037 = arith.constant 704 : i32
    %dma_wait3A_1038 = tpu.memref_slice %arg4[%add3A_1032, %dma_wait3A_1037] : memref<8192x1024xf32, #tpu.memory_space<hbm>> -> memref<128x64xf32, #tpu.memory_space<hbm>>
    %dma_wait3A_1039 = arith.constant 704 : i32
    %dma_wait3A_1040 = tpu.memref_slice %arg4[%add3A_1032, %dma_wait3A_1039] : memref<8192x1024xf32, #tpu.memory_space<hbm>> -> memref<128x64xf32, #tpu.memory_space<hbm>>
    tpu.wait_dma2 semaphore(%arg10 : memref<!tpu.dma_semaphore, #tpu.memory_space<semaphore_mem>>) src(%arg7 : memref<128x64xf32, #tpu.memory_space<vmem>>) dst(%dma_wait3A_1040 : memref<128x64xf32, #tpu.memory_space<hbm>>)
    %dma_start3A_1041 = arith.constant 12 : i32
    %dma_start3A_1042 = arith.constant 24 : i32
    %dma_start3A_1043 = arith.constant 0 : i32
    %dma_start3A_1044 = tpu.memref_slice %arg6[%dma_start3A_1042, %dma_start3A_1043] : memref<32x128xi32, #tpu.memory_space<vmem>> -> memref<1x128xi32, #tpu.memory_space<vmem>>
    %dma_start3A_1045 = tpu.memref_squeeze %dma_start3A_1044 : memref<1x128xi32, #tpu.memory_space<vmem>> -> memref<128xi32, #tpu.memory_space<vmem>>
    %dma_start3A_1046 = arith.constant 0 : i32
    %dma_start3A_1047 = arith.constant 0 : i32
    %dma_start3A_1048 = tpu.memref_slice %arg3[%dma_start3A_1041, %dma_start3A_1046, %dma_start3A_1047] : memref<16x100000x64xf32, #tpu.memory_space<hbm>> -> memref<1x100000x64xf32, #tpu.memory_space<hbm>>
    %dma_start3A_1049 = tpu.memref_squeeze %dma_start3A_1048 : memref<1x100000x64xf32, #tpu.memory_space<hbm>> -> memref<100000x64xf32, #tpu.memory_space<hbm>>
    %dma_start3A_1050 = arith.constant 0 : i32
    %dma_start3A_1051 = arith.constant 0 : i32
    %dma_start3A_1052 = tpu.memref_slice %dma_start3A_1049[%dma_start3A_1050, %dma_start3A_1051] : memref<100000x64xf32, #tpu.memory_space<hbm>> -> memref<100000x64xf32, #tpu.memory_space<hbm>>
    tpu.enqueue_indirect_dma source(%dma_start3A_1052 : memref<100000x64xf32, #tpu.memory_space<hbm>>) target(%arg7 : memref<128x64xf32, #tpu.memory_space<vmem>>) offsets(%dma_start3A_1045 : memref<128xi32, #tpu.memory_space<vmem>>) semaphore(%arg9 : memref<!tpu.dma_semaphore, #tpu.memory_space<semaphore_mem>>)
    %dma_wait3A_1053 = arith.constant 11 : i32
    %dma_wait3A_1054 = arith.constant 23 : i32
    %dma_wait3A_1055 = arith.constant 0 : i32
    %dma_wait3A_1056 = tpu.memref_slice %arg6[%dma_wait3A_1054, %dma_wait3A_1055] : memref<32x128xi32, #tpu.memory_space<vmem>> -> memref<1x128xi32, #tpu.memory_space<vmem>>
    %dma_wait3A_1057 = tpu.memref_squeeze %dma_wait3A_1056 : memref<1x128xi32, #tpu.memory_space<vmem>> -> memref<128xi32, #tpu.memory_space<vmem>>
    %dma_wait3A_1058 = arith.constant 0 : i32
    %dma_wait3A_1059 = arith.constant 0 : i32
    %dma_wait3A_1060 = tpu.memref_slice %arg3[%dma_wait3A_1053, %dma_wait3A_1058, %dma_wait3A_1059] : memref<16x100000x64xf32, #tpu.memory_space<hbm>> -> memref<1x100000x64xf32, #tpu.memory_space<hbm>>
    %dma_wait3A_1061 = tpu.memref_squeeze %dma_wait3A_1060 : memref<1x100000x64xf32, #tpu.memory_space<hbm>> -> memref<100000x64xf32, #tpu.memory_space<hbm>>
    %dma_wait3A_1062 = arith.constant 0 : i32
    %dma_wait3A_1063 = arith.constant 0 : i32
    %dma_wait3A_1064 = tpu.memref_slice %dma_wait3A_1061[%dma_wait3A_1062, %dma_wait3A_1063] : memref<100000x64xf32, #tpu.memory_space<hbm>> -> memref<100000x64xf32, #tpu.memory_space<hbm>>
    tpu.wait_indirect_dma semaphore(%arg9 : memref<!tpu.dma_semaphore, #tpu.memory_space<semaphore_mem>>) src(%dma_wait3A_1064 : memref<100000x64xf32, #tpu.memory_space<hbm>>) dst(%arg8 : memref<128x64xf32, #tpu.memory_space<vmem>>)
    %add3A_1065 = arith.constant 128 : i32
    %add3A_1066 = arith.addi %mul3A_2, %add3A_1065 : i32
    %dma_start3A_1067 = arith.constant 704 : i32
    %dma_start3A_1068 = tpu.memref_slice %arg4[%add3A_1066, %dma_start3A_1067] : memref<8192x1024xf32, #tpu.memory_space<hbm>> -> memref<128x64xf32, #tpu.memory_space<hbm>>
    %dma_start3A_1069 = arith.constant 704 : i32
    %dma_start3A_1070 = tpu.memref_slice %arg4[%add3A_1066, %dma_start3A_1069] : memref<8192x1024xf32, #tpu.memory_space<hbm>> -> memref<128x64xf32, #tpu.memory_space<hbm>>
    tpu.enqueue_dma source(%arg8 : memref<128x64xf32, #tpu.memory_space<vmem>>) target(%dma_start3A_1070 : memref<128x64xf32, #tpu.memory_space<hbm>>) target_semaphore(%arg10 : memref<!tpu.dma_semaphore, #tpu.memory_space<semaphore_mem>>)
    %dma_wait3A_1071 = arith.constant 704 : i32
    %dma_wait3A_1072 = tpu.memref_slice %arg4[%add3A_1066, %dma_wait3A_1071] : memref<8192x1024xf32, #tpu.memory_space<hbm>> -> memref<128x64xf32, #tpu.memory_space<hbm>>
    %dma_wait3A_1073 = arith.constant 704 : i32
    %dma_wait3A_1074 = tpu.memref_slice %arg4[%add3A_1066, %dma_wait3A_1073] : memref<8192x1024xf32, #tpu.memory_space<hbm>> -> memref<128x64xf32, #tpu.memory_space<hbm>>
    tpu.wait_dma2 semaphore(%arg10 : memref<!tpu.dma_semaphore, #tpu.memory_space<semaphore_mem>>) src(%arg8 : memref<128x64xf32, #tpu.memory_space<vmem>>) dst(%dma_wait3A_1074 : memref<128x64xf32, #tpu.memory_space<hbm>>)
    %dma_start3A_1075 = arith.constant 12 : i32
    %dma_start3A_1076 = arith.constant 25 : i32
    %dma_start3A_1077 = arith.constant 0 : i32
    %dma_start3A_1078 = tpu.memref_slice %arg6[%dma_start3A_1076, %dma_start3A_1077] : memref<32x128xi32, #tpu.memory_space<vmem>> -> memref<1x128xi32, #tpu.memory_space<vmem>>
    %dma_start3A_1079 = tpu.memref_squeeze %dma_start3A_1078 : memref<1x128xi32, #tpu.memory_space<vmem>> -> memref<128xi32, #tpu.memory_space<vmem>>
    %dma_start3A_1080 = arith.constant 0 : i32
    %dma_start3A_1081 = arith.constant 0 : i32
    %dma_start3A_1082 = tpu.memref_slice %arg3[%dma_start3A_1075, %dma_start3A_1080, %dma_start3A_1081] : memref<16x100000x64xf32, #tpu.memory_space<hbm>> -> memref<1x100000x64xf32, #tpu.memory_space<hbm>>
    %dma_start3A_1083 = tpu.memref_squeeze %dma_start3A_1082 : memref<1x100000x64xf32, #tpu.memory_space<hbm>> -> memref<100000x64xf32, #tpu.memory_space<hbm>>
    %dma_start3A_1084 = arith.constant 0 : i32
    %dma_start3A_1085 = arith.constant 0 : i32
    %dma_start3A_1086 = tpu.memref_slice %dma_start3A_1083[%dma_start3A_1084, %dma_start3A_1085] : memref<100000x64xf32, #tpu.memory_space<hbm>> -> memref<100000x64xf32, #tpu.memory_space<hbm>>
    tpu.enqueue_indirect_dma source(%dma_start3A_1086 : memref<100000x64xf32, #tpu.memory_space<hbm>>) target(%arg8 : memref<128x64xf32, #tpu.memory_space<vmem>>) offsets(%dma_start3A_1079 : memref<128xi32, #tpu.memory_space<vmem>>) semaphore(%arg9 : memref<!tpu.dma_semaphore, #tpu.memory_space<semaphore_mem>>)
    %dma_wait3A_1087 = arith.constant 12 : i32
    %dma_wait3A_1088 = arith.constant 24 : i32
    %dma_wait3A_1089 = arith.constant 0 : i32
    %dma_wait3A_1090 = tpu.memref_slice %arg6[%dma_wait3A_1088, %dma_wait3A_1089] : memref<32x128xi32, #tpu.memory_space<vmem>> -> memref<1x128xi32, #tpu.memory_space<vmem>>
    %dma_wait3A_1091 = tpu.memref_squeeze %dma_wait3A_1090 : memref<1x128xi32, #tpu.memory_space<vmem>> -> memref<128xi32, #tpu.memory_space<vmem>>
    %dma_wait3A_1092 = arith.constant 0 : i32
    %dma_wait3A_1093 = arith.constant 0 : i32
    %dma_wait3A_1094 = tpu.memref_slice %arg3[%dma_wait3A_1087, %dma_wait3A_1092, %dma_wait3A_1093] : memref<16x100000x64xf32, #tpu.memory_space<hbm>> -> memref<1x100000x64xf32, #tpu.memory_space<hbm>>
    %dma_wait3A_1095 = tpu.memref_squeeze %dma_wait3A_1094 : memref<1x100000x64xf32, #tpu.memory_space<hbm>> -> memref<100000x64xf32, #tpu.memory_space<hbm>>
    %dma_wait3A_1096 = arith.constant 0 : i32
    %dma_wait3A_1097 = arith.constant 0 : i32
    %dma_wait3A_1098 = tpu.memref_slice %dma_wait3A_1095[%dma_wait3A_1096, %dma_wait3A_1097] : memref<100000x64xf32, #tpu.memory_space<hbm>> -> memref<100000x64xf32, #tpu.memory_space<hbm>>
    tpu.wait_indirect_dma semaphore(%arg9 : memref<!tpu.dma_semaphore, #tpu.memory_space<semaphore_mem>>) src(%dma_wait3A_1098 : memref<100000x64xf32, #tpu.memory_space<hbm>>) dst(%arg7 : memref<128x64xf32, #tpu.memory_space<vmem>>)
    %add3A_1099 = arith.constant 0 : i32
    %add3A_1100 = arith.addi %mul3A_2, %add3A_1099 : i32
    %dma_start3A_1101 = arith.constant 768 : i32
    %dma_start3A_1102 = tpu.memref_slice %arg4[%add3A_1100, %dma_start3A_1101] : memref<8192x1024xf32, #tpu.memory_space<hbm>> -> memref<128x64xf32, #tpu.memory_space<hbm>>
    %dma_start3A_1103 = arith.constant 768 : i32
    %dma_start3A_1104 = tpu.memref_slice %arg4[%add3A_1100, %dma_start3A_1103] : memref<8192x1024xf32, #tpu.memory_space<hbm>> -> memref<128x64xf32, #tpu.memory_space<hbm>>
    tpu.enqueue_dma source(%arg7 : memref<128x64xf32, #tpu.memory_space<vmem>>) target(%dma_start3A_1104 : memref<128x64xf32, #tpu.memory_space<hbm>>) target_semaphore(%arg10 : memref<!tpu.dma_semaphore, #tpu.memory_space<semaphore_mem>>)
    %dma_wait3A_1105 = arith.constant 768 : i32
    %dma_wait3A_1106 = tpu.memref_slice %arg4[%add3A_1100, %dma_wait3A_1105] : memref<8192x1024xf32, #tpu.memory_space<hbm>> -> memref<128x64xf32, #tpu.memory_space<hbm>>
    %dma_wait3A_1107 = arith.constant 768 : i32
    %dma_wait3A_1108 = tpu.memref_slice %arg4[%add3A_1100, %dma_wait3A_1107] : memref<8192x1024xf32, #tpu.memory_space<hbm>> -> memref<128x64xf32, #tpu.memory_space<hbm>>
    tpu.wait_dma2 semaphore(%arg10 : memref<!tpu.dma_semaphore, #tpu.memory_space<semaphore_mem>>) src(%arg7 : memref<128x64xf32, #tpu.memory_space<vmem>>) dst(%dma_wait3A_1108 : memref<128x64xf32, #tpu.memory_space<hbm>>)
    %dma_start3A_1109 = arith.constant 13 : i32
    %dma_start3A_1110 = arith.constant 26 : i32
    %dma_start3A_1111 = arith.constant 0 : i32
    %dma_start3A_1112 = tpu.memref_slice %arg6[%dma_start3A_1110, %dma_start3A_1111] : memref<32x128xi32, #tpu.memory_space<vmem>> -> memref<1x128xi32, #tpu.memory_space<vmem>>
    %dma_start3A_1113 = tpu.memref_squeeze %dma_start3A_1112 : memref<1x128xi32, #tpu.memory_space<vmem>> -> memref<128xi32, #tpu.memory_space<vmem>>
    %dma_start3A_1114 = arith.constant 0 : i32
    %dma_start3A_1115 = arith.constant 0 : i32
    %dma_start3A_1116 = tpu.memref_slice %arg3[%dma_start3A_1109, %dma_start3A_1114, %dma_start3A_1115] : memref<16x100000x64xf32, #tpu.memory_space<hbm>> -> memref<1x100000x64xf32, #tpu.memory_space<hbm>>
    %dma_start3A_1117 = tpu.memref_squeeze %dma_start3A_1116 : memref<1x100000x64xf32, #tpu.memory_space<hbm>> -> memref<100000x64xf32, #tpu.memory_space<hbm>>
    %dma_start3A_1118 = arith.constant 0 : i32
    %dma_start3A_1119 = arith.constant 0 : i32
    %dma_start3A_1120 = tpu.memref_slice %dma_start3A_1117[%dma_start3A_1118, %dma_start3A_1119] : memref<100000x64xf32, #tpu.memory_space<hbm>> -> memref<100000x64xf32, #tpu.memory_space<hbm>>
    tpu.enqueue_indirect_dma source(%dma_start3A_1120 : memref<100000x64xf32, #tpu.memory_space<hbm>>) target(%arg7 : memref<128x64xf32, #tpu.memory_space<vmem>>) offsets(%dma_start3A_1113 : memref<128xi32, #tpu.memory_space<vmem>>) semaphore(%arg9 : memref<!tpu.dma_semaphore, #tpu.memory_space<semaphore_mem>>)
    %dma_wait3A_1121 = arith.constant 12 : i32
    %dma_wait3A_1122 = arith.constant 25 : i32
    %dma_wait3A_1123 = arith.constant 0 : i32
    %dma_wait3A_1124 = tpu.memref_slice %arg6[%dma_wait3A_1122, %dma_wait3A_1123] : memref<32x128xi32, #tpu.memory_space<vmem>> -> memref<1x128xi32, #tpu.memory_space<vmem>>
    %dma_wait3A_1125 = tpu.memref_squeeze %dma_wait3A_1124 : memref<1x128xi32, #tpu.memory_space<vmem>> -> memref<128xi32, #tpu.memory_space<vmem>>
    %dma_wait3A_1126 = arith.constant 0 : i32
    %dma_wait3A_1127 = arith.constant 0 : i32
    %dma_wait3A_1128 = tpu.memref_slice %arg3[%dma_wait3A_1121, %dma_wait3A_1126, %dma_wait3A_1127] : memref<16x100000x64xf32, #tpu.memory_space<hbm>> -> memref<1x100000x64xf32, #tpu.memory_space<hbm>>
    %dma_wait3A_1129 = tpu.memref_squeeze %dma_wait3A_1128 : memref<1x100000x64xf32, #tpu.memory_space<hbm>> -> memref<100000x64xf32, #tpu.memory_space<hbm>>
    %dma_wait3A_1130 = arith.constant 0 : i32
    %dma_wait3A_1131 = arith.constant 0 : i32
    %dma_wait3A_1132 = tpu.memref_slice %dma_wait3A_1129[%dma_wait3A_1130, %dma_wait3A_1131] : memref<100000x64xf32, #tpu.memory_space<hbm>> -> memref<100000x64xf32, #tpu.memory_space<hbm>>
    tpu.wait_indirect_dma semaphore(%arg9 : memref<!tpu.dma_semaphore, #tpu.memory_space<semaphore_mem>>) src(%dma_wait3A_1132 : memref<100000x64xf32, #tpu.memory_space<hbm>>) dst(%arg8 : memref<128x64xf32, #tpu.memory_space<vmem>>)
    %add3A_1133 = arith.constant 128 : i32
    %add3A_1134 = arith.addi %mul3A_2, %add3A_1133 : i32
    %dma_start3A_1135 = arith.constant 768 : i32
    %dma_start3A_1136 = tpu.memref_slice %arg4[%add3A_1134, %dma_start3A_1135] : memref<8192x1024xf32, #tpu.memory_space<hbm>> -> memref<128x64xf32, #tpu.memory_space<hbm>>
    %dma_start3A_1137 = arith.constant 768 : i32
    %dma_start3A_1138 = tpu.memref_slice %arg4[%add3A_1134, %dma_start3A_1137] : memref<8192x1024xf32, #tpu.memory_space<hbm>> -> memref<128x64xf32, #tpu.memory_space<hbm>>
    tpu.enqueue_dma source(%arg8 : memref<128x64xf32, #tpu.memory_space<vmem>>) target(%dma_start3A_1138 : memref<128x64xf32, #tpu.memory_space<hbm>>) target_semaphore(%arg10 : memref<!tpu.dma_semaphore, #tpu.memory_space<semaphore_mem>>)
    %dma_wait3A_1139 = arith.constant 768 : i32
    %dma_wait3A_1140 = tpu.memref_slice %arg4[%add3A_1134, %dma_wait3A_1139] : memref<8192x1024xf32, #tpu.memory_space<hbm>> -> memref<128x64xf32, #tpu.memory_space<hbm>>
    %dma_wait3A_1141 = arith.constant 768 : i32
    %dma_wait3A_1142 = tpu.memref_slice %arg4[%add3A_1134, %dma_wait3A_1141] : memref<8192x1024xf32, #tpu.memory_space<hbm>> -> memref<128x64xf32, #tpu.memory_space<hbm>>
    tpu.wait_dma2 semaphore(%arg10 : memref<!tpu.dma_semaphore, #tpu.memory_space<semaphore_mem>>) src(%arg8 : memref<128x64xf32, #tpu.memory_space<vmem>>) dst(%dma_wait3A_1142 : memref<128x64xf32, #tpu.memory_space<hbm>>)
    %dma_start3A_1143 = arith.constant 13 : i32
    %dma_start3A_1144 = arith.constant 27 : i32
    %dma_start3A_1145 = arith.constant 0 : i32
    %dma_start3A_1146 = tpu.memref_slice %arg6[%dma_start3A_1144, %dma_start3A_1145] : memref<32x128xi32, #tpu.memory_space<vmem>> -> memref<1x128xi32, #tpu.memory_space<vmem>>
    %dma_start3A_1147 = tpu.memref_squeeze %dma_start3A_1146 : memref<1x128xi32, #tpu.memory_space<vmem>> -> memref<128xi32, #tpu.memory_space<vmem>>
    %dma_start3A_1148 = arith.constant 0 : i32
    %dma_start3A_1149 = arith.constant 0 : i32
    %dma_start3A_1150 = tpu.memref_slice %arg3[%dma_start3A_1143, %dma_start3A_1148, %dma_start3A_1149] : memref<16x100000x64xf32, #tpu.memory_space<hbm>> -> memref<1x100000x64xf32, #tpu.memory_space<hbm>>
    %dma_start3A_1151 = tpu.memref_squeeze %dma_start3A_1150 : memref<1x100000x64xf32, #tpu.memory_space<hbm>> -> memref<100000x64xf32, #tpu.memory_space<hbm>>
    %dma_start3A_1152 = arith.constant 0 : i32
    %dma_start3A_1153 = arith.constant 0 : i32
    %dma_start3A_1154 = tpu.memref_slice %dma_start3A_1151[%dma_start3A_1152, %dma_start3A_1153] : memref<100000x64xf32, #tpu.memory_space<hbm>> -> memref<100000x64xf32, #tpu.memory_space<hbm>>
    tpu.enqueue_indirect_dma source(%dma_start3A_1154 : memref<100000x64xf32, #tpu.memory_space<hbm>>) target(%arg8 : memref<128x64xf32, #tpu.memory_space<vmem>>) offsets(%dma_start3A_1147 : memref<128xi32, #tpu.memory_space<vmem>>) semaphore(%arg9 : memref<!tpu.dma_semaphore, #tpu.memory_space<semaphore_mem>>)
    %dma_wait3A_1155 = arith.constant 13 : i32
    %dma_wait3A_1156 = arith.constant 26 : i32
    %dma_wait3A_1157 = arith.constant 0 : i32
    %dma_wait3A_1158 = tpu.memref_slice %arg6[%dma_wait3A_1156, %dma_wait3A_1157] : memref<32x128xi32, #tpu.memory_space<vmem>> -> memref<1x128xi32, #tpu.memory_space<vmem>>
    %dma_wait3A_1159 = tpu.memref_squeeze %dma_wait3A_1158 : memref<1x128xi32, #tpu.memory_space<vmem>> -> memref<128xi32, #tpu.memory_space<vmem>>
    %dma_wait3A_1160 = arith.constant 0 : i32
    %dma_wait3A_1161 = arith.constant 0 : i32
    %dma_wait3A_1162 = tpu.memref_slice %arg3[%dma_wait3A_1155, %dma_wait3A_1160, %dma_wait3A_1161] : memref<16x100000x64xf32, #tpu.memory_space<hbm>> -> memref<1x100000x64xf32, #tpu.memory_space<hbm>>
    %dma_wait3A_1163 = tpu.memref_squeeze %dma_wait3A_1162 : memref<1x100000x64xf32, #tpu.memory_space<hbm>> -> memref<100000x64xf32, #tpu.memory_space<hbm>>
    %dma_wait3A_1164 = arith.constant 0 : i32
    %dma_wait3A_1165 = arith.constant 0 : i32
    %dma_wait3A_1166 = tpu.memref_slice %dma_wait3A_1163[%dma_wait3A_1164, %dma_wait3A_1165] : memref<100000x64xf32, #tpu.memory_space<hbm>> -> memref<100000x64xf32, #tpu.memory_space<hbm>>
    tpu.wait_indirect_dma semaphore(%arg9 : memref<!tpu.dma_semaphore, #tpu.memory_space<semaphore_mem>>) src(%dma_wait3A_1166 : memref<100000x64xf32, #tpu.memory_space<hbm>>) dst(%arg7 : memref<128x64xf32, #tpu.memory_space<vmem>>)
    %add3A_1167 = arith.constant 0 : i32
    %add3A_1168 = arith.addi %mul3A_2, %add3A_1167 : i32
    %dma_start3A_1169 = arith.constant 832 : i32
    %dma_start3A_1170 = tpu.memref_slice %arg4[%add3A_1168, %dma_start3A_1169] : memref<8192x1024xf32, #tpu.memory_space<hbm>> -> memref<128x64xf32, #tpu.memory_space<hbm>>
    %dma_start3A_1171 = arith.constant 832 : i32
    %dma_start3A_1172 = tpu.memref_slice %arg4[%add3A_1168, %dma_start3A_1171] : memref<8192x1024xf32, #tpu.memory_space<hbm>> -> memref<128x64xf32, #tpu.memory_space<hbm>>
    tpu.enqueue_dma source(%arg7 : memref<128x64xf32, #tpu.memory_space<vmem>>) target(%dma_start3A_1172 : memref<128x64xf32, #tpu.memory_space<hbm>>) target_semaphore(%arg10 : memref<!tpu.dma_semaphore, #tpu.memory_space<semaphore_mem>>)
    %dma_wait3A_1173 = arith.constant 832 : i32
    %dma_wait3A_1174 = tpu.memref_slice %arg4[%add3A_1168, %dma_wait3A_1173] : memref<8192x1024xf32, #tpu.memory_space<hbm>> -> memref<128x64xf32, #tpu.memory_space<hbm>>
    %dma_wait3A_1175 = arith.constant 832 : i32
    %dma_wait3A_1176 = tpu.memref_slice %arg4[%add3A_1168, %dma_wait3A_1175] : memref<8192x1024xf32, #tpu.memory_space<hbm>> -> memref<128x64xf32, #tpu.memory_space<hbm>>
    tpu.wait_dma2 semaphore(%arg10 : memref<!tpu.dma_semaphore, #tpu.memory_space<semaphore_mem>>) src(%arg7 : memref<128x64xf32, #tpu.memory_space<vmem>>) dst(%dma_wait3A_1176 : memref<128x64xf32, #tpu.memory_space<hbm>>)
    %dma_start3A_1177 = arith.constant 14 : i32
    %dma_start3A_1178 = arith.constant 28 : i32
    %dma_start3A_1179 = arith.constant 0 : i32
    %dma_start3A_1180 = tpu.memref_slice %arg6[%dma_start3A_1178, %dma_start3A_1179] : memref<32x128xi32, #tpu.memory_space<vmem>> -> memref<1x128xi32, #tpu.memory_space<vmem>>
    %dma_start3A_1181 = tpu.memref_squeeze %dma_start3A_1180 : memref<1x128xi32, #tpu.memory_space<vmem>> -> memref<128xi32, #tpu.memory_space<vmem>>
    %dma_start3A_1182 = arith.constant 0 : i32
    %dma_start3A_1183 = arith.constant 0 : i32
    %dma_start3A_1184 = tpu.memref_slice %arg3[%dma_start3A_1177, %dma_start3A_1182, %dma_start3A_1183] : memref<16x100000x64xf32, #tpu.memory_space<hbm>> -> memref<1x100000x64xf32, #tpu.memory_space<hbm>>
    %dma_start3A_1185 = tpu.memref_squeeze %dma_start3A_1184 : memref<1x100000x64xf32, #tpu.memory_space<hbm>> -> memref<100000x64xf32, #tpu.memory_space<hbm>>
    %dma_start3A_1186 = arith.constant 0 : i32
    %dma_start3A_1187 = arith.constant 0 : i32
    %dma_start3A_1188 = tpu.memref_slice %dma_start3A_1185[%dma_start3A_1186, %dma_start3A_1187] : memref<100000x64xf32, #tpu.memory_space<hbm>> -> memref<100000x64xf32, #tpu.memory_space<hbm>>
    tpu.enqueue_indirect_dma source(%dma_start3A_1188 : memref<100000x64xf32, #tpu.memory_space<hbm>>) target(%arg7 : memref<128x64xf32, #tpu.memory_space<vmem>>) offsets(%dma_start3A_1181 : memref<128xi32, #tpu.memory_space<vmem>>) semaphore(%arg9 : memref<!tpu.dma_semaphore, #tpu.memory_space<semaphore_mem>>)
    %dma_wait3A_1189 = arith.constant 13 : i32
    %dma_wait3A_1190 = arith.constant 27 : i32
    %dma_wait3A_1191 = arith.constant 0 : i32
    %dma_wait3A_1192 = tpu.memref_slice %arg6[%dma_wait3A_1190, %dma_wait3A_1191] : memref<32x128xi32, #tpu.memory_space<vmem>> -> memref<1x128xi32, #tpu.memory_space<vmem>>
    %dma_wait3A_1193 = tpu.memref_squeeze %dma_wait3A_1192 : memref<1x128xi32, #tpu.memory_space<vmem>> -> memref<128xi32, #tpu.memory_space<vmem>>
    %dma_wait3A_1194 = arith.constant 0 : i32
    %dma_wait3A_1195 = arith.constant 0 : i32
    %dma_wait3A_1196 = tpu.memref_slice %arg3[%dma_wait3A_1189, %dma_wait3A_1194, %dma_wait3A_1195] : memref<16x100000x64xf32, #tpu.memory_space<hbm>> -> memref<1x100000x64xf32, #tpu.memory_space<hbm>>
    %dma_wait3A_1197 = tpu.memref_squeeze %dma_wait3A_1196 : memref<1x100000x64xf32, #tpu.memory_space<hbm>> -> memref<100000x64xf32, #tpu.memory_space<hbm>>
    %dma_wait3A_1198 = arith.constant 0 : i32
    %dma_wait3A_1199 = arith.constant 0 : i32
    %dma_wait3A_1200 = tpu.memref_slice %dma_wait3A_1197[%dma_wait3A_1198, %dma_wait3A_1199] : memref<100000x64xf32, #tpu.memory_space<hbm>> -> memref<100000x64xf32, #tpu.memory_space<hbm>>
    tpu.wait_indirect_dma semaphore(%arg9 : memref<!tpu.dma_semaphore, #tpu.memory_space<semaphore_mem>>) src(%dma_wait3A_1200 : memref<100000x64xf32, #tpu.memory_space<hbm>>) dst(%arg8 : memref<128x64xf32, #tpu.memory_space<vmem>>)
    %add3A_1201 = arith.constant 128 : i32
    %add3A_1202 = arith.addi %mul3A_2, %add3A_1201 : i32
    %dma_start3A_1203 = arith.constant 832 : i32
    %dma_start3A_1204 = tpu.memref_slice %arg4[%add3A_1202, %dma_start3A_1203] : memref<8192x1024xf32, #tpu.memory_space<hbm>> -> memref<128x64xf32, #tpu.memory_space<hbm>>
    %dma_start3A_1205 = arith.constant 832 : i32
    %dma_start3A_1206 = tpu.memref_slice %arg4[%add3A_1202, %dma_start3A_1205] : memref<8192x1024xf32, #tpu.memory_space<hbm>> -> memref<128x64xf32, #tpu.memory_space<hbm>>
    tpu.enqueue_dma source(%arg8 : memref<128x64xf32, #tpu.memory_space<vmem>>) target(%dma_start3A_1206 : memref<128x64xf32, #tpu.memory_space<hbm>>) target_semaphore(%arg10 : memref<!tpu.dma_semaphore, #tpu.memory_space<semaphore_mem>>)
    %dma_wait3A_1207 = arith.constant 832 : i32
    %dma_wait3A_1208 = tpu.memref_slice %arg4[%add3A_1202, %dma_wait3A_1207] : memref<8192x1024xf32, #tpu.memory_space<hbm>> -> memref<128x64xf32, #tpu.memory_space<hbm>>
    %dma_wait3A_1209 = arith.constant 832 : i32
    %dma_wait3A_1210 = tpu.memref_slice %arg4[%add3A_1202, %dma_wait3A_1209] : memref<8192x1024xf32, #tpu.memory_space<hbm>> -> memref<128x64xf32, #tpu.memory_space<hbm>>
    tpu.wait_dma2 semaphore(%arg10 : memref<!tpu.dma_semaphore, #tpu.memory_space<semaphore_mem>>) src(%arg8 : memref<128x64xf32, #tpu.memory_space<vmem>>) dst(%dma_wait3A_1210 : memref<128x64xf32, #tpu.memory_space<hbm>>)
    %dma_start3A_1211 = arith.constant 14 : i32
    %dma_start3A_1212 = arith.constant 29 : i32
    %dma_start3A_1213 = arith.constant 0 : i32
    %dma_start3A_1214 = tpu.memref_slice %arg6[%dma_start3A_1212, %dma_start3A_1213] : memref<32x128xi32, #tpu.memory_space<vmem>> -> memref<1x128xi32, #tpu.memory_space<vmem>>
    %dma_start3A_1215 = tpu.memref_squeeze %dma_start3A_1214 : memref<1x128xi32, #tpu.memory_space<vmem>> -> memref<128xi32, #tpu.memory_space<vmem>>
    %dma_start3A_1216 = arith.constant 0 : i32
    %dma_start3A_1217 = arith.constant 0 : i32
    %dma_start3A_1218 = tpu.memref_slice %arg3[%dma_start3A_1211, %dma_start3A_1216, %dma_start3A_1217] : memref<16x100000x64xf32, #tpu.memory_space<hbm>> -> memref<1x100000x64xf32, #tpu.memory_space<hbm>>
    %dma_start3A_1219 = tpu.memref_squeeze %dma_start3A_1218 : memref<1x100000x64xf32, #tpu.memory_space<hbm>> -> memref<100000x64xf32, #tpu.memory_space<hbm>>
    %dma_start3A_1220 = arith.constant 0 : i32
    %dma_start3A_1221 = arith.constant 0 : i32
    %dma_start3A_1222 = tpu.memref_slice %dma_start3A_1219[%dma_start3A_1220, %dma_start3A_1221] : memref<100000x64xf32, #tpu.memory_space<hbm>> -> memref<100000x64xf32, #tpu.memory_space<hbm>>
    tpu.enqueue_indirect_dma source(%dma_start3A_1222 : memref<100000x64xf32, #tpu.memory_space<hbm>>) target(%arg8 : memref<128x64xf32, #tpu.memory_space<vmem>>) offsets(%dma_start3A_1215 : memref<128xi32, #tpu.memory_space<vmem>>) semaphore(%arg9 : memref<!tpu.dma_semaphore, #tpu.memory_space<semaphore_mem>>)
    %dma_wait3A_1223 = arith.constant 14 : i32
    %dma_wait3A_1224 = arith.constant 28 : i32
    %dma_wait3A_1225 = arith.constant 0 : i32
    %dma_wait3A_1226 = tpu.memref_slice %arg6[%dma_wait3A_1224, %dma_wait3A_1225] : memref<32x128xi32, #tpu.memory_space<vmem>> -> memref<1x128xi32, #tpu.memory_space<vmem>>
    %dma_wait3A_1227 = tpu.memref_squeeze %dma_wait3A_1226 : memref<1x128xi32, #tpu.memory_space<vmem>> -> memref<128xi32, #tpu.memory_space<vmem>>
    %dma_wait3A_1228 = arith.constant 0 : i32
    %dma_wait3A_1229 = arith.constant 0 : i32
    %dma_wait3A_1230 = tpu.memref_slice %arg3[%dma_wait3A_1223, %dma_wait3A_1228, %dma_wait3A_1229] : memref<16x100000x64xf32, #tpu.memory_space<hbm>> -> memref<1x100000x64xf32, #tpu.memory_space<hbm>>
    %dma_wait3A_1231 = tpu.memref_squeeze %dma_wait3A_1230 : memref<1x100000x64xf32, #tpu.memory_space<hbm>> -> memref<100000x64xf32, #tpu.memory_space<hbm>>
    %dma_wait3A_1232 = arith.constant 0 : i32
    %dma_wait3A_1233 = arith.constant 0 : i32
    %dma_wait3A_1234 = tpu.memref_slice %dma_wait3A_1231[%dma_wait3A_1232, %dma_wait3A_1233] : memref<100000x64xf32, #tpu.memory_space<hbm>> -> memref<100000x64xf32, #tpu.memory_space<hbm>>
    tpu.wait_indirect_dma semaphore(%arg9 : memref<!tpu.dma_semaphore, #tpu.memory_space<semaphore_mem>>) src(%dma_wait3A_1234 : memref<100000x64xf32, #tpu.memory_space<hbm>>) dst(%arg7 : memref<128x64xf32, #tpu.memory_space<vmem>>)
    %add3A_1235 = arith.constant 0 : i32
    %add3A_1236 = arith.addi %mul3A_2, %add3A_1235 : i32
    %dma_start3A_1237 = arith.constant 896 : i32
    %dma_start3A_1238 = tpu.memref_slice %arg4[%add3A_1236, %dma_start3A_1237] : memref<8192x1024xf32, #tpu.memory_space<hbm>> -> memref<128x64xf32, #tpu.memory_space<hbm>>
    %dma_start3A_1239 = arith.constant 896 : i32
    %dma_start3A_1240 = tpu.memref_slice %arg4[%add3A_1236, %dma_start3A_1239] : memref<8192x1024xf32, #tpu.memory_space<hbm>> -> memref<128x64xf32, #tpu.memory_space<hbm>>
    tpu.enqueue_dma source(%arg7 : memref<128x64xf32, #tpu.memory_space<vmem>>) target(%dma_start3A_1240 : memref<128x64xf32, #tpu.memory_space<hbm>>) target_semaphore(%arg10 : memref<!tpu.dma_semaphore, #tpu.memory_space<semaphore_mem>>)
    %dma_wait3A_1241 = arith.constant 896 : i32
    %dma_wait3A_1242 = tpu.memref_slice %arg4[%add3A_1236, %dma_wait3A_1241] : memref<8192x1024xf32, #tpu.memory_space<hbm>> -> memref<128x64xf32, #tpu.memory_space<hbm>>
    %dma_wait3A_1243 = arith.constant 896 : i32
    %dma_wait3A_1244 = tpu.memref_slice %arg4[%add3A_1236, %dma_wait3A_1243] : memref<8192x1024xf32, #tpu.memory_space<hbm>> -> memref<128x64xf32, #tpu.memory_space<hbm>>
    tpu.wait_dma2 semaphore(%arg10 : memref<!tpu.dma_semaphore, #tpu.memory_space<semaphore_mem>>) src(%arg7 : memref<128x64xf32, #tpu.memory_space<vmem>>) dst(%dma_wait3A_1244 : memref<128x64xf32, #tpu.memory_space<hbm>>)
    %dma_start3A_1245 = arith.constant 15 : i32
    %dma_start3A_1246 = arith.constant 30 : i32
    %dma_start3A_1247 = arith.constant 0 : i32
    %dma_start3A_1248 = tpu.memref_slice %arg6[%dma_start3A_1246, %dma_start3A_1247] : memref<32x128xi32, #tpu.memory_space<vmem>> -> memref<1x128xi32, #tpu.memory_space<vmem>>
    %dma_start3A_1249 = tpu.memref_squeeze %dma_start3A_1248 : memref<1x128xi32, #tpu.memory_space<vmem>> -> memref<128xi32, #tpu.memory_space<vmem>>
    %dma_start3A_1250 = arith.constant 0 : i32
    %dma_start3A_1251 = arith.constant 0 : i32
    %dma_start3A_1252 = tpu.memref_slice %arg3[%dma_start3A_1245, %dma_start3A_1250, %dma_start3A_1251] : memref<16x100000x64xf32, #tpu.memory_space<hbm>> -> memref<1x100000x64xf32, #tpu.memory_space<hbm>>
    %dma_start3A_1253 = tpu.memref_squeeze %dma_start3A_1252 : memref<1x100000x64xf32, #tpu.memory_space<hbm>> -> memref<100000x64xf32, #tpu.memory_space<hbm>>
    %dma_start3A_1254 = arith.constant 0 : i32
    %dma_start3A_1255 = arith.constant 0 : i32
    %dma_start3A_1256 = tpu.memref_slice %dma_start3A_1253[%dma_start3A_1254, %dma_start3A_1255] : memref<100000x64xf32, #tpu.memory_space<hbm>> -> memref<100000x64xf32, #tpu.memory_space<hbm>>
    tpu.enqueue_indirect_dma source(%dma_start3A_1256 : memref<100000x64xf32, #tpu.memory_space<hbm>>) target(%arg7 : memref<128x64xf32, #tpu.memory_space<vmem>>) offsets(%dma_start3A_1249 : memref<128xi32, #tpu.memory_space<vmem>>) semaphore(%arg9 : memref<!tpu.dma_semaphore, #tpu.memory_space<semaphore_mem>>)
    %dma_wait3A_1257 = arith.constant 14 : i32
    %dma_wait3A_1258 = arith.constant 29 : i32
    %dma_wait3A_1259 = arith.constant 0 : i32
    %dma_wait3A_1260 = tpu.memref_slice %arg6[%dma_wait3A_1258, %dma_wait3A_1259] : memref<32x128xi32, #tpu.memory_space<vmem>> -> memref<1x128xi32, #tpu.memory_space<vmem>>
    %dma_wait3A_1261 = tpu.memref_squeeze %dma_wait3A_1260 : memref<1x128xi32, #tpu.memory_space<vmem>> -> memref<128xi32, #tpu.memory_space<vmem>>
    %dma_wait3A_1262 = arith.constant 0 : i32
    %dma_wait3A_1263 = arith.constant 0 : i32
    %dma_wait3A_1264 = tpu.memref_slice %arg3[%dma_wait3A_1257, %dma_wait3A_1262, %dma_wait3A_1263] : memref<16x100000x64xf32, #tpu.memory_space<hbm>> -> memref<1x100000x64xf32, #tpu.memory_space<hbm>>
    %dma_wait3A_1265 = tpu.memref_squeeze %dma_wait3A_1264 : memref<1x100000x64xf32, #tpu.memory_space<hbm>> -> memref<100000x64xf32, #tpu.memory_space<hbm>>
    %dma_wait3A_1266 = arith.constant 0 : i32
    %dma_wait3A_1267 = arith.constant 0 : i32
    %dma_wait3A_1268 = tpu.memref_slice %dma_wait3A_1265[%dma_wait3A_1266, %dma_wait3A_1267] : memref<100000x64xf32, #tpu.memory_space<hbm>> -> memref<100000x64xf32, #tpu.memory_space<hbm>>
    tpu.wait_indirect_dma semaphore(%arg9 : memref<!tpu.dma_semaphore, #tpu.memory_space<semaphore_mem>>) src(%dma_wait3A_1268 : memref<100000x64xf32, #tpu.memory_space<hbm>>) dst(%arg8 : memref<128x64xf32, #tpu.memory_space<vmem>>)
    %add3A_1269 = arith.constant 128 : i32
    %add3A_1270 = arith.addi %mul3A_2, %add3A_1269 : i32
    %dma_start3A_1271 = arith.constant 896 : i32
    %dma_start3A_1272 = tpu.memref_slice %arg4[%add3A_1270, %dma_start3A_1271] : memref<8192x1024xf32, #tpu.memory_space<hbm>> -> memref<128x64xf32, #tpu.memory_space<hbm>>
    %dma_start3A_1273 = arith.constant 896 : i32
    %dma_start3A_1274 = tpu.memref_slice %arg4[%add3A_1270, %dma_start3A_1273] : memref<8192x1024xf32, #tpu.memory_space<hbm>> -> memref<128x64xf32, #tpu.memory_space<hbm>>
    tpu.enqueue_dma source(%arg8 : memref<128x64xf32, #tpu.memory_space<vmem>>) target(%dma_start3A_1274 : memref<128x64xf32, #tpu.memory_space<hbm>>) target_semaphore(%arg10 : memref<!tpu.dma_semaphore, #tpu.memory_space<semaphore_mem>>)
    %dma_wait3A_1275 = arith.constant 896 : i32
    %dma_wait3A_1276 = tpu.memref_slice %arg4[%add3A_1270, %dma_wait3A_1275] : memref<8192x1024xf32, #tpu.memory_space<hbm>> -> memref<128x64xf32, #tpu.memory_space<hbm>>
    %dma_wait3A_1277 = arith.constant 896 : i32
    %dma_wait3A_1278 = tpu.memref_slice %arg4[%add3A_1270, %dma_wait3A_1277] : memref<8192x1024xf32, #tpu.memory_space<hbm>> -> memref<128x64xf32, #tpu.memory_space<hbm>>
    tpu.wait_dma2 semaphore(%arg10 : memref<!tpu.dma_semaphore, #tpu.memory_space<semaphore_mem>>) src(%arg8 : memref<128x64xf32, #tpu.memory_space<vmem>>) dst(%dma_wait3A_1278 : memref<128x64xf32, #tpu.memory_space<hbm>>)
    %dma_start3A_1279 = arith.constant 15 : i32
    %dma_start3A_1280 = arith.constant 31 : i32
    %dma_start3A_1281 = arith.constant 0 : i32
    %dma_start3A_1282 = tpu.memref_slice %arg6[%dma_start3A_1280, %dma_start3A_1281] : memref<32x128xi32, #tpu.memory_space<vmem>> -> memref<1x128xi32, #tpu.memory_space<vmem>>
    %dma_start3A_1283 = tpu.memref_squeeze %dma_start3A_1282 : memref<1x128xi32, #tpu.memory_space<vmem>> -> memref<128xi32, #tpu.memory_space<vmem>>
    %dma_start3A_1284 = arith.constant 0 : i32
    %dma_start3A_1285 = arith.constant 0 : i32
    %dma_start3A_1286 = tpu.memref_slice %arg3[%dma_start3A_1279, %dma_start3A_1284, %dma_start3A_1285] : memref<16x100000x64xf32, #tpu.memory_space<hbm>> -> memref<1x100000x64xf32, #tpu.memory_space<hbm>>
    %dma_start3A_1287 = tpu.memref_squeeze %dma_start3A_1286 : memref<1x100000x64xf32, #tpu.memory_space<hbm>> -> memref<100000x64xf32, #tpu.memory_space<hbm>>
    %dma_start3A_1288 = arith.constant 0 : i32
    %dma_start3A_1289 = arith.constant 0 : i32
    %dma_start3A_1290 = tpu.memref_slice %dma_start3A_1287[%dma_start3A_1288, %dma_start3A_1289] : memref<100000x64xf32, #tpu.memory_space<hbm>> -> memref<100000x64xf32, #tpu.memory_space<hbm>>
    tpu.enqueue_indirect_dma source(%dma_start3A_1290 : memref<100000x64xf32, #tpu.memory_space<hbm>>) target(%arg8 : memref<128x64xf32, #tpu.memory_space<vmem>>) offsets(%dma_start3A_1283 : memref<128xi32, #tpu.memory_space<vmem>>) semaphore(%arg9 : memref<!tpu.dma_semaphore, #tpu.memory_space<semaphore_mem>>)
    %dma_wait3A_1291 = arith.constant 15 : i32
    %dma_wait3A_1292 = arith.constant 30 : i32
    %dma_wait3A_1293 = arith.constant 0 : i32
    %dma_wait3A_1294 = tpu.memref_slice %arg6[%dma_wait3A_1292, %dma_wait3A_1293] : memref<32x128xi32, #tpu.memory_space<vmem>> -> memref<1x128xi32, #tpu.memory_space<vmem>>
    %dma_wait3A_1295 = tpu.memref_squeeze %dma_wait3A_1294 : memref<1x128xi32, #tpu.memory_space<vmem>> -> memref<128xi32, #tpu.memory_space<vmem>>
    %dma_wait3A_1296 = arith.constant 0 : i32
    %dma_wait3A_1297 = arith.constant 0 : i32
    %dma_wait3A_1298 = tpu.memref_slice %arg3[%dma_wait3A_1291, %dma_wait3A_1296, %dma_wait3A_1297] : memref<16x100000x64xf32, #tpu.memory_space<hbm>> -> memref<1x100000x64xf32, #tpu.memory_space<hbm>>
    %dma_wait3A_1299 = tpu.memref_squeeze %dma_wait3A_1298 : memref<1x100000x64xf32, #tpu.memory_space<hbm>> -> memref<100000x64xf32, #tpu.memory_space<hbm>>
    %dma_wait3A_1300 = arith.constant 0 : i32
    %dma_wait3A_1301 = arith.constant 0 : i32
    %dma_wait3A_1302 = tpu.memref_slice %dma_wait3A_1299[%dma_wait3A_1300, %dma_wait3A_1301] : memref<100000x64xf32, #tpu.memory_space<hbm>> -> memref<100000x64xf32, #tpu.memory_space<hbm>>
    tpu.wait_indirect_dma semaphore(%arg9 : memref<!tpu.dma_semaphore, #tpu.memory_space<semaphore_mem>>) src(%dma_wait3A_1302 : memref<100000x64xf32, #tpu.memory_space<hbm>>) dst(%arg7 : memref<128x64xf32, #tpu.memory_space<vmem>>)
    %add3A_1303 = arith.constant 0 : i32
    %add3A_1304 = arith.addi %mul3A_2, %add3A_1303 : i32
    %dma_start3A_1305 = arith.constant 960 : i32
    %dma_start3A_1306 = tpu.memref_slice %arg4[%add3A_1304, %dma_start3A_1305] : memref<8192x1024xf32, #tpu.memory_space<hbm>> -> memref<128x64xf32, #tpu.memory_space<hbm>>
    %dma_start3A_1307 = arith.constant 960 : i32
    %dma_start3A_1308 = tpu.memref_slice %arg4[%add3A_1304, %dma_start3A_1307] : memref<8192x1024xf32, #tpu.memory_space<hbm>> -> memref<128x64xf32, #tpu.memory_space<hbm>>
    tpu.enqueue_dma source(%arg7 : memref<128x64xf32, #tpu.memory_space<vmem>>) target(%dma_start3A_1308 : memref<128x64xf32, #tpu.memory_space<hbm>>) target_semaphore(%arg10 : memref<!tpu.dma_semaphore, #tpu.memory_space<semaphore_mem>>)
    %dma_wait3A_1309 = arith.constant 15 : i32
    %dma_wait3A_1310 = arith.constant 31 : i32
    %dma_wait3A_1311 = arith.constant 0 : i32
    %dma_wait3A_1312 = tpu.memref_slice %arg6[%dma_wait3A_1310, %dma_wait3A_1311] : memref<32x128xi32, #tpu.memory_space<vmem>> -> memref<1x128xi32, #tpu.memory_space<vmem>>
    %dma_wait3A_1313 = tpu.memref_squeeze %dma_wait3A_1312 : memref<1x128xi32, #tpu.memory_space<vmem>> -> memref<128xi32, #tpu.memory_space<vmem>>
    %dma_wait3A_1314 = arith.constant 0 : i32
    %dma_wait3A_1315 = arith.constant 0 : i32
    %dma_wait3A_1316 = tpu.memref_slice %arg3[%dma_wait3A_1309, %dma_wait3A_1314, %dma_wait3A_1315] : memref<16x100000x64xf32, #tpu.memory_space<hbm>> -> memref<1x100000x64xf32, #tpu.memory_space<hbm>>
    %dma_wait3A_1317 = tpu.memref_squeeze %dma_wait3A_1316 : memref<1x100000x64xf32, #tpu.memory_space<hbm>> -> memref<100000x64xf32, #tpu.memory_space<hbm>>
    %dma_wait3A_1318 = arith.constant 0 : i32
    %dma_wait3A_1319 = arith.constant 0 : i32
    %dma_wait3A_1320 = tpu.memref_slice %dma_wait3A_1317[%dma_wait3A_1318, %dma_wait3A_1319] : memref<100000x64xf32, #tpu.memory_space<hbm>> -> memref<100000x64xf32, #tpu.memory_space<hbm>>
    tpu.wait_indirect_dma semaphore(%arg9 : memref<!tpu.dma_semaphore, #tpu.memory_space<semaphore_mem>>) src(%dma_wait3A_1320 : memref<100000x64xf32, #tpu.memory_space<hbm>>) dst(%arg8 : memref<128x64xf32, #tpu.memory_space<vmem>>)
    %add3A_1321 = arith.constant 128 : i32
    %add3A_1322 = arith.addi %mul3A_2, %add3A_1321 : i32
    %dma_start3A_1323 = arith.constant 960 : i32
    %dma_start3A_1324 = tpu.memref_slice %arg4[%add3A_1322, %dma_start3A_1323] : memref<8192x1024xf32, #tpu.memory_space<hbm>> -> memref<128x64xf32, #tpu.memory_space<hbm>>
    %dma_start3A_1325 = arith.constant 960 : i32
    %dma_start3A_1326 = tpu.memref_slice %arg4[%add3A_1322, %dma_start3A_1325] : memref<8192x1024xf32, #tpu.memory_space<hbm>> -> memref<128x64xf32, #tpu.memory_space<hbm>>
    tpu.enqueue_dma source(%arg8 : memref<128x64xf32, #tpu.memory_space<vmem>>) target(%dma_start3A_1326 : memref<128x64xf32, #tpu.memory_space<hbm>>) target_semaphore(%arg10 : memref<!tpu.dma_semaphore, #tpu.memory_space<semaphore_mem>>)
    %dma_wait3A_1327 = arith.constant 960 : i32
    %dma_wait3A_1328 = tpu.memref_slice %arg4[%add3A_1304, %dma_wait3A_1327] : memref<8192x1024xf32, #tpu.memory_space<hbm>> -> memref<128x64xf32, #tpu.memory_space<hbm>>
    %dma_wait3A_1329 = arith.constant 960 : i32
    %dma_wait3A_1330 = tpu.memref_slice %arg4[%add3A_1304, %dma_wait3A_1329] : memref<8192x1024xf32, #tpu.memory_space<hbm>> -> memref<128x64xf32, #tpu.memory_space<hbm>>
    tpu.wait_dma2 semaphore(%arg10 : memref<!tpu.dma_semaphore, #tpu.memory_space<semaphore_mem>>) src(%arg7 : memref<128x64xf32, #tpu.memory_space<vmem>>) dst(%dma_wait3A_1330 : memref<128x64xf32, #tpu.memory_space<hbm>>)
    %dma_wait3A_1331 = arith.constant 960 : i32
    %dma_wait3A_1332 = tpu.memref_slice %arg4[%add3A_1322, %dma_wait3A_1331] : memref<8192x1024xf32, #tpu.memory_space<hbm>> -> memref<128x64xf32, #tpu.memory_space<hbm>>
    %dma_wait3A_1333 = arith.constant 960 : i32
    %dma_wait3A_1334 = tpu.memref_slice %arg4[%add3A_1322, %dma_wait3A_1333] : memref<8192x1024xf32, #tpu.memory_space<hbm>> -> memref<128x64xf32, #tpu.memory_space<hbm>>
    tpu.wait_dma2 semaphore(%arg10 : memref<!tpu.dma_semaphore, #tpu.memory_space<semaphore_mem>>) src(%arg8 : memref<128x64xf32, #tpu.memory_space<vmem>>) dst(%dma_wait3A_1334 : memref<128x64xf32, #tpu.memory_space<hbm>>)
    return
  }
}

module attributes {stable_mosaic.version = 14 : i64} {
  func.func @_tc_body(%arg0: i32, %arg1: i32, %arg2: memref<512x1024xf32, #tpu.memory_space<vmem>>, %arg3: memref<512x1024xf32, #tpu.memory_space<vmem>>, %arg4: memref<1024x1024xbf16, #tpu.memory_space<vmem>>, %arg5: memref<4x1024x1024xbf16, #tpu.memory_space<vmem>>, %arg6: memref<1x1024xf32, #tpu.memory_space<vmem>>, %arg7: memref<4x1024xf32, #tpu.memory_space<vmem>>, %arg8: memref<4x1024xf32, #tpu.memory_space<vmem>>, %arg9: memref<4x1024xf32, #tpu.memory_space<vmem>>, %arg10: memref<4x4x1024xf32, #tpu.memory_space<vmem>>, %arg11: memref<512x1024xf32, #tpu.memory_space<vmem>>, %arg12: memref<4x16x1024xf32, #tpu.memory_space<vmem>>) attributes {dimension_semantics = [#tpu.dimension_semantics<arbitrary>, #tpu.dimension_semantics<arbitrary>], iteration_bounds = array<i64: 4, 4>, scalar_prefetch = 0 : i64, scratch_operands = 1 : i64, tpu.core_type = #tpu.core_type<tc>, window_params = [{transform_indices = @transform_0, window_bounds = array<i64: 512, 1024>}, {transform_indices = @transform_1, window_bounds = array<i64: 512, 1024>}, {pipeline_mode = #tpu.pipeline_mode<synchronous>, transform_indices = @transform_2, window_bounds = array<i64: 1024, 1024>}, {pipeline_mode = #tpu.pipeline_mode<synchronous>, transform_indices = @transform_3, window_bounds = array<i64: 4, 1024, 1024>}, {pipeline_mode = #tpu.pipeline_mode<synchronous>, transform_indices = @transform_4, window_bounds = array<i64: 1, 1024>}, {pipeline_mode = #tpu.pipeline_mode<synchronous>, transform_indices = @transform_5, window_bounds = array<i64: 4, 1024>}, {pipeline_mode = #tpu.pipeline_mode<synchronous>, transform_indices = @transform_6, window_bounds = array<i64: 4, 1024>}, {pipeline_mode = #tpu.pipeline_mode<synchronous>, transform_indices = @transform_7, window_bounds = array<i64: 4, 1024>}, {pipeline_mode = #tpu.pipeline_mode<synchronous>, transform_indices = @transform_8, window_bounds = array<i64: 4, 4, 1024>}, {transform_indices = @transform_9, window_bounds = array<i64: 512, 1024>}]} {
    %eq3A = arith.constant 0 : i32
    %eq3A_0 = arith.cmpi eq, %arg1, %eq3A : i32
    %convert_element_type3A = arith.extui %eq3A_0 : i1 to i32
    %cond3A = arith.constant 0 : i32
    %cond3A_1 = arith.cmpi ne, %convert_element_type3A, %cond3A : i32
    scf.if %cond3A_1 {
      %broadcast_in_dim3A_516 = arith.constant 0.000000e+00 : f32
      %broadcast_in_dim3A_517 = vector.broadcast %broadcast_in_dim3A_516 : f32 to vector<4x16x1024xf32>
      %swap3A_518 = arith.constant 0 : index
      %swap3A_519 = arith.constant 0 : index
      %swap3A_520 = arith.constant 0 : index
      %swap3A_521 = vector.load %arg12[%swap3A_518, %swap3A_519, %swap3A_520] : memref<4x16x1024xf32, #tpu.memory_space<vmem>>, vector<4x16x1024xf32>
      tpu.vector_store %arg12[%swap3A_518, %swap3A_519, %swap3A_520], %broadcast_in_dim3A_517 {strides = array<i32>} : memref<4x16x1024xf32, #tpu.memory_space<vmem>>, vector<4x16x1024xf32>,
    } else {
    }
    %get3A = arith.constant 0 : index
    %get3A_2 = arith.constant 0 : index
    %get3A_3 = vector.load %arg2[%get3A, %get3A_2] : memref<512x1024xf32, #tpu.memory_space<vmem>>, vector<512x1024xf32>
    %convert_element_type3A_4 = arith.truncf %get3A_3 : vector<512x1024xf32> to vector<512x1024xbf16>
    %get3A_5 = arith.constant 0 : index
    %get3A_6 = arith.constant 0 : index
    %get3A_7 = vector.load %arg3[%get3A_5, %get3A_6] : memref<512x1024xf32, #tpu.memory_space<vmem>>, vector<512x1024xf32>
    %get3A_8 = arith.constant 0 : index
    %get3A_9 = arith.constant 0 : index
    %get3A_10 = vector.load %arg4[%get3A_8, %get3A_9] : memref<1024x1024xbf16, #tpu.memory_space<vmem>>, vector<1024x1024xbf16>
    %dot_general3A = arith.constant dense<0.000000e+00> : vector<512x1024xf32>
    %dot_general3A_11 = tpu.matmul %convert_element_type3A_4, %get3A_10, %dot_general3A {dimension_numbers = #tpu.dot_dimension_numbers<[1], [0], [0], [1], [0, 0, 1, 1], [], []>, transpose_lhs_hint = false} : vector<512x1024xbf16>, vector<1024x1024xbf16>, vector<512x1024xf32> -> vector<512x1024xf32>
    %get3A_12 = arith.constant 0 : index
    %get3A_13 = arith.constant 0 : index
    %get3A_14 = vector.load %arg6[%get3A_12, %get3A_13] : memref<1x1024xf32, #tpu.memory_space<vmem>>, vector<1x1024xf32>
    %add3A = vector.broadcast %get3A_14 : vector<1x1024xf32> to vector<512x1024xf32>
    %add3A_15 = arith.addf %dot_general3A_11, %add3A : vector<512x1024xf32>
    %mul3A = arith.mulf %get3A_7, %get3A_7 : vector<512x1024xf32>
    %reduce_sum3A = arith.constant dense<0.000000e+00> : vector<512xf32>
    %reduce_sum3A_16 = vector.multi_reduction <add>, %mul3A, %reduce_sum3A [1] : vector<512x1024xf32> to vector<512xf32>
    %broadcast_in_dim3A = vector.shape_cast %reduce_sum3A_16 : vector<512xf32> to vector<512x1xf32>
    %div3A = arith.constant 1.024000e+03 : f32
    %div3A_17 = vector.broadcast %div3A : f32 to vector<512x1xf32>
    %div3A_18 = arith.divf %broadcast_in_dim3A, %div3A_17 : vector<512x1xf32>
    %add3A_19 = arith.constant 9.99999997E-7 : f32
    %add3A_20 = vector.broadcast %add3A_19 : f32 to vector<512x1xf32>
    %add3A_21 = arith.addf %div3A_18, %add3A_20 : vector<512x1xf32>
    %rsqrt3A = math.rsqrt %add3A_21 : vector<512x1xf32>
    %get3A_22 = arith.constant 0 : index
    %get3A_23 = arith.constant 0 : index
    %get3A_24 = vector.load %arg7[%get3A_22, %get3A_23] : memref<4x1024xf32, #tpu.memory_space<vmem>>, vector<4x1024xf32>
    %get3A_25 = arith.constant 0 : index
    %get3A_26 = arith.constant 0 : index
    %get3A_27 = vector.load %arg8[%get3A_25, %get3A_26] : memref<4x1024xf32, #tpu.memory_space<vmem>>, vector<4x1024xf32>
    %get3A_28 = arith.constant 0 : index
    %get3A_29 = arith.constant 0 : index
    %get3A_30 = vector.load %arg9[%get3A_28, %get3A_29] : memref<4x1024xf32, #tpu.memory_space<vmem>>, vector<4x1024xf32>
    %broadcast_in_dim3A_31 = arith.constant 0.000000e+00 : f32
    %broadcast_in_dim3A_32 = vector.broadcast %broadcast_in_dim3A_31 : f32 to vector<512x1024xf32>
    %get3A_33 = arith.constant 0 : index
    %get3A_34 = arith.constant 0 : index
    %get3A_35 = arith.constant 0 : index
    %get3A_36 = vector.load %arg5[%get3A_33, %get3A_34, %get3A_35] : memref<4x1024x1024xbf16, #tpu.memory_space<vmem>>, vector<1x1024x1024xbf16>
    %get3A_37 = vector.shape_cast %get3A_36 : vector<1x1024x1024xbf16> to vector<1024x1024xbf16>
    %dot_general3A_38 = arith.constant dense<0.000000e+00> : vector<512x1024xf32>
    %dot_general3A_39 = tpu.matmul %convert_element_type3A_4, %get3A_37, %dot_general3A_38 {dimension_numbers = #tpu.dot_dimension_numbers<[1], [0], [0], [1], [0, 0, 1, 1], [], []>, transpose_lhs_hint = false} : vector<512x1024xbf16>, vector<1024x1024xbf16>, vector<512x1024xf32> -> vector<512x1024xf32>
    %slice3A = vector.extract_strided_slice %get3A_24 {offsets = [0, 0], sizes = [1, 1024], strides = [1, 1]} : vector<4x1024xf32> to vector<1x1024xf32>
    %add3A_40 = vector.broadcast %slice3A : vector<1x1024xf32> to vector<512x1024xf32>
    %add3A_41 = arith.addf %dot_general3A_39, %add3A_40 : vector<512x1024xf32>
    %mul3A_42 = arith.mulf %add3A_41, %add3A_41 : vector<512x1024xf32>
    %reduce_sum3A_43 = arith.constant dense<0.000000e+00> : vector<512xf32>
    %reduce_sum3A_44 = vector.multi_reduction <add>, %mul3A_42, %reduce_sum3A_43 [1] : vector<512x1024xf32> to vector<512xf32>
    %broadcast_in_dim3A_45 = vector.shape_cast %reduce_sum3A_44 : vector<512xf32> to vector<512x1xf32>
    %div3A_46 = arith.constant 1.024000e+03 : f32
    %div3A_47 = vector.broadcast %div3A_46 : f32 to vector<512x1xf32>
    %div3A_48 = arith.divf %broadcast_in_dim3A_45, %div3A_47 : vector<512x1xf32>
    %add3A_49 = arith.constant 9.99999997E-7 : f32
    %add3A_50 = vector.broadcast %add3A_49 : f32 to vector<512x1xf32>
    %add3A_51 = arith.addf %div3A_48, %add3A_50 : vector<512x1xf32>
    %rsqrt3A_52 = math.rsqrt %add3A_51 : vector<512x1xf32>
    %mul3A_53 = arith.mulf %add3A_41, %get3A_7 : vector<512x1024xf32>
    %slice3A_54 = vector.extract_strided_slice %get3A_27 {offsets = [0, 0], sizes = [1, 1024], strides = [1, 1]} : vector<4x1024xf32> to vector<1x1024xf32>
    %mul3A_55 = vector.broadcast %slice3A_54 : vector<1x1024xf32> to vector<512x1024xf32>
    %mul3A_56 = arith.mulf %mul3A_53, %mul3A_55 : vector<512x1024xf32>
    %reduce_sum3A_57 = arith.constant dense<0.000000e+00> : vector<512xf32>
    %reduce_sum3A_58 = vector.multi_reduction <add>, %mul3A_56, %reduce_sum3A_57 [1] : vector<512x1024xf32> to vector<512xf32>
    %broadcast_in_dim3A_59 = vector.shape_cast %reduce_sum3A_58 : vector<512xf32> to vector<512x1xf32>
    %mul3A_60 = arith.mulf %rsqrt3A_52, %rsqrt3A : vector<512x1xf32>
    %mul3A_61 = arith.mulf %mul3A_60, %broadcast_in_dim3A_59 : vector<512x1xf32>
    %mul3A_62 = arith.constant 3.125000e-02 : f32
    %mul3A_63 = vector.broadcast %mul3A_62 : f32 to vector<512x1xf32>
    %mul3A_64 = arith.mulf %mul3A_61, %mul3A_63 : vector<512x1xf32>
    %abs3A = math.absf %mul3A_64 : vector<512x1xf32>
    %max3A = arith.constant 9.99999997E-7 : f32
    %max3A_65 = vector.broadcast %max3A : f32 to vector<512x1xf32>
    %max3A_66 = arith.maximumf %abs3A, %max3A_65 : vector<512x1xf32>
    %sqrt3A = math.sqrt %max3A_66 : vector<512x1xf32>
    %sign3A = tpu.bitcast %mul3A_64 : vector<512x1xf32> -> vector<512x1xi32>
    %sign3A_67 = arith.constant -2147483648 : i32
    %sign3A_68 = vector.broadcast %sign3A_67 : i32 to vector<512x1xi32>
    %sign3A_69 = arith.andi %sign3A, %sign3A_68 : vector<512x1xi32>
    %sign3A_70 = arith.constant 1065353216 : i32
    %sign3A_71 = vector.broadcast %sign3A_70 : i32 to vector<512x1xi32>
    %sign3A_72 = arith.ori %sign3A_71, %sign3A_69 : vector<512x1xi32>
    %sign3A_73 = tpu.bitcast %sign3A_72 : vector<512x1xi32> -> vector<512x1xf32>
    %sign3A_74 = math.absf %mul3A_64 : vector<512x1xf32>
    %sign3A_75 = arith.constant 0.000000e+00 : f32
    %sign3A_76 = vector.broadcast %sign3A_75 : f32 to vector<512x1xf32>
    %sign3A_77 = arith.cmpf ogt, %sign3A_74, %sign3A_76 : vector<512x1xf32>
    %sign3A_78 = arith.select %sign3A_77, %sign3A_73, %mul3A_64 : vector<512x1xi1>, vector<512x1xf32>
    %mul3A_79 = arith.mulf %sqrt3A, %sign3A_78 : vector<512x1xf32>
    %logistic3A = arith.negf %mul3A_79 : vector<512x1xf32>
    %logistic3A_80 = math.exp %logistic3A : vector<512x1xf32>
    %logistic3A_81 = arith.constant 1.000000e+00 : f32
    %logistic3A_82 = vector.broadcast %logistic3A_81 : f32 to vector<512x1xf32>
    %logistic3A_83 = arith.addf %logistic3A_82, %logistic3A_80 : vector<512x1xf32>
    %logistic3A_84 = arith.divf %logistic3A_82, %logistic3A_83 : vector<512x1xf32>
    %mul3A_85 = vector.broadcast %logistic3A_84 : vector<512x1xf32> to vector<512x1024xf32>
    %mul3A_86 = arith.mulf %mul3A_85, %add3A_15 : vector<512x1024xf32>
    %mul3A_87 = arith.mulf %mul3A_86, %mul3A_86 : vector<512x1024xf32>
    %reduce_sum3A_88 = arith.constant dense<0.000000e+00> : vector<512xf32>
    %reduce_sum3A_89 = vector.multi_reduction <add>, %mul3A_87, %reduce_sum3A_88 [1] : vector<512x1024xf32> to vector<512xf32>
    %broadcast_in_dim3A_90 = vector.shape_cast %reduce_sum3A_89 : vector<512xf32> to vector<512x1xf32>
    %div3A_91 = arith.constant 1.024000e+03 : f32
    %div3A_92 = vector.broadcast %div3A_91 : f32 to vector<512x1xf32>
    %div3A_93 = arith.divf %broadcast_in_dim3A_90, %div3A_92 : vector<512x1xf32>
    %add3A_94 = arith.constant 9.99999974E-6 : f32
    %add3A_95 = vector.broadcast %add3A_94 : f32 to vector<512x1xf32>
    %add3A_96 = arith.addf %div3A_93, %add3A_95 : vector<512x1xf32>
    %rsqrt3A_97 = math.rsqrt %add3A_96 : vector<512x1xf32>
    %mul3A_98 = vector.broadcast %rsqrt3A_97 : vector<512x1xf32> to vector<512x1024xf32>
    %mul3A_99 = arith.mulf %mul3A_86, %mul3A_98 : vector<512x1024xf32>
    %slice3A_100 = vector.extract_strided_slice %get3A_30 {offsets = [0, 0], sizes = [1, 1024], strides = [1, 1]} : vector<4x1024xf32> to vector<1x1024xf32>
    %mul3A_101 = vector.broadcast %slice3A_100 : vector<1x1024xf32> to vector<512x1024xf32>
    %mul3A_102 = arith.mulf %mul3A_99, %mul3A_101 : vector<512x1024xf32>
    %get3A_103 = arith.constant 0 : index
    %get3A_104 = arith.constant 0 : index
    %get3A_105 = arith.constant 0 : index
    %get3A_106 = vector.load %arg12[%get3A_103, %get3A_104, %get3A_105] : memref<4x16x1024xf32, #tpu.memory_space<vmem>>, vector<1x16x1024xf32>
    %get3A_107 = vector.shape_cast %get3A_106 : vector<1x16x1024xf32> to vector<16x1024xf32>
    %concatenate3A = tpu.concatenate %get3A_107, %mul3A_102 in 0 : vector<16x1024xf32>, vector<512x1024xf32> -> vector<528x1024xf32>
    %get3A_108 = arith.constant 0 : index
    %get3A_109 = arith.constant 0 : index
    %get3A_110 = arith.constant 0 : index
    %get3A_111 = vector.load %arg10[%get3A_108, %get3A_109, %get3A_110] : memref<4x4x1024xf32, #tpu.memory_space<vmem>>, vector<1x4x1024xf32>
    %get3A_112 = vector.shape_cast %get3A_111 : vector<1x4x1024xf32> to vector<4x1024xf32>
    %slice3A_113 = vector.extract_strided_slice %concatenate3A {offsets = [7, 0], sizes = [512, 1024], strides = [1, 1]} : vector<528x1024xf32> to vector<512x1024xf32>
    %slice3A_114 = vector.extract_strided_slice %get3A_112 {offsets = [0, 0], sizes = [1, 1024], strides = [1, 1]} : vector<4x1024xf32> to vector<1x1024xf32>
    %mul3A_115 = vector.broadcast %slice3A_114 : vector<1x1024xf32> to vector<512x1024xf32>
    %mul3A_116 = arith.mulf %slice3A_113, %mul3A_115 : vector<512x1024xf32>
    %slice3A_117 = vector.extract_strided_slice %concatenate3A {offsets = [10, 0], sizes = [512, 1024], strides = [1, 1]} : vector<528x1024xf32> to vector<512x1024xf32>
    %slice3A_118 = vector.extract_strided_slice %get3A_112 {offsets = [1, 0], sizes = [1, 1024], strides = [1, 1]} : vector<4x1024xf32> to vector<1x1024xf32>
    %mul3A_119 = vector.broadcast %slice3A_118 : vector<1x1024xf32> to vector<512x1024xf32>
    %mul3A_120 = arith.mulf %slice3A_117, %mul3A_119 : vector<512x1024xf32>
    %add3A_121 = arith.addf %mul3A_116, %mul3A_120 : vector<512x1024xf32>
    %slice3A_122 = vector.extract_strided_slice %concatenate3A {offsets = [13, 0], sizes = [512, 1024], strides = [1, 1]} : vector<528x1024xf32> to vector<512x1024xf32>
    %slice3A_123 = vector.extract_strided_slice %get3A_112 {offsets = [2, 0], sizes = [1, 1024], strides = [1, 1]} : vector<4x1024xf32> to vector<1x1024xf32>
    %mul3A_124 = vector.broadcast %slice3A_123 : vector<1x1024xf32> to vector<512x1024xf32>
    %mul3A_125 = arith.mulf %slice3A_122, %mul3A_124 : vector<512x1024xf32>
    %add3A_126 = arith.addf %add3A_121, %mul3A_125 : vector<512x1024xf32>
    %slice3A_127 = vector.extract_strided_slice %concatenate3A {offsets = [16, 0], sizes = [512, 1024], strides = [1, 1]} : vector<528x1024xf32> to vector<512x1024xf32>
    %slice3A_128 = vector.extract_strided_slice %get3A_112 {offsets = [3, 0], sizes = [1, 1024], strides = [1, 1]} : vector<4x1024xf32> to vector<1x1024xf32>
    %mul3A_129 = vector.broadcast %slice3A_128 : vector<1x1024xf32> to vector<512x1024xf32>
    %mul3A_130 = arith.mulf %slice3A_127, %mul3A_129 : vector<512x1024xf32>
    %add3A_131 = arith.addf %add3A_126, %mul3A_130 : vector<512x1024xf32>
    %logistic3A_132 = arith.negf %add3A_131 : vector<512x1024xf32>
    %logistic3A_133 = math.exp %logistic3A_132 : vector<512x1024xf32>
    %logistic3A_134 = arith.constant 1.000000e+00 : f32
    %logistic3A_135 = vector.broadcast %logistic3A_134 : f32 to vector<512x1024xf32>
    %logistic3A_136 = arith.addf %logistic3A_135, %logistic3A_133 : vector<512x1024xf32>
    %logistic3A_137 = arith.divf %logistic3A_135, %logistic3A_136 : vector<512x1024xf32>
    %mul3A_138 = arith.mulf %add3A_131, %logistic3A_137 : vector<512x1024xf32>
    %add3A_139 = arith.addf %broadcast_in_dim3A_32, %mul3A_86 : vector<512x1024xf32>
    %add3A_140 = arith.addf %add3A_139, %mul3A_138 : vector<512x1024xf32>
    %slice3A_141 = vector.extract_strided_slice %mul3A_102 {offsets = [496, 0], sizes = [16, 1024], strides = [1, 1]} : vector<512x1024xf32> to vector<16x1024xf32>
    %swap3A = arith.constant 0 : index
    %swap3A_142 = arith.constant 0 : index
    %swap3A_143 = arith.constant 0 : index
    %swap3A_144 = vector.load %arg12[%swap3A, %swap3A_142, %swap3A_143] : memref<4x16x1024xf32, #tpu.memory_space<vmem>>, vector<1x16x1024xf32>
    %swap3A_145 = vector.shape_cast %swap3A_144 : vector<1x16x1024xf32> to vector<16x1024xf32>
    %swap3A_146 = vector.shape_cast %slice3A_141 : vector<16x1024xf32> to vector<1x16x1024xf32>
    tpu.vector_store %arg12[%swap3A, %swap3A_142, %swap3A_143], %swap3A_146 {strides = array<i32>} : memref<4x16x1024xf32, #tpu.memory_space<vmem>>, vector<1x16x1024xf32>,
    %get3A_147 = arith.constant 1 : index
    %get3A_148 = arith.constant 0 : index
    %get3A_149 = arith.constant 0 : index
    %get3A_150 = vector.load %arg5[%get3A_147, %get3A_148, %get3A_149] : memref<4x1024x1024xbf16, #tpu.memory_space<vmem>>, vector<1x1024x1024xbf16>
    %get3A_151 = vector.shape_cast %get3A_150 : vector<1x1024x1024xbf16> to vector<1024x1024xbf16>
    %dot_general3A_152 = arith.constant dense<0.000000e+00> : vector<512x1024xf32>
    %dot_general3A_153 = tpu.matmul %convert_element_type3A_4, %get3A_151, %dot_general3A_152 {dimension_numbers = #tpu.dot_dimension_numbers<[1], [0], [0], [1], [0, 0, 1, 1], [], []>, transpose_lhs_hint = false} : vector<512x1024xbf16>, vector<1024x1024xbf16>, vector<512x1024xf32> -> vector<512x1024xf32>
    %slice3A_154 = vector.extract_strided_slice %get3A_24 {offsets = [1, 0], sizes = [1, 1024], strides = [1, 1]} : vector<4x1024xf32> to vector<1x1024xf32>
    %add3A_155 = vector.broadcast %slice3A_154 : vector<1x1024xf32> to vector<512x1024xf32>
    %add3A_156 = arith.addf %dot_general3A_153, %add3A_155 : vector<512x1024xf32>
    %mul3A_157 = arith.mulf %add3A_156, %add3A_156 : vector<512x1024xf32>
    %reduce_sum3A_158 = arith.constant dense<0.000000e+00> : vector<512xf32>
    %reduce_sum3A_159 = vector.multi_reduction <add>, %mul3A_157, %reduce_sum3A_158 [1] : vector<512x1024xf32> to vector<512xf32>
    %broadcast_in_dim3A_160 = vector.shape_cast %reduce_sum3A_159 : vector<512xf32> to vector<512x1xf32>
    %div3A_161 = arith.constant 1.024000e+03 : f32
    %div3A_162 = vector.broadcast %div3A_161 : f32 to vector<512x1xf32>
    %div3A_163 = arith.divf %broadcast_in_dim3A_160, %div3A_162 : vector<512x1xf32>
    %add3A_164 = arith.constant 9.99999997E-7 : f32
    %add3A_165 = vector.broadcast %add3A_164 : f32 to vector<512x1xf32>
    %add3A_166 = arith.addf %div3A_163, %add3A_165 : vector<512x1xf32>
    %rsqrt3A_167 = math.rsqrt %add3A_166 : vector<512x1xf32>
    %mul3A_168 = arith.mulf %add3A_156, %get3A_7 : vector<512x1024xf32>
    %slice3A_169 = vector.extract_strided_slice %get3A_27 {offsets = [1, 0], sizes = [1, 1024], strides = [1, 1]} : vector<4x1024xf32> to vector<1x1024xf32>
    %mul3A_170 = vector.broadcast %slice3A_169 : vector<1x1024xf32> to vector<512x1024xf32>
    %mul3A_171 = arith.mulf %mul3A_168, %mul3A_170 : vector<512x1024xf32>
    %reduce_sum3A_172 = arith.constant dense<0.000000e+00> : vector<512xf32>
    %reduce_sum3A_173 = vector.multi_reduction <add>, %mul3A_171, %reduce_sum3A_172 [1] : vector<512x1024xf32> to vector<512xf32>
    %broadcast_in_dim3A_174 = vector.shape_cast %reduce_sum3A_173 : vector<512xf32> to vector<512x1xf32>
    %mul3A_175 = arith.mulf %rsqrt3A_167, %rsqrt3A : vector<512x1xf32>
    %mul3A_176 = arith.mulf %mul3A_175, %broadcast_in_dim3A_174 : vector<512x1xf32>
    %mul3A_177 = arith.constant 3.125000e-02 : f32
    %mul3A_178 = vector.broadcast %mul3A_177 : f32 to vector<512x1xf32>
    %mul3A_179 = arith.mulf %mul3A_176, %mul3A_178 : vector<512x1xf32>
    %abs3A_180 = math.absf %mul3A_179 : vector<512x1xf32>
    %max3A_181 = arith.constant 9.99999997E-7 : f32
    %max3A_182 = vector.broadcast %max3A_181 : f32 to vector<512x1xf32>
    %max3A_183 = arith.maximumf %abs3A_180, %max3A_182 : vector<512x1xf32>
    %sqrt3A_184 = math.sqrt %max3A_183 : vector<512x1xf32>
    %sign3A_185 = tpu.bitcast %mul3A_179 : vector<512x1xf32> -> vector<512x1xi32>
    %sign3A_186 = arith.constant -2147483648 : i32
    %sign3A_187 = vector.broadcast %sign3A_186 : i32 to vector<512x1xi32>
    %sign3A_188 = arith.andi %sign3A_185, %sign3A_187 : vector<512x1xi32>
    %sign3A_189 = arith.constant 1065353216 : i32
    %sign3A_190 = vector.broadcast %sign3A_189 : i32 to vector<512x1xi32>
    %sign3A_191 = arith.ori %sign3A_190, %sign3A_188 : vector<512x1xi32>
    %sign3A_192 = tpu.bitcast %sign3A_191 : vector<512x1xi32> -> vector<512x1xf32>
    %sign3A_193 = math.absf %mul3A_179 : vector<512x1xf32>
    %sign3A_194 = arith.constant 0.000000e+00 : f32
    %sign3A_195 = vector.broadcast %sign3A_194 : f32 to vector<512x1xf32>
    %sign3A_196 = arith.cmpf ogt, %sign3A_193, %sign3A_195 : vector<512x1xf32>
    %sign3A_197 = arith.select %sign3A_196, %sign3A_192, %mul3A_179 : vector<512x1xi1>, vector<512x1xf32>
    %mul3A_198 = arith.mulf %sqrt3A_184, %sign3A_197 : vector<512x1xf32>
    %logistic3A_199 = arith.negf %mul3A_198 : vector<512x1xf32>
    %logistic3A_200 = math.exp %logistic3A_199 : vector<512x1xf32>
    %logistic3A_201 = arith.constant 1.000000e+00 : f32
    %logistic3A_202 = vector.broadcast %logistic3A_201 : f32 to vector<512x1xf32>
    %logistic3A_203 = arith.addf %logistic3A_202, %logistic3A_200 : vector<512x1xf32>
    %logistic3A_204 = arith.divf %logistic3A_202, %logistic3A_203 : vector<512x1xf32>
    %mul3A_205 = vector.broadcast %logistic3A_204 : vector<512x1xf32> to vector<512x1024xf32>
    %mul3A_206 = arith.mulf %mul3A_205, %add3A_15 : vector<512x1024xf32>
    %mul3A_207 = arith.mulf %mul3A_206, %mul3A_206 : vector<512x1024xf32>
    %reduce_sum3A_208 = arith.constant dense<0.000000e+00> : vector<512xf32>
    %reduce_sum3A_209 = vector.multi_reduction <add>, %mul3A_207, %reduce_sum3A_208 [1] : vector<512x1024xf32> to vector<512xf32>
    %broadcast_in_dim3A_210 = vector.shape_cast %reduce_sum3A_209 : vector<512xf32> to vector<512x1xf32>
    %div3A_211 = arith.constant 1.024000e+03 : f32
    %div3A_212 = vector.broadcast %div3A_211 : f32 to vector<512x1xf32>
    %div3A_213 = arith.divf %broadcast_in_dim3A_210, %div3A_212 : vector<512x1xf32>
    %add3A_214 = arith.constant 9.99999974E-6 : f32
    %add3A_215 = vector.broadcast %add3A_214 : f32 to vector<512x1xf32>
    %add3A_216 = arith.addf %div3A_213, %add3A_215 : vector<512x1xf32>
    %rsqrt3A_217 = math.rsqrt %add3A_216 : vector<512x1xf32>
    %mul3A_218 = vector.broadcast %rsqrt3A_217 : vector<512x1xf32> to vector<512x1024xf32>
    %mul3A_219 = arith.mulf %mul3A_206, %mul3A_218 : vector<512x1024xf32>
    %slice3A_220 = vector.extract_strided_slice %get3A_30 {offsets = [1, 0], sizes = [1, 1024], strides = [1, 1]} : vector<4x1024xf32> to vector<1x1024xf32>
    %mul3A_221 = vector.broadcast %slice3A_220 : vector<1x1024xf32> to vector<512x1024xf32>
    %mul3A_222 = arith.mulf %mul3A_219, %mul3A_221 : vector<512x1024xf32>
    %get3A_223 = arith.constant 1 : index
    %get3A_224 = arith.constant 0 : index
    %get3A_225 = arith.constant 0 : index
    %get3A_226 = vector.load %arg12[%get3A_223, %get3A_224, %get3A_225] : memref<4x16x1024xf32, #tpu.memory_space<vmem>>, vector<1x16x1024xf32>
    %get3A_227 = vector.shape_cast %get3A_226 : vector<1x16x1024xf32> to vector<16x1024xf32>
    %concatenate3A_228 = tpu.concatenate %get3A_227, %mul3A_222 in 0 : vector<16x1024xf32>, vector<512x1024xf32> -> vector<528x1024xf32>
    %get3A_229 = arith.constant 1 : index
    %get3A_230 = arith.constant 0 : index
    %get3A_231 = arith.constant 0 : index
    %get3A_232 = vector.load %arg10[%get3A_229, %get3A_230, %get3A_231] : memref<4x4x1024xf32, #tpu.memory_space<vmem>>, vector<1x4x1024xf32>
    %get3A_233 = vector.shape_cast %get3A_232 : vector<1x4x1024xf32> to vector<4x1024xf32>
    %slice3A_234 = vector.extract_strided_slice %concatenate3A_228 {offsets = [7, 0], sizes = [512, 1024], strides = [1, 1]} : vector<528x1024xf32> to vector<512x1024xf32>
    %slice3A_235 = vector.extract_strided_slice %get3A_233 {offsets = [0, 0], sizes = [1, 1024], strides = [1, 1]} : vector<4x1024xf32> to vector<1x1024xf32>
    %mul3A_236 = vector.broadcast %slice3A_235 : vector<1x1024xf32> to vector<512x1024xf32>
    %mul3A_237 = arith.mulf %slice3A_234, %mul3A_236 : vector<512x1024xf32>
    %slice3A_238 = vector.extract_strided_slice %concatenate3A_228 {offsets = [10, 0], sizes = [512, 1024], strides = [1, 1]} : vector<528x1024xf32> to vector<512x1024xf32>
    %slice3A_239 = vector.extract_strided_slice %get3A_233 {offsets = [1, 0], sizes = [1, 1024], strides = [1, 1]} : vector<4x1024xf32> to vector<1x1024xf32>
    %mul3A_240 = vector.broadcast %slice3A_239 : vector<1x1024xf32> to vector<512x1024xf32>
    %mul3A_241 = arith.mulf %slice3A_238, %mul3A_240 : vector<512x1024xf32>
    %add3A_242 = arith.addf %mul3A_237, %mul3A_241 : vector<512x1024xf32>
    %slice3A_243 = vector.extract_strided_slice %concatenate3A_228 {offsets = [13, 0], sizes = [512, 1024], strides = [1, 1]} : vector<528x1024xf32> to vector<512x1024xf32>
    %slice3A_244 = vector.extract_strided_slice %get3A_233 {offsets = [2, 0], sizes = [1, 1024], strides = [1, 1]} : vector<4x1024xf32> to vector<1x1024xf32>
    %mul3A_245 = vector.broadcast %slice3A_244 : vector<1x1024xf32> to vector<512x1024xf32>
    %mul3A_246 = arith.mulf %slice3A_243, %mul3A_245 : vector<512x1024xf32>
    %add3A_247 = arith.addf %add3A_242, %mul3A_246 : vector<512x1024xf32>
    %slice3A_248 = vector.extract_strided_slice %concatenate3A_228 {offsets = [16, 0], sizes = [512, 1024], strides = [1, 1]} : vector<528x1024xf32> to vector<512x1024xf32>
    %slice3A_249 = vector.extract_strided_slice %get3A_233 {offsets = [3, 0], sizes = [1, 1024], strides = [1, 1]} : vector<4x1024xf32> to vector<1x1024xf32>
    %mul3A_250 = vector.broadcast %slice3A_249 : vector<1x1024xf32> to vector<512x1024xf32>
    %mul3A_251 = arith.mulf %slice3A_248, %mul3A_250 : vector<512x1024xf32>
    %add3A_252 = arith.addf %add3A_247, %mul3A_251 : vector<512x1024xf32>
    %logistic3A_253 = arith.negf %add3A_252 : vector<512x1024xf32>
    %logistic3A_254 = math.exp %logistic3A_253 : vector<512x1024xf32>
    %logistic3A_255 = arith.constant 1.000000e+00 : f32
    %logistic3A_256 = vector.broadcast %logistic3A_255 : f32 to vector<512x1024xf32>
    %logistic3A_257 = arith.addf %logistic3A_256, %logistic3A_254 : vector<512x1024xf32>
    %logistic3A_258 = arith.divf %logistic3A_256, %logistic3A_257 : vector<512x1024xf32>
    %mul3A_259 = arith.mulf %add3A_252, %logistic3A_258 : vector<512x1024xf32>
    %add3A_260 = arith.addf %add3A_140, %mul3A_206 : vector<512x1024xf32>
    %add3A_261 = arith.addf %add3A_260, %mul3A_259 : vector<512x1024xf32>
    %slice3A_262 = vector.extract_strided_slice %mul3A_222 {offsets = [496, 0], sizes = [16, 1024], strides = [1, 1]} : vector<512x1024xf32> to vector<16x1024xf32>
    %swap3A_263 = arith.constant 1 : index
    %swap3A_264 = arith.constant 0 : index
    %swap3A_265 = arith.constant 0 : index
    %swap3A_266 = vector.load %arg12[%swap3A_263, %swap3A_264, %swap3A_265] : memref<4x16x1024xf32, #tpu.memory_space<vmem>>, vector<1x16x1024xf32>
    %swap3A_267 = vector.shape_cast %swap3A_266 : vector<1x16x1024xf32> to vector<16x1024xf32>
    %swap3A_268 = vector.shape_cast %slice3A_262 : vector<16x1024xf32> to vector<1x16x1024xf32>
    tpu.vector_store %arg12[%swap3A_263, %swap3A_264, %swap3A_265], %swap3A_268 {strides = array<i32>} : memref<4x16x1024xf32, #tpu.memory_space<vmem>>, vector<1x16x1024xf32>,
    %get3A_269 = arith.constant 2 : index
    %get3A_270 = arith.constant 0 : index
    %get3A_271 = arith.constant 0 : index
    %get3A_272 = vector.load %arg5[%get3A_269, %get3A_270, %get3A_271] : memref<4x1024x1024xbf16, #tpu.memory_space<vmem>>, vector<1x1024x1024xbf16>
    %get3A_273 = vector.shape_cast %get3A_272 : vector<1x1024x1024xbf16> to vector<1024x1024xbf16>
    %dot_general3A_274 = arith.constant dense<0.000000e+00> : vector<512x1024xf32>
    %dot_general3A_275 = tpu.matmul %convert_element_type3A_4, %get3A_273, %dot_general3A_274 {dimension_numbers = #tpu.dot_dimension_numbers<[1], [0], [0], [1], [0, 0, 1, 1], [], []>, transpose_lhs_hint = false} : vector<512x1024xbf16>, vector<1024x1024xbf16>, vector<512x1024xf32> -> vector<512x1024xf32>
    %slice3A_276 = vector.extract_strided_slice %get3A_24 {offsets = [2, 0], sizes = [1, 1024], strides = [1, 1]} : vector<4x1024xf32> to vector<1x1024xf32>
    %add3A_277 = vector.broadcast %slice3A_276 : vector<1x1024xf32> to vector<512x1024xf32>
    %add3A_278 = arith.addf %dot_general3A_275, %add3A_277 : vector<512x1024xf32>
    %mul3A_279 = arith.mulf %add3A_278, %add3A_278 : vector<512x1024xf32>
    %reduce_sum3A_280 = arith.constant dense<0.000000e+00> : vector<512xf32>
    %reduce_sum3A_281 = vector.multi_reduction <add>, %mul3A_279, %reduce_sum3A_280 [1] : vector<512x1024xf32> to vector<512xf32>
    %broadcast_in_dim3A_282 = vector.shape_cast %reduce_sum3A_281 : vector<512xf32> to vector<512x1xf32>
    %div3A_283 = arith.constant 1.024000e+03 : f32
    %div3A_284 = vector.broadcast %div3A_283 : f32 to vector<512x1xf32>
    %div3A_285 = arith.divf %broadcast_in_dim3A_282, %div3A_284 : vector<512x1xf32>
    %add3A_286 = arith.constant 9.99999997E-7 : f32
    %add3A_287 = vector.broadcast %add3A_286 : f32 to vector<512x1xf32>
    %add3A_288 = arith.addf %div3A_285, %add3A_287 : vector<512x1xf32>
    %rsqrt3A_289 = math.rsqrt %add3A_288 : vector<512x1xf32>
    %mul3A_290 = arith.mulf %add3A_278, %get3A_7 : vector<512x1024xf32>
    %slice3A_291 = vector.extract_strided_slice %get3A_27 {offsets = [2, 0], sizes = [1, 1024], strides = [1, 1]} : vector<4x1024xf32> to vector<1x1024xf32>
    %mul3A_292 = vector.broadcast %slice3A_291 : vector<1x1024xf32> to vector<512x1024xf32>
    %mul3A_293 = arith.mulf %mul3A_290, %mul3A_292 : vector<512x1024xf32>
    %reduce_sum3A_294 = arith.constant dense<0.000000e+00> : vector<512xf32>
    %reduce_sum3A_295 = vector.multi_reduction <add>, %mul3A_293, %reduce_sum3A_294 [1] : vector<512x1024xf32> to vector<512xf32>
    %broadcast_in_dim3A_296 = vector.shape_cast %reduce_sum3A_295 : vector<512xf32> to vector<512x1xf32>
    %mul3A_297 = arith.mulf %rsqrt3A_289, %rsqrt3A : vector<512x1xf32>
    %mul3A_298 = arith.mulf %mul3A_297, %broadcast_in_dim3A_296 : vector<512x1xf32>
    %mul3A_299 = arith.constant 3.125000e-02 : f32
    %mul3A_300 = vector.broadcast %mul3A_299 : f32 to vector<512x1xf32>
    %mul3A_301 = arith.mulf %mul3A_298, %mul3A_300 : vector<512x1xf32>
    %abs3A_302 = math.absf %mul3A_301 : vector<512x1xf32>
    %max3A_303 = arith.constant 9.99999997E-7 : f32
    %max3A_304 = vector.broadcast %max3A_303 : f32 to vector<512x1xf32>
    %max3A_305 = arith.maximumf %abs3A_302, %max3A_304 : vector<512x1xf32>
    %sqrt3A_306 = math.sqrt %max3A_305 : vector<512x1xf32>
    %sign3A_307 = tpu.bitcast %mul3A_301 : vector<512x1xf32> -> vector<512x1xi32>
    %sign3A_308 = arith.constant -2147483648 : i32
    %sign3A_309 = vector.broadcast %sign3A_308 : i32 to vector<512x1xi32>
    %sign3A_310 = arith.andi %sign3A_307, %sign3A_309 : vector<512x1xi32>
    %sign3A_311 = arith.constant 1065353216 : i32
    %sign3A_312 = vector.broadcast %sign3A_311 : i32 to vector<512x1xi32>
    %sign3A_313 = arith.ori %sign3A_312, %sign3A_310 : vector<512x1xi32>
    %sign3A_314 = tpu.bitcast %sign3A_313 : vector<512x1xi32> -> vector<512x1xf32>
    %sign3A_315 = math.absf %mul3A_301 : vector<512x1xf32>
    %sign3A_316 = arith.constant 0.000000e+00 : f32
    %sign3A_317 = vector.broadcast %sign3A_316 : f32 to vector<512x1xf32>
    %sign3A_318 = arith.cmpf ogt, %sign3A_315, %sign3A_317 : vector<512x1xf32>
    %sign3A_319 = arith.select %sign3A_318, %sign3A_314, %mul3A_301 : vector<512x1xi1>, vector<512x1xf32>
    %mul3A_320 = arith.mulf %sqrt3A_306, %sign3A_319 : vector<512x1xf32>
    %logistic3A_321 = arith.negf %mul3A_320 : vector<512x1xf32>
    %logistic3A_322 = math.exp %logistic3A_321 : vector<512x1xf32>
    %logistic3A_323 = arith.constant 1.000000e+00 : f32
    %logistic3A_324 = vector.broadcast %logistic3A_323 : f32 to vector<512x1xf32>
    %logistic3A_325 = arith.addf %logistic3A_324, %logistic3A_322 : vector<512x1xf32>
    %logistic3A_326 = arith.divf %logistic3A_324, %logistic3A_325 : vector<512x1xf32>
    %mul3A_327 = vector.broadcast %logistic3A_326 : vector<512x1xf32> to vector<512x1024xf32>
    %mul3A_328 = arith.mulf %mul3A_327, %add3A_15 : vector<512x1024xf32>
    %mul3A_329 = arith.mulf %mul3A_328, %mul3A_328 : vector<512x1024xf32>
    %reduce_sum3A_330 = arith.constant dense<0.000000e+00> : vector<512xf32>
    %reduce_sum3A_331 = vector.multi_reduction <add>, %mul3A_329, %reduce_sum3A_330 [1] : vector<512x1024xf32> to vector<512xf32>
    %broadcast_in_dim3A_332 = vector.shape_cast %reduce_sum3A_331 : vector<512xf32> to vector<512x1xf32>
    %div3A_333 = arith.constant 1.024000e+03 : f32
    %div3A_334 = vector.broadcast %div3A_333 : f32 to vector<512x1xf32>
    %div3A_335 = arith.divf %broadcast_in_dim3A_332, %div3A_334 : vector<512x1xf32>
    %add3A_336 = arith.constant 9.99999974E-6 : f32
    %add3A_337 = vector.broadcast %add3A_336 : f32 to vector<512x1xf32>
    %add3A_338 = arith.addf %div3A_335, %add3A_337 : vector<512x1xf32>
    %rsqrt3A_339 = math.rsqrt %add3A_338 : vector<512x1xf32>
    %mul3A_340 = vector.broadcast %rsqrt3A_339 : vector<512x1xf32> to vector<512x1024xf32>
    %mul3A_341 = arith.mulf %mul3A_328, %mul3A_340 : vector<512x1024xf32>
    %slice3A_342 = vector.extract_strided_slice %get3A_30 {offsets = [2, 0], sizes = [1, 1024], strides = [1, 1]} : vector<4x1024xf32> to vector<1x1024xf32>
    %mul3A_343 = vector.broadcast %slice3A_342 : vector<1x1024xf32> to vector<512x1024xf32>
    %mul3A_344 = arith.mulf %mul3A_341, %mul3A_343 : vector<512x1024xf32>
    %get3A_345 = arith.constant 2 : index
    %get3A_346 = arith.constant 0 : index
    %get3A_347 = arith.constant 0 : index
    %get3A_348 = vector.load %arg12[%get3A_345, %get3A_346, %get3A_347] : memref<4x16x1024xf32, #tpu.memory_space<vmem>>, vector<1x16x1024xf32>
    %get3A_349 = vector.shape_cast %get3A_348 : vector<1x16x1024xf32> to vector<16x1024xf32>
    %concatenate3A_350 = tpu.concatenate %get3A_349, %mul3A_344 in 0 : vector<16x1024xf32>, vector<512x1024xf32> -> vector<528x1024xf32>
    %get3A_351 = arith.constant 2 : index
    %get3A_352 = arith.constant 0 : index
    %get3A_353 = arith.constant 0 : index
    %get3A_354 = vector.load %arg10[%get3A_351, %get3A_352, %get3A_353] : memref<4x4x1024xf32, #tpu.memory_space<vmem>>, vector<1x4x1024xf32>
    %get3A_355 = vector.shape_cast %get3A_354 : vector<1x4x1024xf32> to vector<4x1024xf32>
    %slice3A_356 = vector.extract_strided_slice %concatenate3A_350 {offsets = [7, 0], sizes = [512, 1024], strides = [1, 1]} : vector<528x1024xf32> to vector<512x1024xf32>
    %slice3A_357 = vector.extract_strided_slice %get3A_355 {offsets = [0, 0], sizes = [1, 1024], strides = [1, 1]} : vector<4x1024xf32> to vector<1x1024xf32>
    %mul3A_358 = vector.broadcast %slice3A_357 : vector<1x1024xf32> to vector<512x1024xf32>
    %mul3A_359 = arith.mulf %slice3A_356, %mul3A_358 : vector<512x1024xf32>
    %slice3A_360 = vector.extract_strided_slice %concatenate3A_350 {offsets = [10, 0], sizes = [512, 1024], strides = [1, 1]} : vector<528x1024xf32> to vector<512x1024xf32>
    %slice3A_361 = vector.extract_strided_slice %get3A_355 {offsets = [1, 0], sizes = [1, 1024], strides = [1, 1]} : vector<4x1024xf32> to vector<1x1024xf32>
    %mul3A_362 = vector.broadcast %slice3A_361 : vector<1x1024xf32> to vector<512x1024xf32>
    %mul3A_363 = arith.mulf %slice3A_360, %mul3A_362 : vector<512x1024xf32>
    %add3A_364 = arith.addf %mul3A_359, %mul3A_363 : vector<512x1024xf32>
    %slice3A_365 = vector.extract_strided_slice %concatenate3A_350 {offsets = [13, 0], sizes = [512, 1024], strides = [1, 1]} : vector<528x1024xf32> to vector<512x1024xf32>
    %slice3A_366 = vector.extract_strided_slice %get3A_355 {offsets = [2, 0], sizes = [1, 1024], strides = [1, 1]} : vector<4x1024xf32> to vector<1x1024xf32>
    %mul3A_367 = vector.broadcast %slice3A_366 : vector<1x1024xf32> to vector<512x1024xf32>
    %mul3A_368 = arith.mulf %slice3A_365, %mul3A_367 : vector<512x1024xf32>
    %add3A_369 = arith.addf %add3A_364, %mul3A_368 : vector<512x1024xf32>
    %slice3A_370 = vector.extract_strided_slice %concatenate3A_350 {offsets = [16, 0], sizes = [512, 1024], strides = [1, 1]} : vector<528x1024xf32> to vector<512x1024xf32>
    %slice3A_371 = vector.extract_strided_slice %get3A_355 {offsets = [3, 0], sizes = [1, 1024], strides = [1, 1]} : vector<4x1024xf32> to vector<1x1024xf32>
    %mul3A_372 = vector.broadcast %slice3A_371 : vector<1x1024xf32> to vector<512x1024xf32>
    %mul3A_373 = arith.mulf %slice3A_370, %mul3A_372 : vector<512x1024xf32>
    %add3A_374 = arith.addf %add3A_369, %mul3A_373 : vector<512x1024xf32>
    %logistic3A_375 = arith.negf %add3A_374 : vector<512x1024xf32>
    %logistic3A_376 = math.exp %logistic3A_375 : vector<512x1024xf32>
    %logistic3A_377 = arith.constant 1.000000e+00 : f32
    %logistic3A_378 = vector.broadcast %logistic3A_377 : f32 to vector<512x1024xf32>
    %logistic3A_379 = arith.addf %logistic3A_378, %logistic3A_376 : vector<512x1024xf32>
    %logistic3A_380 = arith.divf %logistic3A_378, %logistic3A_379 : vector<512x1024xf32>
    %mul3A_381 = arith.mulf %add3A_374, %logistic3A_380 : vector<512x1024xf32>
    %add3A_382 = arith.addf %add3A_261, %mul3A_328 : vector<512x1024xf32>
    %add3A_383 = arith.addf %add3A_382, %mul3A_381 : vector<512x1024xf32>
    %slice3A_384 = vector.extract_strided_slice %mul3A_344 {offsets = [496, 0], sizes = [16, 1024], strides = [1, 1]} : vector<512x1024xf32> to vector<16x1024xf32>
    %swap3A_385 = arith.constant 2 : index
    %swap3A_386 = arith.constant 0 : index
    %swap3A_387 = arith.constant 0 : index
    %swap3A_388 = vector.load %arg12[%swap3A_385, %swap3A_386, %swap3A_387] : memref<4x16x1024xf32, #tpu.memory_space<vmem>>, vector<1x16x1024xf32>
    %swap3A_389 = vector.shape_cast %swap3A_388 : vector<1x16x1024xf32> to vector<16x1024xf32>
    %swap3A_390 = vector.shape_cast %slice3A_384 : vector<16x1024xf32> to vector<1x16x1024xf32>
    tpu.vector_store %arg12[%swap3A_385, %swap3A_386, %swap3A_387], %swap3A_390 {strides = array<i32>} : memref<4x16x1024xf32, #tpu.memory_space<vmem>>, vector<1x16x1024xf32>,
    %get3A_391 = arith.constant 3 : index
    %get3A_392 = arith.constant 0 : index
    %get3A_393 = arith.constant 0 : index
    %get3A_394 = vector.load %arg5[%get3A_391, %get3A_392, %get3A_393] : memref<4x1024x1024xbf16, #tpu.memory_space<vmem>>, vector<1x1024x1024xbf16>
    %get3A_395 = vector.shape_cast %get3A_394 : vector<1x1024x1024xbf16> to vector<1024x1024xbf16>
    %dot_general3A_396 = arith.constant dense<0.000000e+00> : vector<512x1024xf32>
    %dot_general3A_397 = tpu.matmul %convert_element_type3A_4, %get3A_395, %dot_general3A_396 {dimension_numbers = #tpu.dot_dimension_numbers<[1], [0], [0], [1], [0, 0, 1, 1], [], []>, transpose_lhs_hint = false} : vector<512x1024xbf16>, vector<1024x1024xbf16>, vector<512x1024xf32> -> vector<512x1024xf32>
    %slice3A_398 = vector.extract_strided_slice %get3A_24 {offsets = [3, 0], sizes = [1, 1024], strides = [1, 1]} : vector<4x1024xf32> to vector<1x1024xf32>
    %add3A_399 = vector.broadcast %slice3A_398 : vector<1x1024xf32> to vector<512x1024xf32>
    %add3A_400 = arith.addf %dot_general3A_397, %add3A_399 : vector<512x1024xf32>
    %mul3A_401 = arith.mulf %add3A_400, %add3A_400 : vector<512x1024xf32>
    %reduce_sum3A_402 = arith.constant dense<0.000000e+00> : vector<512xf32>
    %reduce_sum3A_403 = vector.multi_reduction <add>, %mul3A_401, %reduce_sum3A_402 [1] : vector<512x1024xf32> to vector<512xf32>
    %broadcast_in_dim3A_404 = vector.shape_cast %reduce_sum3A_403 : vector<512xf32> to vector<512x1xf32>
    %div3A_405 = arith.constant 1.024000e+03 : f32
    %div3A_406 = vector.broadcast %div3A_405 : f32 to vector<512x1xf32>
    %div3A_407 = arith.divf %broadcast_in_dim3A_404, %div3A_406 : vector<512x1xf32>
    %add3A_408 = arith.constant 9.99999997E-7 : f32
    %add3A_409 = vector.broadcast %add3A_408 : f32 to vector<512x1xf32>
    %add3A_410 = arith.addf %div3A_407, %add3A_409 : vector<512x1xf32>
    %rsqrt3A_411 = math.rsqrt %add3A_410 : vector<512x1xf32>
    %mul3A_412 = arith.mulf %add3A_400, %get3A_7 : vector<512x1024xf32>
    %slice3A_413 = vector.extract_strided_slice %get3A_27 {offsets = [3, 0], sizes = [1, 1024], strides = [1, 1]} : vector<4x1024xf32> to vector<1x1024xf32>
    %mul3A_414 = vector.broadcast %slice3A_413 : vector<1x1024xf32> to vector<512x1024xf32>
    %mul3A_415 = arith.mulf %mul3A_412, %mul3A_414 : vector<512x1024xf32>
    %reduce_sum3A_416 = arith.constant dense<0.000000e+00> : vector<512xf32>
    %reduce_sum3A_417 = vector.multi_reduction <add>, %mul3A_415, %reduce_sum3A_416 [1] : vector<512x1024xf32> to vector<512xf32>
    %broadcast_in_dim3A_418 = vector.shape_cast %reduce_sum3A_417 : vector<512xf32> to vector<512x1xf32>
    %mul3A_419 = arith.mulf %rsqrt3A_411, %rsqrt3A : vector<512x1xf32>
    %mul3A_420 = arith.mulf %mul3A_419, %broadcast_in_dim3A_418 : vector<512x1xf32>
    %mul3A_421 = arith.constant 3.125000e-02 : f32
    %mul3A_422 = vector.broadcast %mul3A_421 : f32 to vector<512x1xf32>
    %mul3A_423 = arith.mulf %mul3A_420, %mul3A_422 : vector<512x1xf32>
    %abs3A_424 = math.absf %mul3A_423 : vector<512x1xf32>
    %max3A_425 = arith.constant 9.99999997E-7 : f32
    %max3A_426 = vector.broadcast %max3A_425 : f32 to vector<512x1xf32>
    %max3A_427 = arith.maximumf %abs3A_424, %max3A_426 : vector<512x1xf32>
    %sqrt3A_428 = math.sqrt %max3A_427 : vector<512x1xf32>
    %sign3A_429 = tpu.bitcast %mul3A_423 : vector<512x1xf32> -> vector<512x1xi32>
    %sign3A_430 = arith.constant -2147483648 : i32
    %sign3A_431 = vector.broadcast %sign3A_430 : i32 to vector<512x1xi32>
    %sign3A_432 = arith.andi %sign3A_429, %sign3A_431 : vector<512x1xi32>
    %sign3A_433 = arith.constant 1065353216 : i32
    %sign3A_434 = vector.broadcast %sign3A_433 : i32 to vector<512x1xi32>
    %sign3A_435 = arith.ori %sign3A_434, %sign3A_432 : vector<512x1xi32>
    %sign3A_436 = tpu.bitcast %sign3A_435 : vector<512x1xi32> -> vector<512x1xf32>
    %sign3A_437 = math.absf %mul3A_423 : vector<512x1xf32>
    %sign3A_438 = arith.constant 0.000000e+00 : f32
    %sign3A_439 = vector.broadcast %sign3A_438 : f32 to vector<512x1xf32>
    %sign3A_440 = arith.cmpf ogt, %sign3A_437, %sign3A_439 : vector<512x1xf32>
    %sign3A_441 = arith.select %sign3A_440, %sign3A_436, %mul3A_423 : vector<512x1xi1>, vector<512x1xf32>
    %mul3A_442 = arith.mulf %sqrt3A_428, %sign3A_441 : vector<512x1xf32>
    %logistic3A_443 = arith.negf %mul3A_442 : vector<512x1xf32>
    %logistic3A_444 = math.exp %logistic3A_443 : vector<512x1xf32>
    %logistic3A_445 = arith.constant 1.000000e+00 : f32
    %logistic3A_446 = vector.broadcast %logistic3A_445 : f32 to vector<512x1xf32>
    %logistic3A_447 = arith.addf %logistic3A_446, %logistic3A_444 : vector<512x1xf32>
    %logistic3A_448 = arith.divf %logistic3A_446, %logistic3A_447 : vector<512x1xf32>
    %mul3A_449 = vector.broadcast %logistic3A_448 : vector<512x1xf32> to vector<512x1024xf32>
    %mul3A_450 = arith.mulf %mul3A_449, %add3A_15 : vector<512x1024xf32>
    %mul3A_451 = arith.mulf %mul3A_450, %mul3A_450 : vector<512x1024xf32>
    %reduce_sum3A_452 = arith.constant dense<0.000000e+00> : vector<512xf32>
    %reduce_sum3A_453 = vector.multi_reduction <add>, %mul3A_451, %reduce_sum3A_452 [1] : vector<512x1024xf32> to vector<512xf32>
    %broadcast_in_dim3A_454 = vector.shape_cast %reduce_sum3A_453 : vector<512xf32> to vector<512x1xf32>
    %div3A_455 = arith.constant 1.024000e+03 : f32
    %div3A_456 = vector.broadcast %div3A_455 : f32 to vector<512x1xf32>
    %div3A_457 = arith.divf %broadcast_in_dim3A_454, %div3A_456 : vector<512x1xf32>
    %add3A_458 = arith.constant 9.99999974E-6 : f32
    %add3A_459 = vector.broadcast %add3A_458 : f32 to vector<512x1xf32>
    %add3A_460 = arith.addf %div3A_457, %add3A_459 : vector<512x1xf32>
    %rsqrt3A_461 = math.rsqrt %add3A_460 : vector<512x1xf32>
    %mul3A_462 = vector.broadcast %rsqrt3A_461 : vector<512x1xf32> to vector<512x1024xf32>
    %mul3A_463 = arith.mulf %mul3A_450, %mul3A_462 : vector<512x1024xf32>
    %slice3A_464 = vector.extract_strided_slice %get3A_30 {offsets = [3, 0], sizes = [1, 1024], strides = [1, 1]} : vector<4x1024xf32> to vector<1x1024xf32>
    %mul3A_465 = vector.broadcast %slice3A_464 : vector<1x1024xf32> to vector<512x1024xf32>
    %mul3A_466 = arith.mulf %mul3A_463, %mul3A_465 : vector<512x1024xf32>
    %get3A_467 = arith.constant 3 : index
    %get3A_468 = arith.constant 0 : index
    %get3A_469 = arith.constant 0 : index
    %get3A_470 = vector.load %arg12[%get3A_467, %get3A_468, %get3A_469] : memref<4x16x1024xf32, #tpu.memory_space<vmem>>, vector<1x16x1024xf32>
    %get3A_471 = vector.shape_cast %get3A_470 : vector<1x16x1024xf32> to vector<16x1024xf32>
    %concatenate3A_472 = tpu.concatenate %get3A_471, %mul3A_466 in 0 : vector<16x1024xf32>, vector<512x1024xf32> -> vector<528x1024xf32>
    %get3A_473 = arith.constant 3 : index
    %get3A_474 = arith.constant 0 : index
    %get3A_475 = arith.constant 0 : index
    %get3A_476 = vector.load %arg10[%get3A_473, %get3A_474, %get3A_475] : memref<4x4x1024xf32, #tpu.memory_space<vmem>>, vector<1x4x1024xf32>
    %get3A_477 = vector.shape_cast %get3A_476 : vector<1x4x1024xf32> to vector<4x1024xf32>
    %slice3A_478 = vector.extract_strided_slice %concatenate3A_472 {offsets = [7, 0], sizes = [512, 1024], strides = [1, 1]} : vector<528x1024xf32> to vector<512x1024xf32>
    %slice3A_479 = vector.extract_strided_slice %get3A_477 {offsets = [0, 0], sizes = [1, 1024], strides = [1, 1]} : vector<4x1024xf32> to vector<1x1024xf32>
    %mul3A_480 = vector.broadcast %slice3A_479 : vector<1x1024xf32> to vector<512x1024xf32>
    %mul3A_481 = arith.mulf %slice3A_478, %mul3A_480 : vector<512x1024xf32>
    %slice3A_482 = vector.extract_strided_slice %concatenate3A_472 {offsets = [10, 0], sizes = [512, 1024], strides = [1, 1]} : vector<528x1024xf32> to vector<512x1024xf32>
    %slice3A_483 = vector.extract_strided_slice %get3A_477 {offsets = [1, 0], sizes = [1, 1024], strides = [1, 1]} : vector<4x1024xf32> to vector<1x1024xf32>
    %mul3A_484 = vector.broadcast %slice3A_483 : vector<1x1024xf32> to vector<512x1024xf32>
    %mul3A_485 = arith.mulf %slice3A_482, %mul3A_484 : vector<512x1024xf32>
    %add3A_486 = arith.addf %mul3A_481, %mul3A_485 : vector<512x1024xf32>
    %slice3A_487 = vector.extract_strided_slice %concatenate3A_472 {offsets = [13, 0], sizes = [512, 1024], strides = [1, 1]} : vector<528x1024xf32> to vector<512x1024xf32>
    %slice3A_488 = vector.extract_strided_slice %get3A_477 {offsets = [2, 0], sizes = [1, 1024], strides = [1, 1]} : vector<4x1024xf32> to vector<1x1024xf32>
    %mul3A_489 = vector.broadcast %slice3A_488 : vector<1x1024xf32> to vector<512x1024xf32>
    %mul3A_490 = arith.mulf %slice3A_487, %mul3A_489 : vector<512x1024xf32>
    %add3A_491 = arith.addf %add3A_486, %mul3A_490 : vector<512x1024xf32>
    %slice3A_492 = vector.extract_strided_slice %concatenate3A_472 {offsets = [16, 0], sizes = [512, 1024], strides = [1, 1]} : vector<528x1024xf32> to vector<512x1024xf32>
    %slice3A_493 = vector.extract_strided_slice %get3A_477 {offsets = [3, 0], sizes = [1, 1024], strides = [1, 1]} : vector<4x1024xf32> to vector<1x1024xf32>
    %mul3A_494 = vector.broadcast %slice3A_493 : vector<1x1024xf32> to vector<512x1024xf32>
    %mul3A_495 = arith.mulf %slice3A_492, %mul3A_494 : vector<512x1024xf32>
    %add3A_496 = arith.addf %add3A_491, %mul3A_495 : vector<512x1024xf32>
    %logistic3A_497 = arith.negf %add3A_496 : vector<512x1024xf32>
    %logistic3A_498 = math.exp %logistic3A_497 : vector<512x1024xf32>
    %logistic3A_499 = arith.constant 1.000000e+00 : f32
    %logistic3A_500 = vector.broadcast %logistic3A_499 : f32 to vector<512x1024xf32>
    %logistic3A_501 = arith.addf %logistic3A_500, %logistic3A_498 : vector<512x1024xf32>
    %logistic3A_502 = arith.divf %logistic3A_500, %logistic3A_501 : vector<512x1024xf32>
    %mul3A_503 = arith.mulf %add3A_496, %logistic3A_502 : vector<512x1024xf32>
    %add3A_504 = arith.addf %add3A_383, %mul3A_450 : vector<512x1024xf32>
    %add3A_505 = arith.addf %add3A_504, %mul3A_503 : vector<512x1024xf32>
    %slice3A_506 = vector.extract_strided_slice %mul3A_466 {offsets = [496, 0], sizes = [16, 1024], strides = [1, 1]} : vector<512x1024xf32> to vector<16x1024xf32>
    %swap3A_507 = arith.constant 3 : index
    %swap3A_508 = arith.constant 0 : index
    %swap3A_509 = arith.constant 0 : index
    %swap3A_510 = vector.load %arg12[%swap3A_507, %swap3A_508, %swap3A_509] : memref<4x16x1024xf32, #tpu.memory_space<vmem>>, vector<1x16x1024xf32>
    %swap3A_511 = vector.shape_cast %swap3A_510 : vector<1x16x1024xf32> to vector<16x1024xf32>
    %swap3A_512 = vector.shape_cast %slice3A_506 : vector<16x1024xf32> to vector<1x16x1024xf32>
    tpu.vector_store %arg12[%swap3A_507, %swap3A_508, %swap3A_509], %swap3A_512 {strides = array<i32>} : memref<4x16x1024xf32, #tpu.memory_space<vmem>>, vector<1x16x1024xf32>,
    %swap3A_513 = arith.constant 0 : index
    %swap3A_514 = arith.constant 0 : index
    %swap3A_515 = vector.load %arg11[%swap3A_513, %swap3A_514] : memref<512x1024xf32, #tpu.memory_space<vmem>>, vector<512x1024xf32>
    tpu.vector_store %arg11[%swap3A_513, %swap3A_514], %add3A_505 {strides = array<i32>} : memref<512x1024xf32, #tpu.memory_space<vmem>>, vector<512x1024xf32>,
    return
  }
  func.func @transform_0(%arg0: i32, %arg1: i32) -> (i32, i32) {
    %mul3A = arith.constant 4 : i32
    %mul3A_0 = arith.muli %arg0, %mul3A : i32
    %add3A = arith.addi %mul3A_0, %arg1 : i32
    %c0_i32 = arith.constant 0 : i32
    %c0_i32_1 = arith.constant 0 : i32
    return %add3A, %c0_i32 : i32, i32
  }
  func.func @transform_1(%arg0: i32, %arg1: i32) -> (i32, i32) {
    %mul3A = arith.constant 4 : i32
    %mul3A_0 = arith.muli %arg0, %mul3A : i32
    %add3A = arith.addi %mul3A_0, %arg1 : i32
    %c0_i32 = arith.constant 0 : i32
    %c0_i32_1 = arith.constant 0 : i32
    return %add3A, %c0_i32 : i32, i32
  }
  func.func @transform_2(%arg0: i32, %arg1: i32) -> (i32, i32) {
    %c0_i32 = arith.constant 0 : i32
    %c0_i32_0 = arith.constant 0 : i32
    %c0_i32_1 = arith.constant 0 : i32
    return %c0_i32, %c0_i32_0 : i32, i32
  }
  func.func @transform_3(%arg0: i32, %arg1: i32) -> (i32, i32, i32) {
    %c0_i32 = arith.constant 0 : i32
    %c0_i32_0 = arith.constant 0 : i32
    %c0_i32_1 = arith.constant 0 : i32
    %c0_i32_2 = arith.constant 0 : i32
    return %c0_i32, %c0_i32_0, %c0_i32_1 : i32, i32, i32
  }
  func.func @transform_4(%arg0: i32, %arg1: i32) -> (i32, i32) {
    %c0_i32 = arith.constant 0 : i32
    %c0_i32_0 = arith.constant 0 : i32
    %c0_i32_1 = arith.constant 0 : i32
    return %c0_i32, %c0_i32_0 : i32, i32
  }
  func.func @transform_5(%arg0: i32, %arg1: i32) -> (i32, i32) {
    %c0_i32 = arith.constant 0 : i32
    %c0_i32_0 = arith.constant 0 : i32
    %c0_i32_1 = arith.constant 0 : i32
    return %c0_i32, %c0_i32_0 : i32, i32
  }
  func.func @transform_6(%arg0: i32, %arg1: i32) -> (i32, i32) {
    %c0_i32 = arith.constant 0 : i32
    %c0_i32_0 = arith.constant 0 : i32
    %c0_i32_1 = arith.constant 0 : i32
    return %c0_i32, %c0_i32_0 : i32, i32
  }
  func.func @transform_7(%arg0: i32, %arg1: i32) -> (i32, i32) {
    %c0_i32 = arith.constant 0 : i32
    %c0_i32_0 = arith.constant 0 : i32
    %c0_i32_1 = arith.constant 0 : i32
    return %c0_i32, %c0_i32_0 : i32, i32
  }
  func.func @transform_8(%arg0: i32, %arg1: i32) -> (i32, i32, i32) {
    %c0_i32 = arith.constant 0 : i32
    %c0_i32_0 = arith.constant 0 : i32
    %c0_i32_1 = arith.constant 0 : i32
    %c0_i32_2 = arith.constant 0 : i32
    return %c0_i32, %c0_i32_0, %c0_i32_1 : i32, i32, i32
  }
  func.func @transform_9(%arg0: i32, %arg1: i32) -> (i32, i32) {
    %mul3A = arith.constant 4 : i32
    %mul3A_0 = arith.muli %arg0, %mul3A : i32
    %add3A = arith.addi %mul3A_0, %arg1 : i32
    %c0_i32 = arith.constant 0 : i32
    %c0_i32_1 = arith.constant 0 : i32
    return %add3A, %c0_i32 : i32, i32
  }
}

</mosaic_0001>

<sc_bundles>
// kernel: kernel.4.cloned.1.call-start
scs
__scs_entry_jumppad:
0x0: {  	(pc) =	sbr.rel $0x88, $3  }
0x1: {  	(tag) =	ssettag $0x0;
	lr =	simm.s32 $0x1  }
0x2: {  	[smem:$0x3F96] =	sst lr;
	_ =	strace $0xD0000000  }
0x3: {  	_ = 	snop  }
0x4: {  	_ = 	snop  }
0x5: {  	_ = 	snop  }
0x6: {  	_ = 	snop  }
0x7: {  	_ = 	snop  }
__scs_overlays_trampoline_lowered:
0x8: {  	[smem:$0x3FA5] =	sst s0  }
0x9: {  	[smem:$0x3FA6] =	sst s1  }
0xa: {  	[smem:$0x3FA7] =	sst s2  }
0xb: {  	[smem:$0x3FA8] =	sst s3  }
0xc: {  	[smem:$0x3FA9] =	sst s4  }
0xd: {  	[smem:$0x3FAA] =	sst s5  }
0xe: {  	[smem:$0x3FAB] =	sst s6  }
0xf: {  	[smem:$0x3FAC] =	sst s7  }
0x10: {  	[smem:$0x3FAD] =	sst s8  }
0x11: {  	[smem:$0x3FAE] =	sst s9;
	s0 =	simm.s32 @!p0 $0x0  }
0x12: {  	s1 =	sld [smem:$0x3F94];
	s0 =	simm.s32 @p0 $0x1  }
0x13: {  	[smem:$0x3FAF] =	sst s0;
	s0 =	simm.s32 @!p1 $0x0  }
0x14: {  	s2 =	sld [smem:$0x3F93];
	s0 =	simm.s32 @p1 $0x1  }
0x15: {  	[smem:$0x3FB0] =	sst s0;
	s0 =	simm.s32 @!p2 $0x0  }
0x16: {  	s3 =	sld [smem:$0x3FDB];
	s0 =	simm.s32 @p2 $0x1  }
0x17: {  	s4 =	simm.s32 $0x1BF5;
	[smem:$0x3FB2] =	sst s0  }
0x18: {  	s0 =	sld [smem:$0x3F95];
	_ =	swait.ge [sflag:s4], $0x0  }
0x19: {  	s7 =	sld [smem:$0x3F96]  }
0x1a: {  	s8 =	sadd.s32 $0xFFFFE003, lr  }
0x1b: {  	s9 =	sadd.s32 $0xFFFFFEF7, lr;
	s5 =	simm.s32 $0xFFFFFFFF;
	p2 =	slt.u32 s8, $0xFFFFF086  }
0x1c: {  	p1 =	slt.u32 s9, $0xF7A;
	s5 =	simm.s32 @!p2 $0x0  }
0x1d: {  	s5 =	simm.s32 @p1 $0x1;
	p0 =	seq.s32 s7, s2  }
0x1e: {  	s7 =	smul.u32 @!p0 $0xF7A, s2;
	p2 =	seq.s32 @!p0 s5, $0x0  }
0x1f: {  	s9 =	smul.u32 $0xF7A, s1;
	s8 =	simm.s32 @!p0 $0x1BF5;
	p2 =	por !p2, p0  }
0x20: {  	[sflag:s8] =	ssyncset.s32 @!p0 $0xFFFFF086;
	s6 =	sadd.s32 @!p0 s3, s7;
	s7 =	simm.s32 @!p0 $0x108  }
0x21: {  	s3 =	sadd.s32 s3, s9;
	s6 =	sadd.s32 @!p0 $0x88, s6;
	s7 =	simm.s32 @p2 $0x1082  }
0x22: {  	[simem:s7], [sflag:s8] =	dma.local @!p0 [hbm:s6], $0xF7A  }
0x23: {  	s9 =	sor.u32 $0xD0000000, s2;
	s6 =	simm.s32 $0x108;
	_ =	swait.ge @!p0 [sflag:s8], $0x0  }
0x24: {  	s3 =	sadd.s32 $0x88, s3;
	s6 =	simm.s32 @!p1 $0x1082;
	[sflag:s4] =	ssyncset.s32 $0xFFFFF086  }
0x25: {  	[simem:s6], [sflag:s4] =	dma.local [hbm:s3], $0xF7A  }
0x26: {  	[smem:$0x3F96] =	sst s1;
	(tag) =	ssettag s2;
	_ =	strace s9  }
0x27: {  	s1 =	sld [smem:$0x3FA6]  }
0x28: {  	s2 =	sld [smem:$0x3FA7]  }
0x29: {  	s4 =	sld [smem:$0x3FA9]  }
0x2a: {  	p0 =	seq.s32 s5, $0x0;
	s5 =	sld [smem:$0x3FAA]  }
0x2b: {  	s6 =	sld [smem:$0x3FAB]  }
0x2c: {  	s7 =	sld [smem:$0x3FAC]  }
0x2d: {  	s3 =	simm.s32 $0x108;
	s8 =	sld [smem:$0x3FAD]  }
0x2e: {  	s3 =	simm.s32 @!p0 $0x1082;
	s9 =	sld [smem:$0x3FAE]  }
0x2f: {  	lr =	sadd.s32 s0, s3;
	s0 =	sld [smem:$0x3FA5]  }
0x30: {  	s3 =	sld [smem:$0x3FA8]  }
0x31: {  	[smem:$0x3FB1] =	sst s10  }
0x32: {  	s10 =	sld [smem:$0x3FAF];
	_ =	sdelay $0x3  }
0x33: {  	p0 =	seq.s32 s10, $0x1;
	s10 =	sld [smem:$0x3FB1];
	_ =	sdelay $0x3  }
0x34: {  	[smem:$0x3FB1] =	sst s10  }
0x35: {  	s10 =	sld [smem:$0x3FB0];
	_ =	sdelay $0x3  }
0x36: {  	p1 =	seq.s32 s10, $0x1;
	s10 =	sld [smem:$0x3FB1];
	_ =	sdelay $0x3  }
0x37: {  	[smem:$0x3FB1] =	sst s10  }
0x38: {  	s10 =	sld [smem:$0x3FB2]  }
0x39: {  	_ = 	snop;
	(pc) =	sbr.ind lr, $3  }
0x3a: {  	_ = 	snop  }
0x3b: {  	_ = 	snop  }
0x3c: {  	p2 =	seq.s32 s10, $0x1;
	s10 =	sld [smem:$0x3FB1]  }
0x3d: {  	_ =	shalt  }
0x3e: {  	_ =	shalt  }
0x3f: {  	_ =	shalt  }
0x40: {  	_ =	shalt  }
0x41: {  	_ =	shalt  }
0x42: {  	_ =	shalt  }
0x43: {  	_ =	shalt  }
0x44: {  	_ =	shalt  }
0x45: {  	_ =	shalt  }
0x46: {  	_ =	shalt  }
0x47: {  	_ =	shalt  }
0x48: {  	_ =	shalt  }
0x49: {  	_ =	shalt  }
0x4a: {  	_ =	shalt  }
0x4b: {  	_ =	shalt  }
0x4c: {  	_ =	shalt  }
0x4d: {  	_ =	shalt  }
0x4e: {  	_ =	shalt  }
0x4f: {  	_ =	shalt  }
0x50: {  	_ =	shalt  }
0x51: {  	_ =	shalt  }
0x52: {  	_ =	shalt  }
0x53: {  	_ =	shalt  }
0x54: {  	_ =	shalt  }
0x55: {  	_ =	shalt  }
0x56: {  	_ =	shalt  }
0x57: {  	_ =	shalt  }
0x58: {  	_ =	shalt  }
0x59: {  	_ =	shalt  }
0x5a: {  	_ =	shalt  }
0x5b: {  	_ =	shalt  }
0x5c: {  	_ =	shalt  }
0x5d: {  	_ =	shalt  }
0x5e: {  	_ =	shalt  }
0x5f: {  	_ =	shalt  }
0x60: {  	_ =	shalt  }
0x61: {  	_ =	shalt  }
0x62: {  	_ =	shalt  }
0x63: {  	_ =	shalt  }
0x64: {  	_ =	shalt  }
0x65: {  	_ =	shalt  }
0x66: {  	_ =	shalt  }
0x67: {  	_ =	shalt  }
0x68: {  	_ =	shalt  }
0x69: {  	_ =	shalt  }
0x6a: {  	_ =	shalt  }
0x6b: {  	_ =	shalt  }
0x6c: {  	_ =	shalt  }
0x6d: {  	_ =	shalt  }
0x6e: {  	_ =	shalt  }
0x6f: {  	_ =	shalt  }
0x70: {  	_ =	shalt  }
0x71: {  	_ =	shalt  }
0x72: {  	_ =	shalt  }
0x73: {  	_ =	shalt  }
0x74: {  	_ =	shalt  }
0x75: {  	_ =	shalt  }
0x76: {  	_ =	shalt  }
0x77: {  	_ =	shalt  }
0x78: {  	_ =	shalt  }
0x79: {  	_ =	shalt  }
0x7a: {  	_ =	shalt  }
0x7b: {  	_ =	shalt  }
0x7c: {  	_ =	shalt  }
0x7d: {  	_ =	shalt  }
0x7e: {  	_ =	shalt  }
0x7f: {  	_ =	shalt  }
0x80: {  	_ =	shalt  }
0x81: {  	_ =	shalt  }
0x82: {  	_ =	shalt  }
0x83: {  	_ =	shalt  }
0x84: {  	_ =	shalt  }
0x85: {  	_ =	shalt  }
0x86: {  	_ =	shalt  }
0x87: {  	_ =	shalt  }
.Lfunc_end0:
.L_simem_size_0:
called_computation_lowered:
.L_overlay_start_0:
0x88: {  	s2 =	sld [smem:$0x3FD9]  }
0x89: {  	s3 =	sld [smem:$0x3FFE];
	_ =	sdelay $0x1  }
0x8a: {  	s1 =	srdreg.scid  }
0x8b: {  	s0 =	sand.u32 $0x1, s1  }
0x8c: {  	s17 =	sshll.u32 s0, $0xA;
	s2 =	sadd.s32 s3, s2  }
0x8d: {  	s2 =	sadd.s32 s2, s17  }
0x8e: {  	[smem:$0x3FBD] =	sst s2  }
0x8f: {  	_ = 	snop  }
0x90: {  	s2 =	sld [smem:$0x3FD0];
	(tm) =	ssettm $0x1  }
0x91: {  	s18 =	sld [smem:$0x3FFB];
	_ =	sdelay $0x3  }
0x92: {  	_ =	strace s18  }
0x93: {  	s3 =	sld [smem:$0x3FFC];
	_ =	sdelay $0x3  }
0x94: {  	_ =	strace s3  }
0x95: {  	s3 =	sld [smem:$0x3FFD];
	_ =	sdelay $0x3  }
0x96: {  	_ =	strace s3  }
0x97: {  	_ =	strace $0x8FFFFFFF  }
0x98: {  	s19 =	sld [smem:$0x3FDB];
	_ =	sdelay $0x1  }
0x99: {  	s4 =	simm.s32 $_scs_section_size  }
0x9a: {  	s5 =	simm.s32 $_size__tile_overlayer_lowered;
	s6 =	simm.s32 $_tile_overlayer_lowered  }
0x9b: {  	s22 =	simm.s32 $0x1BFF;
	s21 =	sshll.u32 s6, $0x1;
	s3 =	sadd.s32 s4, s19  }
0x9c: {  	s7 =	simm.s32 $0x0;
	s20 =	sshll.u32 s5, $0x1;
	s5 =	sadd.s32 s21, s3  }
0x9d: {  	[timem:s7], [sflag:s22] =	dma.local [hbm:s5], s20  }
0x9e: {  	_ =	swait.ge [sflag:s22], s20  }
0x9f: {  	s4 =	ssub.s32 $0x0, s20;
	[sflag:s22] =	ssyncset.done $0x0  }
0xa0: {  	[sflag:s22] =	ssyncadd.s32 s4;
	_ =	sdelay $0x1  }
0xa1: {  	s23 =	simm.s32 $0x1B8B  }
0xa2: {  	_ =	swait.ge [sflag:s23], $0x1  }
0xa3: {  	[sflag:s23] =	ssyncset.done $0x0  }
0xa4: {  	s25 =	simm.s32 $0x1B8E;
	s24 =	sld [smem:$0x3FFE];
	[sflag:s23] =	ssyncadd.s32 $0xFFFFFFFF  }
0xa5: {  	s26 =	simm.s32 $execute0_lowered;
	[smem:$0x3FD2] =	sst s25  }
0xa6: {  	s5 =	sshll.u32 s26, $0x1;
	_ =	strace $0x80000046;
	[dreg:$0x1] =	wrdreg $0xFFFFFFFF  }
0xa7: {  	s28 =	simm.s32 $_size_execute0_lowered;
	s3 =	sadd.s32 s3, s5;
	[dreg:$0x0] =	wrdreg $0x0  }
0xa8: {  	s5 =	sshll.u32 s28, $0x1;
	[dreg:$0x2] =	wrdreg s3  }
0xa9: {  	[dreg:$0x3] =	wrdreg s5  }
0xaa: {  	[dreg:$0x4] =	wrdreg $0xC0  }
0xab: {  	_ =	task [dreg:s7], $0x5FFFF  }
0xac: {  	[dreg:$0x1] =	wrdreg $0xFFFFFFFF  }
0xad: {  	[dreg:$0x0] =	wrdreg $0x60  }
0xae: {  	[dreg:$0x2] =	wrdreg s24  }
0xaf: {  	[dreg:$0x3] =	wrdreg s2  }
0xb0: {  	[dreg:$0x4] =	wrdreg $0x9  }
0xb1: {  	_ =	task.clear_ibuf [dreg:s7], $0x5FFFF;
	_ =	strace $0x90000046  }
0xb2: {  	s29 =	simm.s32 $0x9;
	_ =	strace $0x80000048  }
0xb3: {  	_ =	swait.ge [sflag:s29], $0x1  }
0xb4: {  	[sflag:s29] =	ssyncadd.s32 $0xFFFFFFFF  }
0xb5: {  	_ =	strace $0x90000048  }
0xb6: {  	_ =	sfence  }
0xb7: {  	s30 =	sld [smem:$0x0];
	_ =	sdelay $0x2  }
0xb8: {  	s31 =	sshll.u32 s1, $0xD;
	s1 =	sshrl.u32 s1, $0x2  }
0xb9: {  	s3 =	sand.u32 $0x4000, s31;
	s1 =	sadd.s32 s1, s30  }
0xba: {  	s0 =	sor.u32 s3, s0;
	s1 =	sshll.u32 s1, $0x11  }
0xbb: {  	s0 =	sor.u32 s1, s0  }
0xbc: {  	s0 =	sadd.s32 $0x8F2B, s0  }
0xbd: {  	[sflag:s0] =	ssyncadd.remote.s32 $0x1  }
0xbe: {  	_ =	sfence.sel $0xFFFF  }
0xbf: {  	[dreg:$0x0] =	wrdreg $0xFFFFFFFF;
	(pc) =	sbr.abs _section_cstart, $3  }
0xc0: {  	[dreg:$0x1] =	wrdreg $0xFFFFFFFF  }
0xc1: {  	_ =	task.clear_ibuf [dreg:s7], $0x2FFFF;
	_ =	strace $0x9FFFFFFF  }
0xc2: {  	(tm) =	ssettm $0x7FFFFFFF  }
0xc3: {  	_ =	shalt  }
tec
execute0_lowered:
.L_overlay_start_1:
0x0: {  	(tag) =	ssettag $0x1  }
0x1: {  	s0 =	rddreg [dreg:$0x0];
	s2 =	simm.s32 $0x0;
	s19 =	srdreg.scid  }
0x2: {  	s12 =	stileid.u32;
	[smem:$0x7FF] =	sst s2;
	s2 =	sand.u32 $0x1, s19  }
0x3: {  	s5 =	sshll.u32 s12, $0x8;
	s4 =	ssub.s32 $0x2, s2;
	s2 =	sshll.u32 s2, $0xC  }
0x4: {  	s1 =	rddreg [dreg:$0x1];
	s6 =	sadd.s32 $0x1600, s0;
	s2 =	sor.u32 s5, s2  }
0x5: {  	_ =	strace $0x80000047;
	s7 =	sshrl.u32 s4, $0x1;
	s9 =	sshrl.u32 s2, $0x3  }
0x6: {  	s8 =	ssub.s32 s4, s7;
	s20 =	sshll.u32 s2, $0x7;
	s22 =	sadd.s32 s6, s9  }
0x7: {  	s4 =	sadd.s32 s1, s20;
	s25 =	smax.u32 s8, $0x1;
	[dreg:$0x5] =	wrdreg s22  }
0x8: {  	s2 =	sadd.s32 $0xFFFFFFF0, s2;
	s1 =	sadd.s32 $0x4000, s4;
	[dreg:$0x8] =	wrdreg s25  }
0x9: {  	s2 =	sshrl.u32 s2, $0x3;
	s21 =	sadd.s32 $0x4008, s4;
	[dreg:$0x3] =	wrdreg s1  }
0xa: {  	s2 =	sadd.s32 s6, s2;
	[dreg:$0x4] =	wrdreg s21  }
0xb: {  	s24 =	sadd.s32 $0x8, s4;
	[dreg:$0x6] =	wrdreg s2  }
0xc: {  	s26 =	sadd.s32 $0x10, s4;
	[dreg:$0x7] =	wrdreg s24  }
0xd: {  	s6 =	sadd.s32 $0x4018, s4;
	[dreg:$0x9] =	wrdreg s26  }
0xe: {  	s8 =	sadd.s32 $0x20, s4;
	[dreg:$0xc] =	wrdreg s6  }
0xf: {  	s9 =	sadd.s32 $0x4020, s4;
	[dreg:$0xd] =	wrdreg s8  }
0x10: {  	s28 =	simm.s32 $0x80;
	s16 =	sadd.s32 $0x28, s4;
	[dreg:$0xe] =	wrdreg s9  }
0x11: {  	s29 =	simm.s32 $0x1110;
	s19 =	sadd.s32 $0x4028, s4;
	[dreg:$0xf] =	wrdreg s16  }
0x12: {  	s30 =	simm.s32 $0x3110;
	s25 =	sadd.s32 $0x30, s4;
	[dreg:$0x10] =	wrdreg s19  }
0x13: {  	s31 =	simm.s32 $0x1;
	s1 =	sadd.s32 $0x4010, s4;
	[dreg:$0x11] =	wrdreg s25  }
0x14: {  	s3 =	sadd.s32 $0x186B600, s0;
	s2 =	sadd.s32 $0x18, s4;
	[dreg:$0xa] =	wrdreg s1  }
0x15: {  	s10 =	sadd.s32 $0x1AB5500, s0;
	s26 =	sadd.s32 $0x4030, s4;
	[dreg:$0xb] =	wrdreg s2  }
0x16: {  	s11 =	sadd.s32 $0x1B78A00, s0;
	s6 =	sadd.s32 $0x40, s4;
	[dreg:$0x12] =	wrdreg s26  }
0x17: {  	s23 =	sand.u32 $0x7, s12;
	s8 =	sadd.s32 $0x4040, s4;
	[dreg:$0x15] =	wrdreg s6  }
0x18: {  	s12 =	sadd.s32 $0x1C3BF00, s0;
	s9 =	sadd.s32 $0x48, s4;
	[dreg:$0x16] =	wrdreg s8  }
0x19: {  	s13 =	sadd.s32 $0x1CFF400, s0;
	s16 =	sadd.s32 $0x4048, s4;
	[dreg:$0x17] =	wrdreg s9  }
0x1a: {  	s14 =	sadd.s32 $0x1DC2900, s0;
	s19 =	sadd.s32 $0x50, s4;
	[dreg:$0x18] =	wrdreg s16  }
0x1b: {  	s15 =	sadd.s32 $0x1E85E00, s0;
	s25 =	sadd.s32 $0x4050, s4;
	[dreg:$0x19] =	wrdreg s19  }
0x1c: {  	s17 =	sadd.s32 $0x1F49300, s0;
	s1 =	sadd.s32 $0x38, s4;
	[dreg:$0x1a] =	wrdreg s25  }
0x1d: {  	s18 =	sadd.s32 $0x200C800, s0;
	s2 =	sadd.s32 $0x4038, s4;
	[dreg:$0x13] =	wrdreg s1  }
0x1e: {  	p0 =	sne.s32 s23, $0x0;
	s26 =	sadd.s32 $0x58, s4;
	[dreg:$0x14] =	wrdreg s2  }
0x1f: {  	s23 =	sadd.s32 $0x2319C00, s0;
	s6 =	sadd.s32 $0x4060, s4;
	[dreg:$0x1b] =	wrdreg s26  }
0x20: {  	s5 =	sadd.s32 $0x192EB00, s0;
	s8 =	sadd.s32 $0x68, s4;
	[dreg:$0x1e] =	wrdreg s6  }
0x21: {  	s7 =	sadd.s32 $0x19F2000, s0;
	s9 =	sadd.s32 $0x4068, s4;
	[dreg:$0x1f] =	wrdreg s8  }
0x22: {  	s20 =	sadd.s32 $0x20CFD00, s0;
	s16 =	sadd.s32 $0x70, s4;
	[smem:$0x7F9] =	sst s9  }
0x23: {  	s22 =	sadd.s32 $0x2256700, s0;
	s19 =	sadd.s32 $0x4070, s4;
	[smem:$0x7FA] =	sst s16  }
0x24: {  	s21 =	sadd.s32 $0x2193200, s0;
	s25 =	sadd.s32 $0x78, s4;
	[smem:$0x7FB] =	sst s19  }
0x25: {  	s24 =	sadd.s32 $0x23DD100, s0;
	s1 =	sadd.s32 $0x4058, s4;
	[smem:$0x7FC] =	sst s25  }
0x26: {  	s0 =	simm.s32 $0x40;
	s2 =	sadd.s32 $0x60, s4;
	[dreg:$0x1c] =	wrdreg s1  }
0x27: {  	s26 =	sadd.s32 $0x4078, s4;
	s6 =	simm.s32 $0x0;
	[dreg:$0x1d] =	wrdreg s2  }
0x28: {  	[smem:$0x7FD] =	sst s26;
	s2 =	simm.s32 $0x400;
	s1 =	simm.s32 $0x2  }
.LBB2_1:
0x29: {  	s8 =	simm.s32 $0x0  }
0x2a: {  	s9 =	rddreg [dreg:$0x5];
	s16 =	simm.s32 $0x10;
	s26 =	simm.s32 $0x3  }
0x2b: {  	[tilespmem:s16], [sflag:$0x3] =	stream.linear.gather [hbm4b:s9+s8], $0x100, $0x38;
	[tilespmem:$0x5110] =	vst v63  }
0x2c: {  	_ =	swait.ge [sflag:s26], $0x100  }
0x2d: {  	[sflag:s26] =	ssyncset.done $0x0  }
0x2e: {  	s8 =	simm.s32 @p0 $0x0;
	s9 =	rddreg [dreg:$0x6];
	[sflag:s26] =	ssyncadd.s32 $0xFFFFFF00  }
0x2f: {  	[tilespmem:s8], [sflag:$0x3] =	stream.linear.gather @p0 [hbm4b:s9+s8], $0x10, $0x38;
	[tilespmem:$0x5110] =	vst v63  }
0x30: {  	s8 =	simm.s32 @p0 $0x3  }
0x31: {  	_ =	swait.ge @p0 [sflag:s8], $0x10  }
0x32: {  	[sflag:s8] =	ssyncset.done @p0 $0x0  }
0x33: {  	v0 =	vimm.s32 @!p0 $0x2;
	[sflag:s8] =	ssyncadd.s32 @p0 $0xFFFFFFF0  }
0x34: {  	s8 =	simm.s32 $0x0;
	[tilespmem:$0x0] =	vst @!p0 v0  }
0x35: {  	v0 =	vld [tilespmem:s8+$0x10]  }
0x36: {  	v1 =	vld [tilespmem:s8+$0xF];
	_ =	sdelay $0x4  }
0x37: {  	s9 =	simm.s32 $0x10;
	v0 =	vmul.u32 $0xA6236547, v0;
	v1 =	vmul.u32 $0x17C4AA30, v1  }
0x38: {  	v2 =	vld [tilespmem:s9+$0xF]  }
0x39: {  	v0 =	vadd.s32 v0, v1;
	v1 =	vld [tilespmem:s9+$0x10];
	_ =	sdelay $0x1  }
0x3a: {  	v3 =	vshrl.u32 v0, $0x5  }
0x3b: {  	s16 =	simm.s32 $0x80;
	v3 =	vmulhi.u32 $0xA7C5AC5, v3  }
.LBB2_2:
0x3c: {  	s19 =	sshra.s32 s16, $0x2;
	p1 =	sne.s32 s16, $0x1C0  }
.Ltmp0:
0x3d: {  	s16 =	sadd.s32 $0x40, s16;
	v4 =	vmul.u32 $0xA6236547, v1;
	v1 =	vld [tilespmem:s19+$0x10];
	v5 =	vmul.u32 $0x17C4AA30, v2;
	v3 =	vshrl.u32 v3, $0x7;
	(pc) =	sbr.rel @p1 .LBB2_2-.Ltmp0, $4  }
0x3e: {  	v2 =	vld [tilespmem:s19+$0xF];
	v3 =	vmul.u32 $0x186A0, v3  }
0x3f: {  	v4 =	vadd.s32 v4, v5  }
0x40: {  	v5 =	vshrl.u32 v4, $0x5;
	v6 =	vsub.s32 v0, v3;
	v0 =	vmov v4  }
0x41: {  	v3 =	vmulhi.u32 $0xA7C5AC5, v5;
	[tilespmem:s8+$0x110] =	vst v6;
	s8 =	smov.u32 s9;
	s9 =	smov.u32 s19  }
0x42: {  	_ = 	snop  }
0x43: {  	v1 =	vmul.u32 $0xA6236547, v1;
	v2 =	vmul.u32 $0x17C4AA30, v2;
	_ =	sdelay $0x1  }
0x44: {  	v1 =	vadd.s32 v1, v2  }
0x45: {  	v2 =	vshrl.u32 v1, $0x5  }
0x46: {  	v2 =	vmulhi.u32 $0xA7C5AC5, v2  }
0x47: {  	v3 =	vshrl.u32 v3, $0x7  }
0x48: {  	v3 =	vmul.u32 $0x186A0, v3;
	v2 =	vshrl.u32 v2, $0x7  }
0x49: {  	v2 =	vmul.u32 $0x186A0, v2  }
0x4a: {  	v0 =	vsub.s32 v0, v3  }
0x4b: {  	[tilespmem:s8+$0x110] =	vst v0;
	v0 =	vsub.s32 v1, v2  }
0x4c: {  	s8 =	simm.s32 $0x0;
	[tilespmem:s9+$0x110] =	vst v0  }
0x4d: {  	v0 =	vld [tilespmem:s8+$0x90]  }
0x4e: {  	v1 =	vld [tilespmem:s8+$0x8F];
	_ =	sdelay $0x4  }
0x4f: {  	s9 =	simm.s32 $0x10;
	v0 =	vmul.u32 $0xA6236547, v0;
	v1 =	vmul.u32 $0x17C4AA30, v1  }
0x50: {  	v2 =	vld [tilespmem:s9+$0x8F]  }
0x51: {  	v0 =	vadd.s32 v0, v1;
	v1 =	vld [tilespmem:s9+$0x90];
	_ =	sdelay $0x1  }
0x52: {  	v3 =	vshrl.u32 v0, $0x5  }
0x53: {  	s25 =	simm.s32 $0x80;
	s19 =	simm.s32 $0x0;
	s16 =	simm.s32 $0x10;
	v3 =	vmulhi.u32 $0xA7C5AC5, v3  }
.LBB2_4:
0x54: {  	s26 =	sshra.s32 s25, $0x2;
	p1 =	sne.s32 s25, $0x1C0  }
.Ltmp1:
0x55: {  	s25 =	sadd.s32 $0x40, s25;
	v4 =	vmul.u32 $0xA6236547, v1;
	v1 =	vld [tilespmem:s26+$0x90];
	v5 =	vmul.u32 $0x17C4AA30, v2;
	v3 =	vshrl.u32 v3, $0x7;
	(pc) =	sbr.rel @p1 .LBB2_4-.Ltmp1, $4  }
0x56: {  	v2 =	vld [tilespmem:s26+$0x8F];
	v3 =	vmul.u32 $0x186A0, v3  }
0x57: {  	v4 =	vadd.s32 v4, v5  }
0x58: {  	v5 =	vshrl.u32 v4, $0x5;
	v6 =	vsub.s32 v0, v3;
	v0 =	vmov v4  }
0x59: {  	v3 =	vmulhi.u32 $0xA7C5AC5, v5;
	[tilespmem:s19+$0x190] =	vst v6;
	s19 =	smov.u32 s16;
	s16 =	smov.u32 s26  }
0x5a: {  	_ = 	snop  }
0x5b: {  	v1 =	vmul.u32 $0xA6236547, v1;
	v2 =	vmul.u32 $0x17C4AA30, v2;
	_ =	sdelay $0x1  }
0x5c: {  	v1 =	vadd.s32 v1, v2  }
0x5d: {  	v2 =	vshrl.u32 v1, $0x5  }
0x5e: {  	v2 =	vmulhi.u32 $0xA7C5AC5, v2  }
0x5f: {  	v3 =	vshrl.u32 v3, $0x7  }
0x60: {  	v3 =	vmul.u32 $0x186A0, v3;
	v2 =	vshrl.u32 v2, $0x7  }
0x61: {  	v2 =	vmul.u32 $0x186A0, v2  }
0x62: {  	v0 =	vsub.s32 v0, v3  }
0x63: {  	[tilespmem:s19+$0x190] =	vst v0;
	v0 =	vsub.s32 v1, v2  }
0x64: {  	[tilespmem:s16+$0x190] =	vst v0  }
0x65: {  	v0 =	vld [tilespmem:s8+$0x10]  }
0x66: {  	v1 =	vld [tilespmem:s8+$0xF];
	_ =	sdelay $0x4  }
0x67: {  	v0 =	vmul.u32 $0x2C1FCE2, v0;
	v1 =	vmul.u32 $0x5821CCC1, v1  }
0x68: {  	v2 =	vld [tilespmem:s9+$0xF]  }
0x69: {  	v0 =	vadd.s32 v0, v1;
	v1 =	vld [tilespmem:s9+$0x10];
	_ =	sdelay $0x1  }
0x6a: {  	v3 =	vshrl.u32 v0, $0x5  }
0x6b: {  	s16 =	simm.s32 $0x80;
	v3 =	vmulhi.u32 $0xA7C5AC5, v3  }
.LBB2_6:
0x6c: {  	s19 =	sshra.s32 s16, $0x2;
	p1 =	sne.s32 s16, $0x1C0  }
.Ltmp2:
0x6d: {  	s16 =	sadd.s32 $0x40, s16;
	v4 =	vmul.u32 $0x2C1FCE2, v1;
	v1 =	vld [tilespmem:s19+$0x10];
	v5 =	vmul.u32 $0x5821CCC1, v2;
	v3 =	vshrl.u32 v3, $0x7;
	(pc) =	sbr.rel @p1 .LBB2_6-.Ltmp2, $4  }
0x6e: {  	v2 =	vld [tilespmem:s19+$0xF];
	v3 =	vmul.u32 $0x186A0, v3  }
0x6f: {  	v4 =	vadd.s32 v4, v5  }
0x70: {  	v5 =	vshrl.u32 v4, $0x5;
	v6 =	vsub.s32 v0, v3;
	v0 =	vmov v4  }
0x71: {  	v3 =	vmulhi.u32 $0xA7C5AC5, v5;
	[tilespmem:s8+$0x210] =	vst v6;
	s8 =	smov.u32 s9;
	s9 =	smov.u32 s19  }
0x72: {  	_ = 	snop  }
0x73: {  	v1 =	vmul.u32 $0x2C1FCE2, v1;
	v2 =	vmul.u32 $0x5821CCC1, v2;
	_ =	sdelay $0x1  }
0x74: {  	v1 =	vadd.s32 v1, v2  }
0x75: {  	v2 =	vshrl.u32 v1, $0x5  }
0x76: {  	v2 =	vmulhi.u32 $0xA7C5AC5, v2  }
0x77: {  	v3 =	vshrl.u32 v3, $0x7  }
0x78: {  	v3 =	vmul.u32 $0x186A0, v3;
	v2 =	vshrl.u32 v2, $0x7  }
0x79: {  	v2 =	vmul.u32 $0x186A0, v2  }
0x7a: {  	v0 =	vsub.s32 v0, v3  }
0x7b: {  	[tilespmem:s8+$0x210] =	vst v0;
	v0 =	vsub.s32 v1, v2  }
0x7c: {  	s8 =	simm.s32 $0x0;
	[tilespmem:s9+$0x210] =	vst v0  }
0x7d: {  	v0 =	vld [tilespmem:s8+$0x90]  }
0x7e: {  	v1 =	vld [tilespmem:s8+$0x8F];
	_ =	sdelay $0x4  }
0x7f: {  	s9 =	simm.s32 $0x10;
	v0 =	vmul.u32 $0x2C1FCE2, v0;
	v1 =	vmul.u32 $0x5821CCC1, v1  }
0x80: {  	v2 =	vld [tilespmem:s9+$0x8F]  }
0x81: {  	v0 =	vadd.s32 v0, v1;
	v1 =	vld [tilespmem:s9+$0x90];
	_ =	sdelay $0x1  }
0x82: {  	v3 =	vshrl.u32 v0, $0x5  }
0x83: {  	s25 =	simm.s32 $0x80;
	s19 =	simm.s32 $0x0;
	s16 =	simm.s32 $0x10;
	v3 =	vmulhi.u32 $0xA7C5AC5, v3  }
.LBB2_8:
0x84: {  	s26 =	sshra.s32 s25, $0x2;
	p1 =	sne.s32 s25, $0x1C0  }
.Ltmp3:
0x85: {  	s25 =	sadd.s32 $0x40, s25;
	v4 =	vmul.u32 $0x2C1FCE2, v1;
	v1 =	vld [tilespmem:s26+$0x90];
	v5 =	vmul.u32 $0x5821CCC1, v2;
	v3 =	vshrl.u32 v3, $0x7;
	(pc) =	sbr.rel @p1 .LBB2_8-.Ltmp3, $4  }
0x86: {  	v2 =	vld [tilespmem:s26+$0x8F];
	v3 =	vmul.u32 $0x186A0, v3  }
0x87: {  	v4 =	vadd.s32 v4, v5  }
0x88: {  	v5 =	vshrl.u32 v4, $0x5;
	v6 =	vsub.s32 v0, v3;
	v0 =	vmov v4  }
0x89: {  	v3 =	vmulhi.u32 $0xA7C5AC5, v5;
	[tilespmem:s19+$0x290] =	vst v6;
	s19 =	smov.u32 s16;
	s16 =	smov.u32 s26  }
0x8a: {  	_ = 	snop  }
0x8b: {  	v1 =	vmul.u32 $0x2C1FCE2, v1;
	v2 =	vmul.u32 $0x5821CCC1, v2;
	_ =	sdelay $0x1  }
0x8c: {  	v1 =	vadd.s32 v1, v2  }
0x8d: {  	v2 =	vshrl.u32 v1, $0x5  }
0x8e: {  	v2 =	vmulhi.u32 $0xA7C5AC5, v2  }
0x8f: {  	v3 =	vshrl.u32 v3, $0x7  }
0x90: {  	v3 =	vmul.u32 $0x186A0, v3;
	v2 =	vshrl.u32 v2, $0x7  }
0x91: {  	v2 =	vmul.u32 $0x186A0, v2  }
0x92: {  	v0 =	vsub.s32 v0, v3  }
0x93: {  	[tilespmem:s19+$0x290] =	vst v0;
	v0 =	vsub.s32 v1, v2  }
0x94: {  	[tilespmem:s16+$0x290] =	vst v0  }
0x95: {  	v0 =	vld [tilespmem:s8+$0x10]  }
0x96: {  	v1 =	vld [tilespmem:s8+$0xF];
	_ =	sdelay $0x4  }
0x97: {  	v0 =	vmul.u32 $0xADCC72CC, v0;
	v1 =	vmul.u32 $0x5BA252FC, v1  }
0x98: {  	v2 =	vld [tilespmem:s9+$0xF]  }
0x99: {  	v0 =	vadd.s32 v0, v1;
	v1 =	vld [tilespmem:s9+$0x10];
	_ =	sdelay $0x1  }
0x9a: {  	v3 =	vshrl.u32 v0, $0x5  }
0x9b: {  	s16 =	simm.s32 $0x80;
	v3 =	vmulhi.u32 $0xA7C5AC5, v3  }
.LBB2_10:
0x9c: {  	s19 =	sshra.s32 s16, $0x2;
	p1 =	sne.s32 s16, $0x1C0  }
.Ltmp4:
0x9d: {  	s16 =	sadd.s32 $0x40, s16;
	v4 =	vmul.u32 $0xADCC72CC, v1;
	v1 =	vld [tilespmem:s19+$0x10];
	v5 =	vmul.u32 $0x5BA252FC, v2;
	v3 =	vshrl.u32 v3, $0x7;
	(pc) =	sbr.rel @p1 .LBB2_10-.Ltmp4, $4  }
0x9e: {  	v2 =	vld [tilespmem:s19+$0xF];
	v3 =	vmul.u32 $0x186A0, v3  }
0x9f: {  	v4 =	vadd.s32 v4, v5  }
0xa0: {  	v5 =	vshrl.u32 v4, $0x5;
	v6 =	vsub.s32 v0, v3;
	v0 =	vmov v4  }
0xa1: {  	v3 =	vmulhi.u32 $0xA7C5AC5, v5;
	[tilespmem:s8+$0x310] =	vst v6;
	s8 =	smov.u32 s9;
	s9 =	smov.u32 s19  }
0xa2: {  	_ = 	snop  }
0xa3: {  	v1 =	vmul.u32 $0xADCC72CC, v1;
	v2 =	vmul.u32 $0x5BA252FC, v2;
	_ =	sdelay $0x1  }
0xa4: {  	v1 =	vadd.s32 v1, v2  }
0xa5: {  	v2 =	vshrl.u32 v1, $0x5  }
0xa6: {  	v2 =	vmulhi.u32 $0xA7C5AC5, v2  }
0xa7: {  	v3 =	vshrl.u32 v3, $0x7  }
0xa8: {  	v3 =	vmul.u32 $0x186A0, v3;
	v2 =	vshrl.u32 v2, $0x7  }
0xa9: {  	v2 =	vmul.u32 $0x186A0, v2  }
0xaa: {  	v0 =	vsub.s32 v0, v3  }
0xab: {  	[tilespmem:s8+$0x310] =	vst v0;
	v0 =	vsub.s32 v1, v2  }
0xac: {  	s8 =	simm.s32 $0x0;
	[tilespmem:s9+$0x310] =	vst v0  }
0xad: {  	v0 =	vld [tilespmem:s8+$0x90]  }
0xae: {  	v1 =	vld [tilespmem:s8+$0x8F];
	_ =	sdelay $0x4  }
0xaf: {  	s9 =	simm.s32 $0x10;
	v0 =	vmul.u32 $0xADCC72CC, v0;
	v1 =	vmul.u32 $0x5BA252FC, v1  }
0xb0: {  	v2 =	vld [tilespmem:s9+$0x8F]  }
0xb1: {  	v0 =	vadd.s32 v0, v1;
	v1 =	vld [tilespmem:s9+$0x90];
	_ =	sdelay $0x1  }
0xb2: {  	v3 =	vshrl.u32 v0, $0x5  }
0xb3: {  	s25 =	simm.s32 $0x80;
	s19 =	simm.s32 $0x0;
	s16 =	simm.s32 $0x10;
	v3 =	vmulhi.u32 $0xA7C5AC5, v3  }
.LBB2_12:
0xb4: {  	s26 =	sshra.s32 s25, $0x2;
	p1 =	sne.s32 s25, $0x1C0  }
.Ltmp5:
0xb5: {  	s25 =	sadd.s32 $0x40, s25;
	v4 =	vmul.u32 $0xADCC72CC, v1;
	v1 =	vld [tilespmem:s26+$0x90];
	v5 =	vmul.u32 $0x5BA252FC, v2;
	v3 =	vshrl.u32 v3, $0x7;
	(pc) =	sbr.rel @p1 .LBB2_12-.Ltmp5, $4  }
0xb6: {  	v2 =	vld [tilespmem:s26+$0x8F];
	v3 =	vmul.u32 $0x186A0, v3  }
0xb7: {  	v4 =	vadd.s32 v4, v5  }
0xb8: {  	v5 =	vshrl.u32 v4, $0x5;
	v6 =	vsub.s32 v0, v3;
	v0 =	vmov v4  }
0xb9: {  	v3 =	vmulhi.u32 $0xA7C5AC5, v5;
	[tilespmem:s19+$0x390] =	vst v6;
	s19 =	smov.u32 s16;
	s16 =	smov.u32 s26  }
0xba: {  	_ = 	snop  }
0xbb: {  	v1 =	vmul.u32 $0xADCC72CC, v1;
	v2 =	vmul.u32 $0x5BA252FC, v2;
	_ =	sdelay $0x1  }
0xbc: {  	v1 =	vadd.s32 v1, v2  }
0xbd: {  	v2 =	vshrl.u32 v1, $0x5  }
0xbe: {  	v2 =	vmulhi.u32 $0xA7C5AC5, v2  }
0xbf: {  	v3 =	vshrl.u32 v3, $0x7  }
0xc0: {  	v3 =	vmul.u32 $0x186A0, v3;
	v2 =	vshrl.u32 v2, $0x7  }
0xc1: {  	v2 =	vmul.u32 $0x186A0, v2  }
0xc2: {  	v0 =	vsub.s32 v0, v3  }
0xc3: {  	[tilespmem:s19+$0x390] =	vst v0;
	v0 =	vsub.s32 v1, v2  }
0xc4: {  	[tilespmem:s16+$0x390] =	vst v0  }
0xc5: {  	v0 =	vld [tilespmem:s8+$0x10]  }
0xc6: {  	v1 =	vld [tilespmem:s8+$0xF];
	_ =	sdelay $0x4  }
0xc7: {  	v0 =	vmul.u32 $0x4FF09D4C, v0;
	v1 =	vmul.u32 $0x58E57D68, v1  }
0xc8: {  	v2 =	vld [tilespmem:s9+$0xF]  }
0xc9: {  	v0 =	vadd.s32 v0, v1;
	v1 =	vld [tilespmem:s9+$0x10];
	_ =	sdelay $0x1  }
0xca: {  	v3 =	vshrl.u32 v0, $0x5  }
0xcb: {  	s16 =	simm.s32 $0x80;
	v3 =	vmulhi.u32 $0xA7C5AC5, v3  }
.LBB2_14:
0xcc: {  	s19 =	sshra.s32 s16, $0x2;
	p1 =	sne.s32 s16, $0x1C0  }
.Ltmp6:
0xcd: {  	s16 =	sadd.s32 $0x40, s16;
	v4 =	vmul.u32 $0x4FF09D4C, v1;
	v1 =	vld [tilespmem:s19+$0x10];
	v5 =	vmul.u32 $0x58E57D68, v2;
	v3 =	vshrl.u32 v3, $0x7;
	(pc) =	sbr.rel @p1 .LBB2_14-.Ltmp6, $4  }
0xce: {  	v2 =	vld [tilespmem:s19+$0xF];
	v3 =	vmul.u32 $0x186A0, v3  }
0xcf: {  	v4 =	vadd.s32 v4, v5  }
0xd0: {  	v5 =	vshrl.u32 v4, $0x5;
	v6 =	vsub.s32 v0, v3;
	v0 =	vmov v4  }
0xd1: {  	v3 =	vmulhi.u32 $0xA7C5AC5, v5;
	[tilespmem:s8+$0x410] =	vst v6;
	s8 =	smov.u32 s9;
	s9 =	smov.u32 s19  }
0xd2: {  	_ = 	snop  }
0xd3: {  	v1 =	vmul.u32 $0x4FF09D4C, v1;
	v2 =	vmul.u32 $0x58E57D68, v2;
	_ =	sdelay $0x1  }
0xd4: {  	v1 =	vadd.s32 v1, v2  }
0xd5: {  	v2 =	vshrl.u32 v1, $0x5  }
0xd6: {  	v2 =	vmulhi.u32 $0xA7C5AC5, v2  }
0xd7: {  	v3 =	vshrl.u32 v3, $0x7  }
0xd8: {  	v3 =	vmul.u32 $0x186A0, v3;
	v2 =	vshrl.u32 v2, $0x7  }
0xd9: {  	v2 =	vmul.u32 $0x186A0, v2  }
0xda: {  	v0 =	vsub.s32 v0, v3  }
0xdb: {  	[tilespmem:s8+$0x410] =	vst v0;
	v0 =	vsub.s32 v1, v2  }
0xdc: {  	s8 =	simm.s32 $0x0;
	[tilespmem:s9+$0x410] =	vst v0  }
0xdd: {  	v0 =	vld [tilespmem:s8+$0x90]  }
0xde: {  	v1 =	vld [tilespmem:s8+$0x8F];
	_ =	sdelay $0x4  }
0xdf: {  	s9 =	simm.s32 $0x10;
	v0 =	vmul.u32 $0x4FF09D4C, v0;
	v1 =	vmul.u32 $0x58E57D68, v1  }
0xe0: {  	v2 =	vld [tilespmem:s9+$0x8F]  }
0xe1: {  	v0 =	vadd.s32 v0, v1;
	v1 =	vld [tilespmem:s9+$0x90];
	_ =	sdelay $0x1  }
0xe2: {  	v3 =	vshrl.u32 v0, $0x5  }
0xe3: {  	s25 =	simm.s32 $0x80;
	s19 =	simm.s32 $0x0;
	s16 =	simm.s32 $0x10;
	v3 =	vmulhi.u32 $0xA7C5AC5, v3  }
.LBB2_16:
0xe4: {  	s26 =	sshra.s32 s25, $0x2;
	p1 =	sne.s32 s25, $0x1C0  }
.Ltmp7:
0xe5: {  	s25 =	sadd.s32 $0x40, s25;
	v4 =	vmul.u32 $0x4FF09D4C, v1;
	v1 =	vld [tilespmem:s26+$0x90];
	v5 =	vmul.u32 $0x58E57D68, v2;
	v3 =	vshrl.u32 v3, $0x7;
	(pc) =	sbr.rel @p1 .LBB2_16-.Ltmp7, $4  }
0xe6: {  	v2 =	vld [tilespmem:s26+$0x8F];
	v3 =	vmul.u32 $0x186A0, v3  }
0xe7: {  	v4 =	vadd.s32 v4, v5  }
0xe8: {  	v5 =	vshrl.u32 v4, $0x5;
	v6 =	vsub.s32 v0, v3;
	v0 =	vmov v4  }
0xe9: {  	v3 =	vmulhi.u32 $0xA7C5AC5, v5;
	[tilespmem:s19+$0x490] =	vst v6;
	s19 =	smov.u32 s16;
	s16 =	smov.u32 s26  }
0xea: {  	_ = 	snop  }
0xeb: {  	v1 =	vmul.u32 $0x4FF09D4C, v1;
	v2 =	vmul.u32 $0x58E57D68, v2;
	_ =	sdelay $0x1  }
0xec: {  	v1 =	vadd.s32 v1, v2  }
0xed: {  	v2 =	vshrl.u32 v1, $0x5  }
0xee: {  	v2 =	vmulhi.u32 $0xA7C5AC5, v2  }
0xef: {  	v3 =	vshrl.u32 v3, $0x7  }
0xf0: {  	v3 =	vmul.u32 $0x186A0, v3;
	v2 =	vshrl.u32 v2, $0x7  }
0xf1: {  	v2 =	vmul.u32 $0x186A0, v2  }
0xf2: {  	v0 =	vsub.s32 v0, v3  }
0xf3: {  	[tilespmem:s19+$0x490] =	vst v0;
	v0 =	vsub.s32 v1, v2  }
0xf4: {  	[tilespmem:s16+$0x490] =	vst v0  }
0xf5: {  	v0 =	vld [tilespmem:s8+$0x10]  }
0xf6: {  	v1 =	vld [tilespmem:s8+$0xF];
	_ =	sdelay $0x4  }
0xf7: {  	v0 =	vmul.u32 $0x1167829E, v0;
	v1 =	vmul.u32 $0x1FA1DED4, v1  }
0xf8: {  	v2 =	vld [tilespmem:s9+$0xF]  }
0xf9: {  	v0 =	vadd.s32 v0, v1;
	v1 =	vld [tilespmem:s9+$0x10];
	_ =	sdelay $0x1  }
0xfa: {  	v3 =	vshrl.u32 v0, $0x5  }
0xfb: {  	s16 =	simm.s32 $0x80;
	v3 =	vmulhi.u32 $0xA7C5AC5, v3  }
.LBB2_18:
0xfc: {  	s19 =	sshra.s32 s16, $0x2;
	p1 =	sne.s32 s16, $0x1C0  }
.Ltmp8:
0xfd: {  	s16 =	sadd.s32 $0x40, s16;
	v4 =	vmul.u32 $0x1167829E, v1;
	v1 =	vld [tilespmem:s19+$0x10];
	v5 =	vmul.u32 $0x1FA1DED4, v2;
	v3 =	vshrl.u32 v3, $0x7;
	(pc) =	sbr.rel @p1 .LBB2_18-.Ltmp8, $4  }
0xfe: {  	v2 =	vld [tilespmem:s19+$0xF];
	v3 =	vmul.u32 $0x186A0, v3  }
0xff: {  	v4 =	vadd.s32 v4, v5  }
0x100: {  	v5 =	vshrl.u32 v4, $0x5;
	v6 =	vsub.s32 v0, v3;
	v0 =	vmov v4  }
0x101: {  	v3 =	vmulhi.u32 $0xA7C5AC5, v5;
	[tilespmem:s8+$0x510] =	vst v6;
	s8 =	smov.u32 s9;
	s9 =	smov.u32 s19  }
0x102: {  	_ = 	snop  }
0x103: {  	v1 =	vmul.u32 $0x1167829E, v1;
	v2 =	vmul.u32 $0x1FA1DED4, v2;
	_ =	sdelay $0x1  }
0x104: {  	v1 =	vadd.s32 v1, v2  }
0x105: {  	v2 =	vshrl.u32 v1, $0x5  }
0x106: {  	v2 =	vmulhi.u32 $0xA7C5AC5, v2  }
0x107: {  	v3 =	vshrl.u32 v3, $0x7  }
0x108: {  	v3 =	vmul.u32 $0x186A0, v3;
	v2 =	vshrl.u32 v2, $0x7  }
0x109: {  	v2 =	vmul.u32 $0x186A0, v2  }
0x10a: {  	v0 =	vsub.s32 v0, v3  }
0x10b: {  	[tilespmem:s8+$0x510] =	vst v0;
	v0 =	vsub.s32 v1, v2  }
0x10c: {  	s8 =	simm.s32 $0x0;
	[tilespmem:s9+$0x510] =	vst v0  }
0x10d: {  	v0 =	vld [tilespmem:s8+$0x90]  }
0x10e: {  	v1 =	vld [tilespmem:s8+$0x8F];
	_ =	sdelay $0x4  }
0x10f: {  	s9 =	simm.s32 $0x10;
	v0 =	vmul.u32 $0x1167829E, v0;
	v1 =	vmul.u32 $0x1FA1DED4, v1  }
0x110: {  	v2 =	vld [tilespmem:s9+$0x8F]  }
0x111: {  	v0 =	vadd.s32 v0, v1;
	v1 =	vld [tilespmem:s9+$0x90];
	_ =	sdelay $0x1  }
0x112: {  	v3 =	vshrl.u32 v0, $0x5  }
0x113: {  	s25 =	simm.s32 $0x80;
	s19 =	simm.s32 $0x0;
	s16 =	simm.s32 $0x10;
	v3 =	vmulhi.u32 $0xA7C5AC5, v3  }
.LBB2_20:
0x114: {  	s26 =	sshra.s32 s25, $0x2;
	p1 =	sne.s32 s25, $0x1C0  }
.Ltmp9:
0x115: {  	s25 =	sadd.s32 $0x40, s25;
	v4 =	vmul.u32 $0x1167829E, v1;
	v1 =	vld [tilespmem:s26+$0x90];
	v5 =	vmul.u32 $0x1FA1DED4, v2;
	v3 =	vshrl.u32 v3, $0x7;
	(pc) =	sbr.rel @p1 .LBB2_20-.Ltmp9, $4  }
0x116: {  	v2 =	vld [tilespmem:s26+$0x8F];
	v3 =	vmul.u32 $0x186A0, v3  }
0x117: {  	v4 =	vadd.s32 v4, v5  }
0x118: {  	v5 =	vshrl.u32 v4, $0x5;
	v6 =	vsub.s32 v0, v3;
	v0 =	vmov v4  }
0x119: {  	v3 =	vmulhi.u32 $0xA7C5AC5, v5;
	[tilespmem:s19+$0x590] =	vst v6;
	s19 =	smov.u32 s16;
	s16 =	smov.u32 s26  }
0x11a: {  	_ = 	snop  }
0x11b: {  	v1 =	vmul.u32 $0x1167829E, v1;
	v2 =	vmul.u32 $0x1FA1DED4, v2;
	_ =	sdelay $0x1  }
0x11c: {  	v1 =	vadd.s32 v1, v2  }
0x11d: {  	v2 =	vshrl.u32 v1, $0x5  }
0x11e: {  	v2 =	vmulhi.u32 $0xA7C5AC5, v2  }
0x11f: {  	v3 =	vshrl.u32 v3, $0x7  }
0x120: {  	v3 =	vmul.u32 $0x186A0, v3;
	v2 =	vshrl.u32 v2, $0x7  }
0x121: {  	v2 =	vmul.u32 $0x186A0, v2  }
0x122: {  	v0 =	vsub.s32 v0, v3  }
0x123: {  	[tilespmem:s19+$0x590] =	vst v0;
	v0 =	vsub.s32 v1, v2  }
0x124: {  	[tilespmem:s16+$0x590] =	vst v0  }
0x125: {  	v0 =	vld [tilespmem:s8+$0x10]  }
0x126: {  	v1 =	vld [tilespmem:s8+$0xF];
	_ =	sdelay $0x4  }
0x127: {  	v0 =	vmul.u32 $0x8D91E4C2, v0;
	v1 =	vmul.u32 $0x6266D6F3, v1  }
0x128: {  	v2 =	vld [tilespmem:s9+$0xF]  }
0x129: {  	v0 =	vadd.s32 v0, v1;
	v1 =	vld [tilespmem:s9+$0x10];
	_ =	sdelay $0x1  }
0x12a: {  	v3 =	vshrl.u32 v0, $0x5  }
0x12b: {  	s16 =	simm.s32 $0x80;
	v3 =	vmulhi.u32 $0xA7C5AC5, v3  }
.LBB2_22:
0x12c: {  	s19 =	sshra.s32 s16, $0x2;
	p1 =	sne.s32 s16, $0x1C0  }
.Ltmp10:
0x12d: {  	s16 =	sadd.s32 $0x40, s16;
	v4 =	vmul.u32 $0x8D91E4C2, v1;
	v1 =	vld [tilespmem:s19+$0x10];
	v5 =	vmul.u32 $0x6266D6F3, v2;
	v3 =	vshrl.u32 v3, $0x7;
	(pc) =	sbr.rel @p1 .LBB2_22-.Ltmp10, $4  }
0x12e: {  	v2 =	vld [tilespmem:s19+$0xF];
	v3 =	vmul.u32 $0x186A0, v3  }
0x12f: {  	v4 =	vadd.s32 v4, v5  }
0x130: {  	v5 =	vshrl.u32 v4, $0x5;
	v6 =	vsub.s32 v0, v3;
	v0 =	vmov v4  }
0x131: {  	v3 =	vmulhi.u32 $0xA7C5AC5, v5;
	[tilespmem:s8+$0x610] =	vst v6;
	s8 =	smov.u32 s9;
	s9 =	smov.u32 s19  }
0x132: {  	_ = 	snop  }
0x133: {  	v1 =	vmul.u32 $0x8D91E4C2, v1;
	v2 =	vmul.u32 $0x6266D6F3, v2;
	_ =	sdelay $0x1  }
0x134: {  	v1 =	vadd.s32 v1, v2  }
0x135: {  	v2 =	vshrl.u32 v1, $0x5  }
0x136: {  	v2 =	vmulhi.u32 $0xA7C5AC5, v2  }
0x137: {  	v3 =	vshrl.u32 v3, $0x7  }
0x138: {  	v3 =	vmul.u32 $0x186A0, v3;
	v2 =	vshrl.u32 v2, $0x7  }
0x139: {  	v2 =	vmul.u32 $0x186A0, v2  }
0x13a: {  	v0 =	vsub.s32 v0, v3  }
0x13b: {  	[tilespmem:s8+$0x610] =	vst v0;
	v0 =	vsub.s32 v1, v2  }
0x13c: {  	s8 =	simm.s32 $0x0;
	[tilespmem:s9+$0x610] =	vst v0  }
0x13d: {  	v0 =	vld [tilespmem:s8+$0x90]  }
0x13e: {  	v1 =	vld [tilespmem:s8+$0x8F];
	_ =	sdelay $0x4  }
0x13f: {  	s9 =	simm.s32 $0x10;
	v0 =	vmul.u32 $0x8D91E4C2, v0;
	v1 =	vmul.u32 $0x6266D6F3, v1  }
0x140: {  	v2 =	vld [tilespmem:s9+$0x8F]  }
0x141: {  	v0 =	vadd.s32 v0, v1;
	v1 =	vld [tilespmem:s9+$0x90];
	_ =	sdelay $0x1  }
0x142: {  	v3 =	vshrl.u32 v0, $0x5  }
0x143: {  	s25 =	simm.s32 $0x80;
	s19 =	simm.s32 $0x0;
	s16 =	simm.s32 $0x10;
	v3 =	vmulhi.u32 $0xA7C5AC5, v3  }
.LBB2_24:
0x144: {  	s26 =	sshra.s32 s25, $0x2;
	p1 =	sne.s32 s25, $0x1C0  }
.Ltmp11:
0x145: {  	s25 =	sadd.s32 $0x40, s25;
	v4 =	vmul.u32 $0x8D91E4C2, v1;
	v1 =	vld [tilespmem:s26+$0x90];
	v5 =	vmul.u32 $0x6266D6F3, v2;
	v3 =	vshrl.u32 v3, $0x7;
	(pc) =	sbr.rel @p1 .LBB2_24-.Ltmp11, $4  }
0x146: {  	v2 =	vld [tilespmem:s26+$0x8F];
	v3 =	vmul.u32 $0x186A0, v3  }
0x147: {  	v4 =	vadd.s32 v4, v5  }
0x148: {  	v5 =	vshrl.u32 v4, $0x5;
	v6 =	vsub.s32 v0, v3;
	v0 =	vmov v4  }
0x149: {  	v3 =	vmulhi.u32 $0xA7C5AC5, v5;
	[tilespmem:s19+$0x690] =	vst v6;
	s19 =	smov.u32 s16;
	s16 =	smov.u32 s26  }
0x14a: {  	_ = 	snop  }
0x14b: {  	v1 =	vmul.u32 $0x8D91E4C2, v1;
	v2 =	vmul.u32 $0x6266D6F3, v2;
	_ =	sdelay $0x1  }
0x14c: {  	v1 =	vadd.s32 v1, v2  }
0x14d: {  	v2 =	vshrl.u32 v1, $0x5  }
0x14e: {  	v2 =	vmulhi.u32 $0xA7C5AC5, v2  }
0x14f: {  	v3 =	vshrl.u32 v3, $0x7  }
0x150: {  	v3 =	vmul.u32 $0x186A0, v3;
	v2 =	vshrl.u32 v2, $0x7  }
0x151: {  	v2 =	vmul.u32 $0x186A0, v2  }
0x152: {  	v0 =	vsub.s32 v0, v3  }
0x153: {  	[tilespmem:s19+$0x690] =	vst v0;
	v0 =	vsub.s32 v1, v2  }
0x154: {  	[tilespmem:s16+$0x690] =	vst v0  }
0x155: {  	v0 =	vld [tilespmem:s8+$0x10]  }
0x156: {  	v1 =	vld [tilespmem:s8+$0xF];
	_ =	sdelay $0x4  }
0x157: {  	v0 =	vmul.u32 $0x85E178AF, v0;
	v1 =	vmul.u32 $0x4C2B3A58, v1  }
0x158: {  	v2 =	vld [tilespmem:s9+$0xF]  }
0x159: {  	v0 =	vadd.s32 v0, v1;
	v1 =	vld [tilespmem:s9+$0x10];
	_ =	sdelay $0x1  }
0x15a: {  	v3 =	vshrl.u32 v0, $0x5  }
0x15b: {  	s16 =	simm.s32 $0x80;
	v3 =	vmulhi.u32 $0xA7C5AC5, v3  }
.LBB2_26:
0x15c: {  	s19 =	sshra.s32 s16, $0x2;
	p1 =	sne.s32 s16, $0x1C0  }
.Ltmp12:
0x15d: {  	s16 =	sadd.s32 $0x40, s16;
	v4 =	vmul.u32 $0x85E178AF, v1;
	v1 =	vld [tilespmem:s19+$0x10];
	v5 =	vmul.u32 $0x4C2B3A58, v2;
	v3 =	vshrl.u32 v3, $0x7;
	(pc) =	sbr.rel @p1 .LBB2_26-.Ltmp12, $4  }
0x15e: {  	v2 =	vld [tilespmem:s19+$0xF];
	v3 =	vmul.u32 $0x186A0, v3  }
0x15f: {  	v4 =	vadd.s32 v4, v5  }
0x160: {  	v5 =	vshrl.u32 v4, $0x5;
	v6 =	vsub.s32 v0, v3;
	v0 =	vmov v4  }
0x161: {  	v3 =	vmulhi.u32 $0xA7C5AC5, v5;
	[tilespmem:s8+$0x710] =	vst v6;
	s8 =	smov.u32 s9;
	s9 =	smov.u32 s19  }
0x162: {  	_ = 	snop  }
0x163: {  	v1 =	vmul.u32 $0x85E178AF, v1;
	v2 =	vmul.u32 $0x4C2B3A58, v2;
	_ =	sdelay $0x1  }
0x164: {  	v1 =	vadd.s32 v1, v2  }
0x165: {  	v2 =	vshrl.u32 v1, $0x5  }
0x166: {  	v2 =	vmulhi.u32 $0xA7C5AC5, v2  }
0x167: {  	v3 =	vshrl.u32 v3, $0x7  }
0x168: {  	v3 =	vmul.u32 $0x186A0, v3;
	v2 =	vshrl.u32 v2, $0x7  }
0x169: {  	v2 =	vmul.u32 $0x186A0, v2  }
0x16a: {  	v0 =	vsub.s32 v0, v3  }
0x16b: {  	[tilespmem:s8+$0x710] =	vst v0;
	v0 =	vsub.s32 v1, v2  }
0x16c: {  	s8 =	simm.s32 $0x0;
	[tilespmem:s9+$0x710] =	vst v0  }
0x16d: {  	v0 =	vld [tilespmem:s8+$0x90]  }
0x16e: {  	v1 =	vld [tilespmem:s8+$0x8F];
	_ =	sdelay $0x4  }
0x16f: {  	s9 =	simm.s32 $0x10;
	v0 =	vmul.u32 $0x85E178AF, v0;
	v1 =	vmul.u32 $0x4C2B3A58, v1  }
0x170: {  	v2 =	vld [tilespmem:s9+$0x8F]  }
0x171: {  	v0 =	vadd.s32 v0, v1;
	v1 =	vld [tilespmem:s9+$0x90];
	_ =	sdelay $0x1  }
0x172: {  	v3 =	vshrl.u32 v0, $0x5  }
0x173: {  	s25 =	simm.s32 $0x80;
	s19 =	simm.s32 $0x0;
	s16 =	simm.s32 $0x10;
	v3 =	vmulhi.u32 $0xA7C5AC5, v3  }
.LBB2_28:
0x174: {  	s26 =	sshra.s32 s25, $0x2;
	p1 =	sne.s32 s25, $0x1C0  }
.Ltmp13:
0x175: {  	s25 =	sadd.s32 $0x40, s25;
	v4 =	vmul.u32 $0x85E178AF, v1;
	v1 =	vld [tilespmem:s26+$0x90];
	v5 =	vmul.u32 $0x4C2B3A58, v2;
	v3 =	vshrl.u32 v3, $0x7;
	(pc) =	sbr.rel @p1 .LBB2_28-.Ltmp13, $4  }
0x176: {  	v2 =	vld [tilespmem:s26+$0x8F];
	v3 =	vmul.u32 $0x186A0, v3  }
0x177: {  	v4 =	vadd.s32 v4, v5  }
0x178: {  	v5 =	vshrl.u32 v4, $0x5;
	v6 =	vsub.s32 v0, v3;
	v0 =	vmov v4  }
0x179: {  	v3 =	vmulhi.u32 $0xA7C5AC5, v5;
	[tilespmem:s19+$0x790] =	vst v6;
	s19 =	smov.u32 s16;
	s16 =	smov.u32 s26  }
0x17a: {  	_ = 	snop  }
0x17b: {  	v1 =	vmul.u32 $0x85E178AF, v1;
	v2 =	vmul.u32 $0x4C2B3A58, v2;
	_ =	sdelay $0x1  }
0x17c: {  	v1 =	vadd.s32 v1, v2  }
0x17d: {  	v2 =	vshrl.u32 v1, $0x5  }
0x17e: {  	v2 =	vmulhi.u32 $0xA7C5AC5, v2  }
0x17f: {  	v3 =	vshrl.u32 v3, $0x7  }
0x180: {  	v3 =	vmul.u32 $0x186A0, v3;
	v2 =	vshrl.u32 v2, $0x7  }
0x181: {  	v2 =	vmul.u32 $0x186A0, v2  }
0x182: {  	v0 =	vsub.s32 v0, v3  }
0x183: {  	[tilespmem:s19+$0x790] =	vst v0;
	v0 =	vsub.s32 v1, v2  }
0x184: {  	[tilespmem:s16+$0x790] =	vst v0  }
0x185: {  	v0 =	vld [tilespmem:s8+$0x10]  }
0x186: {  	v1 =	vld [tilespmem:s8+$0xF];
	_ =	sdelay $0x4  }
0x187: {  	v0 =	vmul.u32 $0x2D641495, v0;
	v1 =	vmul.u32 $0xE84BDD9, v1  }
0x188: {  	v2 =	vld [tilespmem:s9+$0xF]  }
0x189: {  	v0 =	vadd.s32 v0, v1;
	v1 =	vld [tilespmem:s9+$0x10];
	_ =	sdelay $0x1  }
0x18a: {  	v3 =	vshrl.u32 v0, $0x5  }
0x18b: {  	s16 =	simm.s32 $0x80;
	v3 =	vmulhi.u32 $0xA7C5AC5, v3  }
.LBB2_30:
0x18c: {  	s19 =	sshra.s32 s16, $0x2;
	p1 =	sne.s32 s16, $0x1C0  }
.Ltmp14:
0x18d: {  	s16 =	sadd.s32 $0x40, s16;
	v4 =	vmul.u32 $0x2D641495, v1;
	v1 =	vld [tilespmem:s19+$0x10];
	v5 =	vmul.u32 $0xE84BDD9, v2;
	v3 =	vshrl.u32 v3, $0x7;
	(pc) =	sbr.rel @p1 .LBB2_30-.Ltmp14, $4  }
0x18e: {  	v2 =	vld [tilespmem:s19+$0xF];
	v3 =	vmul.u32 $0x186A0, v3  }
0x18f: {  	v4 =	vadd.s32 v4, v5  }
0x190: {  	v5 =	vshrl.u32 v4, $0x5;
	v6 =	vsub.s32 v0, v3;
	v0 =	vmov v4  }
0x191: {  	v3 =	vmulhi.u32 $0xA7C5AC5, v5;
	[tilespmem:s8+$0x810] =	vst v6;
	s8 =	smov.u32 s9;
	s9 =	smov.u32 s19  }
0x192: {  	_ = 	snop  }
0x193: {  	v1 =	vmul.u32 $0x2D641495, v1;
	v2 =	vmul.u32 $0xE84BDD9, v2;
	_ =	sdelay $0x1  }
0x194: {  	v1 =	vadd.s32 v1, v2  }
0x195: {  	v2 =	vshrl.u32 v1, $0x5  }
0x196: {  	v2 =	vmulhi.u32 $0xA7C5AC5, v2  }
0x197: {  	v3 =	vshrl.u32 v3, $0x7  }
0x198: {  	v3 =	vmul.u32 $0x186A0, v3;
	v2 =	vshrl.u32 v2, $0x7  }
0x199: {  	v2 =	vmul.u32 $0x186A0, v2  }
0x19a: {  	v0 =	vsub.s32 v0, v3  }
0x19b: {  	[tilespmem:s8+$0x810] =	vst v0;
	v0 =	vsub.s32 v1, v2  }
0x19c: {  	s8 =	simm.s32 $0x0;
	[tilespmem:s9+$0x810] =	vst v0  }
0x19d: {  	v0 =	vld [tilespmem:s8+$0x90]  }
0x19e: {  	v1 =	vld [tilespmem:s8+$0x8F];
	_ =	sdelay $0x4  }
0x19f: {  	s9 =	simm.s32 $0x10;
	v0 =	vmul.u32 $0x2D641495, v0;
	v1 =	vmul.u32 $0xE84BDD9, v1  }
0x1a0: {  	v2 =	vld [tilespmem:s9+$0x8F]  }
0x1a1: {  	v0 =	vadd.s32 v0, v1;
	v1 =	vld [tilespmem:s9+$0x90];
	_ =	sdelay $0x1  }
0x1a2: {  	v3 =	vshrl.u32 v0, $0x5  }
0x1a3: {  	s25 =	simm.s32 $0x80;
	s19 =	simm.s32 $0x0;
	s16 =	simm.s32 $0x10;
	v3 =	vmulhi.u32 $0xA7C5AC5, v3  }
.LBB2_32:
0x1a4: {  	s26 =	sshra.s32 s25, $0x2;
	p1 =	sne.s32 s25, $0x1C0  }
.Ltmp15:
0x1a5: {  	s25 =	sadd.s32 $0x40, s25;
	v4 =	vmul.u32 $0x2D641495, v1;
	v1 =	vld [tilespmem:s26+$0x90];
	v5 =	vmul.u32 $0xE84BDD9, v2;
	v3 =	vshrl.u32 v3, $0x7;
	(pc) =	sbr.rel @p1 .LBB2_32-.Ltmp15, $4  }
0x1a6: {  	v2 =	vld [tilespmem:s26+$0x8F];
	v3 =	vmul.u32 $0x186A0, v3  }
0x1a7: {  	v4 =	vadd.s32 v4, v5  }
0x1a8: {  	v5 =	vshrl.u32 v4, $0x5;
	v6 =	vsub.s32 v0, v3;
	v0 =	vmov v4  }
0x1a9: {  	v3 =	vmulhi.u32 $0xA7C5AC5, v5;
	[tilespmem:s19+$0x890] =	vst v6;
	s19 =	smov.u32 s16;
	s16 =	smov.u32 s26  }
0x1aa: {  	_ = 	snop  }
0x1ab: {  	v1 =	vmul.u32 $0x2D641495, v1;
	v2 =	vmul.u32 $0xE84BDD9, v2;
	_ =	sdelay $0x1  }
0x1ac: {  	v1 =	vadd.s32 v1, v2  }
0x1ad: {  	v2 =	vshrl.u32 v1, $0x5  }
0x1ae: {  	v2 =	vmulhi.u32 $0xA7C5AC5, v2  }
0x1af: {  	v3 =	vshrl.u32 v3, $0x7  }
0x1b0: {  	v3 =	vmul.u32 $0x186A0, v3;
	v2 =	vshrl.u32 v2, $0x7  }
0x1b1: {  	v2 =	vmul.u32 $0x186A0, v2  }
0x1b2: {  	v0 =	vsub.s32 v0, v3  }
0x1b3: {  	[tilespmem:s19+$0x890] =	vst v0;
	v0 =	vsub.s32 v1, v2  }
0x1b4: {  	[tilespmem:s16+$0x890] =	vst v0  }
0x1b5: {  	v0 =	vld [tilespmem:s8+$0x10]  }
0x1b6: {  	v1 =	vld [tilespmem:s8+$0xF]  }
0x1b7: {  	v2 =	vld [tilespmem:s8+$0xE];
	_ =	sdelay $0x2  }
0x1b8: {  	v3 =	vld [tilespmem:s9+$0x10]  }
0x1b9: {  	v4 =	vld [tilespmem:s9+$0xF];
	v0 =	vmul.u32 $0x1B3D2EA1, v0;
	v1 =	vmul.u32 $0x1CDB25E7, v1  }
0x1ba: {  	v5 =	vld [tilespmem:s9+$0xE];
	v2 =	vmul.u32 $0x6229393B, v2  }
0x1bb: {  	v0 =	vadd.s32 v0, v1  }
0x1bc: {  	v6 =	vadd.s32 v2, v0  }
0x1bd: {  	v0 =	vshrl.u32 v6, $0x5  }
0x1be: {  	s16 =	simm.s32 $0x20;
	v2 =	vmul.u32 $0x1B3D2EA1, v3;
	v3 =	vmul.u32 $0x1CDB25E7, v4;
	v0 =	vmulhi.u32 $0xA7C5AC5, v0  }
0x1bf: {  	v1 =	vld [tilespmem:s16+$0x10];
	v4 =	vmul.u32 $0x6229393B, v5  }
0x1c0: {  	v3 =	vadd.s32 v2, v3;
	v2 =	vld [tilespmem:s16+$0xF];
	v0 =	vshrl.u32 v0, $0x7  }
0x1c1: {  	v7 =	vmul.u32 $0x186A0, v0;
	v0 =	vadd.s32 v4, v3;
	v3 =	vld [tilespmem:s16+$0xE];
	_ =	sdelay $0x1  }
0x1c2: {  	s19 =	simm.s32 $0xC0;
	v5 =	vshrl.u32 v0, $0x5;
	v4 =	vsub.s32 v6, v7  }
.LBB2_34:
0x1c3: {  	s25 =	sshra.s32 s19, $0x2;
	v5 =	vmulhi.u32 $0xA7C5AC5, v5;
	[tilespmem:s8+$0x910] =	vst v4;
	s8 =	smov.u32 s9;
	p1 =	sne.s32 s19, $0x1C0  }
.Ltmp16:
0x1c4: {  	s19 =	sadd.s32 $0x40, s19;
	v4 =	vmul.u32 $0x1B3D2EA1, v1;
	v1 =	vld [tilespmem:s25+$0x10];
	v6 =	vmul.u32 $0x1CDB25E7, v2;
	(pc) =	sbr.rel @p1 .LBB2_34-.Ltmp16, $4  }
0x1c5: {  	s9 =	smov.u32 s16;
	s16 =	smov.u32 s25;
	v2 =	vld [tilespmem:s25+$0xF];
	v7 =	vmul.u32 $0x6229393B, v3;
	v5 =	vshrl.u32 v5, $0x7  }
0x1c6: {  	v3 =	vld [tilespmem:s16+$0xE];
	v4 =	vadd.s32 v4, v6;
	v6 =	vmul.u32 $0x186A0, v5  }
0x1c7: {  	v7 =	vadd.s32 v7, v4  }
0x1c8: {  	v5 =	vshrl.u32 v7, $0x5;
	v4 =	vsub.s32 v0, v6;
	v0 =	vmov v7  }
0x1c9: {  	_ = 	snop  }
0x1ca: {  	v1 =	vmul.u32 $0x1B3D2EA1, v1;
	v2 =	vmul.u32 $0x1CDB25E7, v2  }
0x1cb: {  	v3 =	vmul.u32 $0x6229393B, v3  }
0x1cc: {  	v1 =	vadd.s32 v1, v2  }
0x1cd: {  	v1 =	vadd.s32 v3, v1  }
0x1ce: {  	v2 =	vmulhi.u32 $0xA7C5AC5, v5;
	v3 =	vshrl.u32 v1, $0x5  }
0x1cf: {  	v3 =	vmulhi.u32 $0xA7C5AC5, v3  }
0x1d0: {  	v2 =	vshrl.u32 v2, $0x7  }
0x1d1: {  	v2 =	vmul.u32 $0x186A0, v2;
	v3 =	vshrl.u32 v3, $0x7  }
0x1d2: {  	v3 =	vmul.u32 $0x186A0, v3  }
0x1d3: {  	[tilespmem:s8+$0x910] =	vst v4;
	v0 =	vsub.s32 v0, v2  }
0x1d4: {  	[tilespmem:s9+$0x910] =	vst v0;
	v0 =	vsub.s32 v1, v3  }
0x1d5: {  	s8 =	simm.s32 $0x0;
	[tilespmem:s16+$0x910] =	vst v0  }
0x1d6: {  	v0 =	vld [tilespmem:s8+$0x90]  }
0x1d7: {  	v1 =	vld [tilespmem:s8+$0x8F]  }
0x1d8: {  	v2 =	vld [tilespmem:s8+$0x8E];
	_ =	sdelay $0x2  }
0x1d9: {  	s9 =	simm.s32 $0x10  }
0x1da: {  	v3 =	vld [tilespmem:s9+$0x90];
	v0 =	vmul.u32 $0x1B3D2EA1, v0;
	v1 =	vmul.u32 $0x1CDB25E7, v1  }
0x1db: {  	v4 =	vld [tilespmem:s9+$0x8F];
	v2 =	vmul.u32 $0x6229393B, v2  }
0x1dc: {  	v5 =	vld [tilespmem:s9+$0x8E];
	v0 =	vadd.s32 v0, v1  }
0x1dd: {  	v6 =	vadd.s32 v2, v0  }
0x1de: {  	v0 =	vshrl.u32 v6, $0x5  }
0x1df: {  	v0 =	vmulhi.u32 $0xA7C5AC5, v0  }
0x1e0: {  	s16 =	simm.s32 $0x20;
	v2 =	vmul.u32 $0x1B3D2EA1, v3;
	v3 =	vmul.u32 $0x1CDB25E7, v4  }
0x1e1: {  	v1 =	vld [tilespmem:s16+$0x90];
	v4 =	vmul.u32 $0x6229393B, v5;
	v0 =	vshrl.u32 v0, $0x7  }
0x1e2: {  	v3 =	vadd.s32 v2, v3;
	v2 =	vld [tilespmem:s16+$0x8F];
	v7 =	vmul.u32 $0x186A0, v0  }
0x1e3: {  	v0 =	vadd.s32 v4, v3;
	v3 =	vld [tilespmem:s16+$0x8E]  }
0x1e4: {  	s26 =	simm.s32 $0xC0;
	s25 =	simm.s32 $0x0;
	s19 =	simm.s32 $0x10;
	v5 =	vshrl.u32 v0, $0x5;
	v4 =	vsub.s32 v6, v7  }
.LBB2_36:
0x1e5: {  	[tilespmem:s25+$0x990] =	vst v4;
	s25 =	smov.u32 s19  }
0x1e6: {  	v5 =	vmulhi.u32 $0xA7C5AC5, v5;
	s19 =	smov.u32 s16;
	s16 =	sshra.s32 s26, $0x2;
	p1 =	sne.s32 s26, $0x1C0  }
.Ltmp17:
0x1e7: {  	s26 =	sadd.s32 $0x40, s26;
	v4 =	vmul.u32 $0x1B3D2EA1, v1;
	v1 =	vld [tilespmem:s16+$0x90];
	v6 =	vmul.u32 $0x1CDB25E7, v2;
	(pc) =	sbr.rel @p1 .LBB2_36-.Ltmp17, $4  }
0x1e8: {  	v2 =	vld [tilespmem:s16+$0x8F];
	v7 =	vmul.u32 $0x6229393B, v3;
	v5 =	vshrl.u32 v5, $0x7  }
0x1e9: {  	v3 =	vld [tilespmem:s16+$0x8E];
	v4 =	vadd.s32 v4, v6;
	v6 =	vmul.u32 $0x186A0, v5  }
0x1ea: {  	v7 =	vadd.s32 v7, v4  }
0x1eb: {  	v5 =	vshrl.u32 v7, $0x5;
	v4 =	vsub.s32 v0, v6;
	v0 =	vmov v7  }
0x1ec: {  	_ = 	snop  }
0x1ed: {  	v1 =	vmul.u32 $0x1B3D2EA1, v1;
	v2 =	vmul.u32 $0x1CDB25E7, v2  }
0x1ee: {  	v3 =	vmul.u32 $0x6229393B, v3  }
0x1ef: {  	v1 =	vadd.s32 v1, v2  }
0x1f0: {  	v1 =	vadd.s32 v3, v1  }
0x1f1: {  	v2 =	vmulhi.u32 $0xA7C5AC5, v5;
	v3 =	vshrl.u32 v1, $0x5  }
0x1f2: {  	v3 =	vmulhi.u32 $0xA7C5AC5, v3  }
0x1f3: {  	v2 =	vshrl.u32 v2, $0x7  }
0x1f4: {  	v2 =	vmul.u32 $0x186A0, v2;
	v3 =	vshrl.u32 v3, $0x7  }
0x1f5: {  	v3 =	vmul.u32 $0x186A0, v3  }
0x1f6: {  	[tilespmem:s25+$0x990] =	vst v4;
	v0 =	vsub.s32 v0, v2  }
0x1f7: {  	[tilespmem:s19+$0x990] =	vst v0;
	v0 =	vsub.s32 v1, v3  }
0x1f8: {  	[tilespmem:s16+$0x990] =	vst v0  }
0x1f9: {  	v0 =	vld [tilespmem:s8+$0x10]  }
0x1fa: {  	v1 =	vld [tilespmem:s8+$0xF]  }
0x1fb: {  	v2 =	vld [tilespmem:s8+$0xE];
	_ =	sdelay $0x2  }
0x1fc: {  	v3 =	vld [tilespmem:s9+$0x10]  }
0x1fd: {  	v4 =	vld [tilespmem:s9+$0xF];
	v0 =	vmul.u32 $0x2B9CB3D2, v0;
	v1 =	vmul.u32 $0xE8A98175, v1  }
0x1fe: {  	v5 =	vld [tilespmem:s9+$0xE];
	v2 =	vmul.u32 $0x4FEA4A28, v2  }
0x1ff: {  	v0 =	vadd.s32 v0, v1  }
0x200: {  	v6 =	vadd.s32 v2, v0  }
0x201: {  	v0 =	vshrl.u32 v6, $0x5  }
0x202: {  	s16 =	simm.s32 $0x20;
	v2 =	vmul.u32 $0x2B9CB3D2, v3;
	v3 =	vmul.u32 $0xE8A98175, v4;
	v0 =	vmulhi.u32 $0xA7C5AC5, v0  }
0x203: {  	v1 =	vld [tilespmem:s16+$0x10];
	v4 =	vmul.u32 $0x4FEA4A28, v5  }
0x204: {  	v3 =	vadd.s32 v2, v3;
	v2 =	vld [tilespmem:s16+$0xF];
	v0 =	vshrl.u32 v0, $0x7  }
0x205: {  	v7 =	vmul.u32 $0x186A0, v0;
	v0 =	vadd.s32 v4, v3;
	v3 =	vld [tilespmem:s16+$0xE];
	_ =	sdelay $0x1  }
0x206: {  	s19 =	simm.s32 $0xC0;
	v5 =	vshrl.u32 v0, $0x5;
	v4 =	vsub.s32 v6, v7  }
.LBB2_38:
0x207: {  	s25 =	sshra.s32 s19, $0x2;
	v5 =	vmulhi.u32 $0xA7C5AC5, v5;
	[tilespmem:s8+$0xA10] =	vst v4;
	s8 =	smov.u32 s9;
	p1 =	sne.s32 s19, $0x1C0  }
.Ltmp18:
0x208: {  	s19 =	sadd.s32 $0x40, s19;
	v4 =	vmul.u32 $0x2B9CB3D2, v1;
	v1 =	vld [tilespmem:s25+$0x10];
	v6 =	vmul.u32 $0xE8A98175, v2;
	(pc) =	sbr.rel @p1 .LBB2_38-.Ltmp18, $4  }
0x209: {  	s9 =	smov.u32 s16;
	s16 =	smov.u32 s25;
	v2 =	vld [tilespmem:s25+$0xF];
	v7 =	vmul.u32 $0x4FEA4A28, v3;
	v5 =	vshrl.u32 v5, $0x7  }
0x20a: {  	v3 =	vld [tilespmem:s16+$0xE];
	v4 =	vadd.s32 v4, v6;
	v6 =	vmul.u32 $0x186A0, v5  }
0x20b: {  	v7 =	vadd.s32 v7, v4  }
0x20c: {  	v5 =	vshrl.u32 v7, $0x5;
	v4 =	vsub.s32 v0, v6;
	v0 =	vmov v7  }
0x20d: {  	_ = 	snop  }
0x20e: {  	v1 =	vmul.u32 $0x2B9CB3D2, v1;
	v2 =	vmul.u32 $0xE8A98175, v2  }
0x20f: {  	v3 =	vmul.u32 $0x4FEA4A28, v3  }
0x210: {  	v1 =	vadd.s32 v1, v2  }
0x211: {  	v1 =	vadd.s32 v3, v1  }
0x212: {  	v2 =	vmulhi.u32 $0xA7C5AC5, v5;
	v3 =	vshrl.u32 v1, $0x5  }
0x213: {  	v3 =	vmulhi.u32 $0xA7C5AC5, v3  }
0x214: {  	v2 =	vshrl.u32 v2, $0x7  }
0x215: {  	v2 =	vmul.u32 $0x186A0, v2;
	v3 =	vshrl.u32 v3, $0x7  }
0x216: {  	v3 =	vmul.u32 $0x186A0, v3  }
0x217: {  	[tilespmem:s8+$0xA10] =	vst v4;
	v0 =	vsub.s32 v0, v2  }
0x218: {  	[tilespmem:s9+$0xA10] =	vst v0;
	v0 =	vsub.s32 v1, v3  }
0x219: {  	s8 =	simm.s32 $0x0;
	[tilespmem:s16+$0xA10] =	vst v0  }
0x21a: {  	v0 =	vld [tilespmem:s8+$0x90]  }
0x21b: {  	v1 =	vld [tilespmem:s8+$0x8F]  }
0x21c: {  	v2 =	vld [tilespmem:s8+$0x8E];
	_ =	sdelay $0x2  }
0x21d: {  	s9 =	simm.s32 $0x10  }
0x21e: {  	v3 =	vld [tilespmem:s9+$0x90];
	v0 =	vmul.u32 $0x2B9CB3D2, v0;
	v1 =	vmul.u32 $0xE8A98175, v1  }
0x21f: {  	v4 =	vld [tilespmem:s9+$0x8F];
	v2 =	vmul.u32 $0x4FEA4A28, v2  }
0x220: {  	v5 =	vld [tilespmem:s9+$0x8E];
	v0 =	vadd.s32 v0, v1  }
0x221: {  	v6 =	vadd.s32 v2, v0  }
0x222: {  	v0 =	vshrl.u32 v6, $0x5  }
0x223: {  	v0 =	vmulhi.u32 $0xA7C5AC5, v0  }
0x224: {  	s16 =	simm.s32 $0x20;
	v2 =	vmul.u32 $0x2B9CB3D2, v3;
	v3 =	vmul.u32 $0xE8A98175, v4  }
0x225: {  	v1 =	vld [tilespmem:s16+$0x90];
	v4 =	vmul.u32 $0x4FEA4A28, v5;
	v0 =	vshrl.u32 v0, $0x7  }
0x226: {  	v3 =	vadd.s32 v2, v3;
	v2 =	vld [tilespmem:s16+$0x8F];
	v7 =	vmul.u32 $0x186A0, v0  }
0x227: {  	v0 =	vadd.s32 v4, v3;
	v3 =	vld [tilespmem:s16+$0x8E]  }
0x228: {  	s26 =	simm.s32 $0xC0;
	s25 =	simm.s32 $0x0;
	s19 =	simm.s32 $0x10;
	v5 =	vshrl.u32 v0, $0x5;
	v4 =	vsub.s32 v6, v7  }
.LBB2_40:
0x229: {  	[tilespmem:s25+$0xA90] =	vst v4;
	s25 =	smov.u32 s19  }
0x22a: {  	v5 =	vmulhi.u32 $0xA7C5AC5, v5;
	s19 =	smov.u32 s16;
	s16 =	sshra.s32 s26, $0x2;
	p1 =	sne.s32 s26, $0x1C0  }
.Ltmp19:
0x22b: {  	s26 =	sadd.s32 $0x40, s26;
	v4 =	vmul.u32 $0x2B9CB3D2, v1;
	v1 =	vld [tilespmem:s16+$0x90];
	v6 =	vmul.u32 $0xE8A98175, v2;
	(pc) =	sbr.rel @p1 .LBB2_40-.Ltmp19, $4  }
0x22c: {  	v2 =	vld [tilespmem:s16+$0x8F];
	v7 =	vmul.u32 $0x4FEA4A28, v3;
	v5 =	vshrl.u32 v5, $0x7  }
0x22d: {  	v3 =	vld [tilespmem:s16+$0x8E];
	v4 =	vadd.s32 v4, v6;
	v6 =	vmul.u32 $0x186A0, v5  }
0x22e: {  	v7 =	vadd.s32 v7, v4  }
0x22f: {  	v5 =	vshrl.u32 v7, $0x5;
	v4 =	vsub.s32 v0, v6;
	v0 =	vmov v7  }
0x230: {  	_ = 	snop  }
0x231: {  	v1 =	vmul.u32 $0x2B9CB3D2, v1;
	v2 =	vmul.u32 $0xE8A98175, v2  }
0x232: {  	v3 =	vmul.u32 $0x4FEA4A28, v3  }
0x233: {  	v1 =	vadd.s32 v1, v2  }
0x234: {  	v1 =	vadd.s32 v3, v1  }
0x235: {  	v2 =	vmulhi.u32 $0xA7C5AC5, v5;
	v3 =	vshrl.u32 v1, $0x5  }
0x236: {  	v3 =	vmulhi.u32 $0xA7C5AC5, v3  }
0x237: {  	v2 =	vshrl.u32 v2, $0x7  }
0x238: {  	v2 =	vmul.u32 $0x186A0, v2;
	v3 =	vshrl.u32 v3, $0x7  }
0x239: {  	v3 =	vmul.u32 $0x186A0, v3  }
0x23a: {  	[tilespmem:s25+$0xA90] =	vst v4;
	v0 =	vsub.s32 v0, v2  }
0x23b: {  	[tilespmem:s19+$0xA90] =	vst v0;
	v0 =	vsub.s32 v1, v3  }
0x23c: {  	[tilespmem:s16+$0xA90] =	vst v0  }
0x23d: {  	v0 =	vld [tilespmem:s8+$0x10]  }
0x23e: {  	v1 =	vld [tilespmem:s8+$0xF]  }
0x23f: {  	v2 =	vld [tilespmem:s8+$0xE];
	_ =	sdelay $0x2  }
0x240: {  	v3 =	vld [tilespmem:s9+$0x10]  }
0x241: {  	v4 =	vld [tilespmem:s9+$0xF];
	v0 =	vmul.u32 $0x85A50F18, v0;
	v1 =	vmul.u32 $0x9C8FA3CD, v1  }
0x242: {  	v5 =	vld [tilespmem:s9+$0xE];
	v2 =	vmul.u32 $0x116B5E59, v2  }
0x243: {  	v0 =	vadd.s32 v0, v1  }
0x244: {  	v6 =	vadd.s32 v2, v0  }
0x245: {  	v0 =	vshrl.u32 v6, $0x5  }
0x246: {  	s16 =	simm.s32 $0x20;
	v2 =	vmul.u32 $0x85A50F18, v3;
	v3 =	vmul.u32 $0x9C8FA3CD, v4;
	v0 =	vmulhi.u32 $0xA7C5AC5, v0  }
0x247: {  	v1 =	vld [tilespmem:s16+$0x10];
	v4 =	vmul.u32 $0x116B5E59, v5  }
0x248: {  	v3 =	vadd.s32 v2, v3;
	v2 =	vld [tilespmem:s16+$0xF];
	v0 =	vshrl.u32 v0, $0x7  }
0x249: {  	v7 =	vmul.u32 $0x186A0, v0;
	v0 =	vadd.s32 v4, v3;
	v3 =	vld [tilespmem:s16+$0xE];
	_ =	sdelay $0x1  }
0x24a: {  	s19 =	simm.s32 $0xC0;
	v5 =	vshrl.u32 v0, $0x5;
	v4 =	vsub.s32 v6, v7  }
.LBB2_42:
0x24b: {  	s25 =	sshra.s32 s19, $0x2;
	v5 =	vmulhi.u32 $0xA7C5AC5, v5;
	[tilespmem:s8+$0xB10] =	vst v4;
	s8 =	smov.u32 s9;
	p1 =	sne.s32 s19, $0x1C0  }
.Ltmp20:
0x24c: {  	s19 =	sadd.s32 $0x40, s19;
	v4 =	vmul.u32 $0x85A50F18, v1;
	v1 =	vld [tilespmem:s25+$0x10];
	v6 =	vmul.u32 $0x9C8FA3CD, v2;
	(pc) =	sbr.rel @p1 .LBB2_42-.Ltmp20, $4  }
0x24d: {  	s9 =	smov.u32 s16;
	s16 =	smov.u32 s25;
	v2 =	vld [tilespmem:s25+$0xF];
	v7 =	vmul.u32 $0x116B5E59, v3;
	v5 =	vshrl.u32 v5, $0x7  }
0x24e: {  	v3 =	vld [tilespmem:s16+$0xE];
	v4 =	vadd.s32 v4, v6;
	v6 =	vmul.u32 $0x186A0, v5  }
0x24f: {  	v7 =	vadd.s32 v7, v4  }
0x250: {  	v5 =	vshrl.u32 v7, $0x5;
	v4 =	vsub.s32 v0, v6;
	v0 =	vmov v7  }
0x251: {  	_ = 	snop  }
0x252: {  	v1 =	vmul.u32 $0x85A50F18, v1;
	v2 =	vmul.u32 $0x9C8FA3CD, v2  }
0x253: {  	v3 =	vmul.u32 $0x116B5E59, v3  }
0x254: {  	v1 =	vadd.s32 v1, v2  }
0x255: {  	v1 =	vadd.s32 v3, v1  }
0x256: {  	v2 =	vmulhi.u32 $0xA7C5AC5, v5;
	v3 =	vshrl.u32 v1, $0x5  }
0x257: {  	v3 =	vmulhi.u32 $0xA7C5AC5, v3  }
0x258: {  	v2 =	vshrl.u32 v2, $0x7  }
0x259: {  	v2 =	vmul.u32 $0x186A0, v2;
	v3 =	vshrl.u32 v3, $0x7  }
0x25a: {  	v3 =	vmul.u32 $0x186A0, v3  }
0x25b: {  	[tilespmem:s8+$0xB10] =	vst v4;
	v0 =	vsub.s32 v0, v2  }
0x25c: {  	[tilespmem:s9+$0xB10] =	vst v0;
	v0 =	vsub.s32 v1, v3  }
0x25d: {  	s8 =	simm.s32 $0x0;
	[tilespmem:s16+$0xB10] =	vst v0  }
0x25e: {  	v0 =	vld [tilespmem:s8+$0x90]  }
0x25f: {  	v1 =	vld [tilespmem:s8+$0x8F]  }
0x260: {  	v2 =	vld [tilespmem:s8+$0x8E];
	_ =	sdelay $0x2  }
0x261: {  	s9 =	simm.s32 $0x10  }
0x262: {  	v3 =	vld [tilespmem:s9+$0x90];
	v0 =	vmul.u32 $0x85A50F18, v0;
	v1 =	vmul.u32 $0x9C8FA3CD, v1  }
0x263: {  	v4 =	vld [tilespmem:s9+$0x8F];
	v2 =	vmul.u32 $0x116B5E59, v2  }
0x264: {  	v5 =	vld [tilespmem:s9+$0x8E];
	v0 =	vadd.s32 v0, v1  }
0x265: {  	v6 =	vadd.s32 v2, v0  }
0x266: {  	v0 =	vshrl.u32 v6, $0x5  }
0x267: {  	v0 =	vmulhi.u32 $0xA7C5AC5, v0  }
0x268: {  	s16 =	simm.s32 $0x20;
	v2 =	vmul.u32 $0x85A50F18, v3;
	v3 =	vmul.u32 $0x9C8FA3CD, v4  }
0x269: {  	v1 =	vld [tilespmem:s16+$0x90];
	v4 =	vmul.u32 $0x116B5E59, v5;
	v0 =	vshrl.u32 v0, $0x7  }
0x26a: {  	v3 =	vadd.s32 v2, v3;
	v2 =	vld [tilespmem:s16+$0x8F];
	v7 =	vmul.u32 $0x186A0, v0  }
0x26b: {  	v0 =	vadd.s32 v4, v3;
	v3 =	vld [tilespmem:s16+$0x8E]  }
0x26c: {  	s26 =	simm.s32 $0xC0;
	s25 =	simm.s32 $0x0;
	s19 =	simm.s32 $0x10;
	v5 =	vshrl.u32 v0, $0x5;
	v4 =	vsub.s32 v6, v7  }
.LBB2_44:
0x26d: {  	[tilespmem:s25+$0xB90] =	vst v4;
	s25 =	smov.u32 s19  }
0x26e: {  	v5 =	vmulhi.u32 $0xA7C5AC5, v5;
	s19 =	smov.u32 s16;
	s16 =	sshra.s32 s26, $0x2;
	p1 =	sne.s32 s26, $0x1C0  }
.Ltmp21:
0x26f: {  	s26 =	sadd.s32 $0x40, s26;
	v4 =	vmul.u32 $0x85A50F18, v1;
	v1 =	vld [tilespmem:s16+$0x90];
	v6 =	vmul.u32 $0x9C8FA3CD, v2;
	(pc) =	sbr.rel @p1 .LBB2_44-.Ltmp21, $4  }
0x270: {  	v2 =	vld [tilespmem:s16+$0x8F];
	v7 =	vmul.u32 $0x116B5E59, v3;
	v5 =	vshrl.u32 v5, $0x7  }
0x271: {  	v3 =	vld [tilespmem:s16+$0x8E];
	v4 =	vadd.s32 v4, v6;
	v6 =	vmul.u32 $0x186A0, v5  }
0x272: {  	v7 =	vadd.s32 v7, v4  }
0x273: {  	v5 =	vshrl.u32 v7, $0x5;
	v4 =	vsub.s32 v0, v6;
	v0 =	vmov v7  }
0x274: {  	_ = 	snop  }
0x275: {  	v1 =	vmul.u32 $0x85A50F18, v1;
	v2 =	vmul.u32 $0x9C8FA3CD, v2  }
0x276: {  	v3 =	vmul.u32 $0x116B5E59, v3  }
0x277: {  	v1 =	vadd.s32 v1, v2  }
0x278: {  	v1 =	vadd.s32 v3, v1  }
0x279: {  	v2 =	vmulhi.u32 $0xA7C5AC5, v5;
	v3 =	vshrl.u32 v1, $0x5  }
0x27a: {  	v3 =	vmulhi.u32 $0xA7C5AC5, v3  }
0x27b: {  	v2 =	vshrl.u32 v2, $0x7  }
0x27c: {  	v2 =	vmul.u32 $0x186A0, v2;
	v3 =	vshrl.u32 v3, $0x7  }
0x27d: {  	v3 =	vmul.u32 $0x186A0, v3  }
0x27e: {  	[tilespmem:s25+$0xB90] =	vst v4;
	v0 =	vsub.s32 v0, v2  }
0x27f: {  	[tilespmem:s19+$0xB90] =	vst v0;
	v0 =	vsub.s32 v1, v3  }
0x280: {  	[tilespmem:s16+$0xB90] =	vst v0  }
0x281: {  	v0 =	vld [tilespmem:s8+$0x10]  }
0x282: {  	v1 =	vld [tilespmem:s8+$0xF]  }
0x283: {  	v2 =	vld [tilespmem:s8+$0xE];
	_ =	sdelay $0x2  }
0x284: {  	v3 =	vld [tilespmem:s9+$0x10]  }
0x285: {  	v4 =	vld [tilespmem:s9+$0xF];
	v0 =	vmul.u32 $0xD830D8E2, v0;
	v1 =	vmul.u32 $0xE9062972, v1  }
0x286: {  	v5 =	vld [tilespmem:s9+$0xE];
	v2 =	vmul.u32 $0x5609421A, v2  }
0x287: {  	v0 =	vadd.s32 v0, v1  }
0x288: {  	v6 =	vadd.s32 v2, v0  }
0x289: {  	v0 =	vshrl.u32 v6, $0x5  }
0x28a: {  	s16 =	simm.s32 $0x20;
	v2 =	vmul.u32 $0xD830D8E2, v3;
	v3 =	vmul.u32 $0xE9062972, v4;
	v0 =	vmulhi.u32 $0xA7C5AC5, v0  }
0x28b: {  	v1 =	vld [tilespmem:s16+$0x10];
	v4 =	vmul.u32 $0x5609421A, v5  }
0x28c: {  	v3 =	vadd.s32 v2, v3;
	v2 =	vld [tilespmem:s16+$0xF];
	v0 =	vshrl.u32 v0, $0x7  }
0x28d: {  	v7 =	vmul.u32 $0x186A0, v0;
	v0 =	vadd.s32 v4, v3;
	v3 =	vld [tilespmem:s16+$0xE];
	_ =	sdelay $0x1  }
0x28e: {  	s19 =	simm.s32 $0xC0;
	v5 =	vshrl.u32 v0, $0x5;
	v4 =	vsub.s32 v6, v7  }
.LBB2_46:
0x28f: {  	s25 =	sshra.s32 s19, $0x2;
	v5 =	vmulhi.u32 $0xA7C5AC5, v5;
	[tilespmem:s8+$0xC10] =	vst v4;
	s8 =	smov.u32 s9;
	p1 =	sne.s32 s19, $0x1C0  }
.Ltmp22:
0x290: {  	s19 =	sadd.s32 $0x40, s19;
	v4 =	vmul.u32 $0xD830D8E2, v1;
	v1 =	vld [tilespmem:s25+$0x10];
	v6 =	vmul.u32 $0xE9062972, v2;
	(pc) =	sbr.rel @p1 .LBB2_46-.Ltmp22, $4  }
0x291: {  	s9 =	smov.u32 s16;
	s16 =	smov.u32 s25;
	v2 =	vld [tilespmem:s25+$0xF];
	v7 =	vmul.u32 $0x5609421A, v3;
	v5 =	vshrl.u32 v5, $0x7  }
0x292: {  	v3 =	vld [tilespmem:s16+$0xE];
	v4 =	vadd.s32 v4, v6;
	v6 =	vmul.u32 $0x186A0, v5  }
0x293: {  	v7 =	vadd.s32 v7, v4  }
0x294: {  	v5 =	vshrl.u32 v7, $0x5;
	v4 =	vsub.s32 v0, v6;
	v0 =	vmov v7  }
0x295: {  	_ = 	snop  }
0x296: {  	v1 =	vmul.u32 $0xD830D8E2, v1;
	v2 =	vmul.u32 $0xE9062972, v2  }
0x297: {  	v3 =	vmul.u32 $0x5609421A, v3  }
0x298: {  	v1 =	vadd.s32 v1, v2  }
0x299: {  	v1 =	vadd.s32 v3, v1  }
0x29a: {  	v2 =	vmulhi.u32 $0xA7C5AC5, v5;
	v3 =	vshrl.u32 v1, $0x5  }
0x29b: {  	v3 =	vmulhi.u32 $0xA7C5AC5, v3  }
0x29c: {  	v2 =	vshrl.u32 v2, $0x7  }
0x29d: {  	v2 =	vmul.u32 $0x186A0, v2;
	v3 =	vshrl.u32 v3, $0x7  }
0x29e: {  	v3 =	vmul.u32 $0x186A0, v3  }
0x29f: {  	[tilespmem:s8+$0xC10] =	vst v4;
	v0 =	vsub.s32 v0, v2  }
0x2a0: {  	[tilespmem:s9+$0xC10] =	vst v0;
	v0 =	vsub.s32 v1, v3  }
0x2a1: {  	s8 =	simm.s32 $0x0;
	[tilespmem:s16+$0xC10] =	vst v0  }
0x2a2: {  	v0 =	vld [tilespmem:s8+$0x90]  }
0x2a3: {  	v1 =	vld [tilespmem:s8+$0x8F]  }
0x2a4: {  	v2 =	vld [tilespmem:s8+$0x8E];
	_ =	sdelay $0x2  }
0x2a5: {  	s9 =	simm.s32 $0x10  }
0x2a6: {  	v3 =	vld [tilespmem:s9+$0x90];
	v0 =	vmul.u32 $0xD830D8E2, v0;
	v1 =	vmul.u32 $0xE9062972, v1  }
0x2a7: {  	v4 =	vld [tilespmem:s9+$0x8F];
	v2 =	vmul.u32 $0x5609421A, v2  }
0x2a8: {  	v5 =	vld [tilespmem:s9+$0x8E];
	v0 =	vadd.s32 v0, v1  }
0x2a9: {  	v6 =	vadd.s32 v2, v0  }
0x2aa: {  	v0 =	vshrl.u32 v6, $0x5  }
0x2ab: {  	v0 =	vmulhi.u32 $0xA7C5AC5, v0  }
0x2ac: {  	s16 =	simm.s32 $0x20;
	v2 =	vmul.u32 $0xD830D8E2, v3;
	v3 =	vmul.u32 $0xE9062972, v4  }
0x2ad: {  	v1 =	vld [tilespmem:s16+$0x90];
	v4 =	vmul.u32 $0x5609421A, v5;
	v0 =	vshrl.u32 v0, $0x7  }
0x2ae: {  	v3 =	vadd.s32 v2, v3;
	v2 =	vld [tilespmem:s16+$0x8F];
	v7 =	vmul.u32 $0x186A0, v0  }
0x2af: {  	v0 =	vadd.s32 v4, v3;
	v3 =	vld [tilespmem:s16+$0x8E]  }
0x2b0: {  	s26 =	simm.s32 $0xC0;
	s25 =	simm.s32 $0x0;
	s19 =	simm.s32 $0x10;
	v5 =	vshrl.u32 v0, $0x5;
	v4 =	vsub.s32 v6, v7  }
.LBB2_48:
0x2b1: {  	[tilespmem:s25+$0xC90] =	vst v4;
	s25 =	smov.u32 s19  }
0x2b2: {  	v5 =	vmulhi.u32 $0xA7C5AC5, v5;
	s19 =	smov.u32 s16;
	s16 =	sshra.s32 s26, $0x2;
	p1 =	sne.s32 s26, $0x1C0  }
.Ltmp23:
0x2b3: {  	s26 =	sadd.s32 $0x40, s26;
	v4 =	vmul.u32 $0xD830D8E2, v1;
	v1 =	vld [tilespmem:s16+$0x90];
	v6 =	vmul.u32 $0xE9062972, v2;
	(pc) =	sbr.rel @p1 .LBB2_48-.Ltmp23, $4  }
0x2b4: {  	v2 =	vld [tilespmem:s16+$0x8F];
	v7 =	vmul.u32 $0x5609421A, v3;
	v5 =	vshrl.u32 v5, $0x7  }
0x2b5: {  	v3 =	vld [tilespmem:s16+$0x8E];
	v4 =	vadd.s32 v4, v6;
	v6 =	vmul.u32 $0x186A0, v5  }
0x2b6: {  	v7 =	vadd.s32 v7, v4  }
0x2b7: {  	v5 =	vshrl.u32 v7, $0x5;
	v4 =	vsub.s32 v0, v6;
	v0 =	vmov v7  }
0x2b8: {  	_ = 	snop  }
0x2b9: {  	v1 =	vmul.u32 $0xD830D8E2, v1;
	v2 =	vmul.u32 $0xE9062972, v2  }
0x2ba: {  	v3 =	vmul.u32 $0x5609421A, v3  }
0x2bb: {  	v1 =	vadd.s32 v1, v2  }
0x2bc: {  	v1 =	vadd.s32 v3, v1  }
0x2bd: {  	v2 =	vmulhi.u32 $0xA7C5AC5, v5;
	v3 =	vshrl.u32 v1, $0x5  }
0x2be: {  	v3 =	vmulhi.u32 $0xA7C5AC5, v3  }
0x2bf: {  	v2 =	vshrl.u32 v2, $0x7  }
0x2c0: {  	v2 =	vmul.u32 $0x186A0, v2;
	v3 =	vshrl.u32 v3, $0x7  }
0x2c1: {  	v3 =	vmul.u32 $0x186A0, v3  }
0x2c2: {  	[tilespmem:s25+$0xC90] =	vst v4;
	v0 =	vsub.s32 v0, v2  }
0x2c3: {  	[tilespmem:s19+$0xC90] =	vst v0;
	v0 =	vsub.s32 v1, v3  }
0x2c4: {  	[tilespmem:s16+$0xC90] =	vst v0  }
0x2c5: {  	v0 =	vld [tilespmem:s8+$0x10]  }
0x2c6: {  	v1 =	vld [tilespmem:s8+$0xF]  }
0x2c7: {  	v2 =	vld [tilespmem:s8+$0xE];
	_ =	sdelay $0x2  }
0x2c8: {  	v3 =	vld [tilespmem:s9+$0x10]  }
0x2c9: {  	v4 =	vld [tilespmem:s9+$0xF];
	v0 =	vmul.u32 $0xB62F42BE, v0;
	v1 =	vmul.u32 $0x2C8EAD1B, v1  }
0x2ca: {  	v5 =	vld [tilespmem:s9+$0xE];
	v2 =	vmul.u32 $0x164E1B0A, v2  }
0x2cb: {  	v0 =	vadd.s32 v0, v1  }
0x2cc: {  	v6 =	vadd.s32 v2, v0  }
0x2cd: {  	v0 =	vshrl.u32 v6, $0x5  }
0x2ce: {  	s16 =	simm.s32 $0x20;
	v2 =	vmul.u32 $0xB62F42BE, v3;
	v3 =	vmul.u32 $0x2C8EAD1B, v4;
	v0 =	vmulhi.u32 $0xA7C5AC5, v0  }
0x2cf: {  	v1 =	vld [tilespmem:s16+$0x10];
	v4 =	vmul.u32 $0x164E1B0A, v5  }
0x2d0: {  	v3 =	vadd.s32 v2, v3;
	v2 =	vld [tilespmem:s16+$0xF];
	v0 =	vshrl.u32 v0, $0x7  }
0x2d1: {  	v7 =	vmul.u32 $0x186A0, v0;
	v0 =	vadd.s32 v4, v3;
	v3 =	vld [tilespmem:s16+$0xE];
	_ =	sdelay $0x1  }
0x2d2: {  	s19 =	simm.s32 $0xC0;
	v5 =	vshrl.u32 v0, $0x5;
	v4 =	vsub.s32 v6, v7  }
.LBB2_50:
0x2d3: {  	s25 =	sshra.s32 s19, $0x2;
	v5 =	vmulhi.u32 $0xA7C5AC5, v5;
	[tilespmem:s8+$0xD10] =	vst v4;
	s8 =	smov.u32 s9;
	p1 =	sne.s32 s19, $0x1C0  }
.Ltmp24:
0x2d4: {  	s19 =	sadd.s32 $0x40, s19;
	v4 =	vmul.u32 $0xB62F42BE, v1;
	v1 =	vld [tilespmem:s25+$0x10];
	v6 =	vmul.u32 $0x2C8EAD1B, v2;
	(pc) =	sbr.rel @p1 .LBB2_50-.Ltmp24, $4  }
0x2d5: {  	s9 =	smov.u32 s16;
	s16 =	smov.u32 s25;
	v2 =	vld [tilespmem:s25+$0xF];
	v7 =	vmul.u32 $0x164E1B0A, v3;
	v5 =	vshrl.u32 v5, $0x7  }
0x2d6: {  	v3 =	vld [tilespmem:s16+$0xE];
	v4 =	vadd.s32 v4, v6;
	v6 =	vmul.u32 $0x186A0, v5  }
0x2d7: {  	v7 =	vadd.s32 v7, v4  }
0x2d8: {  	v5 =	vshrl.u32 v7, $0x5;
	v4 =	vsub.s32 v0, v6;
	v0 =	vmov v7  }
0x2d9: {  	_ = 	snop  }
0x2da: {  	v1 =	vmul.u32 $0xB62F42BE, v1;
	v2 =	vmul.u32 $0x2C8EAD1B, v2  }
0x2db: {  	v3 =	vmul.u32 $0x164E1B0A, v3  }
0x2dc: {  	v1 =	vadd.s32 v1, v2  }
0x2dd: {  	v1 =	vadd.s32 v3, v1  }
0x2de: {  	v2 =	vmulhi.u32 $0xA7C5AC5, v5;
	v3 =	vshrl.u32 v1, $0x5  }
0x2df: {  	v3 =	vmulhi.u32 $0xA7C5AC5, v3  }
0x2e0: {  	v2 =	vshrl.u32 v2, $0x7  }
0x2e1: {  	v2 =	vmul.u32 $0x186A0, v2;
	v3 =	vshrl.u32 v3, $0x7  }
0x2e2: {  	v3 =	vmul.u32 $0x186A0, v3  }
0x2e3: {  	[tilespmem:s8+$0xD10] =	vst v4;
	v0 =	vsub.s32 v0, v2  }
0x2e4: {  	[tilespmem:s9+$0xD10] =	vst v0;
	v0 =	vsub.s32 v1, v3  }
0x2e5: {  	s8 =	simm.s32 $0x0;
	[tilespmem:s16+$0xD10] =	vst v0  }
0x2e6: {  	v0 =	vld [tilespmem:s8+$0x90]  }
0x2e7: {  	v1 =	vld [tilespmem:s8+$0x8F]  }
0x2e8: {  	v2 =	vld [tilespmem:s8+$0x8E];
	_ =	sdelay $0x2  }
0x2e9: {  	s9 =	simm.s32 $0x10  }
0x2ea: {  	v3 =	vld [tilespmem:s9+$0x90];
	v0 =	vmul.u32 $0xB62F42BE, v0;
	v1 =	vmul.u32 $0x2C8EAD1B, v1  }
0x2eb: {  	v4 =	vld [tilespmem:s9+$0x8F];
	v2 =	vmul.u32 $0x164E1B0A, v2  }
0x2ec: {  	v5 =	vld [tilespmem:s9+$0x8E];
	v0 =	vadd.s32 v0, v1  }
0x2ed: {  	v6 =	vadd.s32 v2, v0  }
0x2ee: {  	v0 =	vshrl.u32 v6, $0x5  }
0x2ef: {  	v0 =	vmulhi.u32 $0xA7C5AC5, v0  }
0x2f0: {  	s16 =	simm.s32 $0x20;
	v2 =	vmul.u32 $0xB62F42BE, v3;
	v3 =	vmul.u32 $0x2C8EAD1B, v4  }
0x2f1: {  	v1 =	vld [tilespmem:s16+$0x90];
	v4 =	vmul.u32 $0x164E1B0A, v5;
	v0 =	vshrl.u32 v0, $0x7  }
0x2f2: {  	v3 =	vadd.s32 v2, v3;
	v2 =	vld [tilespmem:s16+$0x8F];
	v7 =	vmul.u32 $0x186A0, v0  }
0x2f3: {  	v0 =	vadd.s32 v4, v3;
	v3 =	vld [tilespmem:s16+$0x8E]  }
0x2f4: {  	s26 =	simm.s32 $0xC0;
	s25 =	simm.s32 $0x0;
	s19 =	simm.s32 $0x10;
	v5 =	vshrl.u32 v0, $0x5;
	v4 =	vsub.s32 v6, v7  }
.LBB2_52:
0x2f5: {  	[tilespmem:s25+$0xD90] =	vst v4;
	s25 =	smov.u32 s19  }
0x2f6: {  	v5 =	vmulhi.u32 $0xA7C5AC5, v5;
	s19 =	smov.u32 s16;
	s16 =	sshra.s32 s26, $0x2;
	p1 =	sne.s32 s26, $0x1C0  }
.Ltmp25:
0x2f7: {  	s26 =	sadd.s32 $0x40, s26;
	v4 =	vmul.u32 $0xB62F42BE, v1;
	v1 =	vld [tilespmem:s16+$0x90];
	v6 =	vmul.u32 $0x2C8EAD1B, v2;
	(pc) =	sbr.rel @p1 .LBB2_52-.Ltmp25, $4  }
0x2f8: {  	v2 =	vld [tilespmem:s16+$0x8F];
	v7 =	vmul.u32 $0x164E1B0A, v3;
	v5 =	vshrl.u32 v5, $0x7  }
0x2f9: {  	v3 =	vld [tilespmem:s16+$0x8E];
	v4 =	vadd.s32 v4, v6;
	v6 =	vmul.u32 $0x186A0, v5  }
0x2fa: {  	v7 =	vadd.s32 v7, v4  }
0x2fb: {  	v5 =	vshrl.u32 v7, $0x5;
	v4 =	vsub.s32 v0, v6;
	v0 =	vmov v7  }
0x2fc: {  	_ = 	snop  }
0x2fd: {  	v1 =	vmul.u32 $0xB62F42BE, v1;
	v2 =	vmul.u32 $0x2C8EAD1B, v2  }
0x2fe: {  	v3 =	vmul.u32 $0x164E1B0A, v3  }
0x2ff: {  	v1 =	vadd.s32 v1, v2  }
0x300: {  	v1 =	vadd.s32 v3, v1  }
0x301: {  	v2 =	vmulhi.u32 $0xA7C5AC5, v5;
	v3 =	vshrl.u32 v1, $0x5  }
0x302: {  	v3 =	vmulhi.u32 $0xA7C5AC5, v3  }
0x303: {  	v2 =	vshrl.u32 v2, $0x7  }
0x304: {  	v2 =	vmul.u32 $0x186A0, v2;
	v3 =	vshrl.u32 v3, $0x7  }
0x305: {  	v3 =	vmul.u32 $0x186A0, v3  }
0x306: {  	[tilespmem:s25+$0xD90] =	vst v4;
	v0 =	vsub.s32 v0, v2  }
0x307: {  	[tilespmem:s19+$0xD90] =	vst v0;
	v0 =	vsub.s32 v1, v3  }
0x308: {  	[tilespmem:s16+$0xD90] =	vst v0  }
0x309: {  	v0 =	vld [tilespmem:s8+$0x10]  }
0x30a: {  	v1 =	vld [tilespmem:s8+$0xF]  }
0x30b: {  	v2 =	vld [tilespmem:s8+$0xE];
	_ =	sdelay $0x2  }
0x30c: {  	v3 =	vld [tilespmem:s9+$0x10]  }
0x30d: {  	v4 =	vld [tilespmem:s9+$0xF];
	v0 =	vmul.u32 $0x98A57FBD, v0;
	v1 =	vmul.u32 $0x75C31E5C, v1  }
0x30e: {  	v5 =	vld [tilespmem:s9+$0xE];
	v2 =	vmul.u32 $0x5E4513D1, v2  }
0x30f: {  	v0 =	vadd.s32 v0, v1  }
0x310: {  	v6 =	vadd.s32 v2, v0  }
0x311: {  	v0 =	vshrl.u32 v6, $0x5  }
0x312: {  	s16 =	simm.s32 $0x20;
	v2 =	vmul.u32 $0x98A57FBD, v3;
	v3 =	vmul.u32 $0x75C31E5C, v4;
	v0 =	vmulhi.u32 $0xA7C5AC5, v0  }
0x313: {  	v1 =	vld [tilespmem:s16+$0x10];
	v4 =	vmul.u32 $0x5E4513D1, v5  }
0x314: {  	v3 =	vadd.s32 v2, v3;
	v2 =	vld [tilespmem:s16+$0xF];
	v0 =	vshrl.u32 v0, $0x7  }
0x315: {  	v7 =	vmul.u32 $0x186A0, v0;
	v0 =	vadd.s32 v4, v3;
	v3 =	vld [tilespmem:s16+$0xE];
	_ =	sdelay $0x1  }
0x316: {  	s19 =	simm.s32 $0xC0;
	v5 =	vshrl.u32 v0, $0x5;
	v4 =	vsub.s32 v6, v7  }
.LBB2_54:
0x317: {  	s25 =	sshra.s32 s19, $0x2;
	v5 =	vmulhi.u32 $0xA7C5AC5, v5;
	[tilespmem:s8+$0xE10] =	vst v4;
	s8 =	smov.u32 s9;
	p1 =	sne.s32 s19, $0x1C0  }
.Ltmp26:
0x318: {  	s19 =	sadd.s32 $0x40, s19;
	v4 =	vmul.u32 $0x98A57FBD, v1;
	v1 =	vld [tilespmem:s25+$0x10];
	v6 =	vmul.u32 $0x75C31E5C, v2;
	(pc) =	sbr.rel @p1 .LBB2_54-.Ltmp26, $4  }
0x319: {  	s9 =	smov.u32 s16;
	s16 =	smov.u32 s25;
	v2 =	vld [tilespmem:s25+$0xF];
	v7 =	vmul.u32 $0x5E4513D1, v3;
	v5 =	vshrl.u32 v5, $0x7  }
0x31a: {  	v3 =	vld [tilespmem:s16+$0xE];
	v4 =	vadd.s32 v4, v6;
	v6 =	vmul.u32 $0x186A0, v5  }
0x31b: {  	v7 =	vadd.s32 v7, v4  }
0x31c: {  	v5 =	vshrl.u32 v7, $0x5;
	v4 =	vsub.s32 v0, v6;
	v0 =	vmov v7  }
0x31d: {  	_ = 	snop  }
0x31e: {  	v1 =	vmul.u32 $0x98A57FBD, v1;
	v2 =	vmul.u32 $0x75C31E5C, v2  }
0x31f: {  	v3 =	vmul.u32 $0x5E4513D1, v3  }
0x320: {  	v1 =	vadd.s32 v1, v2  }
0x321: {  	v1 =	vadd.s32 v3, v1  }
0x322: {  	v2 =	vmulhi.u32 $0xA7C5AC5, v5;
	v3 =	vshrl.u32 v1, $0x5  }
0x323: {  	v3 =	vmulhi.u32 $0xA7C5AC5, v3  }
0x324: {  	v2 =	vshrl.u32 v2, $0x7  }
0x325: {  	v2 =	vmul.u32 $0x186A0, v2;
	v3 =	vshrl.u32 v3, $0x7  }
0x326: {  	v3 =	vmul.u32 $0x186A0, v3  }
0x327: {  	[tilespmem:s8+$0xE10] =	vst v4;
	v0 =	vsub.s32 v0, v2  }
0x328: {  	[tilespmem:s9+$0xE10] =	vst v0;
	v0 =	vsub.s32 v1, v3  }
0x329: {  	s8 =	simm.s32 $0x0;
	[tilespmem:s16+$0xE10] =	vst v0  }
0x32a: {  	v0 =	vld [tilespmem:s8+$0x90]  }
0x32b: {  	v1 =	vld [tilespmem:s8+$0x8F]  }
0x32c: {  	v2 =	vld [tilespmem:s8+$0x8E];
	_ =	sdelay $0x2  }
0x32d: {  	s9 =	simm.s32 $0x10  }
0x32e: {  	v3 =	vld [tilespmem:s9+$0x90];
	v0 =	vmul.u32 $0x98A57FBD, v0;
	v1 =	vmul.u32 $0x75C31E5C, v1  }
0x32f: {  	v4 =	vld [tilespmem:s9+$0x8F];
	v2 =	vmul.u32 $0x5E4513D1, v2  }
0x330: {  	v5 =	vld [tilespmem:s9+$0x8E];
	v0 =	vadd.s32 v0, v1  }
0x331: {  	v6 =	vadd.s32 v2, v0  }
0x332: {  	v0 =	vshrl.u32 v6, $0x5  }
0x333: {  	v0 =	vmulhi.u32 $0xA7C5AC5, v0  }
0x334: {  	s16 =	simm.s32 $0x20;
	v2 =	vmul.u32 $0x98A57FBD, v3;
	v3 =	vmul.u32 $0x75C31E5C, v4  }
0x335: {  	v1 =	vld [tilespmem:s16+$0x90];
	v4 =	vmul.u32 $0x5E4513D1, v5;
	v0 =	vshrl.u32 v0, $0x7  }
0x336: {  	v3 =	vadd.s32 v2, v3;
	v2 =	vld [tilespmem:s16+$0x8F];
	v7 =	vmul.u32 $0x186A0, v0  }
0x337: {  	v0 =	vadd.s32 v4, v3;
	v3 =	vld [tilespmem:s16+$0x8E]  }
0x338: {  	s26 =	simm.s32 $0xC0;
	s25 =	simm.s32 $0x0;
	s19 =	simm.s32 $0x10;
	v5 =	vshrl.u32 v0, $0x5;
	v4 =	vsub.s32 v6, v7  }
.LBB2_56:
0x339: {  	[tilespmem:s25+$0xE90] =	vst v4;
	s25 =	smov.u32 s19  }
0x33a: {  	v5 =	vmulhi.u32 $0xA7C5AC5, v5;
	s19 =	smov.u32 s16;
	s16 =	sshra.s32 s26, $0x2;
	p1 =	sne.s32 s26, $0x1C0  }
.Ltmp27:
0x33b: {  	s26 =	sadd.s32 $0x40, s26;
	v4 =	vmul.u32 $0x98A57FBD, v1;
	v1 =	vld [tilespmem:s16+$0x90];
	v6 =	vmul.u32 $0x75C31E5C, v2;
	(pc) =	sbr.rel @p1 .LBB2_56-.Ltmp27, $4  }
0x33c: {  	v2 =	vld [tilespmem:s16+$0x8F];
	v7 =	vmul.u32 $0x5E4513D1, v3;
	v5 =	vshrl.u32 v5, $0x7  }
0x33d: {  	v3 =	vld [tilespmem:s16+$0x8E];
	v4 =	vadd.s32 v4, v6;
	v6 =	vmul.u32 $0x186A0, v5  }
0x33e: {  	v7 =	vadd.s32 v7, v4  }
0x33f: {  	v5 =	vshrl.u32 v7, $0x5;
	v4 =	vsub.s32 v0, v6;
	v0 =	vmov v7  }
0x340: {  	_ = 	snop  }
0x341: {  	v1 =	vmul.u32 $0x98A57FBD, v1;
	v2 =	vmul.u32 $0x75C31E5C, v2  }
0x342: {  	v3 =	vmul.u32 $0x5E4513D1, v3  }
0x343: {  	v1 =	vadd.s32 v1, v2  }
0x344: {  	v1 =	vadd.s32 v3, v1  }
0x345: {  	v2 =	vmulhi.u32 $0xA7C5AC5, v5;
	v3 =	vshrl.u32 v1, $0x5  }
0x346: {  	v3 =	vmulhi.u32 $0xA7C5AC5, v3  }
0x347: {  	v2 =	vshrl.u32 v2, $0x7  }
0x348: {  	v2 =	vmul.u32 $0x186A0, v2;
	v3 =	vshrl.u32 v3, $0x7  }
0x349: {  	v3 =	vmul.u32 $0x186A0, v3  }
0x34a: {  	[tilespmem:s25+$0xE90] =	vst v4;
	v0 =	vsub.s32 v0, v2  }
0x34b: {  	[tilespmem:s19+$0xE90] =	vst v0;
	v0 =	vsub.s32 v1, v3  }
0x34c: {  	[tilespmem:s16+$0xE90] =	vst v0  }
0x34d: {  	v0 =	vld [tilespmem:s8+$0x10]  }
0x34e: {  	v1 =	vld [tilespmem:s8+$0xF]  }
0x34f: {  	v2 =	vld [tilespmem:s8+$0xE];
	_ =	sdelay $0x2  }
0x350: {  	v3 =	vld [tilespmem:s9+$0x10]  }
0x351: {  	v4 =	vld [tilespmem:s9+$0xF];
	v0 =	vmul.u32 $0x3DC44894, v0;
	v1 =	vmul.u32 $0x86A919D2, v1  }
0x352: {  	v5 =	vld [tilespmem:s9+$0xE];
	v2 =	vmul.u32 $0x473547FF, v2  }
0x353: {  	v0 =	vadd.s32 v0, v1  }
0x354: {  	v6 =	vadd.s32 v2, v0  }
0x355: {  	v0 =	vshrl.u32 v6, $0x5  }
0x356: {  	s16 =	simm.s32 $0x20;
	v2 =	vmul.u32 $0x3DC44894, v3;
	v3 =	vmul.u32 $0x86A919D2, v4;
	v0 =	vmulhi.u32 $0xA7C5AC5, v0  }
0x357: {  	v1 =	vld [tilespmem:s16+$0x10];
	v4 =	vmul.u32 $0x473547FF, v5  }
0x358: {  	v3 =	vadd.s32 v2, v3;
	v2 =	vld [tilespmem:s16+$0xF];
	v0 =	vshrl.u32 v0, $0x7  }
0x359: {  	v7 =	vmul.u32 $0x186A0, v0;
	v0 =	vadd.s32 v4, v3;
	v3 =	vld [tilespmem:s16+$0xE];
	_ =	sdelay $0x1  }
0x35a: {  	s19 =	simm.s32 $0xC0;
	v5 =	vshrl.u32 v0, $0x5;
	v4 =	vsub.s32 v6, v7  }
.LBB2_58:
0x35b: {  	s25 =	sshra.s32 s19, $0x2;
	v5 =	vmulhi.u32 $0xA7C5AC5, v5;
	[tilespmem:s8+$0xF10] =	vst v4;
	s8 =	smov.u32 s9;
	p1 =	sne.s32 s19, $0x1C0  }
.Ltmp28:
0x35c: {  	s19 =	sadd.s32 $0x40, s19;
	v4 =	vmul.u32 $0x3DC44894, v1;
	v1 =	vld [tilespmem:s25+$0x10];
	v6 =	vmul.u32 $0x86A919D2, v2;
	(pc) =	sbr.rel @p1 .LBB2_58-.Ltmp28, $4  }
0x35d: {  	s9 =	smov.u32 s16;
	s16 =	smov.u32 s25;
	v2 =	vld [tilespmem:s25+$0xF];
	v7 =	vmul.u32 $0x473547FF, v3;
	v5 =	vshrl.u32 v5, $0x7  }
0x35e: {  	v3 =	vld [tilespmem:s16+$0xE];
	v4 =	vadd.s32 v4, v6;
	v6 =	vmul.u32 $0x186A0, v5  }
0x35f: {  	v7 =	vadd.s32 v7, v4  }
0x360: {  	v5 =	vshrl.u32 v7, $0x5;
	v4 =	vsub.s32 v0, v6;
	v0 =	vmov v7  }
0x361: {  	_ = 	snop  }
0x362: {  	v1 =	vmul.u32 $0x3DC44894, v1;
	v2 =	vmul.u32 $0x86A919D2, v2  }
0x363: {  	v3 =	vmul.u32 $0x473547FF, v3  }
0x364: {  	v1 =	vadd.s32 v1, v2  }
0x365: {  	v1 =	vadd.s32 v3, v1  }
0x366: {  	v2 =	vmulhi.u32 $0xA7C5AC5, v5;
	v3 =	vshrl.u32 v1, $0x5  }
0x367: {  	v3 =	vmulhi.u32 $0xA7C5AC5, v3  }
0x368: {  	v2 =	vshrl.u32 v2, $0x7  }
0x369: {  	v2 =	vmul.u32 $0x186A0, v2;
	v3 =	vshrl.u32 v3, $0x7  }
0x36a: {  	v3 =	vmul.u32 $0x186A0, v3  }
0x36b: {  	[tilespmem:s8+$0xF10] =	vst v4;
	v0 =	vsub.s32 v0, v2  }
0x36c: {  	[tilespmem:s9+$0xF10] =	vst v0;
	v0 =	vsub.s32 v1, v3  }
0x36d: {  	s8 =	simm.s32 $0x0;
	[tilespmem:s16+$0xF10] =	vst v0  }
0x36e: {  	v0 =	vld [tilespmem:s8+$0x90]  }
0x36f: {  	v1 =	vld [tilespmem:s8+$0x8F]  }
0x370: {  	v2 =	vld [tilespmem:s8+$0x8E];
	_ =	sdelay $0x2  }
0x371: {  	s9 =	simm.s32 $0x10  }
0x372: {  	v3 =	vld [tilespmem:s9+$0x90];
	v0 =	vmul.u32 $0x3DC44894, v0;
	v1 =	vmul.u32 $0x86A919D2, v1  }
0x373: {  	v4 =	vld [tilespmem:s9+$0x8F];
	v2 =	vmul.u32 $0x473547FF, v2  }
0x374: {  	v5 =	vld [tilespmem:s9+$0x8E];
	v0 =	vadd.s32 v0, v1  }
0x375: {  	v6 =	vadd.s32 v2, v0  }
0x376: {  	v0 =	vshrl.u32 v6, $0x5  }
0x377: {  	v0 =	vmulhi.u32 $0xA7C5AC5, v0  }
0x378: {  	s16 =	simm.s32 $0x20;
	v2 =	vmul.u32 $0x3DC44894, v3;
	v3 =	vmul.u32 $0x86A919D2, v4  }
0x379: {  	v1 =	vld [tilespmem:s16+$0x90];
	v4 =	vmul.u32 $0x473547FF, v5;
	v0 =	vshrl.u32 v0, $0x7  }
0x37a: {  	v3 =	vadd.s32 v2, v3;
	v2 =	vld [tilespmem:s16+$0x8F];
	v7 =	vmul.u32 $0x186A0, v0  }
0x37b: {  	v0 =	vadd.s32 v4, v3;
	v3 =	vld [tilespmem:s16+$0x8E]  }
0x37c: {  	s26 =	simm.s32 $0xC0;
	s25 =	simm.s32 $0x0;
	s19 =	simm.s32 $0x10;
	v5 =	vshrl.u32 v0, $0x5;
	v4 =	vsub.s32 v6, v7  }
.LBB2_60:
0x37d: {  	[tilespmem:s25+$0xF90] =	vst v4;
	s25 =	smov.u32 s19  }
0x37e: {  	v5 =	vmulhi.u32 $0xA7C5AC5, v5;
	s19 =	smov.u32 s16;
	s16 =	sshra.s32 s26, $0x2;
	p1 =	sne.s32 s26, $0x1C0  }
.Ltmp29:
0x37f: {  	s26 =	sadd.s32 $0x40, s26;
	v4 =	vmul.u32 $0x3DC44894, v1;
	v1 =	vld [tilespmem:s16+$0x90];
	v6 =	vmul.u32 $0x86A919D2, v2;
	(pc) =	sbr.rel @p1 .LBB2_60-.Ltmp29, $4  }
0x380: {  	v2 =	vld [tilespmem:s16+$0x8F];
	v7 =	vmul.u32 $0x473547FF, v3;
	v5 =	vshrl.u32 v5, $0x7  }
0x381: {  	v3 =	vld [tilespmem:s16+$0x8E];
	v4 =	vadd.s32 v4, v6;
	v6 =	vmul.u32 $0x186A0, v5  }
0x382: {  	v7 =	vadd.s32 v7, v4  }
0x383: {  	v5 =	vshrl.u32 v7, $0x5;
	v4 =	vsub.s32 v0, v6;
	v0 =	vmov v7  }
0x384: {  	_ = 	snop  }
0x385: {  	v1 =	vmul.u32 $0x3DC44894, v1;
	v2 =	vmul.u32 $0x86A919D2, v2  }
0x386: {  	v3 =	vmul.u32 $0x473547FF, v3  }
0x387: {  	v1 =	vadd.s32 v1, v2  }
0x388: {  	v1 =	vadd.s32 v3, v1  }
0x389: {  	v2 =	vmulhi.u32 $0xA7C5AC5, v5;
	v3 =	vshrl.u32 v1, $0x5  }
0x38a: {  	v3 =	vmulhi.u32 $0xA7C5AC5, v3  }
0x38b: {  	v2 =	vshrl.u32 v2, $0x7  }
0x38c: {  	v2 =	vmul.u32 $0x186A0, v2;
	v3 =	vshrl.u32 v3, $0x7  }
0x38d: {  	v3 =	vmul.u32 $0x186A0, v3  }
0x38e: {  	[tilespmem:s25+$0xF90] =	vst v4;
	v0 =	vsub.s32 v0, v2  }
0x38f: {  	[tilespmem:s19+$0xF90] =	vst v0;
	v0 =	vsub.s32 v1, v3  }
0x390: {  	[tilespmem:s16+$0xF90] =	vst v0  }
0x391: {  	v0 =	vld [tilespmem:s8+$0x10]  }
0x392: {  	v1 =	vld [tilespmem:s8+$0xF]  }
0x393: {  	v2 =	vld [tilespmem:s8+$0xE];
	_ =	sdelay $0x3  }
0x394: {  	v3 =	vld [tilespmem:s9+$0x10];
	v0 =	vmul.u32 $0xC4DDF9D0, v0;
	v1 =	vmul.u32 $0x416A2510, v1  }
0x395: {  	v4 =	vld [tilespmem:s9+$0xF];
	v2 =	vmul.u32 $0x5EBE09C1, v2  }
0x396: {  	v5 =	vld [tilespmem:s9+$0xE];
	v0 =	vadd.s32 v0, v1  }
0x397: {  	v6 =	vadd.s32 v2, v0  }
0x398: {  	v0 =	vshrl.u32 v6, $0x5  }
0x399: {  	v0 =	vmulhi.u32 $0xA7C5AC5, v0  }
0x39a: {  	s16 =	simm.s32 $0x20;
	v2 =	vmul.u32 $0xC4DDF9D0, v3;
	v3 =	vmul.u32 $0x416A2510, v4  }
0x39b: {  	v1 =	vld [tilespmem:s16+$0x10];
	v4 =	vmul.u32 $0x5EBE09C1, v5;
	v0 =	vshrl.u32 v0, $0x7  }
0x39c: {  	v3 =	vadd.s32 v2, v3;
	v2 =	vld [tilespmem:s16+$0xF];
	v7 =	vmul.u32 $0x186A0, v0  }
0x39d: {  	v0 =	vadd.s32 v4, v3;
	v3 =	vld [tilespmem:s16+$0xE]  }
0x39e: {  	s19 =	simm.s32 $0xC0;
	v5 =	vshrl.u32 v0, $0x5;
	v4 =	vsub.s32 v6, v7  }
.LBB2_62:
0x39f: {  	[tilespmem:s8+$0x1010] =	vst v4;
	s8 =	smov.u32 s9  }
0x3a0: {  	v5 =	vmulhi.u32 $0xA7C5AC5, v5;
	s9 =	smov.u32 s16;
	s16 =	sshra.s32 s19, $0x2;
	p1 =	sne.s32 s19, $0x1C0  }
.Ltmp30:
0x3a1: {  	s19 =	sadd.s32 $0x40, s19;
	v4 =	vmul.u32 $0xC4DDF9D0, v1;
	v1 =	vld [tilespmem:s16+$0x10];
	v6 =	vmul.u32 $0x416A2510, v2;
	(pc) =	sbr.rel @p1 .LBB2_62-.Ltmp30, $4  }
0x3a2: {  	v2 =	vld [tilespmem:s16+$0xF];
	v7 =	vmul.u32 $0x5EBE09C1, v3;
	v5 =	vshrl.u32 v5, $0x7  }
0x3a3: {  	v3 =	vld [tilespmem:s16+$0xE];
	v4 =	vadd.s32 v4, v6;
	v6 =	vmul.u32 $0x186A0, v5  }
0x3a4: {  	v7 =	vadd.s32 v7, v4  }
0x3a5: {  	v5 =	vshrl.u32 v7, $0x5;
	v4 =	vsub.s32 v0, v6;
	v0 =	vmov v7  }
0x3a6: {  	_ = 	snop  }
0x3a7: {  	v1 =	vmul.u32 $0xC4DDF9D0, v1;
	v2 =	vmul.u32 $0x416A2510, v2  }
0x3a8: {  	v3 =	vmul.u32 $0x5EBE09C1, v3  }
0x3a9: {  	v1 =	vadd.s32 v1, v2  }
0x3aa: {  	v1 =	vadd.s32 v3, v1  }
0x3ab: {  	v2 =	vmulhi.u32 $0xA7C5AC5, v5;
	v3 =	vshrl.u32 v1, $0x5  }
0x3ac: {  	v3 =	vmulhi.u32 $0xA7C5AC5, v3  }
0x3ad: {  	v2 =	vshrl.u32 v2, $0x7  }
0x3ae: {  	v2 =	vmul.u32 $0x186A0, v2;
	v3 =	vshrl.u32 v3, $0x7  }
0x3af: {  	v3 =	vmul.u32 $0x186A0, v3  }
0x3b0: {  	[tilespmem:s8+$0x1010] =	vst v4;
	v0 =	vsub.s32 v0, v2  }
0x3b1: {  	[tilespmem:s9+$0x1010] =	vst v0;
	v0 =	vsub.s32 v1, v3  }
0x3b2: {  	s8 =	simm.s32 $0x0;
	[tilespmem:s16+$0x1010] =	vst v0  }
0x3b3: {  	v0 =	vld [tilespmem:s8+$0x90]  }
0x3b4: {  	v1 =	vld [tilespmem:s8+$0x8F]  }
0x3b5: {  	v2 =	vld [tilespmem:s8+$0x8E];
	_ =	sdelay $0x2  }
0x3b6: {  	s9 =	simm.s32 $0x10  }
0x3b7: {  	v3 =	vld [tilespmem:s9+$0x90];
	v0 =	vmul.u32 $0xC4DDF9D0, v0;
	v1 =	vmul.u32 $0x416A2510, v1  }
0x3b8: {  	v4 =	vld [tilespmem:s9+$0x8F];
	v2 =	vmul.u32 $0x5EBE09C1, v2  }
0x3b9: {  	v5 =	vld [tilespmem:s9+$0x8E];
	v0 =	vadd.s32 v0, v1  }
0x3ba: {  	v6 =	vadd.s32 v2, v0  }
0x3bb: {  	v0 =	vshrl.u32 v6, $0x5  }
0x3bc: {  	v0 =	vmulhi.u32 $0xA7C5AC5, v0  }
0x3bd: {  	s16 =	simm.s32 $0x20;
	v2 =	vmul.u32 $0xC4DDF9D0, v3;
	v3 =	vmul.u32 $0x416A2510, v4  }
0x3be: {  	v1 =	vld [tilespmem:s16+$0x90];
	v4 =	vmul.u32 $0x5EBE09C1, v5;
	v0 =	vshrl.u32 v0, $0x7  }
0x3bf: {  	v3 =	vadd.s32 v2, v3;
	v2 =	vld [tilespmem:s16+$0x8F];
	v7 =	vmul.u32 $0x186A0, v0  }
0x3c0: {  	v0 =	vadd.s32 v4, v3;
	v3 =	vld [tilespmem:s16+$0x8E]  }
0x3c1: {  	s19 =	simm.s32 $0xC0;
	v5 =	vshrl.u32 v0, $0x5;
	v4 =	vsub.s32 v6, v7  }
.LBB2_64:
0x3c2: {  	[tilespmem:s8+$0x1090] =	vst v4;
	s8 =	smov.u32 s9  }
0x3c3: {  	v5 =	vmulhi.u32 $0xA7C5AC5, v5;
	s9 =	smov.u32 s16;
	s16 =	sshra.s32 s19, $0x2;
	p1 =	sne.s32 s19, $0x1C0  }
.Ltmp31:
0x3c4: {  	s19 =	sadd.s32 $0x40, s19;
	v4 =	vmul.u32 $0xC4DDF9D0, v1;
	v1 =	vld [tilespmem:s16+$0x90];
	v6 =	vmul.u32 $0x416A2510, v2;
	(pc) =	sbr.rel @p1 .LBB2_64-.Ltmp31, $4  }
0x3c5: {  	v2 =	vld [tilespmem:s16+$0x8F];
	v7 =	vmul.u32 $0x5EBE09C1, v3;
	v5 =	vshrl.u32 v5, $0x7  }
0x3c6: {  	v3 =	vld [tilespmem:s16+$0x8E];
	v4 =	vadd.s32 v4, v6;
	v6 =	vmul.u32 $0x186A0, v5  }
0x3c7: {  	v7 =	vadd.s32 v7, v4  }
0x3c8: {  	v5 =	vshrl.u32 v7, $0x5;
	v4 =	vsub.s32 v0, v6;
	v0 =	vmov v7  }
0x3c9: {  	_ = 	snop  }
0x3ca: {  	v1 =	vmul.u32 $0xC4DDF9D0, v1;
	v2 =	vmul.u32 $0x416A2510, v2  }
0x3cb: {  	v3 =	vmul.u32 $0x5EBE09C1, v3  }
0x3cc: {  	v1 =	vadd.s32 v1, v2  }
0x3cd: {  	v1 =	vadd.s32 v3, v1  }
0x3ce: {  	v62 =	vmulhi.u32 $0xA7C5AC5, v5;
	v3 =	vshrl.u32 v1, $0x5  }
0x3cf: {  	v3 =	vmulhi.u32 $0xA7C5AC5, v3  }
0x3d0: {  	v2 =	vshrl.u32 v62, $0x7  }
0x3d1: {  	v2 =	vmul.u32 $0x186A0, v2;
	v3 =	vshrl.u32 v3, $0x7  }
0x3d2: {  	v3 =	vmul.u32 $0x186A0, v3  }
0x3d3: {  	[tilespmem:s8+$0x1090] =	vst v4;
	v0 =	vsub.s32 v0, v2  }
0x3d4: {  	[tilespmem:s9+$0x1090] =	vst v0;
	v63 =	vsub.s32 v1, v3  }
0x3d5: {  	[tilespmem:s16+$0x1090] =	vst v63;
	s16 =	simm.s32 $0x110  }
0x3d6: {  	[tilespmem:s29], [sflag:$0x1] =	stream.indirect.gather [hbm4b:s3+s28], $0x40, s16, s28, $0xb8;
	[tilespmem:$0x5110] =	vst v63  }
0x3d7: {  	s19 =	simm.s32 $0x190  }
0x3d8: {  	[tilespmem:s30], [sflag:$0x1] =	stream.indirect.gather [hbm4b:s3+s28], $0x40, s19, s28, $0xb8;
	[tilespmem:$0x5110] =	vst v63  }
0x3d9: {  	_ =	swait.ge [sflag:s31], $0x2000  }
0x3da: {  	[sflag:s31] =	ssyncset.done $0x0  }
0x3db: {  	[sflag:s31] =	ssyncadd.s32 $0xFFFFE000  }
0x3dc: {  	[hbm4b:s4+s0] =	stream.strided.scatter [tilespmem:s29], [sflag:$0x2], $0x2000, s2, s0, $0x38;
	[tilespmem:$0x5110] =	vst v63  }
0x3dd: {  	_ =	swait.ge [sflag:s1], $0x2000  }
0x3de: {  	[sflag:s1] =	ssyncset.done $0x0  }
0x3df: {  	s25 =	simm.s32 $0x210;
	[sflag:s1] =	ssyncadd.s32 $0xFFFFE000  }
0x3e0: {  	[tilespmem:s29], [sflag:$0x1] =	stream.indirect.gather [hbm4b:s5+s28], $0x40, s25, s28, $0xb8;
	[tilespmem:$0x5110] =	vst v63  }
0x3e1: {  	_ =	swait.ge [sflag:s31], $0x2000  }
0x3e2: {  	[sflag:s31] =	ssyncset.done $0x0  }
0x3e3: {  	s26 =	rddreg [dreg:$0x3];
	[sflag:s31] =	ssyncadd.s32 $0xFFFFE000  }
0x3e4: {  	[hbm4b:s26+s0] =	stream.strided.scatter [tilespmem:s30], [sflag:$0x2], $0x2000, s2, s0, $0x38;
	[tilespmem:$0x5110] =	vst v63  }
0x3e5: {  	_ =	swait.ge [sflag:s1], $0x2000  }
0x3e6: {  	[sflag:s1] =	ssyncset.done $0x0  }
0x3e7: {  	s9 =	simm.s32 $0x290;
	[sflag:s1] =	ssyncadd.s32 $0xFFFFE000  }
0x3e8: {  	[tilespmem:s30], [sflag:$0x1] =	stream.indirect.gather [hbm4b:s5+s28], $0x40, s9, s28, $0xb8;
	[tilespmem:$0x5110] =	vst v63  }
0x3e9: {  	_ =	swait.ge [sflag:s31], $0x2000  }
0x3ea: {  	[sflag:s31] =	ssyncset.done $0x0  }
0x3eb: {  	s16 =	rddreg [dreg:$0x7];
	[sflag:s31] =	ssyncadd.s32 $0xFFFFE000  }
0x3ec: {  	[hbm4b:s16+s0] =	stream.strided.scatter [tilespmem:s29], [sflag:$0x2], $0x2000, s2, s0, $0x38;
	[tilespmem:$0x5110] =	vst v63  }
0x3ed: {  	_ =	swait.ge [sflag:s1], $0x2000  }
0x3ee: {  	[sflag:s1] =	ssyncset.done $0x0  }
0x3ef: {  	s19 =	simm.s32 $0x310;
	[sflag:s1] =	ssyncadd.s32 $0xFFFFE000  }
0x3f0: {  	[tilespmem:s29], [sflag:$0x1] =	stream.indirect.gather [hbm4b:s7+s28], $0x40, s19, s28, $0xb8;
	[tilespmem:$0x5110] =	vst v63  }
0x3f1: {  	_ =	swait.ge [sflag:s31], $0x2000  }
0x3f2: {  	[sflag:s31] =	ssyncset.done $0x0  }
0x3f3: {  	s25 =	rddreg [dreg:$0x4];
	[sflag:s31] =	ssyncadd.s32 $0xFFFFE000  }
0x3f4: {  	[hbm4b:s25+s0] =	stream.strided.scatter [tilespmem:s30], [sflag:$0x2], $0x2000, s2, s0, $0x38;
	[tilespmem:$0x5110] =	vst v63  }
0x3f5: {  	_ =	swait.ge [sflag:s1], $0x2000  }
0x3f6: {  	[sflag:s1] =	ssyncset.done $0x0  }
0x3f7: {  	s26 =	simm.s32 $0x390;
	[sflag:s1] =	ssyncadd.s32 $0xFFFFE000  }
0x3f8: {  	[tilespmem:s30], [sflag:$0x1] =	stream.indirect.gather [hbm4b:s7+s28], $0x40, s26, s28, $0xb8;
	[tilespmem:$0x5110] =	vst v63  }
0x3f9: {  	_ =	swait.ge [sflag:s31], $0x2000  }
0x3fa: {  	[sflag:s31] =	ssyncset.done $0x0  }
0x3fb: {  	s9 =	rddreg [dreg:$0x9];
	[sflag:s31] =	ssyncadd.s32 $0xFFFFE000  }
0x3fc: {  	[hbm4b:s9+s0] =	stream.strided.scatter [tilespmem:s29], [sflag:$0x2], $0x2000, s2, s0, $0x38;
	[tilespmem:$0x5110] =	vst v63  }
0x3fd: {  	_ =	swait.ge [sflag:s1], $0x2000  }
0x3fe: {  	[sflag:s1] =	ssyncset.done $0x0  }
0x3ff: {  	s16 =	simm.s32 $0x410;
	[sflag:s1] =	ssyncadd.s32 $0xFFFFE000  }
0x400: {  	[tilespmem:s29], [sflag:$0x1] =	stream.indirect.gather [hbm4b:s10+s28], $0x40, s16, s28, $0xb8;
	[tilespmem:$0x5110] =	vst v63  }
0x401: {  	_ =	swait.ge [sflag:s31], $0x2000  }
0x402: {  	[sflag:s31] =	ssyncset.done $0x0  }
0x403: {  	s19 =	rddreg [dreg:$0xa];
	[sflag:s31] =	ssyncadd.s32 $0xFFFFE000  }
0x404: {  	[hbm4b:s19+s0] =	stream.strided.scatter [tilespmem:s30], [sflag:$0x2], $0x2000, s2, s0, $0x38;
	[tilespmem:$0x5110] =	vst v63  }
0x405: {  	_ =	swait.ge [sflag:s1], $0x2000  }
0x406: {  	[sflag:s1] =	ssyncset.done $0x0  }
0x407: {  	s25 =	simm.s32 $0x490;
	[sflag:s1] =	ssyncadd.s32 $0xFFFFE000  }
0x408: {  	[tilespmem:s30], [sflag:$0x1] =	stream.indirect.gather [hbm4b:s10+s28], $0x40, s25, s28, $0xb8;
	[tilespmem:$0x5110] =	vst v63  }
0x409: {  	_ =	swait.ge [sflag:s31], $0x2000  }
0x40a: {  	[sflag:s31] =	ssyncset.done $0x0  }
0x40b: {  	s26 =	rddreg [dreg:$0xb];
	[sflag:s31] =	ssyncadd.s32 $0xFFFFE000  }
0x40c: {  	[hbm4b:s26+s0] =	stream.strided.scatter [tilespmem:s29], [sflag:$0x2], $0x2000, s2, s0, $0x38;
	[tilespmem:$0x5110] =	vst v63  }
0x40d: {  	_ =	swait.ge [sflag:s1], $0x2000  }
0x40e: {  	[sflag:s1] =	ssyncset.done $0x0  }
0x40f: {  	s9 =	simm.s32 $0x510;
	[sflag:s1] =	ssyncadd.s32 $0xFFFFE000  }
0x410: {  	[tilespmem:s29], [sflag:$0x1] =	stream.indirect.gather [hbm4b:s11+s28], $0x40, s9, s28, $0xb8;
	[tilespmem:$0x5110] =	vst v63  }
0x411: {  	_ =	swait.ge [sflag:s31], $0x2000  }
0x412: {  	[sflag:s31] =	ssyncset.done $0x0  }
0x413: {  	s16 =	rddreg [dreg:$0xc];
	[sflag:s31] =	ssyncadd.s32 $0xFFFFE000  }
0x414: {  	[hbm4b:s16+s0] =	stream.strided.scatter [tilespmem:s30], [sflag:$0x2], $0x2000, s2, s0, $0x38;
	[tilespmem:$0x5110] =	vst v63  }
0x415: {  	_ =	swait.ge [sflag:s1], $0x2000  }
0x416: {  	[sflag:s1] =	ssyncset.done $0x0  }
0x417: {  	s19 =	simm.s32 $0x590;
	[sflag:s1] =	ssyncadd.s32 $0xFFFFE000  }
0x418: {  	[tilespmem:s30], [sflag:$0x1] =	stream.indirect.gather [hbm4b:s11+s28], $0x40, s19, s28, $0xb8;
	[tilespmem:$0x5110] =	vst v63  }
0x419: {  	_ =	swait.ge [sflag:s31], $0x2000  }
0x41a: {  	[sflag:s31] =	ssyncset.done $0x0  }
0x41b: {  	s25 =	rddreg [dreg:$0xd];
	[sflag:s31] =	ssyncadd.s32 $0xFFFFE000  }
0x41c: {  	[hbm4b:s25+s0] =	stream.strided.scatter [tilespmem:s29], [sflag:$0x2], $0x2000, s2, s0, $0x38;
	[tilespmem:$0x5110] =	vst v63  }
0x41d: {  	_ =	swait.ge [sflag:s1], $0x2000  }
0x41e: {  	[sflag:s1] =	ssyncset.done $0x0  }
0x41f: {  	s26 =	simm.s32 $0x610;
	[sflag:s1] =	ssyncadd.s32 $0xFFFFE000  }
0x420: {  	[tilespmem:s29], [sflag:$0x1] =	stream.indirect.gather [hbm4b:s12+s28], $0x40, s26, s28, $0xb8;
	[tilespmem:$0x5110] =	vst v63  }
0x421: {  	_ =	swait.ge [sflag:s31], $0x2000  }
0x422: {  	[sflag:s31] =	ssyncset.done $0x0  }
0x423: {  	s9 =	rddreg [dreg:$0xe];
	[sflag:s31] =	ssyncadd.s32 $0xFFFFE000  }
0x424: {  	[hbm4b:s9+s0] =	stream.strided.scatter [tilespmem:s30], [sflag:$0x2], $0x2000, s2, s0, $0x38;
	[tilespmem:$0x5110] =	vst v63  }
0x425: {  	_ =	swait.ge [sflag:s1], $0x2000  }
0x426: {  	[sflag:s1] =	ssyncset.done $0x0  }
0x427: {  	s16 =	simm.s32 $0x690;
	[sflag:s1] =	ssyncadd.s32 $0xFFFFE000  }
0x428: {  	[tilespmem:s30], [sflag:$0x1] =	stream.indirect.gather [hbm4b:s12+s28], $0x40, s16, s28, $0xb8;
	[tilespmem:$0x5110] =	vst v63  }
0x429: {  	_ =	swait.ge [sflag:s31], $0x2000  }
0x42a: {  	[sflag:s31] =	ssyncset.done $0x0  }
0x42b: {  	s19 =	rddreg [dreg:$0xf];
	[sflag:s31] =	ssyncadd.s32 $0xFFFFE000  }
0x42c: {  	[hbm4b:s19+s0] =	stream.strided.scatter [tilespmem:s29], [sflag:$0x2], $0x2000, s2, s0, $0x38;
	[tilespmem:$0x5110] =	vst v63  }
0x42d: {  	_ =	swait.ge [sflag:s1], $0x2000  }
0x42e: {  	[sflag:s1] =	ssyncset.done $0x0  }
0x42f: {  	s25 =	simm.s32 $0x710;
	[sflag:s1] =	ssyncadd.s32 $0xFFFFE000  }
0x430: {  	[tilespmem:s29], [sflag:$0x1] =	stream.indirect.gather [hbm4b:s13+s28], $0x40, s25, s28, $0xb8;
	[tilespmem:$0x5110] =	vst v63  }
0x431: {  	_ =	swait.ge [sflag:s31], $0x2000  }
0x432: {  	[sflag:s31] =	ssyncset.done $0x0  }
0x433: {  	s26 =	rddreg [dreg:$0x10];
	[sflag:s31] =	ssyncadd.s32 $0xFFFFE000  }
0x434: {  	[hbm4b:s26+s0] =	stream.strided.scatter [tilespmem:s30], [sflag:$0x2], $0x2000, s2, s0, $0x38;
	[tilespmem:$0x5110] =	vst v63  }
0x435: {  	_ =	swait.ge [sflag:s1], $0x2000  }
0x436: {  	[sflag:s1] =	ssyncset.done $0x0  }
0x437: {  	s9 =	simm.s32 $0x790;
	[sflag:s1] =	ssyncadd.s32 $0xFFFFE000  }
0x438: {  	[tilespmem:s30], [sflag:$0x1] =	stream.indirect.gather [hbm4b:s13+s28], $0x40, s9, s28, $0xb8;
	[tilespmem:$0x5110] =	vst v63  }
0x439: {  	_ =	swait.ge [sflag:s31], $0x2000  }
0x43a: {  	[sflag:s31] =	ssyncset.done $0x0  }
0x43b: {  	s16 =	rddreg [dreg:$0x11];
	[sflag:s31] =	ssyncadd.s32 $0xFFFFE000  }
0x43c: {  	[hbm4b:s16+s0] =	stream.strided.scatter [tilespmem:s29], [sflag:$0x2], $0x2000, s2, s0, $0x38;
	[tilespmem:$0x5110] =	vst v63  }
0x43d: {  	_ =	swait.ge [sflag:s1], $0x2000  }
0x43e: {  	[sflag:s1] =	ssyncset.done $0x0  }
0x43f: {  	s19 =	simm.s32 $0x810;
	[sflag:s1] =	ssyncadd.s32 $0xFFFFE000  }
0x440: {  	[tilespmem:s29], [sflag:$0x1] =	stream.indirect.gather [hbm4b:s14+s28], $0x40, s19, s28, $0xb8;
	[tilespmem:$0x5110] =	vst v63  }
0x441: {  	_ =	swait.ge [sflag:s31], $0x2000  }
0x442: {  	[sflag:s31] =	ssyncset.done $0x0  }
0x443: {  	s25 =	rddreg [dreg:$0x12];
	[sflag:s31] =	ssyncadd.s32 $0xFFFFE000  }
0x444: {  	[hbm4b:s25+s0] =	stream.strided.scatter [tilespmem:s30], [sflag:$0x2], $0x2000, s2, s0, $0x38;
	[tilespmem:$0x5110] =	vst v63  }
0x445: {  	_ =	swait.ge [sflag:s1], $0x2000  }
0x446: {  	[sflag:s1] =	ssyncset.done $0x0  }
0x447: {  	s26 =	simm.s32 $0x890;
	[sflag:s1] =	ssyncadd.s32 $0xFFFFE000  }
0x448: {  	[tilespmem:s30], [sflag:$0x1] =	stream.indirect.gather [hbm4b:s14+s28], $0x40, s26, s28, $0xb8;
	[tilespmem:$0x5110] =	vst v63  }
0x449: {  	_ =	swait.ge [sflag:s31], $0x2000  }
0x44a: {  	[sflag:s31] =	ssyncset.done $0x0  }
0x44b: {  	s9 =	rddreg [dreg:$0x13];
	[sflag:s31] =	ssyncadd.s32 $0xFFFFE000  }
0x44c: {  	[hbm4b:s9+s0] =	stream.strided.scatter [tilespmem:s29], [sflag:$0x2], $0x2000, s2, s0, $0x38;
	[tilespmem:$0x5110] =	vst v63  }
0x44d: {  	_ =	swait.ge [sflag:s1], $0x2000  }
0x44e: {  	[sflag:s1] =	ssyncset.done $0x0  }
0x44f: {  	s16 =	simm.s32 $0x910;
	[sflag:s1] =	ssyncadd.s32 $0xFFFFE000  }
0x450: {  	[tilespmem:s29], [sflag:$0x1] =	stream.indirect.gather [hbm4b:s15+s28], $0x40, s16, s28, $0xb8;
	[tilespmem:$0x5110] =	vst v63  }
0x451: {  	_ =	swait.ge [sflag:s31], $0x2000  }
0x452: {  	[sflag:s31] =	ssyncset.done $0x0  }
0x453: {  	s19 =	rddreg [dreg:$0x14];
	[sflag:s31] =	ssyncadd.s32 $0xFFFFE000  }
0x454: {  	[hbm4b:s19+s0] =	stream.strided.scatter [tilespmem:s30], [sflag:$0x2], $0x2000, s2, s0, $0x38;
	[tilespmem:$0x5110] =	vst v63  }
0x455: {  	_ =	swait.ge [sflag:s1], $0x2000  }
0x456: {  	[sflag:s1] =	ssyncset.done $0x0  }
0x457: {  	s25 =	simm.s32 $0x990;
	[sflag:s1] =	ssyncadd.s32 $0xFFFFE000  }
0x458: {  	[tilespmem:s30], [sflag:$0x1] =	stream.indirect.gather [hbm4b:s15+s28], $0x40, s25, s28, $0xb8;
	[tilespmem:$0x5110] =	vst v63  }
0x459: {  	_ =	swait.ge [sflag:s31], $0x2000  }
0x45a: {  	[sflag:s31] =	ssyncset.done $0x0  }
0x45b: {  	s26 =	rddreg [dreg:$0x15];
	[sflag:s31] =	ssyncadd.s32 $0xFFFFE000  }
0x45c: {  	[hbm4b:s26+s0] =	stream.strided.scatter [tilespmem:s29], [sflag:$0x2], $0x2000, s2, s0, $0x38;
	[tilespmem:$0x5110] =	vst v63  }
0x45d: {  	_ =	swait.ge [sflag:s1], $0x2000  }
0x45e: {  	[sflag:s1] =	ssyncset.done $0x0  }
0x45f: {  	s9 =	simm.s32 $0xA10;
	[sflag:s1] =	ssyncadd.s32 $0xFFFFE000  }
0x460: {  	[tilespmem:s29], [sflag:$0x1] =	stream.indirect.gather [hbm4b:s17+s28], $0x40, s9, s28, $0xb8;
	[tilespmem:$0x5110] =	vst v63  }
0x461: {  	_ =	swait.ge [sflag:s31], $0x2000  }
0x462: {  	[sflag:s31] =	ssyncset.done $0x0  }
0x463: {  	s16 =	rddreg [dreg:$0x16];
	[sflag:s31] =	ssyncadd.s32 $0xFFFFE000  }
0x464: {  	[hbm4b:s16+s0] =	stream.strided.scatter [tilespmem:s30], [sflag:$0x2], $0x2000, s2, s0, $0x38;
	[tilespmem:$0x5110] =	vst v63  }
0x465: {  	_ =	swait.ge [sflag:s1], $0x2000  }
0x466: {  	[sflag:s1] =	ssyncset.done $0x0  }
0x467: {  	s19 =	simm.s32 $0xA90;
	[sflag:s1] =	ssyncadd.s32 $0xFFFFE000  }
0x468: {  	[tilespmem:s30], [sflag:$0x1] =	stream.indirect.gather [hbm4b:s17+s28], $0x40, s19, s28, $0xb8;
	[tilespmem:$0x5110] =	vst v63  }
0x469: {  	_ =	swait.ge [sflag:s31], $0x2000  }
0x46a: {  	[sflag:s31] =	ssyncset.done $0x0  }
0x46b: {  	s25 =	rddreg [dreg:$0x17];
	[sflag:s31] =	ssyncadd.s32 $0xFFFFE000  }
0x46c: {  	[hbm4b:s25+s0] =	stream.strided.scatter [tilespmem:s29], [sflag:$0x2], $0x2000, s2, s0, $0x38;
	[tilespmem:$0x5110] =	vst v63  }
0x46d: {  	_ =	swait.ge [sflag:s1], $0x2000  }
0x46e: {  	[sflag:s1] =	ssyncset.done $0x0  }
0x46f: {  	s26 =	simm.s32 $0xB10;
	[sflag:s1] =	ssyncadd.s32 $0xFFFFE000  }
0x470: {  	[tilespmem:s29], [sflag:$0x1] =	stream.indirect.gather [hbm4b:s18+s28], $0x40, s26, s28, $0xb8;
	[tilespmem:$0x5110] =	vst v63  }
0x471: {  	_ =	swait.ge [sflag:s31], $0x2000  }
0x472: {  	[sflag:s31] =	ssyncset.done $0x0  }
0x473: {  	s9 =	rddreg [dreg:$0x18];
	[sflag:s31] =	ssyncadd.s32 $0xFFFFE000  }
0x474: {  	[hbm4b:s9+s0] =	stream.strided.scatter [tilespmem:s30], [sflag:$0x2], $0x2000, s2, s0, $0x38;
	[tilespmem:$0x5110] =	vst v63  }
0x475: {  	_ =	swait.ge [sflag:s1], $0x2000  }
0x476: {  	[sflag:s1] =	ssyncset.done $0x0  }
0x477: {  	s16 =	simm.s32 $0xB90;
	[sflag:s1] =	ssyncadd.s32 $0xFFFFE000  }
0x478: {  	[tilespmem:s30], [sflag:$0x1] =	stream.indirect.gather [hbm4b:s18+s28], $0x40, s16, s28, $0xb8;
	[tilespmem:$0x5110] =	vst v63  }
0x479: {  	_ =	swait.ge [sflag:s31], $0x2000  }
0x47a: {  	[sflag:s31] =	ssyncset.done $0x0  }
0x47b: {  	s19 =	rddreg [dreg:$0x19];
	[sflag:s31] =	ssyncadd.s32 $0xFFFFE000  }
0x47c: {  	[hbm4b:s19+s0] =	stream.strided.scatter [tilespmem:s29], [sflag:$0x2], $0x2000, s2, s0, $0x38;
	[tilespmem:$0x5110] =	vst v63  }
0x47d: {  	_ =	swait.ge [sflag:s1], $0x2000  }
0x47e: {  	[sflag:s1] =	ssyncset.done $0x0  }
0x47f: {  	s25 =	simm.s32 $0xC10;
	[sflag:s1] =	ssyncadd.s32 $0xFFFFE000  }
0x480: {  	[tilespmem:s29], [sflag:$0x1] =	stream.indirect.gather [hbm4b:s20+s28], $0x40, s25, s28, $0xb8;
	[tilespmem:$0x5110] =	vst v63  }
0x481: {  	_ =	swait.ge [sflag:s31], $0x2000  }
0x482: {  	[sflag:s31] =	ssyncset.done $0x0  }
0x483: {  	s26 =	rddreg [dreg:$0x1a];
	[sflag:s31] =	ssyncadd.s32 $0xFFFFE000  }
0x484: {  	[hbm4b:s26+s0] =	stream.strided.scatter [tilespmem:s30], [sflag:$0x2], $0x2000, s2, s0, $0x38;
	[tilespmem:$0x5110] =	vst v63  }
0x485: {  	_ =	swait.ge [sflag:s1], $0x2000  }
0x486: {  	[sflag:s1] =	ssyncset.done $0x0  }
0x487: {  	s9 =	simm.s32 $0xC90;
	[sflag:s1] =	ssyncadd.s32 $0xFFFFE000  }
0x488: {  	[tilespmem:s30], [sflag:$0x1] =	stream.indirect.gather [hbm4b:s20+s28], $0x40, s9, s28, $0xb8;
	[tilespmem:$0x5110] =	vst v63  }
0x489: {  	_ =	swait.ge [sflag:s31], $0x2000  }
0x48a: {  	[sflag:s31] =	ssyncset.done $0x0  }
0x48b: {  	s16 =	rddreg [dreg:$0x1b];
	[sflag:s31] =	ssyncadd.s32 $0xFFFFE000  }
0x48c: {  	[hbm4b:s16+s0] =	stream.strided.scatter [tilespmem:s29], [sflag:$0x2], $0x2000, s2, s0, $0x38;
	[tilespmem:$0x5110] =	vst v63  }
0x48d: {  	_ =	swait.ge [sflag:s1], $0x2000  }
0x48e: {  	[sflag:s1] =	ssyncset.done $0x0  }
0x48f: {  	s19 =	simm.s32 $0xD10;
	[sflag:s1] =	ssyncadd.s32 $0xFFFFE000  }
0x490: {  	[tilespmem:s29], [sflag:$0x1] =	stream.indirect.gather [hbm4b:s21+s28], $0x40, s19, s28, $0xb8;
	[tilespmem:$0x5110] =	vst v63  }
0x491: {  	_ =	swait.ge [sflag:s31], $0x2000  }
0x492: {  	[sflag:s31] =	ssyncset.done $0x0  }
0x493: {  	s25 =	rddreg [dreg:$0x1c];
	[sflag:s31] =	ssyncadd.s32 $0xFFFFE000  }
0x494: {  	[hbm4b:s25+s0] =	stream.strided.scatter [tilespmem:s30], [sflag:$0x2], $0x2000, s2, s0, $0x38;
	[tilespmem:$0x5110] =	vst v63  }
0x495: {  	_ =	swait.ge [sflag:s1], $0x2000  }
0x496: {  	[sflag:s1] =	ssyncset.done $0x0  }
0x497: {  	s26 =	simm.s32 $0xD90;
	[sflag:s1] =	ssyncadd.s32 $0xFFFFE000  }
0x498: {  	[tilespmem:s30], [sflag:$0x1] =	stream.indirect.gather [hbm4b:s21+s28], $0x40, s26, s28, $0xb8;
	[tilespmem:$0x5110] =	vst v63  }
0x499: {  	_ =	swait.ge [sflag:s31], $0x2000  }
0x49a: {  	[sflag:s31] =	ssyncset.done $0x0  }
0x49b: {  	s9 =	rddreg [dreg:$0x1d];
	[sflag:s31] =	ssyncadd.s32 $0xFFFFE000  }
0x49c: {  	[hbm4b:s9+s0] =	stream.strided.scatter [tilespmem:s29], [sflag:$0x2], $0x2000, s2, s0, $0x38;
	[tilespmem:$0x5110] =	vst v63  }
0x49d: {  	_ =	swait.ge [sflag:s1], $0x2000  }
0x49e: {  	[sflag:s1] =	ssyncset.done $0x0  }
0x49f: {  	s16 =	simm.s32 $0xE10;
	[sflag:s1] =	ssyncadd.s32 $0xFFFFE000  }
0x4a0: {  	[tilespmem:s29], [sflag:$0x1] =	stream.indirect.gather [hbm4b:s22+s28], $0x40, s16, s28, $0xb8;
	[tilespmem:$0x5110] =	vst v63  }
0x4a1: {  	_ =	swait.ge [sflag:s31], $0x2000  }
0x4a2: {  	[sflag:s31] =	ssyncset.done $0x0  }
0x4a3: {  	s19 =	rddreg [dreg:$0x1e];
	[sflag:s31] =	ssyncadd.s32 $0xFFFFE000  }
0x4a4: {  	[hbm4b:s19+s0] =	stream.strided.scatter [tilespmem:s30], [sflag:$0x2], $0x2000, s2, s0, $0x38;
	[tilespmem:$0x5110] =	vst v63  }
0x4a5: {  	_ =	swait.ge [sflag:s1], $0x2000  }
0x4a6: {  	[sflag:s1] =	ssyncset.done $0x0  }
0x4a7: {  	s25 =	simm.s32 $0xE90;
	[sflag:s1] =	ssyncadd.s32 $0xFFFFE000  }
0x4a8: {  	[tilespmem:s30], [sflag:$0x1] =	stream.indirect.gather [hbm4b:s22+s28], $0x40, s25, s28, $0xb8;
	[tilespmem:$0x5110] =	vst v63  }
0x4a9: {  	_ =	swait.ge [sflag:s31], $0x2000  }
0x4aa: {  	[sflag:s31] =	ssyncset.done $0x0  }
0x4ab: {  	s26 =	rddreg [dreg:$0x1f];
	[sflag:s31] =	ssyncadd.s32 $0xFFFFE000  }
0x4ac: {  	[hbm4b:s26+s0] =	stream.strided.scatter [tilespmem:s29], [sflag:$0x2], $0x2000, s2, s0, $0x38;
	[tilespmem:$0x5110] =	vst v63  }
0x4ad: {  	_ =	swait.ge [sflag:s1], $0x2000  }
0x4ae: {  	[sflag:s1] =	ssyncset.done $0x0  }
0x4af: {  	s9 =	simm.s32 $0xF10;
	[sflag:s1] =	ssyncadd.s32 $0xFFFFE000  }
0x4b0: {  	[tilespmem:s29], [sflag:$0x1] =	stream.indirect.gather [hbm4b:s23+s28], $0x40, s9, s28, $0xb8;
	[tilespmem:$0x5110] =	vst v63  }
0x4b1: {  	_ =	swait.ge [sflag:s31], $0x2000  }
0x4b2: {  	s16 =	sld [smem:$0x7F9]  }
0x4b3: {  	[sflag:s31] =	ssyncset.done $0x0  }
0x4b4: {  	[sflag:s31] =	ssyncadd.s32 $0xFFFFE000  }
0x4b5: {  	[hbm4b:s16+s0] =	stream.strided.scatter [tilespmem:s30], [sflag:$0x2], $0x2000, s2, s0, $0x38;
	[tilespmem:$0x5110] =	vst v63  }
0x4b6: {  	_ =	swait.ge [sflag:s1], $0x2000  }
0x4b7: {  	[sflag:s1] =	ssyncset.done $0x0  }
0x4b8: {  	s19 =	simm.s32 $0xF90;
	[sflag:s1] =	ssyncadd.s32 $0xFFFFE000  }
0x4b9: {  	[tilespmem:s30], [sflag:$0x1] =	stream.indirect.gather [hbm4b:s23+s28], $0x40, s19, s28, $0xb8;
	[tilespmem:$0x5110] =	vst v63  }
0x4ba: {  	_ =	swait.ge [sflag:s31], $0x2000  }
0x4bb: {  	s25 =	sld [smem:$0x7FA]  }
0x4bc: {  	[sflag:s31] =	ssyncset.done $0x0  }
0x4bd: {  	[sflag:s31] =	ssyncadd.s32 $0xFFFFE000  }
0x4be: {  	[hbm4b:s25+s0] =	stream.strided.scatter [tilespmem:s29], [sflag:$0x2], $0x2000, s2, s0, $0x38;
	[tilespmem:$0x5110] =	vst v63  }
0x4bf: {  	_ =	swait.ge [sflag:s1], $0x2000  }
0x4c0: {  	[sflag:s1] =	ssyncset.done $0x0  }
0x4c1: {  	s26 =	simm.s32 $0x1010;
	[sflag:s1] =	ssyncadd.s32 $0xFFFFE000  }
0x4c2: {  	[tilespmem:s29], [sflag:$0x1] =	stream.indirect.gather [hbm4b:s24+s28], $0x40, s26, s28, $0xb8;
	[tilespmem:$0x5110] =	vst v63  }
0x4c3: {  	_ =	swait.ge [sflag:s31], $0x2000  }
0x4c4: {  	s9 =	sld [smem:$0x7FB]  }
0x4c5: {  	[sflag:s31] =	ssyncset.done $0x0  }
0x4c6: {  	[sflag:s31] =	ssyncadd.s32 $0xFFFFE000  }
0x4c7: {  	[hbm4b:s9+s0] =	stream.strided.scatter [tilespmem:s30], [sflag:$0x2], $0x2000, s2, s0, $0x38;
	[tilespmem:$0x5110] =	vst v63  }
0x4c8: {  	_ =	swait.ge [sflag:s1], $0x2000  }
0x4c9: {  	[sflag:s1] =	ssyncset.done $0x0  }
0x4ca: {  	s16 =	simm.s32 $0x1090;
	[sflag:s1] =	ssyncadd.s32 $0xFFFFE000  }
0x4cb: {  	[tilespmem:s30], [sflag:$0x1] =	stream.indirect.gather [hbm4b:s24+s28], $0x40, s16, s28, $0xb8;
	[tilespmem:$0x5110] =	vst v63  }
0x4cc: {  	_ =	swait.ge [sflag:s31], $0x2000  }
0x4cd: {  	s19 =	sld [smem:$0x7FC]  }
0x4ce: {  	[sflag:s31] =	ssyncset.done $0x0  }
0x4cf: {  	[sflag:s31] =	ssyncadd.s32 $0xFFFFE000  }
0x4d0: {  	[hbm4b:s19+s0] =	stream.strided.scatter [tilespmem:s29], [sflag:$0x2], $0x2000, s2, s0, $0x38;
	[tilespmem:$0x5110] =	vst v63  }
0x4d1: {  	_ =	swait.ge [sflag:s31], $0x2000  }
0x4d2: {  	s25 =	sld [smem:$0x7FD]  }
0x4d3: {  	[sflag:s31] =	ssyncset.done $0x0  }
0x4d4: {  	[sflag:s31] =	ssyncadd.s32 $0xFFFFE000  }
0x4d5: {  	[hbm4b:s25+s0] =	stream.strided.scatter [tilespmem:s30], [sflag:$0x2], $0x2000, s2, s0, $0x38;
	[tilespmem:$0x5110] =	vst v63  }
0x4d6: {  	_ =	swait.ge [sflag:s1], $0x2000  }
0x4d7: {  	[sflag:s1] =	ssyncset.done $0x0  }
0x4d8: {  	[sflag:s1] =	ssyncadd.s32 $0xFFFFE000  }
0x4d9: {  	_ =	swait.ge [sflag:s1], $0x2000  }
0x4da: {  	s6 =	sadd.s32 $0x1, s6;
	s26 =	rddreg [dreg:$0x8]  }
0x4db: {  	p1 =	sne.s32 s6, s26  }
.Ltmp32:
0x4dc: {  	_ = 	snop;
	(pc) =	sbr.rel @p1 .LBB2_1-.Ltmp32, $3  }
0x4dd: {  	_ =	sdelay $0x1  }
0x4de: {  	[sflag:s1] =	ssyncset.done $0x0  }
0x4df: {  	[sflag:s1] =	ssyncadd.s32 $0xFFFFE000  }
0x4e0: {  	_ =	sfence.sel $0x180000  }
0x4e1: {  	[bflag:$0x0] =	sbarrier.arrive $0xFFFF  }
0x4e2: {  	_ =	strace $0x90000047  }
0x4e3: {  	s0 =	stileid.u32;
	[bflag:$0x2] =	sbarrier.arrive $0xFFFF  }
0x4e4: {  	p0 =	sne.s32 s0, $0x0;
	s0 =	rddreg [dreg:$0x2]  }
0x4e5: {  	s0 =	sadd.s32 @!p0 $0x100000, s0  }
0x4e6: {  	[sflag:s0] =	ssyncadd.tile.s32 @!p0 $0x1;
	_ =	shalt  }
.Lfunc_end2:
_tile_overlayer_lowered:
.L_overlay_start_2:
0x4e7: {  	(tag) =	ssettag $0x2  }
0x4e8: {  	s0 =	rddreg [dreg:$0x0];
	s2 =	stileid.u32  }
0x4e9: {  	s1 =	rddreg [dreg:$0x1];
	p0 =	sne.s32 s2, $0x0  }
0x4ea: {  	s3 =	rddreg [dreg:$0x2];
	[bflag:$0x3] =	sbarrier.arrive $0xFFFF;
	s2 =	simm.s32 @!p0 $0x1C03  }
0x4eb: {  	[timem:s3], [sflag:s2] =	dma.local @!p0 [hbm:s0], s1  }
0x4ec: {  	s0 =	simm.s32 @!p0 $0x3  }
0x4ed: {  	_ =	swait.ge @!p0 [sflag:s0], s1  }
0x4ee: {  	s1 =	ssub.s32 @!p0 $0x0, s1;
	[sflag:s0] =	ssyncset.done @!p0 $0x0  }
0x4ef: {  	[sflag:s0] =	ssyncadd.s32 @!p0 s1  }
0x4f0: {  	[bflag:$0x3] =	sbarrier.arrive $0xFFFF  }
0x4f1: {  	_ =	shalt  }

</sc_bundles>
